<compile_context>
chip_gen: v7x
topology: tpu7x:2x2x1
jax: 0.10.2.dev20260603
libtpu: 0.0.44.dev20260713+nightly
codegen_flags: <defaults>
</compile_context>

<pallas_src>
import functools

import jax
import jax.numpy as jnp
from jax import lax
from jax.experimental import pallas as pl
from jax.experimental.pallas import tpu as pltpu
from jax.experimental.pallas import tpu_sc as plsc

D = 32
B = 16384
L = 50
NC = 2
NS = 16
NW = NC * NS
BPW = B // NW
CH = 32
ROWS = CH * L
NCHUNK = BPW // CH
G = 80
NG = ROWS // G


def _embed_bag_body(idx_hbm, len_hbm, table_hbm, out_hbm,
                    idx0_v, idx1_v, buf0_v, buf1_v, out_v, len_v, sem0, sem1):
    wid = lax.axis_index("s") * NC + lax.axis_index("c")
    base_b = wid * BPW

    pltpu.sync_copy(len_hbm.at[pl.ds(base_b * 1, BPW)], len_v.at[pl.ds(0, BPW)])

    def fire(c, idx_v, buf_v, sem):
        flat_base = pl.multiple_of((base_b + c * CH) * L, 8)
        pltpu.sync_copy(idx_hbm.at[pl.ds(flat_base, ROWS)], idx_v)
        copies = []
        for j in range(NG):
            copies.append(pltpu.async_copy(
                table_hbm.at[idx_v.at[pl.ds(j * G, G)]],
                buf_v.at[pl.ds(j * G, G)],
                sem))
        return copies

    def accumulate(c, buf_v):
        def batch_body(h, bcarry):
            for s in range(2):
                b = h * 2 + s
                r0 = b * L
                acc0 = buf_v[r0, pl.ds(0, 16)]
                acc1 = buf_v[r0, pl.ds(16, 16)]
                for l in range(1, L):
                    acc0 = acc0 + buf_v[r0 + l, pl.ds(0, 16)]
                    acc1 = acc1 + buf_v[r0 + l, pl.ds(16, 16)]
                lnv = len_v[pl.ds(c * CH + b, 16)]
                lf = jnp.maximum(lnv[0], 1).astype(jnp.float32)
                out_v[b, pl.ds(0, 16)] = acc0 / lf
                out_v[b, pl.ds(16, 16)] = acc1 / lf
            return bcarry

        lax.fori_loop(0, CH // 2, batch_body, 0)
        out_base = pl.multiple_of(base_b + c * CH, 8)
        pltpu.sync_copy(out_v, out_hbm.at[pl.ds(out_base, CH)])

    def pair_body(h, carry):
        c0 = h * 2
        copies0 = fire(c0, idx0_v, buf0_v, sem0)
        copies1 = fire(c0 + 1, idx1_v, buf1_v, sem1)
        for cp in copies0:
            cp.wait()
        accumulate(c0, buf0_v)
        for cp in copies1:
            cp.wait()
        accumulate(c0 + 1, buf1_v)
        return carry

    lax.fori_loop(0, NCHUNK // 2, pair_body, 0)


@jax.jit
def _embed_bag(idx_flat, len_flat, table):
    mesh = plsc.VectorSubcoreMesh(core_axis_name="c", subcore_axis_name="s")
    return pl.kernel(
        _embed_bag_body,
        out_type=jax.ShapeDtypeStruct((B, D), jnp.float32),
        mesh=mesh,
        compiler_params=pltpu.CompilerParams(use_tc_tiling_on_sc=False),
        scratch_types=[
            pltpu.VMEM((ROWS,), jnp.int32),
            pltpu.VMEM((ROWS,), jnp.int32),
            pltpu.VMEM((ROWS, D), jnp.float32),
            pltpu.VMEM((ROWS, D), jnp.float32),
            pltpu.VMEM((CH, D), jnp.float32),
            pltpu.VMEM((BPW + 16,), jnp.int32),
            pltpu.SemaphoreType.DMA,
            pltpu.SemaphoreType.DMA,
        ],
    )(idx_flat, len_flat, table)


def kernel(kw_indices, kw_lengths, embedding_weight):
    idx_flat = kw_indices.reshape(-1).astype(jnp.int32)
    len_flat = kw_lengths.reshape(-1).astype(jnp.int32)
    return _embed_bag(idx_flat, len_flat, embedding_weight)

# --- scband reference (transcript-rebuilt; emitter-appended) ---
"""Pipeline reference for scband-model-23484881174856 (READ-ONLY COPY).

The authoritative reference and input builder live on the scoring server;
editing this copy changes nothing except your own understanding.
"""

import jax, jax.numpy as jnp
import numpy as np

VOCAB = 1000000
EMBED_DIM = 32
BATCH = 16384
L = 50

def setup_inputs(seed: int = 0) -> dict:
    key = jax.random.key(seed)
    k1, k2, k3 = jax.random.split(key, 3)
    kw_indices = jax.random.randint(k1, (BATCH, L), 0, VOCAB, dtype=jnp.int64) if jax.config.jax_enable_x64 else jax.random.randint(k1, (BATCH, L), 0, VOCAB, dtype=jnp.int32)
    kw_lengths = jax.random.randint(k2, (BATCH, 1), 0, L, dtype=jnp.int32)
    # nn.Embedding(len(vocab)+1, embedding_dim, padding_idx=0): row 0 is the padding row (zeros)
    embedding_weight = jax.random.normal(k3, (VOCAB + 1, EMBED_DIM), dtype=jnp.float32)
    embedding_weight = embedding_weight.at[0].set(0.0)
    return {"kw_indices": kw_indices, "kw_lengths": kw_lengths, "embedding_weight": embedding_weight}

def reference(kw_indices, kw_lengths, embedding_weight):
    # Faithful translation of Model.embed (the module's main forward path):
    #   embeddings = self.embedding(kw_indices)          -> gather
    #   kw_lengths[kw_lengths == 0] = 1                  -> clamp zero lengths
    #   summed_emb = torch.sum(embeddings, dim=1)
    #   averaged = summed_emb / kw_lengths.float()
    embeddings = jnp.take(embedding_weight, kw_indices, axis=0)  # [B, L, D]
    lengths = jnp.where(kw_lengths == 0, 1, kw_lengths).astype(jnp.float32)  # [B, 1]
    summed_emb = jnp.sum(embeddings, axis=1)  # [B, D]
    averaged = summed_emb / lengths
    return averaged

if __name__ == "__main__":
    import jax
    _d = setup_inputs()
    print(jax.jit(kernel)(*tuple(_d.values())))

</pallas_src>

<mosaic_0001>
#map = affine_map<(d0, d1) -> (0)>
#map1 = affine_map<(d0, d1) -> (0, 0)>
module attributes {stable_mosaic.version = 14 : i64} {
  func.func @_embed_bag_body(%arg0: i32, %arg1: i32, %arg2: memref<819200xi32, #tpu.memory_space<hbm>>, %arg3: memref<16384xi32, #tpu.memory_space<hbm>>, %arg4: memref<1000001x32xf32, #tpu.memory_space<hbm>>, %arg5: memref<16384x32xf32, #tpu.memory_space<hbm>>, %arg6: memref<1600xi32, #tpu.memory_space<vmem>>, %arg7: memref<1600xi32, #tpu.memory_space<vmem>>, %arg8: memref<1600x32xf32, #tpu.memory_space<vmem>>, %arg9: memref<1600x32xf32, #tpu.memory_space<vmem>>, %arg10: memref<32x32xf32, #tpu.memory_space<vmem>>, %arg11: memref<528xi32, #tpu.memory_space<vmem>>, %arg12: memref<!tpu.dma_semaphore, #tpu.memory_space<semaphore_mem>>, %arg13: memref<!tpu.dma_semaphore, #tpu.memory_space<semaphore_mem>>) attributes {dimension_semantics = [#tpu.dimension_semantics<core_parallel>, #tpu.dimension_semantics<subcore_parallel>], iteration_bounds = array<i64: 2, 16>, scalar_prefetch = 0 : i64, scratch_operands = 8 : i64, tpu.core_type = #tpu.core_type<sc_vector_subcore>, window_params = [{transform_indices = #map}, {transform_indices = #map}, {transform_indices = #map1}, {transform_indices = #map1}]} {
    %mul3A = arith.constant 2 : i32
    %mul3A_0 = arith.muli %arg1, %mul3A : i32
    %add3A = arith.addi %mul3A_0, %arg0 : i32
    %mul3A_1 = arith.constant 512 : i32
    %mul3A_2 = arith.muli %add3A, %mul3A_1 : i32
    %mul3A_3 = arith.constant 1 : i32
    %mul3A_4 = arith.muli %mul3A_2, %mul3A_3 : i32
    "tpu.region"() ({
      %run_scoped3A = tpu.sem_alloc : memref<!tpu.dma_semaphore, #tpu.memory_space<semaphore_mem>>
      %dma_start3A = arith.constant 0 : i32
      %dma_start3A_10 = tpu.memref_slice %arg11[%dma_start3A] : memref<528xi32, #tpu.memory_space<vmem>> -> memref<512xi32, #tpu.memory_space<vmem>>
      %dma_start3A_11 = tpu.memref_slice %arg3[%mul3A_4] : memref<16384xi32, #tpu.memory_space<hbm>> -> memref<512xi32, #tpu.memory_space<hbm>>
      %dma_start3A_12 = arith.constant 0 : i32
      %dma_start3A_13 = tpu.memref_slice %arg11[%dma_start3A_12] : memref<528xi32, #tpu.memory_space<vmem>> -> memref<512xi32, #tpu.memory_space<vmem>>
      %dma_start3A_14 = tpu.memref_slice %arg3[%mul3A_4] : memref<16384xi32, #tpu.memory_space<hbm>> -> memref<512xi32, #tpu.memory_space<hbm>>
      tpu.enqueue_dma source(%dma_start3A_14 : memref<512xi32, #tpu.memory_space<hbm>>) target(%dma_start3A_13 : memref<512xi32, #tpu.memory_space<vmem>>) target_semaphore(%run_scoped3A : memref<!tpu.dma_semaphore, #tpu.memory_space<semaphore_mem>>)
      %dma_wait3A = arith.constant 0 : i32
      %dma_wait3A_15 = tpu.memref_slice %arg11[%dma_wait3A] : memref<528xi32, #tpu.memory_space<vmem>> -> memref<512xi32, #tpu.memory_space<vmem>>
      %dma_wait3A_16 = tpu.memref_slice %arg3[%mul3A_4] : memref<16384xi32, #tpu.memory_space<hbm>> -> memref<512xi32, #tpu.memory_space<hbm>>
      %dma_wait3A_17 = arith.constant 0 : i32
      %dma_wait3A_18 = tpu.memref_slice %arg11[%dma_wait3A_17] : memref<528xi32, #tpu.memory_space<vmem>> -> memref<512xi32, #tpu.memory_space<vmem>>
      %dma_wait3A_19 = tpu.memref_slice %arg3[%mul3A_4] : memref<16384xi32, #tpu.memory_space<hbm>> -> memref<512xi32, #tpu.memory_space<hbm>>
      tpu.wait_dma2 semaphore(%run_scoped3A : memref<!tpu.dma_semaphore, #tpu.memory_space<semaphore_mem>>) src(%dma_wait3A_19 : memref<512xi32, #tpu.memory_space<hbm>>) dst(%dma_wait3A_18 : memref<512xi32, #tpu.memory_space<vmem>>)
      tpu.yield
    }) : () -> ()
    %scan3A = arith.constant 0 : i32
    %scan3A_5 = arith.constant 0 : i32
    %scan3A_6 = arith.constant 8 : i32
    %scan3A_7 = arith.addi %scan3A_5, %scan3A_6 : i32
    %scan3A_8 = arith.constant 1 : i32
    scf.for %scan3A_10 = %scan3A_5 to %scan3A_7 step %scan3A_8  : i32 {
      %mul3A_11 = arith.constant 2 : i32
      %mul3A_12 = arith.muli %scan3A_10, %mul3A_11 : i32
      %mul3A_13 = arith.constant 32 : i32
      %mul3A_14 = arith.muli %mul3A_12, %mul3A_13 : i32
      %add3A_15 = arith.addi %mul3A_2, %mul3A_14 : i32
      %mul3A_16 = arith.constant 50 : i32
      %mul3A_17 = arith.muli %add3A_15, %mul3A_16 : i32
      %multiple_of3A = tpu.assume_multiple %mul3A_17, 8 : i32
      "tpu.region"() ({
        %run_scoped3A = tpu.sem_alloc : memref<!tpu.dma_semaphore, #tpu.memory_space<semaphore_mem>>
        %dma_start3A_686 = tpu.memref_slice %arg2[%multiple_of3A] : memref<819200xi32, #tpu.memory_space<hbm>> -> memref<1600xi32, #tpu.memory_space<hbm>>
        %dma_start3A_687 = tpu.memref_slice %arg2[%multiple_of3A] : memref<819200xi32, #tpu.memory_space<hbm>> -> memref<1600xi32, #tpu.memory_space<hbm>>
        tpu.enqueue_dma source(%dma_start3A_687 : memref<1600xi32, #tpu.memory_space<hbm>>) target(%arg6 : memref<1600xi32, #tpu.memory_space<vmem>>) target_semaphore(%run_scoped3A : memref<!tpu.dma_semaphore, #tpu.memory_space<semaphore_mem>>)
        %dma_wait3A_688 = tpu.memref_slice %arg2[%multiple_of3A] : memref<819200xi32, #tpu.memory_space<hbm>> -> memref<1600xi32, #tpu.memory_space<hbm>>
        %dma_wait3A_689 = tpu.memref_slice %arg2[%multiple_of3A] : memref<819200xi32, #tpu.memory_space<hbm>> -> memref<1600xi32, #tpu.memory_space<hbm>>
        tpu.wait_dma2 semaphore(%run_scoped3A : memref<!tpu.dma_semaphore, #tpu.memory_space<semaphore_mem>>) src(%dma_wait3A_689 : memref<1600xi32, #tpu.memory_space<hbm>>) dst(%arg6 : memref<1600xi32, #tpu.memory_space<vmem>>)
        tpu.yield
      }) : () -> ()
      %dma_start3A = arith.constant 0 : i32
      %dma_start3A_18 = arith.constant 0 : i32
      %dma_start3A_19 = tpu.memref_slice %arg8[%dma_start3A, %dma_start3A_18] : memref<1600x32xf32, #tpu.memory_space<vmem>> -> memref<80x32xf32, #tpu.memory_space<vmem>>
      %dma_start3A_20 = arith.constant 0 : i32
      %dma_start3A_21 = tpu.memref_slice %arg6[%dma_start3A_20] : memref<1600xi32, #tpu.memory_space<vmem>> -> memref<80xi32, #tpu.memory_space<vmem>>
      %dma_start3A_22 = arith.constant 0 : i32
      %dma_start3A_23 = arith.constant 0 : i32
      %dma_start3A_24 = tpu.memref_slice %arg4[%dma_start3A_22, %dma_start3A_23] : memref<1000001x32xf32, #tpu.memory_space<hbm>> -> memref<1000001x32xf32, #tpu.memory_space<hbm>>
      tpu.enqueue_indirect_dma source(%dma_start3A_24 : memref<1000001x32xf32, #tpu.memory_space<hbm>>) target(%dma_start3A_19 : memref<80x32xf32, #tpu.memory_space<vmem>>) offsets(%dma_start3A_21 : memref<80xi32, #tpu.memory_space<vmem>>) semaphore(%arg12 : memref<!tpu.dma_semaphore, #tpu.memory_space<semaphore_mem>>)
      %dma_start3A_25 = arith.constant 80 : i32
      %dma_start3A_26 = arith.constant 0 : i32
      %dma_start3A_27 = tpu.memref_slice %arg8[%dma_start3A_25, %dma_start3A_26] : memref<1600x32xf32, #tpu.memory_space<vmem>> -> memref<80x32xf32, #tpu.memory_space<vmem>>
      %dma_start3A_28 = arith.constant 80 : i32
      %dma_start3A_29 = tpu.memref_slice %arg6[%dma_start3A_28] : memref<1600xi32, #tpu.memory_space<vmem>> -> memref<80xi32, #tpu.memory_space<vmem>>
      %dma_start3A_30 = arith.constant 0 : i32
      %dma_start3A_31 = arith.constant 0 : i32
      %dma_start3A_32 = tpu.memref_slice %arg4[%dma_start3A_30, %dma_start3A_31] : memref<1000001x32xf32, #tpu.memory_space<hbm>> -> memref<1000001x32xf32, #tpu.memory_space<hbm>>
      tpu.enqueue_indirect_dma source(%dma_start3A_32 : memref<1000001x32xf32, #tpu.memory_space<hbm>>) target(%dma_start3A_27 : memref<80x32xf32, #tpu.memory_space<vmem>>) offsets(%dma_start3A_29 : memref<80xi32, #tpu.memory_space<vmem>>) semaphore(%arg12 : memref<!tpu.dma_semaphore, #tpu.memory_space<semaphore_mem>>)
      %dma_start3A_33 = arith.constant 160 : i32
      %dma_start3A_34 = arith.constant 0 : i32
      %dma_start3A_35 = tpu.memref_slice %arg8[%dma_start3A_33, %dma_start3A_34] : memref<1600x32xf32, #tpu.memory_space<vmem>> -> memref<80x32xf32, #tpu.memory_space<vmem>>
      %dma_start3A_36 = arith.constant 160 : i32
      %dma_start3A_37 = tpu.memref_slice %arg6[%dma_start3A_36] : memref<1600xi32, #tpu.memory_space<vmem>> -> memref<80xi32, #tpu.memory_space<vmem>>
      %dma_start3A_38 = arith.constant 0 : i32
      %dma_start3A_39 = arith.constant 0 : i32
      %dma_start3A_40 = tpu.memref_slice %arg4[%dma_start3A_38, %dma_start3A_39] : memref<1000001x32xf32, #tpu.memory_space<hbm>> -> memref<1000001x32xf32, #tpu.memory_space<hbm>>
      tpu.enqueue_indirect_dma source(%dma_start3A_40 : memref<1000001x32xf32, #tpu.memory_space<hbm>>) target(%dma_start3A_35 : memref<80x32xf32, #tpu.memory_space<vmem>>) offsets(%dma_start3A_37 : memref<80xi32, #tpu.memory_space<vmem>>) semaphore(%arg12 : memref<!tpu.dma_semaphore, #tpu.memory_space<semaphore_mem>>)
      %dma_start3A_41 = arith.constant 240 : i32
      %dma_start3A_42 = arith.constant 0 : i32
      %dma_start3A_43 = tpu.memref_slice %arg8[%dma_start3A_41, %dma_start3A_42] : memref<1600x32xf32, #tpu.memory_space<vmem>> -> memref<80x32xf32, #tpu.memory_space<vmem>>
      %dma_start3A_44 = arith.constant 240 : i32
      %dma_start3A_45 = tpu.memref_slice %arg6[%dma_start3A_44] : memref<1600xi32, #tpu.memory_space<vmem>> -> memref<80xi32, #tpu.memory_space<vmem>>
      %dma_start3A_46 = arith.constant 0 : i32
      %dma_start3A_47 = arith.constant 0 : i32
      %dma_start3A_48 = tpu.memref_slice %arg4[%dma_start3A_46, %dma_start3A_47] : memref<1000001x32xf32, #tpu.memory_space<hbm>> -> memref<1000001x32xf32, #tpu.memory_space<hbm>>
      tpu.enqueue_indirect_dma source(%dma_start3A_48 : memref<1000001x32xf32, #tpu.memory_space<hbm>>) target(%dma_start3A_43 : memref<80x32xf32, #tpu.memory_space<vmem>>) offsets(%dma_start3A_45 : memref<80xi32, #tpu.memory_space<vmem>>) semaphore(%arg12 : memref<!tpu.dma_semaphore, #tpu.memory_space<semaphore_mem>>)
      %dma_start3A_49 = arith.constant 320 : i32
      %dma_start3A_50 = arith.constant 0 : i32
      %dma_start3A_51 = tpu.memref_slice %arg8[%dma_start3A_49, %dma_start3A_50] : memref<1600x32xf32, #tpu.memory_space<vmem>> -> memref<80x32xf32, #tpu.memory_space<vmem>>
      %dma_start3A_52 = arith.constant 320 : i32
      %dma_start3A_53 = tpu.memref_slice %arg6[%dma_start3A_52] : memref<1600xi32, #tpu.memory_space<vmem>> -> memref<80xi32, #tpu.memory_space<vmem>>
      %dma_start3A_54 = arith.constant 0 : i32
      %dma_start3A_55 = arith.constant 0 : i32
      %dma_start3A_56 = tpu.memref_slice %arg4[%dma_start3A_54, %dma_start3A_55] : memref<1000001x32xf32, #tpu.memory_space<hbm>> -> memref<1000001x32xf32, #tpu.memory_space<hbm>>
      tpu.enqueue_indirect_dma source(%dma_start3A_56 : memref<1000001x32xf32, #tpu.memory_space<hbm>>) target(%dma_start3A_51 : memref<80x32xf32, #tpu.memory_space<vmem>>) offsets(%dma_start3A_53 : memref<80xi32, #tpu.memory_space<vmem>>) semaphore(%arg12 : memref<!tpu.dma_semaphore, #tpu.memory_space<semaphore_mem>>)
      %dma_start3A_57 = arith.constant 400 : i32
      %dma_start3A_58 = arith.constant 0 : i32
      %dma_start3A_59 = tpu.memref_slice %arg8[%dma_start3A_57, %dma_start3A_58] : memref<1600x32xf32, #tpu.memory_space<vmem>> -> memref<80x32xf32, #tpu.memory_space<vmem>>
      %dma_start3A_60 = arith.constant 400 : i32
      %dma_start3A_61 = tpu.memref_slice %arg6[%dma_start3A_60] : memref<1600xi32, #tpu.memory_space<vmem>> -> memref<80xi32, #tpu.memory_space<vmem>>
      %dma_start3A_62 = arith.constant 0 : i32
      %dma_start3A_63 = arith.constant 0 : i32
      %dma_start3A_64 = tpu.memref_slice %arg4[%dma_start3A_62, %dma_start3A_63] : memref<1000001x32xf32, #tpu.memory_space<hbm>> -> memref<1000001x32xf32, #tpu.memory_space<hbm>>
      tpu.enqueue_indirect_dma source(%dma_start3A_64 : memref<1000001x32xf32, #tpu.memory_space<hbm>>) target(%dma_start3A_59 : memref<80x32xf32, #tpu.memory_space<vmem>>) offsets(%dma_start3A_61 : memref<80xi32, #tpu.memory_space<vmem>>) semaphore(%arg12 : memref<!tpu.dma_semaphore, #tpu.memory_space<semaphore_mem>>)
      %dma_start3A_65 = arith.constant 480 : i32
      %dma_start3A_66 = arith.constant 0 : i32
      %dma_start3A_67 = tpu.memref_slice %arg8[%dma_start3A_65, %dma_start3A_66] : memref<1600x32xf32, #tpu.memory_space<vmem>> -> memref<80x32xf32, #tpu.memory_space<vmem>>
      %dma_start3A_68 = arith.constant 480 : i32
      %dma_start3A_69 = tpu.memref_slice %arg6[%dma_start3A_68] : memref<1600xi32, #tpu.memory_space<vmem>> -> memref<80xi32, #tpu.memory_space<vmem>>
      %dma_start3A_70 = arith.constant 0 : i32
      %dma_start3A_71 = arith.constant 0 : i32
      %dma_start3A_72 = tpu.memref_slice %arg4[%dma_start3A_70, %dma_start3A_71] : memref<1000001x32xf32, #tpu.memory_space<hbm>> -> memref<1000001x32xf32, #tpu.memory_space<hbm>>
      tpu.enqueue_indirect_dma source(%dma_start3A_72 : memref<1000001x32xf32, #tpu.memory_space<hbm>>) target(%dma_start3A_67 : memref<80x32xf32, #tpu.memory_space<vmem>>) offsets(%dma_start3A_69 : memref<80xi32, #tpu.memory_space<vmem>>) semaphore(%arg12 : memref<!tpu.dma_semaphore, #tpu.memory_space<semaphore_mem>>)
      %dma_start3A_73 = arith.constant 560 : i32
      %dma_start3A_74 = arith.constant 0 : i32
      %dma_start3A_75 = tpu.memref_slice %arg8[%dma_start3A_73, %dma_start3A_74] : memref<1600x32xf32, #tpu.memory_space<vmem>> -> memref<80x32xf32, #tpu.memory_space<vmem>>
      %dma_start3A_76 = arith.constant 560 : i32
      %dma_start3A_77 = tpu.memref_slice %arg6[%dma_start3A_76] : memref<1600xi32, #tpu.memory_space<vmem>> -> memref<80xi32, #tpu.memory_space<vmem>>
      %dma_start3A_78 = arith.constant 0 : i32
      %dma_start3A_79 = arith.constant 0 : i32
      %dma_start3A_80 = tpu.memref_slice %arg4[%dma_start3A_78, %dma_start3A_79] : memref<1000001x32xf32, #tpu.memory_space<hbm>> -> memref<1000001x32xf32, #tpu.memory_space<hbm>>
      tpu.enqueue_indirect_dma source(%dma_start3A_80 : memref<1000001x32xf32, #tpu.memory_space<hbm>>) target(%dma_start3A_75 : memref<80x32xf32, #tpu.memory_space<vmem>>) offsets(%dma_start3A_77 : memref<80xi32, #tpu.memory_space<vmem>>) semaphore(%arg12 : memref<!tpu.dma_semaphore, #tpu.memory_space<semaphore_mem>>)
      %dma_start3A_81 = arith.constant 640 : i32
      %dma_start3A_82 = arith.constant 0 : i32
      %dma_start3A_83 = tpu.memref_slice %arg8[%dma_start3A_81, %dma_start3A_82] : memref<1600x32xf32, #tpu.memory_space<vmem>> -> memref<80x32xf32, #tpu.memory_space<vmem>>
      %dma_start3A_84 = arith.constant 640 : i32
      %dma_start3A_85 = tpu.memref_slice %arg6[%dma_start3A_84] : memref<1600xi32, #tpu.memory_space<vmem>> -> memref<80xi32, #tpu.memory_space<vmem>>
      %dma_start3A_86 = arith.constant 0 : i32
      %dma_start3A_87 = arith.constant 0 : i32
      %dma_start3A_88 = tpu.memref_slice %arg4[%dma_start3A_86, %dma_start3A_87] : memref<1000001x32xf32, #tpu.memory_space<hbm>> -> memref<1000001x32xf32, #tpu.memory_space<hbm>>
      tpu.enqueue_indirect_dma source(%dma_start3A_88 : memref<1000001x32xf32, #tpu.memory_space<hbm>>) target(%dma_start3A_83 : memref<80x32xf32, #tpu.memory_space<vmem>>) offsets(%dma_start3A_85 : memref<80xi32, #tpu.memory_space<vmem>>) semaphore(%arg12 : memref<!tpu.dma_semaphore, #tpu.memory_space<semaphore_mem>>)
      %dma_start3A_89 = arith.constant 720 : i32
      %dma_start3A_90 = arith.constant 0 : i32
      %dma_start3A_91 = tpu.memref_slice %arg8[%dma_start3A_89, %dma_start3A_90] : memref<1600x32xf32, #tpu.memory_space<vmem>> -> memref<80x32xf32, #tpu.memory_space<vmem>>
      %dma_start3A_92 = arith.constant 720 : i32
      %dma_start3A_93 = tpu.memref_slice %arg6[%dma_start3A_92] : memref<1600xi32, #tpu.memory_space<vmem>> -> memref<80xi32, #tpu.memory_space<vmem>>
      %dma_start3A_94 = arith.constant 0 : i32
      %dma_start3A_95 = arith.constant 0 : i32
      %dma_start3A_96 = tpu.memref_slice %arg4[%dma_start3A_94, %dma_start3A_95] : memref<1000001x32xf32, #tpu.memory_space<hbm>> -> memref<1000001x32xf32, #tpu.memory_space<hbm>>
      tpu.enqueue_indirect_dma source(%dma_start3A_96 : memref<1000001x32xf32, #tpu.memory_space<hbm>>) target(%dma_start3A_91 : memref<80x32xf32, #tpu.memory_space<vmem>>) offsets(%dma_start3A_93 : memref<80xi32, #tpu.memory_space<vmem>>) semaphore(%arg12 : memref<!tpu.dma_semaphore, #tpu.memory_space<semaphore_mem>>)
      %dma_start3A_97 = arith.constant 800 : i32
      %dma_start3A_98 = arith.constant 0 : i32
      %dma_start3A_99 = tpu.memref_slice %arg8[%dma_start3A_97, %dma_start3A_98] : memref<1600x32xf32, #tpu.memory_space<vmem>> -> memref<80x32xf32, #tpu.memory_space<vmem>>
      %dma_start3A_100 = arith.constant 800 : i32
      %dma_start3A_101 = tpu.memref_slice %arg6[%dma_start3A_100] : memref<1600xi32, #tpu.memory_space<vmem>> -> memref<80xi32, #tpu.memory_space<vmem>>
      %dma_start3A_102 = arith.constant 0 : i32
      %dma_start3A_103 = arith.constant 0 : i32
      %dma_start3A_104 = tpu.memref_slice %arg4[%dma_start3A_102, %dma_start3A_103] : memref<1000001x32xf32, #tpu.memory_space<hbm>> -> memref<1000001x32xf32, #tpu.memory_space<hbm>>
      tpu.enqueue_indirect_dma source(%dma_start3A_104 : memref<1000001x32xf32, #tpu.memory_space<hbm>>) target(%dma_start3A_99 : memref<80x32xf32, #tpu.memory_space<vmem>>) offsets(%dma_start3A_101 : memref<80xi32, #tpu.memory_space<vmem>>) semaphore(%arg12 : memref<!tpu.dma_semaphore, #tpu.memory_space<semaphore_mem>>)
      %dma_start3A_105 = arith.constant 880 : i32
      %dma_start3A_106 = arith.constant 0 : i32
      %dma_start3A_107 = tpu.memref_slice %arg8[%dma_start3A_105, %dma_start3A_106] : memref<1600x32xf32, #tpu.memory_space<vmem>> -> memref<80x32xf32, #tpu.memory_space<vmem>>
      %dma_start3A_108 = arith.constant 880 : i32
      %dma_start3A_109 = tpu.memref_slice %arg6[%dma_start3A_108] : memref<1600xi32, #tpu.memory_space<vmem>> -> memref<80xi32, #tpu.memory_space<vmem>>
      %dma_start3A_110 = arith.constant 0 : i32
      %dma_start3A_111 = arith.constant 0 : i32
      %dma_start3A_112 = tpu.memref_slice %arg4[%dma_start3A_110, %dma_start3A_111] : memref<1000001x32xf32, #tpu.memory_space<hbm>> -> memref<1000001x32xf32, #tpu.memory_space<hbm>>
      tpu.enqueue_indirect_dma source(%dma_start3A_112 : memref<1000001x32xf32, #tpu.memory_space<hbm>>) target(%dma_start3A_107 : memref<80x32xf32, #tpu.memory_space<vmem>>) offsets(%dma_start3A_109 : memref<80xi32, #tpu.memory_space<vmem>>) semaphore(%arg12 : memref<!tpu.dma_semaphore, #tpu.memory_space<semaphore_mem>>)
      %dma_start3A_113 = arith.constant 960 : i32
      %dma_start3A_114 = arith.constant 0 : i32
      %dma_start3A_115 = tpu.memref_slice %arg8[%dma_start3A_113, %dma_start3A_114] : memref<1600x32xf32, #tpu.memory_space<vmem>> -> memref<80x32xf32, #tpu.memory_space<vmem>>
      %dma_start3A_116 = arith.constant 960 : i32
      %dma_start3A_117 = tpu.memref_slice %arg6[%dma_start3A_116] : memref<1600xi32, #tpu.memory_space<vmem>> -> memref<80xi32, #tpu.memory_space<vmem>>
      %dma_start3A_118 = arith.constant 0 : i32
      %dma_start3A_119 = arith.constant 0 : i32
      %dma_start3A_120 = tpu.memref_slice %arg4[%dma_start3A_118, %dma_start3A_119] : memref<1000001x32xf32, #tpu.memory_space<hbm>> -> memref<1000001x32xf32, #tpu.memory_space<hbm>>
      tpu.enqueue_indirect_dma source(%dma_start3A_120 : memref<1000001x32xf32, #tpu.memory_space<hbm>>) target(%dma_start3A_115 : memref<80x32xf32, #tpu.memory_space<vmem>>) offsets(%dma_start3A_117 : memref<80xi32, #tpu.memory_space<vmem>>) semaphore(%arg12 : memref<!tpu.dma_semaphore, #tpu.memory_space<semaphore_mem>>)
      %dma_start3A_121 = arith.constant 1040 : i32
      %dma_start3A_122 = arith.constant 0 : i32
      %dma_start3A_123 = tpu.memref_slice %arg8[%dma_start3A_121, %dma_start3A_122] : memref<1600x32xf32, #tpu.memory_space<vmem>> -> memref<80x32xf32, #tpu.memory_space<vmem>>
      %dma_start3A_124 = arith.constant 1040 : i32
      %dma_start3A_125 = tpu.memref_slice %arg6[%dma_start3A_124] : memref<1600xi32, #tpu.memory_space<vmem>> -> memref<80xi32, #tpu.memory_space<vmem>>
      %dma_start3A_126 = arith.constant 0 : i32
      %dma_start3A_127 = arith.constant 0 : i32
      %dma_start3A_128 = tpu.memref_slice %arg4[%dma_start3A_126, %dma_start3A_127] : memref<1000001x32xf32, #tpu.memory_space<hbm>> -> memref<1000001x32xf32, #tpu.memory_space<hbm>>
      tpu.enqueue_indirect_dma source(%dma_start3A_128 : memref<1000001x32xf32, #tpu.memory_space<hbm>>) target(%dma_start3A_123 : memref<80x32xf32, #tpu.memory_space<vmem>>) offsets(%dma_start3A_125 : memref<80xi32, #tpu.memory_space<vmem>>) semaphore(%arg12 : memref<!tpu.dma_semaphore, #tpu.memory_space<semaphore_mem>>)
      %dma_start3A_129 = arith.constant 1120 : i32
      %dma_start3A_130 = arith.constant 0 : i32
      %dma_start3A_131 = tpu.memref_slice %arg8[%dma_start3A_129, %dma_start3A_130] : memref<1600x32xf32, #tpu.memory_space<vmem>> -> memref<80x32xf32, #tpu.memory_space<vmem>>
      %dma_start3A_132 = arith.constant 1120 : i32
      %dma_start3A_133 = tpu.memref_slice %arg6[%dma_start3A_132] : memref<1600xi32, #tpu.memory_space<vmem>> -> memref<80xi32, #tpu.memory_space<vmem>>
      %dma_start3A_134 = arith.constant 0 : i32
      %dma_start3A_135 = arith.constant 0 : i32
      %dma_start3A_136 = tpu.memref_slice %arg4[%dma_start3A_134, %dma_start3A_135] : memref<1000001x32xf32, #tpu.memory_space<hbm>> -> memref<1000001x32xf32, #tpu.memory_space<hbm>>
      tpu.enqueue_indirect_dma source(%dma_start3A_136 : memref<1000001x32xf32, #tpu.memory_space<hbm>>) target(%dma_start3A_131 : memref<80x32xf32, #tpu.memory_space<vmem>>) offsets(%dma_start3A_133 : memref<80xi32, #tpu.memory_space<vmem>>) semaphore(%arg12 : memref<!tpu.dma_semaphore, #tpu.memory_space<semaphore_mem>>)
      %dma_start3A_137 = arith.constant 1200 : i32
      %dma_start3A_138 = arith.constant 0 : i32
      %dma_start3A_139 = tpu.memref_slice %arg8[%dma_start3A_137, %dma_start3A_138] : memref<1600x32xf32, #tpu.memory_space<vmem>> -> memref<80x32xf32, #tpu.memory_space<vmem>>
      %dma_start3A_140 = arith.constant 1200 : i32
      %dma_start3A_141 = tpu.memref_slice %arg6[%dma_start3A_140] : memref<1600xi32, #tpu.memory_space<vmem>> -> memref<80xi32, #tpu.memory_space<vmem>>
      %dma_start3A_142 = arith.constant 0 : i32
      %dma_start3A_143 = arith.constant 0 : i32
      %dma_start3A_144 = tpu.memref_slice %arg4[%dma_start3A_142, %dma_start3A_143] : memref<1000001x32xf32, #tpu.memory_space<hbm>> -> memref<1000001x32xf32, #tpu.memory_space<hbm>>
      tpu.enqueue_indirect_dma source(%dma_start3A_144 : memref<1000001x32xf32, #tpu.memory_space<hbm>>) target(%dma_start3A_139 : memref<80x32xf32, #tpu.memory_space<vmem>>) offsets(%dma_start3A_141 : memref<80xi32, #tpu.memory_space<vmem>>) semaphore(%arg12 : memref<!tpu.dma_semaphore, #tpu.memory_space<semaphore_mem>>)
      %dma_start3A_145 = arith.constant 1280 : i32
      %dma_start3A_146 = arith.constant 0 : i32
      %dma_start3A_147 = tpu.memref_slice %arg8[%dma_start3A_145, %dma_start3A_146] : memref<1600x32xf32, #tpu.memory_space<vmem>> -> memref<80x32xf32, #tpu.memory_space<vmem>>
      %dma_start3A_148 = arith.constant 1280 : i32
      %dma_start3A_149 = tpu.memref_slice %arg6[%dma_start3A_148] : memref<1600xi32, #tpu.memory_space<vmem>> -> memref<80xi32, #tpu.memory_space<vmem>>
      %dma_start3A_150 = arith.constant 0 : i32
      %dma_start3A_151 = arith.constant 0 : i32
      %dma_start3A_152 = tpu.memref_slice %arg4[%dma_start3A_150, %dma_start3A_151] : memref<1000001x32xf32, #tpu.memory_space<hbm>> -> memref<1000001x32xf32, #tpu.memory_space<hbm>>
      tpu.enqueue_indirect_dma source(%dma_start3A_152 : memref<1000001x32xf32, #tpu.memory_space<hbm>>) target(%dma_start3A_147 : memref<80x32xf32, #tpu.memory_space<vmem>>) offsets(%dma_start3A_149 : memref<80xi32, #tpu.memory_space<vmem>>) semaphore(%arg12 : memref<!tpu.dma_semaphore, #tpu.memory_space<semaphore_mem>>)
      %dma_start3A_153 = arith.constant 1360 : i32
      %dma_start3A_154 = arith.constant 0 : i32
      %dma_start3A_155 = tpu.memref_slice %arg8[%dma_start3A_153, %dma_start3A_154] : memref<1600x32xf32, #tpu.memory_space<vmem>> -> memref<80x32xf32, #tpu.memory_space<vmem>>
      %dma_start3A_156 = arith.constant 1360 : i32
      %dma_start3A_157 = tpu.memref_slice %arg6[%dma_start3A_156] : memref<1600xi32, #tpu.memory_space<vmem>> -> memref<80xi32, #tpu.memory_space<vmem>>
      %dma_start3A_158 = arith.constant 0 : i32
      %dma_start3A_159 = arith.constant 0 : i32
      %dma_start3A_160 = tpu.memref_slice %arg4[%dma_start3A_158, %dma_start3A_159] : memref<1000001x32xf32, #tpu.memory_space<hbm>> -> memref<1000001x32xf32, #tpu.memory_space<hbm>>
      tpu.enqueue_indirect_dma source(%dma_start3A_160 : memref<1000001x32xf32, #tpu.memory_space<hbm>>) target(%dma_start3A_155 : memref<80x32xf32, #tpu.memory_space<vmem>>) offsets(%dma_start3A_157 : memref<80xi32, #tpu.memory_space<vmem>>) semaphore(%arg12 : memref<!tpu.dma_semaphore, #tpu.memory_space<semaphore_mem>>)
      %dma_start3A_161 = arith.constant 1440 : i32
      %dma_start3A_162 = arith.constant 0 : i32
      %dma_start3A_163 = tpu.memref_slice %arg8[%dma_start3A_161, %dma_start3A_162] : memref<1600x32xf32, #tpu.memory_space<vmem>> -> memref<80x32xf32, #tpu.memory_space<vmem>>
      %dma_start3A_164 = arith.constant 1440 : i32
      %dma_start3A_165 = tpu.memref_slice %arg6[%dma_start3A_164] : memref<1600xi32, #tpu.memory_space<vmem>> -> memref<80xi32, #tpu.memory_space<vmem>>
      %dma_start3A_166 = arith.constant 0 : i32
      %dma_start3A_167 = arith.constant 0 : i32
      %dma_start3A_168 = tpu.memref_slice %arg4[%dma_start3A_166, %dma_start3A_167] : memref<1000001x32xf32, #tpu.memory_space<hbm>> -> memref<1000001x32xf32, #tpu.memory_space<hbm>>
      tpu.enqueue_indirect_dma source(%dma_start3A_168 : memref<1000001x32xf32, #tpu.memory_space<hbm>>) target(%dma_start3A_163 : memref<80x32xf32, #tpu.memory_space<vmem>>) offsets(%dma_start3A_165 : memref<80xi32, #tpu.memory_space<vmem>>) semaphore(%arg12 : memref<!tpu.dma_semaphore, #tpu.memory_space<semaphore_mem>>)
      %dma_start3A_169 = arith.constant 1520 : i32
      %dma_start3A_170 = arith.constant 0 : i32
      %dma_start3A_171 = tpu.memref_slice %arg8[%dma_start3A_169, %dma_start3A_170] : memref<1600x32xf32, #tpu.memory_space<vmem>> -> memref<80x32xf32, #tpu.memory_space<vmem>>
      %dma_start3A_172 = arith.constant 1520 : i32
      %dma_start3A_173 = tpu.memref_slice %arg6[%dma_start3A_172] : memref<1600xi32, #tpu.memory_space<vmem>> -> memref<80xi32, #tpu.memory_space<vmem>>
      %dma_start3A_174 = arith.constant 0 : i32
      %dma_start3A_175 = arith.constant 0 : i32
      %dma_start3A_176 = tpu.memref_slice %arg4[%dma_start3A_174, %dma_start3A_175] : memref<1000001x32xf32, #tpu.memory_space<hbm>> -> memref<1000001x32xf32, #tpu.memory_space<hbm>>
      tpu.enqueue_indirect_dma source(%dma_start3A_176 : memref<1000001x32xf32, #tpu.memory_space<hbm>>) target(%dma_start3A_171 : memref<80x32xf32, #tpu.memory_space<vmem>>) offsets(%dma_start3A_173 : memref<80xi32, #tpu.memory_space<vmem>>) semaphore(%arg12 : memref<!tpu.dma_semaphore, #tpu.memory_space<semaphore_mem>>)
      %add3A_177 = arith.constant 1 : i32
      %add3A_178 = arith.addi %mul3A_12, %add3A_177 : i32
      %mul3A_179 = arith.constant 32 : i32
      %mul3A_180 = arith.muli %add3A_178, %mul3A_179 : i32
      %add3A_181 = arith.addi %mul3A_2, %mul3A_180 : i32
      %mul3A_182 = arith.constant 50 : i32
      %mul3A_183 = arith.muli %add3A_181, %mul3A_182 : i32
      %multiple_of3A_184 = tpu.assume_multiple %mul3A_183, 8 : i32
      "tpu.region"() ({
        %run_scoped3A = tpu.sem_alloc : memref<!tpu.dma_semaphore, #tpu.memory_space<semaphore_mem>>
        %dma_start3A_686 = tpu.memref_slice %arg2[%multiple_of3A_184] : memref<819200xi32, #tpu.memory_space<hbm>> -> memref<1600xi32, #tpu.memory_space<hbm>>
        %dma_start3A_687 = tpu.memref_slice %arg2[%multiple_of3A_184] : memref<819200xi32, #tpu.memory_space<hbm>> -> memref<1600xi32, #tpu.memory_space<hbm>>
        tpu.enqueue_dma source(%dma_start3A_687 : memref<1600xi32, #tpu.memory_space<hbm>>) target(%arg7 : memref<1600xi32, #tpu.memory_space<vmem>>) target_semaphore(%run_scoped3A : memref<!tpu.dma_semaphore, #tpu.memory_space<semaphore_mem>>)
        %dma_wait3A_688 = tpu.memref_slice %arg2[%multiple_of3A_184] : memref<819200xi32, #tpu.memory_space<hbm>> -> memref<1600xi32, #tpu.memory_space<hbm>>
        %dma_wait3A_689 = tpu.memref_slice %arg2[%multiple_of3A_184] : memref<819200xi32, #tpu.memory_space<hbm>> -> memref<1600xi32, #tpu.memory_space<hbm>>
        tpu.wait_dma2 semaphore(%run_scoped3A : memref<!tpu.dma_semaphore, #tpu.memory_space<semaphore_mem>>) src(%dma_wait3A_689 : memref<1600xi32, #tpu.memory_space<hbm>>) dst(%arg7 : memref<1600xi32, #tpu.memory_space<vmem>>)
        tpu.yield
      }) : () -> ()
      %dma_start3A_185 = arith.constant 0 : i32
      %dma_start3A_186 = arith.constant 0 : i32
      %dma_start3A_187 = tpu.memref_slice %arg9[%dma_start3A_185, %dma_start3A_186] : memref<1600x32xf32, #tpu.memory_space<vmem>> -> memref<80x32xf32, #tpu.memory_space<vmem>>
      %dma_start3A_188 = arith.constant 0 : i32
      %dma_start3A_189 = tpu.memref_slice %arg7[%dma_start3A_188] : memref<1600xi32, #tpu.memory_space<vmem>> -> memref<80xi32, #tpu.memory_space<vmem>>
      %dma_start3A_190 = arith.constant 0 : i32
      %dma_start3A_191 = arith.constant 0 : i32
      %dma_start3A_192 = tpu.memref_slice %arg4[%dma_start3A_190, %dma_start3A_191] : memref<1000001x32xf32, #tpu.memory_space<hbm>> -> memref<1000001x32xf32, #tpu.memory_space<hbm>>
      tpu.enqueue_indirect_dma source(%dma_start3A_192 : memref<1000001x32xf32, #tpu.memory_space<hbm>>) target(%dma_start3A_187 : memref<80x32xf32, #tpu.memory_space<vmem>>) offsets(%dma_start3A_189 : memref<80xi32, #tpu.memory_space<vmem>>) semaphore(%arg13 : memref<!tpu.dma_semaphore, #tpu.memory_space<semaphore_mem>>)
      %dma_start3A_193 = arith.constant 80 : i32
      %dma_start3A_194 = arith.constant 0 : i32
      %dma_start3A_195 = tpu.memref_slice %arg9[%dma_start3A_193, %dma_start3A_194] : memref<1600x32xf32, #tpu.memory_space<vmem>> -> memref<80x32xf32, #tpu.memory_space<vmem>>
      %dma_start3A_196 = arith.constant 80 : i32
      %dma_start3A_197 = tpu.memref_slice %arg7[%dma_start3A_196] : memref<1600xi32, #tpu.memory_space<vmem>> -> memref<80xi32, #tpu.memory_space<vmem>>
      %dma_start3A_198 = arith.constant 0 : i32
      %dma_start3A_199 = arith.constant 0 : i32
      %dma_start3A_200 = tpu.memref_slice %arg4[%dma_start3A_198, %dma_start3A_199] : memref<1000001x32xf32, #tpu.memory_space<hbm>> -> memref<1000001x32xf32, #tpu.memory_space<hbm>>
      tpu.enqueue_indirect_dma source(%dma_start3A_200 : memref<1000001x32xf32, #tpu.memory_space<hbm>>) target(%dma_start3A_195 : memref<80x32xf32, #tpu.memory_space<vmem>>) offsets(%dma_start3A_197 : memref<80xi32, #tpu.memory_space<vmem>>) semaphore(%arg13 : memref<!tpu.dma_semaphore, #tpu.memory_space<semaphore_mem>>)
      %dma_start3A_201 = arith.constant 160 : i32
      %dma_start3A_202 = arith.constant 0 : i32
      %dma_start3A_203 = tpu.memref_slice %arg9[%dma_start3A_201, %dma_start3A_202] : memref<1600x32xf32, #tpu.memory_space<vmem>> -> memref<80x32xf32, #tpu.memory_space<vmem>>
      %dma_start3A_204 = arith.constant 160 : i32
      %dma_start3A_205 = tpu.memref_slice %arg7[%dma_start3A_204] : memref<1600xi32, #tpu.memory_space<vmem>> -> memref<80xi32, #tpu.memory_space<vmem>>
      %dma_start3A_206 = arith.constant 0 : i32
      %dma_start3A_207 = arith.constant 0 : i32
      %dma_start3A_208 = tpu.memref_slice %arg4[%dma_start3A_206, %dma_start3A_207] : memref<1000001x32xf32, #tpu.memory_space<hbm>> -> memref<1000001x32xf32, #tpu.memory_space<hbm>>
      tpu.enqueue_indirect_dma source(%dma_start3A_208 : memref<1000001x32xf32, #tpu.memory_space<hbm>>) target(%dma_start3A_203 : memref<80x32xf32, #tpu.memory_space<vmem>>) offsets(%dma_start3A_205 : memref<80xi32, #tpu.memory_space<vmem>>) semaphore(%arg13 : memref<!tpu.dma_semaphore, #tpu.memory_space<semaphore_mem>>)
      %dma_start3A_209 = arith.constant 240 : i32
      %dma_start3A_210 = arith.constant 0 : i32
      %dma_start3A_211 = tpu.memref_slice %arg9[%dma_start3A_209, %dma_start3A_210] : memref<1600x32xf32, #tpu.memory_space<vmem>> -> memref<80x32xf32, #tpu.memory_space<vmem>>
      %dma_start3A_212 = arith.constant 240 : i32
      %dma_start3A_213 = tpu.memref_slice %arg7[%dma_start3A_212] : memref<1600xi32, #tpu.memory_space<vmem>> -> memref<80xi32, #tpu.memory_space<vmem>>
      %dma_start3A_214 = arith.constant 0 : i32
      %dma_start3A_215 = arith.constant 0 : i32
      %dma_start3A_216 = tpu.memref_slice %arg4[%dma_start3A_214, %dma_start3A_215] : memref<1000001x32xf32, #tpu.memory_space<hbm>> -> memref<1000001x32xf32, #tpu.memory_space<hbm>>
      tpu.enqueue_indirect_dma source(%dma_start3A_216 : memref<1000001x32xf32, #tpu.memory_space<hbm>>) target(%dma_start3A_211 : memref<80x32xf32, #tpu.memory_space<vmem>>) offsets(%dma_start3A_213 : memref<80xi32, #tpu.memory_space<vmem>>) semaphore(%arg13 : memref<!tpu.dma_semaphore, #tpu.memory_space<semaphore_mem>>)
      %dma_start3A_217 = arith.constant 320 : i32
      %dma_start3A_218 = arith.constant 0 : i32
      %dma_start3A_219 = tpu.memref_slice %arg9[%dma_start3A_217, %dma_start3A_218] : memref<1600x32xf32, #tpu.memory_space<vmem>> -> memref<80x32xf32, #tpu.memory_space<vmem>>
      %dma_start3A_220 = arith.constant 320 : i32
      %dma_start3A_221 = tpu.memref_slice %arg7[%dma_start3A_220] : memref<1600xi32, #tpu.memory_space<vmem>> -> memref<80xi32, #tpu.memory_space<vmem>>
      %dma_start3A_222 = arith.constant 0 : i32
      %dma_start3A_223 = arith.constant 0 : i32
      %dma_start3A_224 = tpu.memref_slice %arg4[%dma_start3A_222, %dma_start3A_223] : memref<1000001x32xf32, #tpu.memory_space<hbm>> -> memref<1000001x32xf32, #tpu.memory_space<hbm>>
      tpu.enqueue_indirect_dma source(%dma_start3A_224 : memref<1000001x32xf32, #tpu.memory_space<hbm>>) target(%dma_start3A_219 : memref<80x32xf32, #tpu.memory_space<vmem>>) offsets(%dma_start3A_221 : memref<80xi32, #tpu.memory_space<vmem>>) semaphore(%arg13 : memref<!tpu.dma_semaphore, #tpu.memory_space<semaphore_mem>>)
      %dma_start3A_225 = arith.constant 400 : i32
      %dma_start3A_226 = arith.constant 0 : i32
      %dma_start3A_227 = tpu.memref_slice %arg9[%dma_start3A_225, %dma_start3A_226] : memref<1600x32xf32, #tpu.memory_space<vmem>> -> memref<80x32xf32, #tpu.memory_space<vmem>>
      %dma_start3A_228 = arith.constant 400 : i32
      %dma_start3A_229 = tpu.memref_slice %arg7[%dma_start3A_228] : memref<1600xi32, #tpu.memory_space<vmem>> -> memref<80xi32, #tpu.memory_space<vmem>>
      %dma_start3A_230 = arith.constant 0 : i32
      %dma_start3A_231 = arith.constant 0 : i32
      %dma_start3A_232 = tpu.memref_slice %arg4[%dma_start3A_230, %dma_start3A_231] : memref<1000001x32xf32, #tpu.memory_space<hbm>> -> memref<1000001x32xf32, #tpu.memory_space<hbm>>
      tpu.enqueue_indirect_dma source(%dma_start3A_232 : memref<1000001x32xf32, #tpu.memory_space<hbm>>) target(%dma_start3A_227 : memref<80x32xf32, #tpu.memory_space<vmem>>) offsets(%dma_start3A_229 : memref<80xi32, #tpu.memory_space<vmem>>) semaphore(%arg13 : memref<!tpu.dma_semaphore, #tpu.memory_space<semaphore_mem>>)
      %dma_start3A_233 = arith.constant 480 : i32
      %dma_start3A_234 = arith.constant 0 : i32
      %dma_start3A_235 = tpu.memref_slice %arg9[%dma_start3A_233, %dma_start3A_234] : memref<1600x32xf32, #tpu.memory_space<vmem>> -> memref<80x32xf32, #tpu.memory_space<vmem>>
      %dma_start3A_236 = arith.constant 480 : i32
      %dma_start3A_237 = tpu.memref_slice %arg7[%dma_start3A_236] : memref<1600xi32, #tpu.memory_space<vmem>> -> memref<80xi32, #tpu.memory_space<vmem>>
      %dma_start3A_238 = arith.constant 0 : i32
      %dma_start3A_239 = arith.constant 0 : i32
      %dma_start3A_240 = tpu.memref_slice %arg4[%dma_start3A_238, %dma_start3A_239] : memref<1000001x32xf32, #tpu.memory_space<hbm>> -> memref<1000001x32xf32, #tpu.memory_space<hbm>>
      tpu.enqueue_indirect_dma source(%dma_start3A_240 : memref<1000001x32xf32, #tpu.memory_space<hbm>>) target(%dma_start3A_235 : memref<80x32xf32, #tpu.memory_space<vmem>>) offsets(%dma_start3A_237 : memref<80xi32, #tpu.memory_space<vmem>>) semaphore(%arg13 : memref<!tpu.dma_semaphore, #tpu.memory_space<semaphore_mem>>)
      %dma_start3A_241 = arith.constant 560 : i32
      %dma_start3A_242 = arith.constant 0 : i32
      %dma_start3A_243 = tpu.memref_slice %arg9[%dma_start3A_241, %dma_start3A_242] : memref<1600x32xf32, #tpu.memory_space<vmem>> -> memref<80x32xf32, #tpu.memory_space<vmem>>
      %dma_start3A_244 = arith.constant 560 : i32
      %dma_start3A_245 = tpu.memref_slice %arg7[%dma_start3A_244] : memref<1600xi32, #tpu.memory_space<vmem>> -> memref<80xi32, #tpu.memory_space<vmem>>
      %dma_start3A_246 = arith.constant 0 : i32
      %dma_start3A_247 = arith.constant 0 : i32
      %dma_start3A_248 = tpu.memref_slice %arg4[%dma_start3A_246, %dma_start3A_247] : memref<1000001x32xf32, #tpu.memory_space<hbm>> -> memref<1000001x32xf32, #tpu.memory_space<hbm>>
      tpu.enqueue_indirect_dma source(%dma_start3A_248 : memref<1000001x32xf32, #tpu.memory_space<hbm>>) target(%dma_start3A_243 : memref<80x32xf32, #tpu.memory_space<vmem>>) offsets(%dma_start3A_245 : memref<80xi32, #tpu.memory_space<vmem>>) semaphore(%arg13 : memref<!tpu.dma_semaphore, #tpu.memory_space<semaphore_mem>>)
      %dma_start3A_249 = arith.constant 640 : i32
      %dma_start3A_250 = arith.constant 0 : i32
      %dma_start3A_251 = tpu.memref_slice %arg9[%dma_start3A_249, %dma_start3A_250] : memref<1600x32xf32, #tpu.memory_space<vmem>> -> memref<80x32xf32, #tpu.memory_space<vmem>>
      %dma_start3A_252 = arith.constant 640 : i32
      %dma_start3A_253 = tpu.memref_slice %arg7[%dma_start3A_252] : memref<1600xi32, #tpu.memory_space<vmem>> -> memref<80xi32, #tpu.memory_space<vmem>>
      %dma_start3A_254 = arith.constant 0 : i32
      %dma_start3A_255 = arith.constant 0 : i32
      %dma_start3A_256 = tpu.memref_slice %arg4[%dma_start3A_254, %dma_start3A_255] : memref<1000001x32xf32, #tpu.memory_space<hbm>> -> memref<1000001x32xf32, #tpu.memory_space<hbm>>
      tpu.enqueue_indirect_dma source(%dma_start3A_256 : memref<1000001x32xf32, #tpu.memory_space<hbm>>) target(%dma_start3A_251 : memref<80x32xf32, #tpu.memory_space<vmem>>) offsets(%dma_start3A_253 : memref<80xi32, #tpu.memory_space<vmem>>) semaphore(%arg13 : memref<!tpu.dma_semaphore, #tpu.memory_space<semaphore_mem>>)
      %dma_start3A_257 = arith.constant 720 : i32
      %dma_start3A_258 = arith.constant 0 : i32
      %dma_start3A_259 = tpu.memref_slice %arg9[%dma_start3A_257, %dma_start3A_258] : memref<1600x32xf32, #tpu.memory_space<vmem>> -> memref<80x32xf32, #tpu.memory_space<vmem>>
      %dma_start3A_260 = arith.constant 720 : i32
      %dma_start3A_261 = tpu.memref_slice %arg7[%dma_start3A_260] : memref<1600xi32, #tpu.memory_space<vmem>> -> memref<80xi32, #tpu.memory_space<vmem>>
      %dma_start3A_262 = arith.constant 0 : i32
      %dma_start3A_263 = arith.constant 0 : i32
      %dma_start3A_264 = tpu.memref_slice %arg4[%dma_start3A_262, %dma_start3A_263] : memref<1000001x32xf32, #tpu.memory_space<hbm>> -> memref<1000001x32xf32, #tpu.memory_space<hbm>>
      tpu.enqueue_indirect_dma source(%dma_start3A_264 : memref<1000001x32xf32, #tpu.memory_space<hbm>>) target(%dma_start3A_259 : memref<80x32xf32, #tpu.memory_space<vmem>>) offsets(%dma_start3A_261 : memref<80xi32, #tpu.memory_space<vmem>>) semaphore(%arg13 : memref<!tpu.dma_semaphore, #tpu.memory_space<semaphore_mem>>)
      %dma_start3A_265 = arith.constant 800 : i32
      %dma_start3A_266 = arith.constant 0 : i32
      %dma_start3A_267 = tpu.memref_slice %arg9[%dma_start3A_265, %dma_start3A_266] : memref<1600x32xf32, #tpu.memory_space<vmem>> -> memref<80x32xf32, #tpu.memory_space<vmem>>
      %dma_start3A_268 = arith.constant 800 : i32
      %dma_start3A_269 = tpu.memref_slice %arg7[%dma_start3A_268] : memref<1600xi32, #tpu.memory_space<vmem>> -> memref<80xi32, #tpu.memory_space<vmem>>
      %dma_start3A_270 = arith.constant 0 : i32
      %dma_start3A_271 = arith.constant 0 : i32
      %dma_start3A_272 = tpu.memref_slice %arg4[%dma_start3A_270, %dma_start3A_271] : memref<1000001x32xf32, #tpu.memory_space<hbm>> -> memref<1000001x32xf32, #tpu.memory_space<hbm>>
      tpu.enqueue_indirect_dma source(%dma_start3A_272 : memref<1000001x32xf32, #tpu.memory_space<hbm>>) target(%dma_start3A_267 : memref<80x32xf32, #tpu.memory_space<vmem>>) offsets(%dma_start3A_269 : memref<80xi32, #tpu.memory_space<vmem>>) semaphore(%arg13 : memref<!tpu.dma_semaphore, #tpu.memory_space<semaphore_mem>>)
      %dma_start3A_273 = arith.constant 880 : i32
      %dma_start3A_274 = arith.constant 0 : i32
      %dma_start3A_275 = tpu.memref_slice %arg9[%dma_start3A_273, %dma_start3A_274] : memref<1600x32xf32, #tpu.memory_space<vmem>> -> memref<80x32xf32, #tpu.memory_space<vmem>>
      %dma_start3A_276 = arith.constant 880 : i32
      %dma_start3A_277 = tpu.memref_slice %arg7[%dma_start3A_276] : memref<1600xi32, #tpu.memory_space<vmem>> -> memref<80xi32, #tpu.memory_space<vmem>>
      %dma_start3A_278 = arith.constant 0 : i32
      %dma_start3A_279 = arith.constant 0 : i32
      %dma_start3A_280 = tpu.memref_slice %arg4[%dma_start3A_278, %dma_start3A_279] : memref<1000001x32xf32, #tpu.memory_space<hbm>> -> memref<1000001x32xf32, #tpu.memory_space<hbm>>
      tpu.enqueue_indirect_dma source(%dma_start3A_280 : memref<1000001x32xf32, #tpu.memory_space<hbm>>) target(%dma_start3A_275 : memref<80x32xf32, #tpu.memory_space<vmem>>) offsets(%dma_start3A_277 : memref<80xi32, #tpu.memory_space<vmem>>) semaphore(%arg13 : memref<!tpu.dma_semaphore, #tpu.memory_space<semaphore_mem>>)
      %dma_start3A_281 = arith.constant 960 : i32
      %dma_start3A_282 = arith.constant 0 : i32
      %dma_start3A_283 = tpu.memref_slice %arg9[%dma_start3A_281, %dma_start3A_282] : memref<1600x32xf32, #tpu.memory_space<vmem>> -> memref<80x32xf32, #tpu.memory_space<vmem>>
      %dma_start3A_284 = arith.constant 960 : i32
      %dma_start3A_285 = tpu.memref_slice %arg7[%dma_start3A_284] : memref<1600xi32, #tpu.memory_space<vmem>> -> memref<80xi32, #tpu.memory_space<vmem>>
      %dma_start3A_286 = arith.constant 0 : i32
      %dma_start3A_287 = arith.constant 0 : i32
      %dma_start3A_288 = tpu.memref_slice %arg4[%dma_start3A_286, %dma_start3A_287] : memref<1000001x32xf32, #tpu.memory_space<hbm>> -> memref<1000001x32xf32, #tpu.memory_space<hbm>>
      tpu.enqueue_indirect_dma source(%dma_start3A_288 : memref<1000001x32xf32, #tpu.memory_space<hbm>>) target(%dma_start3A_283 : memref<80x32xf32, #tpu.memory_space<vmem>>) offsets(%dma_start3A_285 : memref<80xi32, #tpu.memory_space<vmem>>) semaphore(%arg13 : memref<!tpu.dma_semaphore, #tpu.memory_space<semaphore_mem>>)
      %dma_start3A_289 = arith.constant 1040 : i32
      %dma_start3A_290 = arith.constant 0 : i32
      %dma_start3A_291 = tpu.memref_slice %arg9[%dma_start3A_289, %dma_start3A_290] : memref<1600x32xf32, #tpu.memory_space<vmem>> -> memref<80x32xf32, #tpu.memory_space<vmem>>
      %dma_start3A_292 = arith.constant 1040 : i32
      %dma_start3A_293 = tpu.memref_slice %arg7[%dma_start3A_292] : memref<1600xi32, #tpu.memory_space<vmem>> -> memref<80xi32, #tpu.memory_space<vmem>>
      %dma_start3A_294 = arith.constant 0 : i32
      %dma_start3A_295 = arith.constant 0 : i32
      %dma_start3A_296 = tpu.memref_slice %arg4[%dma_start3A_294, %dma_start3A_295] : memref<1000001x32xf32, #tpu.memory_space<hbm>> -> memref<1000001x32xf32, #tpu.memory_space<hbm>>
      tpu.enqueue_indirect_dma source(%dma_start3A_296 : memref<1000001x32xf32, #tpu.memory_space<hbm>>) target(%dma_start3A_291 : memref<80x32xf32, #tpu.memory_space<vmem>>) offsets(%dma_start3A_293 : memref<80xi32, #tpu.memory_space<vmem>>) semaphore(%arg13 : memref<!tpu.dma_semaphore, #tpu.memory_space<semaphore_mem>>)
      %dma_start3A_297 = arith.constant 1120 : i32
      %dma_start3A_298 = arith.constant 0 : i32
      %dma_start3A_299 = tpu.memref_slice %arg9[%dma_start3A_297, %dma_start3A_298] : memref<1600x32xf32, #tpu.memory_space<vmem>> -> memref<80x32xf32, #tpu.memory_space<vmem>>
      %dma_start3A_300 = arith.constant 1120 : i32
      %dma_start3A_301 = tpu.memref_slice %arg7[%dma_start3A_300] : memref<1600xi32, #tpu.memory_space<vmem>> -> memref<80xi32, #tpu.memory_space<vmem>>
      %dma_start3A_302 = arith.constant 0 : i32
      %dma_start3A_303 = arith.constant 0 : i32
      %dma_start3A_304 = tpu.memref_slice %arg4[%dma_start3A_302, %dma_start3A_303] : memref<1000001x32xf32, #tpu.memory_space<hbm>> -> memref<1000001x32xf32, #tpu.memory_space<hbm>>
      tpu.enqueue_indirect_dma source(%dma_start3A_304 : memref<1000001x32xf32, #tpu.memory_space<hbm>>) target(%dma_start3A_299 : memref<80x32xf32, #tpu.memory_space<vmem>>) offsets(%dma_start3A_301 : memref<80xi32, #tpu.memory_space<vmem>>) semaphore(%arg13 : memref<!tpu.dma_semaphore, #tpu.memory_space<semaphore_mem>>)
      %dma_start3A_305 = arith.constant 1200 : i32
      %dma_start3A_306 = arith.constant 0 : i32
      %dma_start3A_307 = tpu.memref_slice %arg9[%dma_start3A_305, %dma_start3A_306] : memref<1600x32xf32, #tpu.memory_space<vmem>> -> memref<80x32xf32, #tpu.memory_space<vmem>>
      %dma_start3A_308 = arith.constant 1200 : i32
      %dma_start3A_309 = tpu.memref_slice %arg7[%dma_start3A_308] : memref<1600xi32, #tpu.memory_space<vmem>> -> memref<80xi32, #tpu.memory_space<vmem>>
      %dma_start3A_310 = arith.constant 0 : i32
      %dma_start3A_311 = arith.constant 0 : i32
      %dma_start3A_312 = tpu.memref_slice %arg4[%dma_start3A_310, %dma_start3A_311] : memref<1000001x32xf32, #tpu.memory_space<hbm>> -> memref<1000001x32xf32, #tpu.memory_space<hbm>>
      tpu.enqueue_indirect_dma source(%dma_start3A_312 : memref<1000001x32xf32, #tpu.memory_space<hbm>>) target(%dma_start3A_307 : memref<80x32xf32, #tpu.memory_space<vmem>>) offsets(%dma_start3A_309 : memref<80xi32, #tpu.memory_space<vmem>>) semaphore(%arg13 : memref<!tpu.dma_semaphore, #tpu.memory_space<semaphore_mem>>)
      %dma_start3A_313 = arith.constant 1280 : i32
      %dma_start3A_314 = arith.constant 0 : i32
      %dma_start3A_315 = tpu.memref_slice %arg9[%dma_start3A_313, %dma_start3A_314] : memref<1600x32xf32, #tpu.memory_space<vmem>> -> memref<80x32xf32, #tpu.memory_space<vmem>>
      %dma_start3A_316 = arith.constant 1280 : i32
      %dma_start3A_317 = tpu.memref_slice %arg7[%dma_start3A_316] : memref<1600xi32, #tpu.memory_space<vmem>> -> memref<80xi32, #tpu.memory_space<vmem>>
      %dma_start3A_318 = arith.constant 0 : i32
      %dma_start3A_319 = arith.constant 0 : i32
      %dma_start3A_320 = tpu.memref_slice %arg4[%dma_start3A_318, %dma_start3A_319] : memref<1000001x32xf32, #tpu.memory_space<hbm>> -> memref<1000001x32xf32, #tpu.memory_space<hbm>>
      tpu.enqueue_indirect_dma source(%dma_start3A_320 : memref<1000001x32xf32, #tpu.memory_space<hbm>>) target(%dma_start3A_315 : memref<80x32xf32, #tpu.memory_space<vmem>>) offsets(%dma_start3A_317 : memref<80xi32, #tpu.memory_space<vmem>>) semaphore(%arg13 : memref<!tpu.dma_semaphore, #tpu.memory_space<semaphore_mem>>)
      %dma_start3A_321 = arith.constant 1360 : i32
      %dma_start3A_322 = arith.constant 0 : i32
      %dma_start3A_323 = tpu.memref_slice %arg9[%dma_start3A_321, %dma_start3A_322] : memref<1600x32xf32, #tpu.memory_space<vmem>> -> memref<80x32xf32, #tpu.memory_space<vmem>>
      %dma_start3A_324 = arith.constant 1360 : i32
      %dma_start3A_325 = tpu.memref_slice %arg7[%dma_start3A_324] : memref<1600xi32, #tpu.memory_space<vmem>> -> memref<80xi32, #tpu.memory_space<vmem>>
      %dma_start3A_326 = arith.constant 0 : i32
      %dma_start3A_327 = arith.constant 0 : i32
      %dma_start3A_328 = tpu.memref_slice %arg4[%dma_start3A_326, %dma_start3A_327] : memref<1000001x32xf32, #tpu.memory_space<hbm>> -> memref<1000001x32xf32, #tpu.memory_space<hbm>>
      tpu.enqueue_indirect_dma source(%dma_start3A_328 : memref<1000001x32xf32, #tpu.memory_space<hbm>>) target(%dma_start3A_323 : memref<80x32xf32, #tpu.memory_space<vmem>>) offsets(%dma_start3A_325 : memref<80xi32, #tpu.memory_space<vmem>>) semaphore(%arg13 : memref<!tpu.dma_semaphore, #tpu.memory_space<semaphore_mem>>)
      %dma_start3A_329 = arith.constant 1440 : i32
      %dma_start3A_330 = arith.constant 0 : i32
      %dma_start3A_331 = tpu.memref_slice %arg9[%dma_start3A_329, %dma_start3A_330] : memref<1600x32xf32, #tpu.memory_space<vmem>> -> memref<80x32xf32, #tpu.memory_space<vmem>>
      %dma_start3A_332 = arith.constant 1440 : i32
      %dma_start3A_333 = tpu.memref_slice %arg7[%dma_start3A_332] : memref<1600xi32, #tpu.memory_space<vmem>> -> memref<80xi32, #tpu.memory_space<vmem>>
      %dma_start3A_334 = arith.constant 0 : i32
      %dma_start3A_335 = arith.constant 0 : i32
      %dma_start3A_336 = tpu.memref_slice %arg4[%dma_start3A_334, %dma_start3A_335] : memref<1000001x32xf32, #tpu.memory_space<hbm>> -> memref<1000001x32xf32, #tpu.memory_space<hbm>>
      tpu.enqueue_indirect_dma source(%dma_start3A_336 : memref<1000001x32xf32, #tpu.memory_space<hbm>>) target(%dma_start3A_331 : memref<80x32xf32, #tpu.memory_space<vmem>>) offsets(%dma_start3A_333 : memref<80xi32, #tpu.memory_space<vmem>>) semaphore(%arg13 : memref<!tpu.dma_semaphore, #tpu.memory_space<semaphore_mem>>)
      %dma_start3A_337 = arith.constant 1520 : i32
      %dma_start3A_338 = arith.constant 0 : i32
      %dma_start3A_339 = tpu.memref_slice %arg9[%dma_start3A_337, %dma_start3A_338] : memref<1600x32xf32, #tpu.memory_space<vmem>> -> memref<80x32xf32, #tpu.memory_space<vmem>>
      %dma_start3A_340 = arith.constant 1520 : i32
      %dma_start3A_341 = tpu.memref_slice %arg7[%dma_start3A_340] : memref<1600xi32, #tpu.memory_space<vmem>> -> memref<80xi32, #tpu.memory_space<vmem>>
      %dma_start3A_342 = arith.constant 0 : i32
      %dma_start3A_343 = arith.constant 0 : i32
      %dma_start3A_344 = tpu.memref_slice %arg4[%dma_start3A_342, %dma_start3A_343] : memref<1000001x32xf32, #tpu.memory_space<hbm>> -> memref<1000001x32xf32, #tpu.memory_space<hbm>>
      tpu.enqueue_indirect_dma source(%dma_start3A_344 : memref<1000001x32xf32, #tpu.memory_space<hbm>>) target(%dma_start3A_339 : memref<80x32xf32, #tpu.memory_space<vmem>>) offsets(%dma_start3A_341 : memref<80xi32, #tpu.memory_space<vmem>>) semaphore(%arg13 : memref<!tpu.dma_semaphore, #tpu.memory_space<semaphore_mem>>)
      %dma_wait3A = arith.constant 0 : i32
      %dma_wait3A_345 = arith.constant 0 : i32
      %dma_wait3A_346 = tpu.memref_slice %arg8[%dma_wait3A, %dma_wait3A_345] : memref<1600x32xf32, #tpu.memory_space<vmem>> -> memref<80x32xf32, #tpu.memory_space<vmem>>
      %dma_wait3A_347 = arith.constant 0 : i32
      %dma_wait3A_348 = tpu.memref_slice %arg6[%dma_wait3A_347] : memref<1600xi32, #tpu.memory_space<vmem>> -> memref<80xi32, #tpu.memory_space<vmem>>
      %dma_wait3A_349 = arith.constant 0 : i32
      %dma_wait3A_350 = arith.constant 0 : i32
      %dma_wait3A_351 = tpu.memref_slice %arg4[%dma_wait3A_349, %dma_wait3A_350] : memref<1000001x32xf32, #tpu.memory_space<hbm>> -> memref<1000001x32xf32, #tpu.memory_space<hbm>>
      tpu.wait_indirect_dma semaphore(%arg12 : memref<!tpu.dma_semaphore, #tpu.memory_space<semaphore_mem>>) src(%dma_wait3A_351 : memref<1000001x32xf32, #tpu.memory_space<hbm>>) dst(%dma_wait3A_346 : memref<80x32xf32, #tpu.memory_space<vmem>>)
      %dma_wait3A_352 = arith.constant 80 : i32
      %dma_wait3A_353 = arith.constant 0 : i32
      %dma_wait3A_354 = tpu.memref_slice %arg8[%dma_wait3A_352, %dma_wait3A_353] : memref<1600x32xf32, #tpu.memory_space<vmem>> -> memref<80x32xf32, #tpu.memory_space<vmem>>
      %dma_wait3A_355 = arith.constant 80 : i32
      %dma_wait3A_356 = tpu.memref_slice %arg6[%dma_wait3A_355] : memref<1600xi32, #tpu.memory_space<vmem>> -> memref<80xi32, #tpu.memory_space<vmem>>
      %dma_wait3A_357 = arith.constant 0 : i32
      %dma_wait3A_358 = arith.constant 0 : i32
      %dma_wait3A_359 = tpu.memref_slice %arg4[%dma_wait3A_357, %dma_wait3A_358] : memref<1000001x32xf32, #tpu.memory_space<hbm>> -> memref<1000001x32xf32, #tpu.memory_space<hbm>>
      tpu.wait_indirect_dma semaphore(%arg12 : memref<!tpu.dma_semaphore, #tpu.memory_space<semaphore_mem>>) src(%dma_wait3A_359 : memref<1000001x32xf32, #tpu.memory_space<hbm>>) dst(%dma_wait3A_354 : memref<80x32xf32, #tpu.memory_space<vmem>>)
      %dma_wait3A_360 = arith.constant 160 : i32
      %dma_wait3A_361 = arith.constant 0 : i32
      %dma_wait3A_362 = tpu.memref_slice %arg8[%dma_wait3A_360, %dma_wait3A_361] : memref<1600x32xf32, #tpu.memory_space<vmem>> -> memref<80x32xf32, #tpu.memory_space<vmem>>
      %dma_wait3A_363 = arith.constant 160 : i32
      %dma_wait3A_364 = tpu.memref_slice %arg6[%dma_wait3A_363] : memref<1600xi32, #tpu.memory_space<vmem>> -> memref<80xi32, #tpu.memory_space<vmem>>
      %dma_wait3A_365 = arith.constant 0 : i32
      %dma_wait3A_366 = arith.constant 0 : i32
      %dma_wait3A_367 = tpu.memref_slice %arg4[%dma_wait3A_365, %dma_wait3A_366] : memref<1000001x32xf32, #tpu.memory_space<hbm>> -> memref<1000001x32xf32, #tpu.memory_space<hbm>>
      tpu.wait_indirect_dma semaphore(%arg12 : memref<!tpu.dma_semaphore, #tpu.memory_space<semaphore_mem>>) src(%dma_wait3A_367 : memref<1000001x32xf32, #tpu.memory_space<hbm>>) dst(%dma_wait3A_362 : memref<80x32xf32, #tpu.memory_space<vmem>>)
      %dma_wait3A_368 = arith.constant 240 : i32
      %dma_wait3A_369 = arith.constant 0 : i32
      %dma_wait3A_370 = tpu.memref_slice %arg8[%dma_wait3A_368, %dma_wait3A_369] : memref<1600x32xf32, #tpu.memory_space<vmem>> -> memref<80x32xf32, #tpu.memory_space<vmem>>
      %dma_wait3A_371 = arith.constant 240 : i32
      %dma_wait3A_372 = tpu.memref_slice %arg6[%dma_wait3A_371] : memref<1600xi32, #tpu.memory_space<vmem>> -> memref<80xi32, #tpu.memory_space<vmem>>
      %dma_wait3A_373 = arith.constant 0 : i32
      %dma_wait3A_374 = arith.constant 0 : i32
      %dma_wait3A_375 = tpu.memref_slice %arg4[%dma_wait3A_373, %dma_wait3A_374] : memref<1000001x32xf32, #tpu.memory_space<hbm>> -> memref<1000001x32xf32, #tpu.memory_space<hbm>>
      tpu.wait_indirect_dma semaphore(%arg12 : memref<!tpu.dma_semaphore, #tpu.memory_space<semaphore_mem>>) src(%dma_wait3A_375 : memref<1000001x32xf32, #tpu.memory_space<hbm>>) dst(%dma_wait3A_370 : memref<80x32xf32, #tpu.memory_space<vmem>>)
      %dma_wait3A_376 = arith.constant 320 : i32
      %dma_wait3A_377 = arith.constant 0 : i32
      %dma_wait3A_378 = tpu.memref_slice %arg8[%dma_wait3A_376, %dma_wait3A_377] : memref<1600x32xf32, #tpu.memory_space<vmem>> -> memref<80x32xf32, #tpu.memory_space<vmem>>
      %dma_wait3A_379 = arith.constant 320 : i32
      %dma_wait3A_380 = tpu.memref_slice %arg6[%dma_wait3A_379] : memref<1600xi32, #tpu.memory_space<vmem>> -> memref<80xi32, #tpu.memory_space<vmem>>
      %dma_wait3A_381 = arith.constant 0 : i32
      %dma_wait3A_382 = arith.constant 0 : i32
      %dma_wait3A_383 = tpu.memref_slice %arg4[%dma_wait3A_381, %dma_wait3A_382] : memref<1000001x32xf32, #tpu.memory_space<hbm>> -> memref<1000001x32xf32, #tpu.memory_space<hbm>>
      tpu.wait_indirect_dma semaphore(%arg12 : memref<!tpu.dma_semaphore, #tpu.memory_space<semaphore_mem>>) src(%dma_wait3A_383 : memref<1000001x32xf32, #tpu.memory_space<hbm>>) dst(%dma_wait3A_378 : memref<80x32xf32, #tpu.memory_space<vmem>>)
      %dma_wait3A_384 = arith.constant 400 : i32
      %dma_wait3A_385 = arith.constant 0 : i32
      %dma_wait3A_386 = tpu.memref_slice %arg8[%dma_wait3A_384, %dma_wait3A_385] : memref<1600x32xf32, #tpu.memory_space<vmem>> -> memref<80x32xf32, #tpu.memory_space<vmem>>
      %dma_wait3A_387 = arith.constant 400 : i32
      %dma_wait3A_388 = tpu.memref_slice %arg6[%dma_wait3A_387] : memref<1600xi32, #tpu.memory_space<vmem>> -> memref<80xi32, #tpu.memory_space<vmem>>
      %dma_wait3A_389 = arith.constant 0 : i32
      %dma_wait3A_390 = arith.constant 0 : i32
      %dma_wait3A_391 = tpu.memref_slice %arg4[%dma_wait3A_389, %dma_wait3A_390] : memref<1000001x32xf32, #tpu.memory_space<hbm>> -> memref<1000001x32xf32, #tpu.memory_space<hbm>>
      tpu.wait_indirect_dma semaphore(%arg12 : memref<!tpu.dma_semaphore, #tpu.memory_space<semaphore_mem>>) src(%dma_wait3A_391 : memref<1000001x32xf32, #tpu.memory_space<hbm>>) dst(%dma_wait3A_386 : memref<80x32xf32, #tpu.memory_space<vmem>>)
      %dma_wait3A_392 = arith.constant 480 : i32
      %dma_wait3A_393 = arith.constant 0 : i32
      %dma_wait3A_394 = tpu.memref_slice %arg8[%dma_wait3A_392, %dma_wait3A_393] : memref<1600x32xf32, #tpu.memory_space<vmem>> -> memref<80x32xf32, #tpu.memory_space<vmem>>
      %dma_wait3A_395 = arith.constant 480 : i32
      %dma_wait3A_396 = tpu.memref_slice %arg6[%dma_wait3A_395] : memref<1600xi32, #tpu.memory_space<vmem>> -> memref<80xi32, #tpu.memory_space<vmem>>
      %dma_wait3A_397 = arith.constant 0 : i32
      %dma_wait3A_398 = arith.constant 0 : i32
      %dma_wait3A_399 = tpu.memref_slice %arg4[%dma_wait3A_397, %dma_wait3A_398] : memref<1000001x32xf32, #tpu.memory_space<hbm>> -> memref<1000001x32xf32, #tpu.memory_space<hbm>>
      tpu.wait_indirect_dma semaphore(%arg12 : memref<!tpu.dma_semaphore, #tpu.memory_space<semaphore_mem>>) src(%dma_wait3A_399 : memref<1000001x32xf32, #tpu.memory_space<hbm>>) dst(%dma_wait3A_394 : memref<80x32xf32, #tpu.memory_space<vmem>>)
      %dma_wait3A_400 = arith.constant 560 : i32
      %dma_wait3A_401 = arith.constant 0 : i32
      %dma_wait3A_402 = tpu.memref_slice %arg8[%dma_wait3A_400, %dma_wait3A_401] : memref<1600x32xf32, #tpu.memory_space<vmem>> -> memref<80x32xf32, #tpu.memory_space<vmem>>
      %dma_wait3A_403 = arith.constant 560 : i32
      %dma_wait3A_404 = tpu.memref_slice %arg6[%dma_wait3A_403] : memref<1600xi32, #tpu.memory_space<vmem>> -> memref<80xi32, #tpu.memory_space<vmem>>
      %dma_wait3A_405 = arith.constant 0 : i32
      %dma_wait3A_406 = arith.constant 0 : i32
      %dma_wait3A_407 = tpu.memref_slice %arg4[%dma_wait3A_405, %dma_wait3A_406] : memref<1000001x32xf32, #tpu.memory_space<hbm>> -> memref<1000001x32xf32, #tpu.memory_space<hbm>>
      tpu.wait_indirect_dma semaphore(%arg12 : memref<!tpu.dma_semaphore, #tpu.memory_space<semaphore_mem>>) src(%dma_wait3A_407 : memref<1000001x32xf32, #tpu.memory_space<hbm>>) dst(%dma_wait3A_402 : memref<80x32xf32, #tpu.memory_space<vmem>>)
      %dma_wait3A_408 = arith.constant 640 : i32
      %dma_wait3A_409 = arith.constant 0 : i32
      %dma_wait3A_410 = tpu.memref_slice %arg8[%dma_wait3A_408, %dma_wait3A_409] : memref<1600x32xf32, #tpu.memory_space<vmem>> -> memref<80x32xf32, #tpu.memory_space<vmem>>
      %dma_wait3A_411 = arith.constant 640 : i32
      %dma_wait3A_412 = tpu.memref_slice %arg6[%dma_wait3A_411] : memref<1600xi32, #tpu.memory_space<vmem>> -> memref<80xi32, #tpu.memory_space<vmem>>
      %dma_wait3A_413 = arith.constant 0 : i32
      %dma_wait3A_414 = arith.constant 0 : i32
      %dma_wait3A_415 = tpu.memref_slice %arg4[%dma_wait3A_413, %dma_wait3A_414] : memref<1000001x32xf32, #tpu.memory_space<hbm>> -> memref<1000001x32xf32, #tpu.memory_space<hbm>>
      tpu.wait_indirect_dma semaphore(%arg12 : memref<!tpu.dma_semaphore, #tpu.memory_space<semaphore_mem>>) src(%dma_wait3A_415 : memref<1000001x32xf32, #tpu.memory_space<hbm>>) dst(%dma_wait3A_410 : memref<80x32xf32, #tpu.memory_space<vmem>>)
      %dma_wait3A_416 = arith.constant 720 : i32
      %dma_wait3A_417 = arith.constant 0 : i32
      %dma_wait3A_418 = tpu.memref_slice %arg8[%dma_wait3A_416, %dma_wait3A_417] : memref<1600x32xf32, #tpu.memory_space<vmem>> -> memref<80x32xf32, #tpu.memory_space<vmem>>
      %dma_wait3A_419 = arith.constant 720 : i32
      %dma_wait3A_420 = tpu.memref_slice %arg6[%dma_wait3A_419] : memref<1600xi32, #tpu.memory_space<vmem>> -> memref<80xi32, #tpu.memory_space<vmem>>
      %dma_wait3A_421 = arith.constant 0 : i32
      %dma_wait3A_422 = arith.constant 0 : i32
      %dma_wait3A_423 = tpu.memref_slice %arg4[%dma_wait3A_421, %dma_wait3A_422] : memref<1000001x32xf32, #tpu.memory_space<hbm>> -> memref<1000001x32xf32, #tpu.memory_space<hbm>>
      tpu.wait_indirect_dma semaphore(%arg12 : memref<!tpu.dma_semaphore, #tpu.memory_space<semaphore_mem>>) src(%dma_wait3A_423 : memref<1000001x32xf32, #tpu.memory_space<hbm>>) dst(%dma_wait3A_418 : memref<80x32xf32, #tpu.memory_space<vmem>>)
      %dma_wait3A_424 = arith.constant 800 : i32
      %dma_wait3A_425 = arith.constant 0 : i32
      %dma_wait3A_426 = tpu.memref_slice %arg8[%dma_wait3A_424, %dma_wait3A_425] : memref<1600x32xf32, #tpu.memory_space<vmem>> -> memref<80x32xf32, #tpu.memory_space<vmem>>
      %dma_wait3A_427 = arith.constant 800 : i32
      %dma_wait3A_428 = tpu.memref_slice %arg6[%dma_wait3A_427] : memref<1600xi32, #tpu.memory_space<vmem>> -> memref<80xi32, #tpu.memory_space<vmem>>
      %dma_wait3A_429 = arith.constant 0 : i32
      %dma_wait3A_430 = arith.constant 0 : i32
      %dma_wait3A_431 = tpu.memref_slice %arg4[%dma_wait3A_429, %dma_wait3A_430] : memref<1000001x32xf32, #tpu.memory_space<hbm>> -> memref<1000001x32xf32, #tpu.memory_space<hbm>>
      tpu.wait_indirect_dma semaphore(%arg12 : memref<!tpu.dma_semaphore, #tpu.memory_space<semaphore_mem>>) src(%dma_wait3A_431 : memref<1000001x32xf32, #tpu.memory_space<hbm>>) dst(%dma_wait3A_426 : memref<80x32xf32, #tpu.memory_space<vmem>>)
      %dma_wait3A_432 = arith.constant 880 : i32
      %dma_wait3A_433 = arith.constant 0 : i32
      %dma_wait3A_434 = tpu.memref_slice %arg8[%dma_wait3A_432, %dma_wait3A_433] : memref<1600x32xf32, #tpu.memory_space<vmem>> -> memref<80x32xf32, #tpu.memory_space<vmem>>
      %dma_wait3A_435 = arith.constant 880 : i32
      %dma_wait3A_436 = tpu.memref_slice %arg6[%dma_wait3A_435] : memref<1600xi32, #tpu.memory_space<vmem>> -> memref<80xi32, #tpu.memory_space<vmem>>
      %dma_wait3A_437 = arith.constant 0 : i32
      %dma_wait3A_438 = arith.constant 0 : i32
      %dma_wait3A_439 = tpu.memref_slice %arg4[%dma_wait3A_437, %dma_wait3A_438] : memref<1000001x32xf32, #tpu.memory_space<hbm>> -> memref<1000001x32xf32, #tpu.memory_space<hbm>>
      tpu.wait_indirect_dma semaphore(%arg12 : memref<!tpu.dma_semaphore, #tpu.memory_space<semaphore_mem>>) src(%dma_wait3A_439 : memref<1000001x32xf32, #tpu.memory_space<hbm>>) dst(%dma_wait3A_434 : memref<80x32xf32, #tpu.memory_space<vmem>>)
      %dma_wait3A_440 = arith.constant 960 : i32
      %dma_wait3A_441 = arith.constant 0 : i32
      %dma_wait3A_442 = tpu.memref_slice %arg8[%dma_wait3A_440, %dma_wait3A_441] : memref<1600x32xf32, #tpu.memory_space<vmem>> -> memref<80x32xf32, #tpu.memory_space<vmem>>
      %dma_wait3A_443 = arith.constant 960 : i32
      %dma_wait3A_444 = tpu.memref_slice %arg6[%dma_wait3A_443] : memref<1600xi32, #tpu.memory_space<vmem>> -> memref<80xi32, #tpu.memory_space<vmem>>
      %dma_wait3A_445 = arith.constant 0 : i32
      %dma_wait3A_446 = arith.constant 0 : i32
      %dma_wait3A_447 = tpu.memref_slice %arg4[%dma_wait3A_445, %dma_wait3A_446] : memref<1000001x32xf32, #tpu.memory_space<hbm>> -> memref<1000001x32xf32, #tpu.memory_space<hbm>>
      tpu.wait_indirect_dma semaphore(%arg12 : memref<!tpu.dma_semaphore, #tpu.memory_space<semaphore_mem>>) src(%dma_wait3A_447 : memref<1000001x32xf32, #tpu.memory_space<hbm>>) dst(%dma_wait3A_442 : memref<80x32xf32, #tpu.memory_space<vmem>>)
      %dma_wait3A_448 = arith.constant 1040 : i32
      %dma_wait3A_449 = arith.constant 0 : i32
      %dma_wait3A_450 = tpu.memref_slice %arg8[%dma_wait3A_448, %dma_wait3A_449] : memref<1600x32xf32, #tpu.memory_space<vmem>> -> memref<80x32xf32, #tpu.memory_space<vmem>>
      %dma_wait3A_451 = arith.constant 1040 : i32
      %dma_wait3A_452 = tpu.memref_slice %arg6[%dma_wait3A_451] : memref<1600xi32, #tpu.memory_space<vmem>> -> memref<80xi32, #tpu.memory_space<vmem>>
      %dma_wait3A_453 = arith.constant 0 : i32
      %dma_wait3A_454 = arith.constant 0 : i32
      %dma_wait3A_455 = tpu.memref_slice %arg4[%dma_wait3A_453, %dma_wait3A_454] : memref<1000001x32xf32, #tpu.memory_space<hbm>> -> memref<1000001x32xf32, #tpu.memory_space<hbm>>
      tpu.wait_indirect_dma semaphore(%arg12 : memref<!tpu.dma_semaphore, #tpu.memory_space<semaphore_mem>>) src(%dma_wait3A_455 : memref<1000001x32xf32, #tpu.memory_space<hbm>>) dst(%dma_wait3A_450 : memref<80x32xf32, #tpu.memory_space<vmem>>)
      %dma_wait3A_456 = arith.constant 1120 : i32
      %dma_wait3A_457 = arith.constant 0 : i32
      %dma_wait3A_458 = tpu.memref_slice %arg8[%dma_wait3A_456, %dma_wait3A_457] : memref<1600x32xf32, #tpu.memory_space<vmem>> -> memref<80x32xf32, #tpu.memory_space<vmem>>
      %dma_wait3A_459 = arith.constant 1120 : i32
      %dma_wait3A_460 = tpu.memref_slice %arg6[%dma_wait3A_459] : memref<1600xi32, #tpu.memory_space<vmem>> -> memref<80xi32, #tpu.memory_space<vmem>>
      %dma_wait3A_461 = arith.constant 0 : i32
      %dma_wait3A_462 = arith.constant 0 : i32
      %dma_wait3A_463 = tpu.memref_slice %arg4[%dma_wait3A_461, %dma_wait3A_462] : memref<1000001x32xf32, #tpu.memory_space<hbm>> -> memref<1000001x32xf32, #tpu.memory_space<hbm>>
      tpu.wait_indirect_dma semaphore(%arg12 : memref<!tpu.dma_semaphore, #tpu.memory_space<semaphore_mem>>) src(%dma_wait3A_463 : memref<1000001x32xf32, #tpu.memory_space<hbm>>) dst(%dma_wait3A_458 : memref<80x32xf32, #tpu.memory_space<vmem>>)
      %dma_wait3A_464 = arith.constant 1200 : i32
      %dma_wait3A_465 = arith.constant 0 : i32
      %dma_wait3A_466 = tpu.memref_slice %arg8[%dma_wait3A_464, %dma_wait3A_465] : memref<1600x32xf32, #tpu.memory_space<vmem>> -> memref<80x32xf32, #tpu.memory_space<vmem>>
      %dma_wait3A_467 = arith.constant 1200 : i32
      %dma_wait3A_468 = tpu.memref_slice %arg6[%dma_wait3A_467] : memref<1600xi32, #tpu.memory_space<vmem>> -> memref<80xi32, #tpu.memory_space<vmem>>
      %dma_wait3A_469 = arith.constant 0 : i32
      %dma_wait3A_470 = arith.constant 0 : i32
      %dma_wait3A_471 = tpu.memref_slice %arg4[%dma_wait3A_469, %dma_wait3A_470] : memref<1000001x32xf32, #tpu.memory_space<hbm>> -> memref<1000001x32xf32, #tpu.memory_space<hbm>>
      tpu.wait_indirect_dma semaphore(%arg12 : memref<!tpu.dma_semaphore, #tpu.memory_space<semaphore_mem>>) src(%dma_wait3A_471 : memref<1000001x32xf32, #tpu.memory_space<hbm>>) dst(%dma_wait3A_466 : memref<80x32xf32, #tpu.memory_space<vmem>>)
      %dma_wait3A_472 = arith.constant 1280 : i32
      %dma_wait3A_473 = arith.constant 0 : i32
      %dma_wait3A_474 = tpu.memref_slice %arg8[%dma_wait3A_472, %dma_wait3A_473] : memref<1600x32xf32, #tpu.memory_space<vmem>> -> memref<80x32xf32, #tpu.memory_space<vmem>>
      %dma_wait3A_475 = arith.constant 1280 : i32
      %dma_wait3A_476 = tpu.memref_slice %arg6[%dma_wait3A_475] : memref<1600xi32, #tpu.memory_space<vmem>> -> memref<80xi32, #tpu.memory_space<vmem>>
      %dma_wait3A_477 = arith.constant 0 : i32
      %dma_wait3A_478 = arith.constant 0 : i32
      %dma_wait3A_479 = tpu.memref_slice %arg4[%dma_wait3A_477, %dma_wait3A_478] : memref<1000001x32xf32, #tpu.memory_space<hbm>> -> memref<1000001x32xf32, #tpu.memory_space<hbm>>
      tpu.wait_indirect_dma semaphore(%arg12 : memref<!tpu.dma_semaphore, #tpu.memory_space<semaphore_mem>>) src(%dma_wait3A_479 : memref<1000001x32xf32, #tpu.memory_space<hbm>>) dst(%dma_wait3A_474 : memref<80x32xf32, #tpu.memory_space<vmem>>)
      %dma_wait3A_480 = arith.constant 1360 : i32
      %dma_wait3A_481 = arith.constant 0 : i32
      %dma_wait3A_482 = tpu.memref_slice %arg8[%dma_wait3A_480, %dma_wait3A_481] : memref<1600x32xf32, #tpu.memory_space<vmem>> -> memref<80x32xf32, #tpu.memory_space<vmem>>
      %dma_wait3A_483 = arith.constant 1360 : i32
      %dma_wait3A_484 = tpu.memref_slice %arg6[%dma_wait3A_483] : memref<1600xi32, #tpu.memory_space<vmem>> -> memref<80xi32, #tpu.memory_space<vmem>>
      %dma_wait3A_485 = arith.constant 0 : i32
      %dma_wait3A_486 = arith.constant 0 : i32
      %dma_wait3A_487 = tpu.memref_slice %arg4[%dma_wait3A_485, %dma_wait3A_486] : memref<1000001x32xf32, #tpu.memory_space<hbm>> -> memref<1000001x32xf32, #tpu.memory_space<hbm>>
      tpu.wait_indirect_dma semaphore(%arg12 : memref<!tpu.dma_semaphore, #tpu.memory_space<semaphore_mem>>) src(%dma_wait3A_487 : memref<1000001x32xf32, #tpu.memory_space<hbm>>) dst(%dma_wait3A_482 : memref<80x32xf32, #tpu.memory_space<vmem>>)
      %dma_wait3A_488 = arith.constant 1440 : i32
      %dma_wait3A_489 = arith.constant 0 : i32
      %dma_wait3A_490 = tpu.memref_slice %arg8[%dma_wait3A_488, %dma_wait3A_489] : memref<1600x32xf32, #tpu.memory_space<vmem>> -> memref<80x32xf32, #tpu.memory_space<vmem>>
      %dma_wait3A_491 = arith.constant 1440 : i32
      %dma_wait3A_492 = tpu.memref_slice %arg6[%dma_wait3A_491] : memref<1600xi32, #tpu.memory_space<vmem>> -> memref<80xi32, #tpu.memory_space<vmem>>
      %dma_wait3A_493 = arith.constant 0 : i32
      %dma_wait3A_494 = arith.constant 0 : i32
      %dma_wait3A_495 = tpu.memref_slice %arg4[%dma_wait3A_493, %dma_wait3A_494] : memref<1000001x32xf32, #tpu.memory_space<hbm>> -> memref<1000001x32xf32, #tpu.memory_space<hbm>>
      tpu.wait_indirect_dma semaphore(%arg12 : memref<!tpu.dma_semaphore, #tpu.memory_space<semaphore_mem>>) src(%dma_wait3A_495 : memref<1000001x32xf32, #tpu.memory_space<hbm>>) dst(%dma_wait3A_490 : memref<80x32xf32, #tpu.memory_space<vmem>>)
      %dma_wait3A_496 = arith.constant 1520 : i32
      %dma_wait3A_497 = arith.constant 0 : i32
      %dma_wait3A_498 = tpu.memref_slice %arg8[%dma_wait3A_496, %dma_wait3A_497] : memref<1600x32xf32, #tpu.memory_space<vmem>> -> memref<80x32xf32, #tpu.memory_space<vmem>>
      %dma_wait3A_499 = arith.constant 1520 : i32
      %dma_wait3A_500 = tpu.memref_slice %arg6[%dma_wait3A_499] : memref<1600xi32, #tpu.memory_space<vmem>> -> memref<80xi32, #tpu.memory_space<vmem>>
      %dma_wait3A_501 = arith.constant 0 : i32
      %dma_wait3A_502 = arith.constant 0 : i32
      %dma_wait3A_503 = tpu.memref_slice %arg4[%dma_wait3A_501, %dma_wait3A_502] : memref<1000001x32xf32, #tpu.memory_space<hbm>> -> memref<1000001x32xf32, #tpu.memory_space<hbm>>
      tpu.wait_indirect_dma semaphore(%arg12 : memref<!tpu.dma_semaphore, #tpu.memory_space<semaphore_mem>>) src(%dma_wait3A_503 : memref<1000001x32xf32, #tpu.memory_space<hbm>>) dst(%dma_wait3A_498 : memref<80x32xf32, #tpu.memory_space<vmem>>)
      %scan3A_504 = arith.constant 0 : i32
      %scan3A_505 = arith.constant 0 : i32
      %scan3A_506 = arith.constant 16 : i32
      %scan3A_507 = arith.addi %scan3A_505, %scan3A_506 : i32
      %scan3A_508 = arith.constant 1 : i32
      scf.for %scan3A_686 = %scan3A_505 to %scan3A_507 step %scan3A_508  : i32 {
        %mul3A_687 = arith.constant 2 : i32
        %mul3A_688 = arith.muli %scan3A_686, %mul3A_687 : i32
        %add3A_689 = arith.constant 0 : i32
        %add3A_690 = arith.addi %mul3A_688, %add3A_689 : i32
        %mul3A_691 = arith.constant 50 : i32
        %mul3A_692 = arith.muli %add3A_690, %mul3A_691 : i32
        %get3A = arith.index_cast %mul3A_692 : i32 to index
        %get3A_693 = arith.constant 0 : index
        %get3A_694 = tpu.vector_load %arg8[%get3A, %get3A_693] {strides = array<i32>} : memref<1600x32xf32, #tpu.memory_space<vmem>>, vector<1x16xf32>,
        %get3A_695 = vector.shape_cast %get3A_694 : vector<1x16xf32> to vector<16xf32>
        %get3A_696 = arith.index_cast %mul3A_692 : i32 to index
        %get3A_697 = arith.constant 16 : index
        %get3A_698 = tpu.vector_load %arg8[%get3A_696, %get3A_697] {strides = array<i32>} : memref<1600x32xf32, #tpu.memory_space<vmem>>, vector<1x16xf32>,
        %get3A_699 = vector.shape_cast %get3A_698 : vector<1x16xf32> to vector<16xf32>
        %add3A_700 = arith.constant 1 : i32
        %add3A_701 = arith.addi %mul3A_692, %add3A_700 : i32
        %get3A_702 = arith.index_cast %add3A_701 : i32 to index
        %get3A_703 = arith.constant 0 : index
        %get3A_704 = tpu.vector_load %arg8[%get3A_702, %get3A_703] {strides = array<i32>} : memref<1600x32xf32, #tpu.memory_space<vmem>>, vector<1x16xf32>,
        %get3A_705 = vector.shape_cast %get3A_704 : vector<1x16xf32> to vector<16xf32>
        %add3A_706 = arith.addf %get3A_695, %get3A_705 : vector<16xf32>
        %add3A_707 = arith.constant 1 : i32
        %add3A_708 = arith.addi %mul3A_692, %add3A_707 : i32
        %get3A_709 = arith.index_cast %add3A_708 : i32 to index
        %get3A_710 = arith.constant 16 : index
        %get3A_711 = tpu.vector_load %arg8[%get3A_709, %get3A_710] {strides = array<i32>} : memref<1600x32xf32, #tpu.memory_space<vmem>>, vector<1x16xf32>,
        %get3A_712 = vector.shape_cast %get3A_711 : vector<1x16xf32> to vector<16xf32>
        %add3A_713 = arith.addf %get3A_699, %get3A_712 : vector<16xf32>
        %add3A_714 = arith.constant 2 : i32
        %add3A_715 = arith.addi %mul3A_692, %add3A_714 : i32
        %get3A_716 = arith.index_cast %add3A_715 : i32 to index
        %get3A_717 = arith.constant 0 : index
        %get3A_718 = tpu.vector_load %arg8[%get3A_716, %get3A_717] {strides = array<i32>} : memref<1600x32xf32, #tpu.memory_space<vmem>>, vector<1x16xf32>,
        %get3A_719 = vector.shape_cast %get3A_718 : vector<1x16xf32> to vector<16xf32>
        %add3A_720 = arith.addf %add3A_706, %get3A_719 : vector<16xf32>
        %add3A_721 = arith.constant 2 : i32
        %add3A_722 = arith.addi %mul3A_692, %add3A_721 : i32
        %get3A_723 = arith.index_cast %add3A_722 : i32 to index
        %get3A_724 = arith.constant 16 : index
        %get3A_725 = tpu.vector_load %arg8[%get3A_723, %get3A_724] {strides = array<i32>} : memref<1600x32xf32, #tpu.memory_space<vmem>>, vector<1x16xf32>,
        %get3A_726 = vector.shape_cast %get3A_725 : vector<1x16xf32> to vector<16xf32>
        %add3A_727 = arith.addf %add3A_713, %get3A_726 : vector<16xf32>
        %add3A_728 = arith.constant 3 : i32
        %add3A_729 = arith.addi %mul3A_692, %add3A_728 : i32
        %get3A_730 = arith.index_cast %add3A_729 : i32 to index
        %get3A_731 = arith.constant 0 : index
        %get3A_732 = tpu.vector_load %arg8[%get3A_730, %get3A_731] {strides = array<i32>} : memref<1600x32xf32, #tpu.memory_space<vmem>>, vector<1x16xf32>,
        %get3A_733 = vector.shape_cast %get3A_732 : vector<1x16xf32> to vector<16xf32>
        %add3A_734 = arith.addf %add3A_720, %get3A_733 : vector<16xf32>
        %add3A_735 = arith.constant 3 : i32
        %add3A_736 = arith.addi %mul3A_692, %add3A_735 : i32
        %get3A_737 = arith.index_cast %add3A_736 : i32 to index
        %get3A_738 = arith.constant 16 : index
        %get3A_739 = tpu.vector_load %arg8[%get3A_737, %get3A_738] {strides = array<i32>} : memref<1600x32xf32, #tpu.memory_space<vmem>>, vector<1x16xf32>,
        %get3A_740 = vector.shape_cast %get3A_739 : vector<1x16xf32> to vector<16xf32>
        %add3A_741 = arith.addf %add3A_727, %get3A_740 : vector<16xf32>
        %add3A_742 = arith.constant 4 : i32
        %add3A_743 = arith.addi %mul3A_692, %add3A_742 : i32
        %get3A_744 = arith.index_cast %add3A_743 : i32 to index
        %get3A_745 = arith.constant 0 : index
        %get3A_746 = tpu.vector_load %arg8[%get3A_744, %get3A_745] {strides = array<i32>} : memref<1600x32xf32, #tpu.memory_space<vmem>>, vector<1x16xf32>,
        %get3A_747 = vector.shape_cast %get3A_746 : vector<1x16xf32> to vector<16xf32>
        %add3A_748 = arith.addf %add3A_734, %get3A_747 : vector<16xf32>
        %add3A_749 = arith.constant 4 : i32
        %add3A_750 = arith.addi %mul3A_692, %add3A_749 : i32
        %get3A_751 = arith.index_cast %add3A_750 : i32 to index
        %get3A_752 = arith.constant 16 : index
        %get3A_753 = tpu.vector_load %arg8[%get3A_751, %get3A_752] {strides = array<i32>} : memref<1600x32xf32, #tpu.memory_space<vmem>>, vector<1x16xf32>,
        %get3A_754 = vector.shape_cast %get3A_753 : vector<1x16xf32> to vector<16xf32>
        %add3A_755 = arith.addf %add3A_741, %get3A_754 : vector<16xf32>
        %add3A_756 = arith.constant 5 : i32
        %add3A_757 = arith.addi %mul3A_692, %add3A_756 : i32
        %get3A_758 = arith.index_cast %add3A_757 : i32 to index
        %get3A_759 = arith.constant 0 : index
        %get3A_760 = tpu.vector_load %arg8[%get3A_758, %get3A_759] {strides = array<i32>} : memref<1600x32xf32, #tpu.memory_space<vmem>>, vector<1x16xf32>,
        %get3A_761 = vector.shape_cast %get3A_760 : vector<1x16xf32> to vector<16xf32>
        %add3A_762 = arith.addf %add3A_748, %get3A_761 : vector<16xf32>
        %add3A_763 = arith.constant 5 : i32
        %add3A_764 = arith.addi %mul3A_692, %add3A_763 : i32
        %get3A_765 = arith.index_cast %add3A_764 : i32 to index
        %get3A_766 = arith.constant 16 : index
        %get3A_767 = tpu.vector_load %arg8[%get3A_765, %get3A_766] {strides = array<i32>} : memref<1600x32xf32, #tpu.memory_space<vmem>>, vector<1x16xf32>,
        %get3A_768 = vector.shape_cast %get3A_767 : vector<1x16xf32> to vector<16xf32>
        %add3A_769 = arith.addf %add3A_755, %get3A_768 : vector<16xf32>
        %add3A_770 = arith.constant 6 : i32
        %add3A_771 = arith.addi %mul3A_692, %add3A_770 : i32
        %get3A_772 = arith.index_cast %add3A_771 : i32 to index
        %get3A_773 = arith.constant 0 : index
        %get3A_774 = tpu.vector_load %arg8[%get3A_772, %get3A_773] {strides = array<i32>} : memref<1600x32xf32, #tpu.memory_space<vmem>>, vector<1x16xf32>,
        %get3A_775 = vector.shape_cast %get3A_774 : vector<1x16xf32> to vector<16xf32>
        %add3A_776 = arith.addf %add3A_762, %get3A_775 : vector<16xf32>
        %add3A_777 = arith.constant 6 : i32
        %add3A_778 = arith.addi %mul3A_692, %add3A_777 : i32
        %get3A_779 = arith.index_cast %add3A_778 : i32 to index
        %get3A_780 = arith.constant 16 : index
        %get3A_781 = tpu.vector_load %arg8[%get3A_779, %get3A_780] {strides = array<i32>} : memref<1600x32xf32, #tpu.memory_space<vmem>>, vector<1x16xf32>,
        %get3A_782 = vector.shape_cast %get3A_781 : vector<1x16xf32> to vector<16xf32>
        %add3A_783 = arith.addf %add3A_769, %get3A_782 : vector<16xf32>
        %add3A_784 = arith.constant 7 : i32
        %add3A_785 = arith.addi %mul3A_692, %add3A_784 : i32
        %get3A_786 = arith.index_cast %add3A_785 : i32 to index
        %get3A_787 = arith.constant 0 : index
        %get3A_788 = tpu.vector_load %arg8[%get3A_786, %get3A_787] {strides = array<i32>} : memref<1600x32xf32, #tpu.memory_space<vmem>>, vector<1x16xf32>,
        %get3A_789 = vector.shape_cast %get3A_788 : vector<1x16xf32> to vector<16xf32>
        %add3A_790 = arith.addf %add3A_776, %get3A_789 : vector<16xf32>
        %add3A_791 = arith.constant 7 : i32
        %add3A_792 = arith.addi %mul3A_692, %add3A_791 : i32
        %get3A_793 = arith.index_cast %add3A_792 : i32 to index
        %get3A_794 = arith.constant 16 : index
        %get3A_795 = tpu.vector_load %arg8[%get3A_793, %get3A_794] {strides = array<i32>} : memref<1600x32xf32, #tpu.memory_space<vmem>>, vector<1x16xf32>,
        %get3A_796 = vector.shape_cast %get3A_795 : vector<1x16xf32> to vector<16xf32>
        %add3A_797 = arith.addf %add3A_783, %get3A_796 : vector<16xf32>
        %add3A_798 = arith.constant 8 : i32
        %add3A_799 = arith.addi %mul3A_692, %add3A_798 : i32
        %get3A_800 = arith.index_cast %add3A_799 : i32 to index
        %get3A_801 = arith.constant 0 : index
        %get3A_802 = tpu.vector_load %arg8[%get3A_800, %get3A_801] {strides = array<i32>} : memref<1600x32xf32, #tpu.memory_space<vmem>>, vector<1x16xf32>,
        %get3A_803 = vector.shape_cast %get3A_802 : vector<1x16xf32> to vector<16xf32>
        %add3A_804 = arith.addf %add3A_790, %get3A_803 : vector<16xf32>
        %add3A_805 = arith.constant 8 : i32
        %add3A_806 = arith.addi %mul3A_692, %add3A_805 : i32
        %get3A_807 = arith.index_cast %add3A_806 : i32 to index
        %get3A_808 = arith.constant 16 : index
        %get3A_809 = tpu.vector_load %arg8[%get3A_807, %get3A_808] {strides = array<i32>} : memref<1600x32xf32, #tpu.memory_space<vmem>>, vector<1x16xf32>,
        %get3A_810 = vector.shape_cast %get3A_809 : vector<1x16xf32> to vector<16xf32>
        %add3A_811 = arith.addf %add3A_797, %get3A_810 : vector<16xf32>
        %add3A_812 = arith.constant 9 : i32
        %add3A_813 = arith.addi %mul3A_692, %add3A_812 : i32
        %get3A_814 = arith.index_cast %add3A_813 : i32 to index
        %get3A_815 = arith.constant 0 : index
        %get3A_816 = tpu.vector_load %arg8[%get3A_814, %get3A_815] {strides = array<i32>} : memref<1600x32xf32, #tpu.memory_space<vmem>>, vector<1x16xf32>,
        %get3A_817 = vector.shape_cast %get3A_816 : vector<1x16xf32> to vector<16xf32>
        %add3A_818 = arith.addf %add3A_804, %get3A_817 : vector<16xf32>
        %add3A_819 = arith.constant 9 : i32
        %add3A_820 = arith.addi %mul3A_692, %add3A_819 : i32
        %get3A_821 = arith.index_cast %add3A_820 : i32 to index
        %get3A_822 = arith.constant 16 : index
        %get3A_823 = tpu.vector_load %arg8[%get3A_821, %get3A_822] {strides = array<i32>} : memref<1600x32xf32, #tpu.memory_space<vmem>>, vector<1x16xf32>,
        %get3A_824 = vector.shape_cast %get3A_823 : vector<1x16xf32> to vector<16xf32>
        %add3A_825 = arith.addf %add3A_811, %get3A_824 : vector<16xf32>
        %add3A_826 = arith.constant 10 : i32
        %add3A_827 = arith.addi %mul3A_692, %add3A_826 : i32
        %get3A_828 = arith.index_cast %add3A_827 : i32 to index
        %get3A_829 = arith.constant 0 : index
        %get3A_830 = tpu.vector_load %arg8[%get3A_828, %get3A_829] {strides = array<i32>} : memref<1600x32xf32, #tpu.memory_space<vmem>>, vector<1x16xf32>,
        %get3A_831 = vector.shape_cast %get3A_830 : vector<1x16xf32> to vector<16xf32>
        %add3A_832 = arith.addf %add3A_818, %get3A_831 : vector<16xf32>
        %add3A_833 = arith.constant 10 : i32
        %add3A_834 = arith.addi %mul3A_692, %add3A_833 : i32
        %get3A_835 = arith.index_cast %add3A_834 : i32 to index
        %get3A_836 = arith.constant 16 : index
        %get3A_837 = tpu.vector_load %arg8[%get3A_835, %get3A_836] {strides = array<i32>} : memref<1600x32xf32, #tpu.memory_space<vmem>>, vector<1x16xf32>,
        %get3A_838 = vector.shape_cast %get3A_837 : vector<1x16xf32> to vector<16xf32>
        %add3A_839 = arith.addf %add3A_825, %get3A_838 : vector<16xf32>
        %add3A_840 = arith.constant 11 : i32
        %add3A_841 = arith.addi %mul3A_692, %add3A_840 : i32
        %get3A_842 = arith.index_cast %add3A_841 : i32 to index
        %get3A_843 = arith.constant 0 : index
        %get3A_844 = tpu.vector_load %arg8[%get3A_842, %get3A_843] {strides = array<i32>} : memref<1600x32xf32, #tpu.memory_space<vmem>>, vector<1x16xf32>,
        %get3A_845 = vector.shape_cast %get3A_844 : vector<1x16xf32> to vector<16xf32>
        %add3A_846 = arith.addf %add3A_832, %get3A_845 : vector<16xf32>
        %add3A_847 = arith.constant 11 : i32
        %add3A_848 = arith.addi %mul3A_692, %add3A_847 : i32
        %get3A_849 = arith.index_cast %add3A_848 : i32 to index
        %get3A_850 = arith.constant 16 : index
        %get3A_851 = tpu.vector_load %arg8[%get3A_849, %get3A_850] {strides = array<i32>} : memref<1600x32xf32, #tpu.memory_space<vmem>>, vector<1x16xf32>,
        %get3A_852 = vector.shape_cast %get3A_851 : vector<1x16xf32> to vector<16xf32>
        %add3A_853 = arith.addf %add3A_839, %get3A_852 : vector<16xf32>
        %add3A_854 = arith.constant 12 : i32
        %add3A_855 = arith.addi %mul3A_692, %add3A_854 : i32
        %get3A_856 = arith.index_cast %add3A_855 : i32 to index
        %get3A_857 = arith.constant 0 : index
        %get3A_858 = tpu.vector_load %arg8[%get3A_856, %get3A_857] {strides = array<i32>} : memref<1600x32xf32, #tpu.memory_space<vmem>>, vector<1x16xf32>,
        %get3A_859 = vector.shape_cast %get3A_858 : vector<1x16xf32> to vector<16xf32>
        %add3A_860 = arith.addf %add3A_846, %get3A_859 : vector<16xf32>
        %add3A_861 = arith.constant 12 : i32
        %add3A_862 = arith.addi %mul3A_692, %add3A_861 : i32
        %get3A_863 = arith.index_cast %add3A_862 : i32 to index
        %get3A_864 = arith.constant 16 : index
        %get3A_865 = tpu.vector_load %arg8[%get3A_863, %get3A_864] {strides = array<i32>} : memref<1600x32xf32, #tpu.memory_space<vmem>>, vector<1x16xf32>,
        %get3A_866 = vector.shape_cast %get3A_865 : vector<1x16xf32> to vector<16xf32>
        %add3A_867 = arith.addf %add3A_853, %get3A_866 : vector<16xf32>
        %add3A_868 = arith.constant 13 : i32
        %add3A_869 = arith.addi %mul3A_692, %add3A_868 : i32
        %get3A_870 = arith.index_cast %add3A_869 : i32 to index
        %get3A_871 = arith.constant 0 : index
        %get3A_872 = tpu.vector_load %arg8[%get3A_870, %get3A_871] {strides = array<i32>} : memref<1600x32xf32, #tpu.memory_space<vmem>>, vector<1x16xf32>,
        %get3A_873 = vector.shape_cast %get3A_872 : vector<1x16xf32> to vector<16xf32>
        %add3A_874 = arith.addf %add3A_860, %get3A_873 : vector<16xf32>
        %add3A_875 = arith.constant 13 : i32
        %add3A_876 = arith.addi %mul3A_692, %add3A_875 : i32
        %get3A_877 = arith.index_cast %add3A_876 : i32 to index
        %get3A_878 = arith.constant 16 : index
        %get3A_879 = tpu.vector_load %arg8[%get3A_877, %get3A_878] {strides = array<i32>} : memref<1600x32xf32, #tpu.memory_space<vmem>>, vector<1x16xf32>,
        %get3A_880 = vector.shape_cast %get3A_879 : vector<1x16xf32> to vector<16xf32>
        %add3A_881 = arith.addf %add3A_867, %get3A_880 : vector<16xf32>
        %add3A_882 = arith.constant 14 : i32
        %add3A_883 = arith.addi %mul3A_692, %add3A_882 : i32
        %get3A_884 = arith.index_cast %add3A_883 : i32 to index
        %get3A_885 = arith.constant 0 : index
        %get3A_886 = tpu.vector_load %arg8[%get3A_884, %get3A_885] {strides = array<i32>} : memref<1600x32xf32, #tpu.memory_space<vmem>>, vector<1x16xf32>,
        %get3A_887 = vector.shape_cast %get3A_886 : vector<1x16xf32> to vector<16xf32>
        %add3A_888 = arith.addf %add3A_874, %get3A_887 : vector<16xf32>
        %add3A_889 = arith.constant 14 : i32
        %add3A_890 = arith.addi %mul3A_692, %add3A_889 : i32
        %get3A_891 = arith.index_cast %add3A_890 : i32 to index
        %get3A_892 = arith.constant 16 : index
        %get3A_893 = tpu.vector_load %arg8[%get3A_891, %get3A_892] {strides = array<i32>} : memref<1600x32xf32, #tpu.memory_space<vmem>>, vector<1x16xf32>,
        %get3A_894 = vector.shape_cast %get3A_893 : vector<1x16xf32> to vector<16xf32>
        %add3A_895 = arith.addf %add3A_881, %get3A_894 : vector<16xf32>
        %add3A_896 = arith.constant 15 : i32
        %add3A_897 = arith.addi %mul3A_692, %add3A_896 : i32
        %get3A_898 = arith.index_cast %add3A_897 : i32 to index
        %get3A_899 = arith.constant 0 : index
        %get3A_900 = tpu.vector_load %arg8[%get3A_898, %get3A_899] {strides = array<i32>} : memref<1600x32xf32, #tpu.memory_space<vmem>>, vector<1x16xf32>,
        %get3A_901 = vector.shape_cast %get3A_900 : vector<1x16xf32> to vector<16xf32>
        %add3A_902 = arith.addf %add3A_888, %get3A_901 : vector<16xf32>
        %add3A_903 = arith.constant 15 : i32
        %add3A_904 = arith.addi %mul3A_692, %add3A_903 : i32
        %get3A_905 = arith.index_cast %add3A_904 : i32 to index
        %get3A_906 = arith.constant 16 : index
        %get3A_907 = tpu.vector_load %arg8[%get3A_905, %get3A_906] {strides = array<i32>} : memref<1600x32xf32, #tpu.memory_space<vmem>>, vector<1x16xf32>,
        %get3A_908 = vector.shape_cast %get3A_907 : vector<1x16xf32> to vector<16xf32>
        %add3A_909 = arith.addf %add3A_895, %get3A_908 : vector<16xf32>
        %add3A_910 = arith.constant 16 : i32
        %add3A_911 = arith.addi %mul3A_692, %add3A_910 : i32
        %get3A_912 = arith.index_cast %add3A_911 : i32 to index
        %get3A_913 = arith.constant 0 : index
        %get3A_914 = tpu.vector_load %arg8[%get3A_912, %get3A_913] {strides = array<i32>} : memref<1600x32xf32, #tpu.memory_space<vmem>>, vector<1x16xf32>,
        %get3A_915 = vector.shape_cast %get3A_914 : vector<1x16xf32> to vector<16xf32>
        %add3A_916 = arith.addf %add3A_902, %get3A_915 : vector<16xf32>
        %add3A_917 = arith.constant 16 : i32
        %add3A_918 = arith.addi %mul3A_692, %add3A_917 : i32
        %get3A_919 = arith.index_cast %add3A_918 : i32 to index
        %get3A_920 = arith.constant 16 : index
        %get3A_921 = tpu.vector_load %arg8[%get3A_919, %get3A_920] {strides = array<i32>} : memref<1600x32xf32, #tpu.memory_space<vmem>>, vector<1x16xf32>,
        %get3A_922 = vector.shape_cast %get3A_921 : vector<1x16xf32> to vector<16xf32>
        %add3A_923 = arith.addf %add3A_909, %get3A_922 : vector<16xf32>
        %add3A_924 = arith.constant 17 : i32
        %add3A_925 = arith.addi %mul3A_692, %add3A_924 : i32
        %get3A_926 = arith.index_cast %add3A_925 : i32 to index
        %get3A_927 = arith.constant 0 : index
        %get3A_928 = tpu.vector_load %arg8[%get3A_926, %get3A_927] {strides = array<i32>} : memref<1600x32xf32, #tpu.memory_space<vmem>>, vector<1x16xf32>,
        %get3A_929 = vector.shape_cast %get3A_928 : vector<1x16xf32> to vector<16xf32>
        %add3A_930 = arith.addf %add3A_916, %get3A_929 : vector<16xf32>
        %add3A_931 = arith.constant 17 : i32
        %add3A_932 = arith.addi %mul3A_692, %add3A_931 : i32
        %get3A_933 = arith.index_cast %add3A_932 : i32 to index
        %get3A_934 = arith.constant 16 : index
        %get3A_935 = tpu.vector_load %arg8[%get3A_933, %get3A_934] {strides = array<i32>} : memref<1600x32xf32, #tpu.memory_space<vmem>>, vector<1x16xf32>,
        %get3A_936 = vector.shape_cast %get3A_935 : vector<1x16xf32> to vector<16xf32>
        %add3A_937 = arith.addf %add3A_923, %get3A_936 : vector<16xf32>
        %add3A_938 = arith.constant 18 : i32
        %add3A_939 = arith.addi %mul3A_692, %add3A_938 : i32
        %get3A_940 = arith.index_cast %add3A_939 : i32 to index
        %get3A_941 = arith.constant 0 : index
        %get3A_942 = tpu.vector_load %arg8[%get3A_940, %get3A_941] {strides = array<i32>} : memref<1600x32xf32, #tpu.memory_space<vmem>>, vector<1x16xf32>,
        %get3A_943 = vector.shape_cast %get3A_942 : vector<1x16xf32> to vector<16xf32>
        %add3A_944 = arith.addf %add3A_930, %get3A_943 : vector<16xf32>
        %add3A_945 = arith.constant 18 : i32
        %add3A_946 = arith.addi %mul3A_692, %add3A_945 : i32
        %get3A_947 = arith.index_cast %add3A_946 : i32 to index
        %get3A_948 = arith.constant 16 : index
        %get3A_949 = tpu.vector_load %arg8[%get3A_947, %get3A_948] {strides = array<i32>} : memref<1600x32xf32, #tpu.memory_space<vmem>>, vector<1x16xf32>,
        %get3A_950 = vector.shape_cast %get3A_949 : vector<1x16xf32> to vector<16xf32>
        %add3A_951 = arith.addf %add3A_937, %get3A_950 : vector<16xf32>
        %add3A_952 = arith.constant 19 : i32
        %add3A_953 = arith.addi %mul3A_692, %add3A_952 : i32
        %get3A_954 = arith.index_cast %add3A_953 : i32 to index
        %get3A_955 = arith.constant 0 : index
        %get3A_956 = tpu.vector_load %arg8[%get3A_954, %get3A_955] {strides = array<i32>} : memref<1600x32xf32, #tpu.memory_space<vmem>>, vector<1x16xf32>,
        %get3A_957 = vector.shape_cast %get3A_956 : vector<1x16xf32> to vector<16xf32>
        %add3A_958 = arith.addf %add3A_944, %get3A_957 : vector<16xf32>
        %add3A_959 = arith.constant 19 : i32
        %add3A_960 = arith.addi %mul3A_692, %add3A_959 : i32
        %get3A_961 = arith.index_cast %add3A_960 : i32 to index
        %get3A_962 = arith.constant 16 : index
        %get3A_963 = tpu.vector_load %arg8[%get3A_961, %get3A_962] {strides = array<i32>} : memref<1600x32xf32, #tpu.memory_space<vmem>>, vector<1x16xf32>,
        %get3A_964 = vector.shape_cast %get3A_963 : vector<1x16xf32> to vector<16xf32>
        %add3A_965 = arith.addf %add3A_951, %get3A_964 : vector<16xf32>
        %add3A_966 = arith.constant 20 : i32
        %add3A_967 = arith.addi %mul3A_692, %add3A_966 : i32
        %get3A_968 = arith.index_cast %add3A_967 : i32 to index
        %get3A_969 = arith.constant 0 : index
        %get3A_970 = tpu.vector_load %arg8[%get3A_968, %get3A_969] {strides = array<i32>} : memref<1600x32xf32, #tpu.memory_space<vmem>>, vector<1x16xf32>,
        %get3A_971 = vector.shape_cast %get3A_970 : vector<1x16xf32> to vector<16xf32>
        %add3A_972 = arith.addf %add3A_958, %get3A_971 : vector<16xf32>
        %add3A_973 = arith.constant 20 : i32
        %add3A_974 = arith.addi %mul3A_692, %add3A_973 : i32
        %get3A_975 = arith.index_cast %add3A_974 : i32 to index
        %get3A_976 = arith.constant 16 : index
        %get3A_977 = tpu.vector_load %arg8[%get3A_975, %get3A_976] {strides = array<i32>} : memref<1600x32xf32, #tpu.memory_space<vmem>>, vector<1x16xf32>,
        %get3A_978 = vector.shape_cast %get3A_977 : vector<1x16xf32> to vector<16xf32>
        %add3A_979 = arith.addf %add3A_965, %get3A_978 : vector<16xf32>
        %add3A_980 = arith.constant 21 : i32
        %add3A_981 = arith.addi %mul3A_692, %add3A_980 : i32
        %get3A_982 = arith.index_cast %add3A_981 : i32 to index
        %get3A_983 = arith.constant 0 : index
        %get3A_984 = tpu.vector_load %arg8[%get3A_982, %get3A_983] {strides = array<i32>} : memref<1600x32xf32, #tpu.memory_space<vmem>>, vector<1x16xf32>,
        %get3A_985 = vector.shape_cast %get3A_984 : vector<1x16xf32> to vector<16xf32>
        %add3A_986 = arith.addf %add3A_972, %get3A_985 : vector<16xf32>
        %add3A_987 = arith.constant 21 : i32
        %add3A_988 = arith.addi %mul3A_692, %add3A_987 : i32
        %get3A_989 = arith.index_cast %add3A_988 : i32 to index
        %get3A_990 = arith.constant 16 : index
        %get3A_991 = tpu.vector_load %arg8[%get3A_989, %get3A_990] {strides = array<i32>} : memref<1600x32xf32, #tpu.memory_space<vmem>>, vector<1x16xf32>,
        %get3A_992 = vector.shape_cast %get3A_991 : vector<1x16xf32> to vector<16xf32>
        %add3A_993 = arith.addf %add3A_979, %get3A_992 : vector<16xf32>
        %add3A_994 = arith.constant 22 : i32
        %add3A_995 = arith.addi %mul3A_692, %add3A_994 : i32
        %get3A_996 = arith.index_cast %add3A_995 : i32 to index
        %get3A_997 = arith.constant 0 : index
        %get3A_998 = tpu.vector_load %arg8[%get3A_996, %get3A_997] {strides = array<i32>} : memref<1600x32xf32, #tpu.memory_space<vmem>>, vector<1x16xf32>,
        %get3A_999 = vector.shape_cast %get3A_998 : vector<1x16xf32> to vector<16xf32>
        %add3A_1000 = arith.addf %add3A_986, %get3A_999 : vector<16xf32>
        %add3A_1001 = arith.constant 22 : i32
        %add3A_1002 = arith.addi %mul3A_692, %add3A_1001 : i32
        %get3A_1003 = arith.index_cast %add3A_1002 : i32 to index
        %get3A_1004 = arith.constant 16 : index
        %get3A_1005 = tpu.vector_load %arg8[%get3A_1003, %get3A_1004] {strides = array<i32>} : memref<1600x32xf32, #tpu.memory_space<vmem>>, vector<1x16xf32>,
        %get3A_1006 = vector.shape_cast %get3A_1005 : vector<1x16xf32> to vector<16xf32>
        %add3A_1007 = arith.addf %add3A_993, %get3A_1006 : vector<16xf32>
        %add3A_1008 = arith.constant 23 : i32
        %add3A_1009 = arith.addi %mul3A_692, %add3A_1008 : i32
        %get3A_1010 = arith.index_cast %add3A_1009 : i32 to index
        %get3A_1011 = arith.constant 0 : index
        %get3A_1012 = tpu.vector_load %arg8[%get3A_1010, %get3A_1011] {strides = array<i32>} : memref<1600x32xf32, #tpu.memory_space<vmem>>, vector<1x16xf32>,
        %get3A_1013 = vector.shape_cast %get3A_1012 : vector<1x16xf32> to vector<16xf32>
        %add3A_1014 = arith.addf %add3A_1000, %get3A_1013 : vector<16xf32>
        %add3A_1015 = arith.constant 23 : i32
        %add3A_1016 = arith.addi %mul3A_692, %add3A_1015 : i32
        %get3A_1017 = arith.index_cast %add3A_1016 : i32 to index
        %get3A_1018 = arith.constant 16 : index
        %get3A_1019 = tpu.vector_load %arg8[%get3A_1017, %get3A_1018] {strides = array<i32>} : memref<1600x32xf32, #tpu.memory_space<vmem>>, vector<1x16xf32>,
        %get3A_1020 = vector.shape_cast %get3A_1019 : vector<1x16xf32> to vector<16xf32>
        %add3A_1021 = arith.addf %add3A_1007, %get3A_1020 : vector<16xf32>
        %add3A_1022 = arith.constant 24 : i32
        %add3A_1023 = arith.addi %mul3A_692, %add3A_1022 : i32
        %get3A_1024 = arith.index_cast %add3A_1023 : i32 to index
        %get3A_1025 = arith.constant 0 : index
        %get3A_1026 = tpu.vector_load %arg8[%get3A_1024, %get3A_1025] {strides = array<i32>} : memref<1600x32xf32, #tpu.memory_space<vmem>>, vector<1x16xf32>,
        %get3A_1027 = vector.shape_cast %get3A_1026 : vector<1x16xf32> to vector<16xf32>
        %add3A_1028 = arith.addf %add3A_1014, %get3A_1027 : vector<16xf32>
        %add3A_1029 = arith.constant 24 : i32
        %add3A_1030 = arith.addi %mul3A_692, %add3A_1029 : i32
        %get3A_1031 = arith.index_cast %add3A_1030 : i32 to index
        %get3A_1032 = arith.constant 16 : index
        %get3A_1033 = tpu.vector_load %arg8[%get3A_1031, %get3A_1032] {strides = array<i32>} : memref<1600x32xf32, #tpu.memory_space<vmem>>, vector<1x16xf32>,
        %get3A_1034 = vector.shape_cast %get3A_1033 : vector<1x16xf32> to vector<16xf32>
        %add3A_1035 = arith.addf %add3A_1021, %get3A_1034 : vector<16xf32>
        %add3A_1036 = arith.constant 25 : i32
        %add3A_1037 = arith.addi %mul3A_692, %add3A_1036 : i32
        %get3A_1038 = arith.index_cast %add3A_1037 : i32 to index
        %get3A_1039 = arith.constant 0 : index
        %get3A_1040 = tpu.vector_load %arg8[%get3A_1038, %get3A_1039] {strides = array<i32>} : memref<1600x32xf32, #tpu.memory_space<vmem>>, vector<1x16xf32>,
        %get3A_1041 = vector.shape_cast %get3A_1040 : vector<1x16xf32> to vector<16xf32>
        %add3A_1042 = arith.addf %add3A_1028, %get3A_1041 : vector<16xf32>
        %add3A_1043 = arith.constant 25 : i32
        %add3A_1044 = arith.addi %mul3A_692, %add3A_1043 : i32
        %get3A_1045 = arith.index_cast %add3A_1044 : i32 to index
        %get3A_1046 = arith.constant 16 : index
        %get3A_1047 = tpu.vector_load %arg8[%get3A_1045, %get3A_1046] {strides = array<i32>} : memref<1600x32xf32, #tpu.memory_space<vmem>>, vector<1x16xf32>,
        %get3A_1048 = vector.shape_cast %get3A_1047 : vector<1x16xf32> to vector<16xf32>
        %add3A_1049 = arith.addf %add3A_1035, %get3A_1048 : vector<16xf32>
        %add3A_1050 = arith.constant 26 : i32
        %add3A_1051 = arith.addi %mul3A_692, %add3A_1050 : i32
        %get3A_1052 = arith.index_cast %add3A_1051 : i32 to index
        %get3A_1053 = arith.constant 0 : index
        %get3A_1054 = tpu.vector_load %arg8[%get3A_1052, %get3A_1053] {strides = array<i32>} : memref<1600x32xf32, #tpu.memory_space<vmem>>, vector<1x16xf32>,
        %get3A_1055 = vector.shape_cast %get3A_1054 : vector<1x16xf32> to vector<16xf32>
        %add3A_1056 = arith.addf %add3A_1042, %get3A_1055 : vector<16xf32>
        %add3A_1057 = arith.constant 26 : i32
        %add3A_1058 = arith.addi %mul3A_692, %add3A_1057 : i32
        %get3A_1059 = arith.index_cast %add3A_1058 : i32 to index
        %get3A_1060 = arith.constant 16 : index
        %get3A_1061 = tpu.vector_load %arg8[%get3A_1059, %get3A_1060] {strides = array<i32>} : memref<1600x32xf32, #tpu.memory_space<vmem>>, vector<1x16xf32>,
        %get3A_1062 = vector.shape_cast %get3A_1061 : vector<1x16xf32> to vector<16xf32>
        %add3A_1063 = arith.addf %add3A_1049, %get3A_1062 : vector<16xf32>
        %add3A_1064 = arith.constant 27 : i32
        %add3A_1065 = arith.addi %mul3A_692, %add3A_1064 : i32
        %get3A_1066 = arith.index_cast %add3A_1065 : i32 to index
        %get3A_1067 = arith.constant 0 : index
        %get3A_1068 = tpu.vector_load %arg8[%get3A_1066, %get3A_1067] {strides = array<i32>} : memref<1600x32xf32, #tpu.memory_space<vmem>>, vector<1x16xf32>,
        %get3A_1069 = vector.shape_cast %get3A_1068 : vector<1x16xf32> to vector<16xf32>
        %add3A_1070 = arith.addf %add3A_1056, %get3A_1069 : vector<16xf32>
        %add3A_1071 = arith.constant 27 : i32
        %add3A_1072 = arith.addi %mul3A_692, %add3A_1071 : i32
        %get3A_1073 = arith.index_cast %add3A_1072 : i32 to index
        %get3A_1074 = arith.constant 16 : index
        %get3A_1075 = tpu.vector_load %arg8[%get3A_1073, %get3A_1074] {strides = array<i32>} : memref<1600x32xf32, #tpu.memory_space<vmem>>, vector<1x16xf32>,
        %get3A_1076 = vector.shape_cast %get3A_1075 : vector<1x16xf32> to vector<16xf32>
        %add3A_1077 = arith.addf %add3A_1063, %get3A_1076 : vector<16xf32>
        %add3A_1078 = arith.constant 28 : i32
        %add3A_1079 = arith.addi %mul3A_692, %add3A_1078 : i32
        %get3A_1080 = arith.index_cast %add3A_1079 : i32 to index
        %get3A_1081 = arith.constant 0 : index
        %get3A_1082 = tpu.vector_load %arg8[%get3A_1080, %get3A_1081] {strides = array<i32>} : memref<1600x32xf32, #tpu.memory_space<vmem>>, vector<1x16xf32>,
        %get3A_1083 = vector.shape_cast %get3A_1082 : vector<1x16xf32> to vector<16xf32>
        %add3A_1084 = arith.addf %add3A_1070, %get3A_1083 : vector<16xf32>
        %add3A_1085 = arith.constant 28 : i32
        %add3A_1086 = arith.addi %mul3A_692, %add3A_1085 : i32
        %get3A_1087 = arith.index_cast %add3A_1086 : i32 to index
        %get3A_1088 = arith.constant 16 : index
        %get3A_1089 = tpu.vector_load %arg8[%get3A_1087, %get3A_1088] {strides = array<i32>} : memref<1600x32xf32, #tpu.memory_space<vmem>>, vector<1x16xf32>,
        %get3A_1090 = vector.shape_cast %get3A_1089 : vector<1x16xf32> to vector<16xf32>
        %add3A_1091 = arith.addf %add3A_1077, %get3A_1090 : vector<16xf32>
        %add3A_1092 = arith.constant 29 : i32
        %add3A_1093 = arith.addi %mul3A_692, %add3A_1092 : i32
        %get3A_1094 = arith.index_cast %add3A_1093 : i32 to index
        %get3A_1095 = arith.constant 0 : index
        %get3A_1096 = tpu.vector_load %arg8[%get3A_1094, %get3A_1095] {strides = array<i32>} : memref<1600x32xf32, #tpu.memory_space<vmem>>, vector<1x16xf32>,
        %get3A_1097 = vector.shape_cast %get3A_1096 : vector<1x16xf32> to vector<16xf32>
        %add3A_1098 = arith.addf %add3A_1084, %get3A_1097 : vector<16xf32>
        %add3A_1099 = arith.constant 29 : i32
        %add3A_1100 = arith.addi %mul3A_692, %add3A_1099 : i32
        %get3A_1101 = arith.index_cast %add3A_1100 : i32 to index
        %get3A_1102 = arith.constant 16 : index
        %get3A_1103 = tpu.vector_load %arg8[%get3A_1101, %get3A_1102] {strides = array<i32>} : memref<1600x32xf32, #tpu.memory_space<vmem>>, vector<1x16xf32>,
        %get3A_1104 = vector.shape_cast %get3A_1103 : vector<1x16xf32> to vector<16xf32>
        %add3A_1105 = arith.addf %add3A_1091, %get3A_1104 : vector<16xf32>
        %add3A_1106 = arith.constant 30 : i32
        %add3A_1107 = arith.addi %mul3A_692, %add3A_1106 : i32
        %get3A_1108 = arith.index_cast %add3A_1107 : i32 to index
        %get3A_1109 = arith.constant 0 : index
        %get3A_1110 = tpu.vector_load %arg8[%get3A_1108, %get3A_1109] {strides = array<i32>} : memref<1600x32xf32, #tpu.memory_space<vmem>>, vector<1x16xf32>,
        %get3A_1111 = vector.shape_cast %get3A_1110 : vector<1x16xf32> to vector<16xf32>
        %add3A_1112 = arith.addf %add3A_1098, %get3A_1111 : vector<16xf32>
        %add3A_1113 = arith.constant 30 : i32
        %add3A_1114 = arith.addi %mul3A_692, %add3A_1113 : i32
        %get3A_1115 = arith.index_cast %add3A_1114 : i32 to index
        %get3A_1116 = arith.constant 16 : index
        %get3A_1117 = tpu.vector_load %arg8[%get3A_1115, %get3A_1116] {strides = array<i32>} : memref<1600x32xf32, #tpu.memory_space<vmem>>, vector<1x16xf32>,
        %get3A_1118 = vector.shape_cast %get3A_1117 : vector<1x16xf32> to vector<16xf32>
        %add3A_1119 = arith.addf %add3A_1105, %get3A_1118 : vector<16xf32>
        %add3A_1120 = arith.constant 31 : i32
        %add3A_1121 = arith.addi %mul3A_692, %add3A_1120 : i32
        %get3A_1122 = arith.index_cast %add3A_1121 : i32 to index
        %get3A_1123 = arith.constant 0 : index
        %get3A_1124 = tpu.vector_load %arg8[%get3A_1122, %get3A_1123] {strides = array<i32>} : memref<1600x32xf32, #tpu.memory_space<vmem>>, vector<1x16xf32>,
        %get3A_1125 = vector.shape_cast %get3A_1124 : vector<1x16xf32> to vector<16xf32>
        %add3A_1126 = arith.addf %add3A_1112, %get3A_1125 : vector<16xf32>
        %add3A_1127 = arith.constant 31 : i32
        %add3A_1128 = arith.addi %mul3A_692, %add3A_1127 : i32
        %get3A_1129 = arith.index_cast %add3A_1128 : i32 to index
        %get3A_1130 = arith.constant 16 : index
        %get3A_1131 = tpu.vector_load %arg8[%get3A_1129, %get3A_1130] {strides = array<i32>} : memref<1600x32xf32, #tpu.memory_space<vmem>>, vector<1x16xf32>,
        %get3A_1132 = vector.shape_cast %get3A_1131 : vector<1x16xf32> to vector<16xf32>
        %add3A_1133 = arith.addf %add3A_1119, %get3A_1132 : vector<16xf32>
        %add3A_1134 = arith.constant 32 : i32
        %add3A_1135 = arith.addi %mul3A_692, %add3A_1134 : i32
        %get3A_1136 = arith.index_cast %add3A_1135 : i32 to index
        %get3A_1137 = arith.constant 0 : index
        %get3A_1138 = tpu.vector_load %arg8[%get3A_1136, %get3A_1137] {strides = array<i32>} : memref<1600x32xf32, #tpu.memory_space<vmem>>, vector<1x16xf32>,
        %get3A_1139 = vector.shape_cast %get3A_1138 : vector<1x16xf32> to vector<16xf32>
        %add3A_1140 = arith.addf %add3A_1126, %get3A_1139 : vector<16xf32>
        %add3A_1141 = arith.constant 32 : i32
        %add3A_1142 = arith.addi %mul3A_692, %add3A_1141 : i32
        %get3A_1143 = arith.index_cast %add3A_1142 : i32 to index
        %get3A_1144 = arith.constant 16 : index
        %get3A_1145 = tpu.vector_load %arg8[%get3A_1143, %get3A_1144] {strides = array<i32>} : memref<1600x32xf32, #tpu.memory_space<vmem>>, vector<1x16xf32>,
        %get3A_1146 = vector.shape_cast %get3A_1145 : vector<1x16xf32> to vector<16xf32>
        %add3A_1147 = arith.addf %add3A_1133, %get3A_1146 : vector<16xf32>
        %add3A_1148 = arith.constant 33 : i32
        %add3A_1149 = arith.addi %mul3A_692, %add3A_1148 : i32
        %get3A_1150 = arith.index_cast %add3A_1149 : i32 to index
        %get3A_1151 = arith.constant 0 : index
        %get3A_1152 = tpu.vector_load %arg8[%get3A_1150, %get3A_1151] {strides = array<i32>} : memref<1600x32xf32, #tpu.memory_space<vmem>>, vector<1x16xf32>,
        %get3A_1153 = vector.shape_cast %get3A_1152 : vector<1x16xf32> to vector<16xf32>
        %add3A_1154 = arith.addf %add3A_1140, %get3A_1153 : vector<16xf32>
        %add3A_1155 = arith.constant 33 : i32
        %add3A_1156 = arith.addi %mul3A_692, %add3A_1155 : i32
        %get3A_1157 = arith.index_cast %add3A_1156 : i32 to index
        %get3A_1158 = arith.constant 16 : index
        %get3A_1159 = tpu.vector_load %arg8[%get3A_1157, %get3A_1158] {strides = array<i32>} : memref<1600x32xf32, #tpu.memory_space<vmem>>, vector<1x16xf32>,
        %get3A_1160 = vector.shape_cast %get3A_1159 : vector<1x16xf32> to vector<16xf32>
        %add3A_1161 = arith.addf %add3A_1147, %get3A_1160 : vector<16xf32>
        %add3A_1162 = arith.constant 34 : i32
        %add3A_1163 = arith.addi %mul3A_692, %add3A_1162 : i32
        %get3A_1164 = arith.index_cast %add3A_1163 : i32 to index
        %get3A_1165 = arith.constant 0 : index
        %get3A_1166 = tpu.vector_load %arg8[%get3A_1164, %get3A_1165] {strides = array<i32>} : memref<1600x32xf32, #tpu.memory_space<vmem>>, vector<1x16xf32>,
        %get3A_1167 = vector.shape_cast %get3A_1166 : vector<1x16xf32> to vector<16xf32>
        %add3A_1168 = arith.addf %add3A_1154, %get3A_1167 : vector<16xf32>
        %add3A_1169 = arith.constant 34 : i32
        %add3A_1170 = arith.addi %mul3A_692, %add3A_1169 : i32
        %get3A_1171 = arith.index_cast %add3A_1170 : i32 to index
        %get3A_1172 = arith.constant 16 : index
        %get3A_1173 = tpu.vector_load %arg8[%get3A_1171, %get3A_1172] {strides = array<i32>} : memref<1600x32xf32, #tpu.memory_space<vmem>>, vector<1x16xf32>,
        %get3A_1174 = vector.shape_cast %get3A_1173 : vector<1x16xf32> to vector<16xf32>
        %add3A_1175 = arith.addf %add3A_1161, %get3A_1174 : vector<16xf32>
        %add3A_1176 = arith.constant 35 : i32
        %add3A_1177 = arith.addi %mul3A_692, %add3A_1176 : i32
        %get3A_1178 = arith.index_cast %add3A_1177 : i32 to index
        %get3A_1179 = arith.constant 0 : index
        %get3A_1180 = tpu.vector_load %arg8[%get3A_1178, %get3A_1179] {strides = array<i32>} : memref<1600x32xf32, #tpu.memory_space<vmem>>, vector<1x16xf32>,
        %get3A_1181 = vector.shape_cast %get3A_1180 : vector<1x16xf32> to vector<16xf32>
        %add3A_1182 = arith.addf %add3A_1168, %get3A_1181 : vector<16xf32>
        %add3A_1183 = arith.constant 35 : i32
        %add3A_1184 = arith.addi %mul3A_692, %add3A_1183 : i32
        %get3A_1185 = arith.index_cast %add3A_1184 : i32 to index
        %get3A_1186 = arith.constant 16 : index
        %get3A_1187 = tpu.vector_load %arg8[%get3A_1185, %get3A_1186] {strides = array<i32>} : memref<1600x32xf32, #tpu.memory_space<vmem>>, vector<1x16xf32>,
        %get3A_1188 = vector.shape_cast %get3A_1187 : vector<1x16xf32> to vector<16xf32>
        %add3A_1189 = arith.addf %add3A_1175, %get3A_1188 : vector<16xf32>
        %add3A_1190 = arith.constant 36 : i32
        %add3A_1191 = arith.addi %mul3A_692, %add3A_1190 : i32
        %get3A_1192 = arith.index_cast %add3A_1191 : i32 to index
        %get3A_1193 = arith.constant 0 : index
        %get3A_1194 = tpu.vector_load %arg8[%get3A_1192, %get3A_1193] {strides = array<i32>} : memref<1600x32xf32, #tpu.memory_space<vmem>>, vector<1x16xf32>,
        %get3A_1195 = vector.shape_cast %get3A_1194 : vector<1x16xf32> to vector<16xf32>
        %add3A_1196 = arith.addf %add3A_1182, %get3A_1195 : vector<16xf32>
        %add3A_1197 = arith.constant 36 : i32
        %add3A_1198 = arith.addi %mul3A_692, %add3A_1197 : i32
        %get3A_1199 = arith.index_cast %add3A_1198 : i32 to index
        %get3A_1200 = arith.constant 16 : index
        %get3A_1201 = tpu.vector_load %arg8[%get3A_1199, %get3A_1200] {strides = array<i32>} : memref<1600x32xf32, #tpu.memory_space<vmem>>, vector<1x16xf32>,
        %get3A_1202 = vector.shape_cast %get3A_1201 : vector<1x16xf32> to vector<16xf32>
        %add3A_1203 = arith.addf %add3A_1189, %get3A_1202 : vector<16xf32>
        %add3A_1204 = arith.constant 37 : i32
        %add3A_1205 = arith.addi %mul3A_692, %add3A_1204 : i32
        %get3A_1206 = arith.index_cast %add3A_1205 : i32 to index
        %get3A_1207 = arith.constant 0 : index
        %get3A_1208 = tpu.vector_load %arg8[%get3A_1206, %get3A_1207] {strides = array<i32>} : memref<1600x32xf32, #tpu.memory_space<vmem>>, vector<1x16xf32>,
        %get3A_1209 = vector.shape_cast %get3A_1208 : vector<1x16xf32> to vector<16xf32>
        %add3A_1210 = arith.addf %add3A_1196, %get3A_1209 : vector<16xf32>
        %add3A_1211 = arith.constant 37 : i32
        %add3A_1212 = arith.addi %mul3A_692, %add3A_1211 : i32
        %get3A_1213 = arith.index_cast %add3A_1212 : i32 to index
        %get3A_1214 = arith.constant 16 : index
        %get3A_1215 = tpu.vector_load %arg8[%get3A_1213, %get3A_1214] {strides = array<i32>} : memref<1600x32xf32, #tpu.memory_space<vmem>>, vector<1x16xf32>,
        %get3A_1216 = vector.shape_cast %get3A_1215 : vector<1x16xf32> to vector<16xf32>
        %add3A_1217 = arith.addf %add3A_1203, %get3A_1216 : vector<16xf32>
        %add3A_1218 = arith.constant 38 : i32
        %add3A_1219 = arith.addi %mul3A_692, %add3A_1218 : i32
        %get3A_1220 = arith.index_cast %add3A_1219 : i32 to index
        %get3A_1221 = arith.constant 0 : index
        %get3A_1222 = tpu.vector_load %arg8[%get3A_1220, %get3A_1221] {strides = array<i32>} : memref<1600x32xf32, #tpu.memory_space<vmem>>, vector<1x16xf32>,
        %get3A_1223 = vector.shape_cast %get3A_1222 : vector<1x16xf32> to vector<16xf32>
        %add3A_1224 = arith.addf %add3A_1210, %get3A_1223 : vector<16xf32>
        %add3A_1225 = arith.constant 38 : i32
        %add3A_1226 = arith.addi %mul3A_692, %add3A_1225 : i32
        %get3A_1227 = arith.index_cast %add3A_1226 : i32 to index
        %get3A_1228 = arith.constant 16 : index
        %get3A_1229 = tpu.vector_load %arg8[%get3A_1227, %get3A_1228] {strides = array<i32>} : memref<1600x32xf32, #tpu.memory_space<vmem>>, vector<1x16xf32>,
        %get3A_1230 = vector.shape_cast %get3A_1229 : vector<1x16xf32> to vector<16xf32>
        %add3A_1231 = arith.addf %add3A_1217, %get3A_1230 : vector<16xf32>
        %add3A_1232 = arith.constant 39 : i32
        %add3A_1233 = arith.addi %mul3A_692, %add3A_1232 : i32
        %get3A_1234 = arith.index_cast %add3A_1233 : i32 to index
        %get3A_1235 = arith.constant 0 : index
        %get3A_1236 = tpu.vector_load %arg8[%get3A_1234, %get3A_1235] {strides = array<i32>} : memref<1600x32xf32, #tpu.memory_space<vmem>>, vector<1x16xf32>,
        %get3A_1237 = vector.shape_cast %get3A_1236 : vector<1x16xf32> to vector<16xf32>
        %add3A_1238 = arith.addf %add3A_1224, %get3A_1237 : vector<16xf32>
        %add3A_1239 = arith.constant 39 : i32
        %add3A_1240 = arith.addi %mul3A_692, %add3A_1239 : i32
        %get3A_1241 = arith.index_cast %add3A_1240 : i32 to index
        %get3A_1242 = arith.constant 16 : index
        %get3A_1243 = tpu.vector_load %arg8[%get3A_1241, %get3A_1242] {strides = array<i32>} : memref<1600x32xf32, #tpu.memory_space<vmem>>, vector<1x16xf32>,
        %get3A_1244 = vector.shape_cast %get3A_1243 : vector<1x16xf32> to vector<16xf32>
        %add3A_1245 = arith.addf %add3A_1231, %get3A_1244 : vector<16xf32>
        %add3A_1246 = arith.constant 40 : i32
        %add3A_1247 = arith.addi %mul3A_692, %add3A_1246 : i32
        %get3A_1248 = arith.index_cast %add3A_1247 : i32 to index
        %get3A_1249 = arith.constant 0 : index
        %get3A_1250 = tpu.vector_load %arg8[%get3A_1248, %get3A_1249] {strides = array<i32>} : memref<1600x32xf32, #tpu.memory_space<vmem>>, vector<1x16xf32>,
        %get3A_1251 = vector.shape_cast %get3A_1250 : vector<1x16xf32> to vector<16xf32>
        %add3A_1252 = arith.addf %add3A_1238, %get3A_1251 : vector<16xf32>
        %add3A_1253 = arith.constant 40 : i32
        %add3A_1254 = arith.addi %mul3A_692, %add3A_1253 : i32
        %get3A_1255 = arith.index_cast %add3A_1254 : i32 to index
        %get3A_1256 = arith.constant 16 : index
        %get3A_1257 = tpu.vector_load %arg8[%get3A_1255, %get3A_1256] {strides = array<i32>} : memref<1600x32xf32, #tpu.memory_space<vmem>>, vector<1x16xf32>,
        %get3A_1258 = vector.shape_cast %get3A_1257 : vector<1x16xf32> to vector<16xf32>
        %add3A_1259 = arith.addf %add3A_1245, %get3A_1258 : vector<16xf32>
        %add3A_1260 = arith.constant 41 : i32
        %add3A_1261 = arith.addi %mul3A_692, %add3A_1260 : i32
        %get3A_1262 = arith.index_cast %add3A_1261 : i32 to index
        %get3A_1263 = arith.constant 0 : index
        %get3A_1264 = tpu.vector_load %arg8[%get3A_1262, %get3A_1263] {strides = array<i32>} : memref<1600x32xf32, #tpu.memory_space<vmem>>, vector<1x16xf32>,
        %get3A_1265 = vector.shape_cast %get3A_1264 : vector<1x16xf32> to vector<16xf32>
        %add3A_1266 = arith.addf %add3A_1252, %get3A_1265 : vector<16xf32>
        %add3A_1267 = arith.constant 41 : i32
        %add3A_1268 = arith.addi %mul3A_692, %add3A_1267 : i32
        %get3A_1269 = arith.index_cast %add3A_1268 : i32 to index
        %get3A_1270 = arith.constant 16 : index
        %get3A_1271 = tpu.vector_load %arg8[%get3A_1269, %get3A_1270] {strides = array<i32>} : memref<1600x32xf32, #tpu.memory_space<vmem>>, vector<1x16xf32>,
        %get3A_1272 = vector.shape_cast %get3A_1271 : vector<1x16xf32> to vector<16xf32>
        %add3A_1273 = arith.addf %add3A_1259, %get3A_1272 : vector<16xf32>
        %add3A_1274 = arith.constant 42 : i32
        %add3A_1275 = arith.addi %mul3A_692, %add3A_1274 : i32
        %get3A_1276 = arith.index_cast %add3A_1275 : i32 to index
        %get3A_1277 = arith.constant 0 : index
        %get3A_1278 = tpu.vector_load %arg8[%get3A_1276, %get3A_1277] {strides = array<i32>} : memref<1600x32xf32, #tpu.memory_space<vmem>>, vector<1x16xf32>,
        %get3A_1279 = vector.shape_cast %get3A_1278 : vector<1x16xf32> to vector<16xf32>
        %add3A_1280 = arith.addf %add3A_1266, %get3A_1279 : vector<16xf32>
        %add3A_1281 = arith.constant 42 : i32
        %add3A_1282 = arith.addi %mul3A_692, %add3A_1281 : i32
        %get3A_1283 = arith.index_cast %add3A_1282 : i32 to index
        %get3A_1284 = arith.constant 16 : index
        %get3A_1285 = tpu.vector_load %arg8[%get3A_1283, %get3A_1284] {strides = array<i32>} : memref<1600x32xf32, #tpu.memory_space<vmem>>, vector<1x16xf32>,
        %get3A_1286 = vector.shape_cast %get3A_1285 : vector<1x16xf32> to vector<16xf32>
        %add3A_1287 = arith.addf %add3A_1273, %get3A_1286 : vector<16xf32>
        %add3A_1288 = arith.constant 43 : i32
        %add3A_1289 = arith.addi %mul3A_692, %add3A_1288 : i32
        %get3A_1290 = arith.index_cast %add3A_1289 : i32 to index
        %get3A_1291 = arith.constant 0 : index
        %get3A_1292 = tpu.vector_load %arg8[%get3A_1290, %get3A_1291] {strides = array<i32>} : memref<1600x32xf32, #tpu.memory_space<vmem>>, vector<1x16xf32>,
        %get3A_1293 = vector.shape_cast %get3A_1292 : vector<1x16xf32> to vector<16xf32>
        %add3A_1294 = arith.addf %add3A_1280, %get3A_1293 : vector<16xf32>
        %add3A_1295 = arith.constant 43 : i32
        %add3A_1296 = arith.addi %mul3A_692, %add3A_1295 : i32
        %get3A_1297 = arith.index_cast %add3A_1296 : i32 to index
        %get3A_1298 = arith.constant 16 : index
        %get3A_1299 = tpu.vector_load %arg8[%get3A_1297, %get3A_1298] {strides = array<i32>} : memref<1600x32xf32, #tpu.memory_space<vmem>>, vector<1x16xf32>,
        %get3A_1300 = vector.shape_cast %get3A_1299 : vector<1x16xf32> to vector<16xf32>
        %add3A_1301 = arith.addf %add3A_1287, %get3A_1300 : vector<16xf32>
        %add3A_1302 = arith.constant 44 : i32
        %add3A_1303 = arith.addi %mul3A_692, %add3A_1302 : i32
        %get3A_1304 = arith.index_cast %add3A_1303 : i32 to index
        %get3A_1305 = arith.constant 0 : index
        %get3A_1306 = tpu.vector_load %arg8[%get3A_1304, %get3A_1305] {strides = array<i32>} : memref<1600x32xf32, #tpu.memory_space<vmem>>, vector<1x16xf32>,
        %get3A_1307 = vector.shape_cast %get3A_1306 : vector<1x16xf32> to vector<16xf32>
        %add3A_1308 = arith.addf %add3A_1294, %get3A_1307 : vector<16xf32>
        %add3A_1309 = arith.constant 44 : i32
        %add3A_1310 = arith.addi %mul3A_692, %add3A_1309 : i32
        %get3A_1311 = arith.index_cast %add3A_1310 : i32 to index
        %get3A_1312 = arith.constant 16 : index
        %get3A_1313 = tpu.vector_load %arg8[%get3A_1311, %get3A_1312] {strides = array<i32>} : memref<1600x32xf32, #tpu.memory_space<vmem>>, vector<1x16xf32>,
        %get3A_1314 = vector.shape_cast %get3A_1313 : vector<1x16xf32> to vector<16xf32>
        %add3A_1315 = arith.addf %add3A_1301, %get3A_1314 : vector<16xf32>
        %add3A_1316 = arith.constant 45 : i32
        %add3A_1317 = arith.addi %mul3A_692, %add3A_1316 : i32
        %get3A_1318 = arith.index_cast %add3A_1317 : i32 to index
        %get3A_1319 = arith.constant 0 : index
        %get3A_1320 = tpu.vector_load %arg8[%get3A_1318, %get3A_1319] {strides = array<i32>} : memref<1600x32xf32, #tpu.memory_space<vmem>>, vector<1x16xf32>,
        %get3A_1321 = vector.shape_cast %get3A_1320 : vector<1x16xf32> to vector<16xf32>
        %add3A_1322 = arith.addf %add3A_1308, %get3A_1321 : vector<16xf32>
        %add3A_1323 = arith.constant 45 : i32
        %add3A_1324 = arith.addi %mul3A_692, %add3A_1323 : i32
        %get3A_1325 = arith.index_cast %add3A_1324 : i32 to index
        %get3A_1326 = arith.constant 16 : index
        %get3A_1327 = tpu.vector_load %arg8[%get3A_1325, %get3A_1326] {strides = array<i32>} : memref<1600x32xf32, #tpu.memory_space<vmem>>, vector<1x16xf32>,
        %get3A_1328 = vector.shape_cast %get3A_1327 : vector<1x16xf32> to vector<16xf32>
        %add3A_1329 = arith.addf %add3A_1315, %get3A_1328 : vector<16xf32>
        %add3A_1330 = arith.constant 46 : i32
        %add3A_1331 = arith.addi %mul3A_692, %add3A_1330 : i32
        %get3A_1332 = arith.index_cast %add3A_1331 : i32 to index
        %get3A_1333 = arith.constant 0 : index
        %get3A_1334 = tpu.vector_load %arg8[%get3A_1332, %get3A_1333] {strides = array<i32>} : memref<1600x32xf32, #tpu.memory_space<vmem>>, vector<1x16xf32>,
        %get3A_1335 = vector.shape_cast %get3A_1334 : vector<1x16xf32> to vector<16xf32>
        %add3A_1336 = arith.addf %add3A_1322, %get3A_1335 : vector<16xf32>
        %add3A_1337 = arith.constant 46 : i32
        %add3A_1338 = arith.addi %mul3A_692, %add3A_1337 : i32
        %get3A_1339 = arith.index_cast %add3A_1338 : i32 to index
        %get3A_1340 = arith.constant 16 : index
        %get3A_1341 = tpu.vector_load %arg8[%get3A_1339, %get3A_1340] {strides = array<i32>} : memref<1600x32xf32, #tpu.memory_space<vmem>>, vector<1x16xf32>,
        %get3A_1342 = vector.shape_cast %get3A_1341 : vector<1x16xf32> to vector<16xf32>
        %add3A_1343 = arith.addf %add3A_1329, %get3A_1342 : vector<16xf32>
        %add3A_1344 = arith.constant 47 : i32
        %add3A_1345 = arith.addi %mul3A_692, %add3A_1344 : i32
        %get3A_1346 = arith.index_cast %add3A_1345 : i32 to index
        %get3A_1347 = arith.constant 0 : index
        %get3A_1348 = tpu.vector_load %arg8[%get3A_1346, %get3A_1347] {strides = array<i32>} : memref<1600x32xf32, #tpu.memory_space<vmem>>, vector<1x16xf32>,
        %get3A_1349 = vector.shape_cast %get3A_1348 : vector<1x16xf32> to vector<16xf32>
        %add3A_1350 = arith.addf %add3A_1336, %get3A_1349 : vector<16xf32>
        %add3A_1351 = arith.constant 47 : i32
        %add3A_1352 = arith.addi %mul3A_692, %add3A_1351 : i32
        %get3A_1353 = arith.index_cast %add3A_1352 : i32 to index
        %get3A_1354 = arith.constant 16 : index
        %get3A_1355 = tpu.vector_load %arg8[%get3A_1353, %get3A_1354] {strides = array<i32>} : memref<1600x32xf32, #tpu.memory_space<vmem>>, vector<1x16xf32>,
        %get3A_1356 = vector.shape_cast %get3A_1355 : vector<1x16xf32> to vector<16xf32>
        %add3A_1357 = arith.addf %add3A_1343, %get3A_1356 : vector<16xf32>
        %add3A_1358 = arith.constant 48 : i32
        %add3A_1359 = arith.addi %mul3A_692, %add3A_1358 : i32
        %get3A_1360 = arith.index_cast %add3A_1359 : i32 to index
        %get3A_1361 = arith.constant 0 : index
        %get3A_1362 = tpu.vector_load %arg8[%get3A_1360, %get3A_1361] {strides = array<i32>} : memref<1600x32xf32, #tpu.memory_space<vmem>>, vector<1x16xf32>,
        %get3A_1363 = vector.shape_cast %get3A_1362 : vector<1x16xf32> to vector<16xf32>
        %add3A_1364 = arith.addf %add3A_1350, %get3A_1363 : vector<16xf32>
        %add3A_1365 = arith.constant 48 : i32
        %add3A_1366 = arith.addi %mul3A_692, %add3A_1365 : i32
        %get3A_1367 = arith.index_cast %add3A_1366 : i32 to index
        %get3A_1368 = arith.constant 16 : index
        %get3A_1369 = tpu.vector_load %arg8[%get3A_1367, %get3A_1368] {strides = array<i32>} : memref<1600x32xf32, #tpu.memory_space<vmem>>, vector<1x16xf32>,
        %get3A_1370 = vector.shape_cast %get3A_1369 : vector<1x16xf32> to vector<16xf32>
        %add3A_1371 = arith.addf %add3A_1357, %get3A_1370 : vector<16xf32>
        %add3A_1372 = arith.constant 49 : i32
        %add3A_1373 = arith.addi %mul3A_692, %add3A_1372 : i32
        %get3A_1374 = arith.index_cast %add3A_1373 : i32 to index
        %get3A_1375 = arith.constant 0 : index
        %get3A_1376 = tpu.vector_load %arg8[%get3A_1374, %get3A_1375] {strides = array<i32>} : memref<1600x32xf32, #tpu.memory_space<vmem>>, vector<1x16xf32>,
        %get3A_1377 = vector.shape_cast %get3A_1376 : vector<1x16xf32> to vector<16xf32>
        %add3A_1378 = arith.addf %add3A_1364, %get3A_1377 : vector<16xf32>
        %add3A_1379 = arith.constant 49 : i32
        %add3A_1380 = arith.addi %mul3A_692, %add3A_1379 : i32
        %get3A_1381 = arith.index_cast %add3A_1380 : i32 to index
        %get3A_1382 = arith.constant 16 : index
        %get3A_1383 = tpu.vector_load %arg8[%get3A_1381, %get3A_1382] {strides = array<i32>} : memref<1600x32xf32, #tpu.memory_space<vmem>>, vector<1x16xf32>,
        %get3A_1384 = vector.shape_cast %get3A_1383 : vector<1x16xf32> to vector<16xf32>
        %add3A_1385 = arith.addf %add3A_1371, %get3A_1384 : vector<16xf32>
        %mul3A_1386 = arith.constant 32 : i32
        %mul3A_1387 = arith.muli %mul3A_12, %mul3A_1386 : i32
        %add3A_1388 = arith.addi %mul3A_1387, %add3A_690 : i32
        %get3A_1389 = arith.index_cast %add3A_1388 : i32 to index
        %get3A_1390 = tpu.vector_load %arg11[%get3A_1389] {strides = array<i32>} : memref<528xi32, #tpu.memory_space<vmem>>, vector<16xi32>,
        %get3A_1391 = vector.shape_cast %get3A_1390 : vector<16xi32> to vector<16xi32>
        %slice3A = vector.extract_strided_slice %get3A_1391 {offsets = [0], sizes = [1], strides = [1]} : vector<16xi32> to vector<1xi32>
        %squeeze3A = vector.extract %slice3A[0] : i32 from vector<1xi32>
        %max3A = arith.constant 1 : i32
        %max3A_1392 = arith.maxsi %squeeze3A, %max3A : i32
        %convert_element_type3A = arith.sitofp %max3A_1392 : i32 to f32
        %div3A = vector.broadcast %convert_element_type3A : f32 to vector<16xf32>
        %div3A_1393 = arith.divf %add3A_1378, %div3A : vector<16xf32>
        %swap3A = arith.index_cast %add3A_690 : i32 to index
        %swap3A_1394 = arith.constant 0 : index
        %swap3A_1395 = tpu.vector_load %arg10[%swap3A, %swap3A_1394] {strides = array<i32>} : memref<32x32xf32, #tpu.memory_space<vmem>>, vector<1x16xf32>,
        %swap3A_1396 = vector.shape_cast %swap3A_1395 : vector<1x16xf32> to vector<16xf32>
        %swap3A_1397 = vector.shape_cast %div3A_1393 : vector<16xf32> to vector<1x16xf32>
        tpu.vector_store %arg10[%swap3A, %swap3A_1394], %swap3A_1397 {strides = array<i32>} : memref<32x32xf32, #tpu.memory_space<vmem>>, vector<1x16xf32>,
        %div3A_1398 = vector.broadcast %convert_element_type3A : f32 to vector<16xf32>
        %div3A_1399 = arith.divf %add3A_1385, %div3A_1398 : vector<16xf32>
        %swap3A_1400 = arith.index_cast %add3A_690 : i32 to index
        %swap3A_1401 = arith.constant 16 : index
        %swap3A_1402 = tpu.vector_load %arg10[%swap3A_1400, %swap3A_1401] {strides = array<i32>} : memref<32x32xf32, #tpu.memory_space<vmem>>, vector<1x16xf32>,
        %swap3A_1403 = vector.shape_cast %swap3A_1402 : vector<1x16xf32> to vector<16xf32>
        %swap3A_1404 = vector.shape_cast %div3A_1399 : vector<16xf32> to vector<1x16xf32>
        tpu.vector_store %arg10[%swap3A_1400, %swap3A_1401], %swap3A_1404 {strides = array<i32>} : memref<32x32xf32, #tpu.memory_space<vmem>>, vector<1x16xf32>,
        %mul3A_1405 = arith.constant 2 : i32
        %mul3A_1406 = arith.muli %scan3A_686, %mul3A_1405 : i32
        %add3A_1407 = arith.constant 1 : i32
        %add3A_1408 = arith.addi %mul3A_1406, %add3A_1407 : i32
        %mul3A_1409 = arith.constant 50 : i32
        %mul3A_1410 = arith.muli %add3A_1408, %mul3A_1409 : i32
        %get3A_1411 = arith.index_cast %mul3A_1410 : i32 to index
        %get3A_1412 = arith.constant 0 : index
        %get3A_1413 = tpu.vector_load %arg8[%get3A_1411, %get3A_1412] {strides = array<i32>} : memref<1600x32xf32, #tpu.memory_space<vmem>>, vector<1x16xf32>,
        %get3A_1414 = vector.shape_cast %get3A_1413 : vector<1x16xf32> to vector<16xf32>
        %get3A_1415 = arith.index_cast %mul3A_1410 : i32 to index
        %get3A_1416 = arith.constant 16 : index
        %get3A_1417 = tpu.vector_load %arg8[%get3A_1415, %get3A_1416] {strides = array<i32>} : memref<1600x32xf32, #tpu.memory_space<vmem>>, vector<1x16xf32>,
        %get3A_1418 = vector.shape_cast %get3A_1417 : vector<1x16xf32> to vector<16xf32>
        %add3A_1419 = arith.constant 1 : i32
        %add3A_1420 = arith.addi %mul3A_1410, %add3A_1419 : i32
        %get3A_1421 = arith.index_cast %add3A_1420 : i32 to index
        %get3A_1422 = arith.constant 0 : index
        %get3A_1423 = tpu.vector_load %arg8[%get3A_1421, %get3A_1422] {strides = array<i32>} : memref<1600x32xf32, #tpu.memory_space<vmem>>, vector<1x16xf32>,
        %get3A_1424 = vector.shape_cast %get3A_1423 : vector<1x16xf32> to vector<16xf32>
        %add3A_1425 = arith.addf %get3A_1414, %get3A_1424 : vector<16xf32>
        %add3A_1426 = arith.constant 1 : i32
        %add3A_1427 = arith.addi %mul3A_1410, %add3A_1426 : i32
        %get3A_1428 = arith.index_cast %add3A_1427 : i32 to index
        %get3A_1429 = arith.constant 16 : index
        %get3A_1430 = tpu.vector_load %arg8[%get3A_1428, %get3A_1429] {strides = array<i32>} : memref<1600x32xf32, #tpu.memory_space<vmem>>, vector<1x16xf32>,
        %get3A_1431 = vector.shape_cast %get3A_1430 : vector<1x16xf32> to vector<16xf32>
        %add3A_1432 = arith.addf %get3A_1418, %get3A_1431 : vector<16xf32>
        %add3A_1433 = arith.constant 2 : i32
        %add3A_1434 = arith.addi %mul3A_1410, %add3A_1433 : i32
        %get3A_1435 = arith.index_cast %add3A_1434 : i32 to index
        %get3A_1436 = arith.constant 0 : index
        %get3A_1437 = tpu.vector_load %arg8[%get3A_1435, %get3A_1436] {strides = array<i32>} : memref<1600x32xf32, #tpu.memory_space<vmem>>, vector<1x16xf32>,
        %get3A_1438 = vector.shape_cast %get3A_1437 : vector<1x16xf32> to vector<16xf32>
        %add3A_1439 = arith.addf %add3A_1425, %get3A_1438 : vector<16xf32>
        %add3A_1440 = arith.constant 2 : i32
        %add3A_1441 = arith.addi %mul3A_1410, %add3A_1440 : i32
        %get3A_1442 = arith.index_cast %add3A_1441 : i32 to index
        %get3A_1443 = arith.constant 16 : index
        %get3A_1444 = tpu.vector_load %arg8[%get3A_1442, %get3A_1443] {strides = array<i32>} : memref<1600x32xf32, #tpu.memory_space<vmem>>, vector<1x16xf32>,
        %get3A_1445 = vector.shape_cast %get3A_1444 : vector<1x16xf32> to vector<16xf32>
        %add3A_1446 = arith.addf %add3A_1432, %get3A_1445 : vector<16xf32>
        %add3A_1447 = arith.constant 3 : i32
        %add3A_1448 = arith.addi %mul3A_1410, %add3A_1447 : i32
        %get3A_1449 = arith.index_cast %add3A_1448 : i32 to index
        %get3A_1450 = arith.constant 0 : index
        %get3A_1451 = tpu.vector_load %arg8[%get3A_1449, %get3A_1450] {strides = array<i32>} : memref<1600x32xf32, #tpu.memory_space<vmem>>, vector<1x16xf32>,
        %get3A_1452 = vector.shape_cast %get3A_1451 : vector<1x16xf32> to vector<16xf32>
        %add3A_1453 = arith.addf %add3A_1439, %get3A_1452 : vector<16xf32>
        %add3A_1454 = arith.constant 3 : i32
        %add3A_1455 = arith.addi %mul3A_1410, %add3A_1454 : i32
        %get3A_1456 = arith.index_cast %add3A_1455 : i32 to index
        %get3A_1457 = arith.constant 16 : index
        %get3A_1458 = tpu.vector_load %arg8[%get3A_1456, %get3A_1457] {strides = array<i32>} : memref<1600x32xf32, #tpu.memory_space<vmem>>, vector<1x16xf32>,
        %get3A_1459 = vector.shape_cast %get3A_1458 : vector<1x16xf32> to vector<16xf32>
        %add3A_1460 = arith.addf %add3A_1446, %get3A_1459 : vector<16xf32>
        %add3A_1461 = arith.constant 4 : i32
        %add3A_1462 = arith.addi %mul3A_1410, %add3A_1461 : i32
        %get3A_1463 = arith.index_cast %add3A_1462 : i32 to index
        %get3A_1464 = arith.constant 0 : index
        %get3A_1465 = tpu.vector_load %arg8[%get3A_1463, %get3A_1464] {strides = array<i32>} : memref<1600x32xf32, #tpu.memory_space<vmem>>, vector<1x16xf32>,
        %get3A_1466 = vector.shape_cast %get3A_1465 : vector<1x16xf32> to vector<16xf32>
        %add3A_1467 = arith.addf %add3A_1453, %get3A_1466 : vector<16xf32>
        %add3A_1468 = arith.constant 4 : i32
        %add3A_1469 = arith.addi %mul3A_1410, %add3A_1468 : i32
        %get3A_1470 = arith.index_cast %add3A_1469 : i32 to index
        %get3A_1471 = arith.constant 16 : index
        %get3A_1472 = tpu.vector_load %arg8[%get3A_1470, %get3A_1471] {strides = array<i32>} : memref<1600x32xf32, #tpu.memory_space<vmem>>, vector<1x16xf32>,
        %get3A_1473 = vector.shape_cast %get3A_1472 : vector<1x16xf32> to vector<16xf32>
        %add3A_1474 = arith.addf %add3A_1460, %get3A_1473 : vector<16xf32>
        %add3A_1475 = arith.constant 5 : i32
        %add3A_1476 = arith.addi %mul3A_1410, %add3A_1475 : i32
        %get3A_1477 = arith.index_cast %add3A_1476 : i32 to index
        %get3A_1478 = arith.constant 0 : index
        %get3A_1479 = tpu.vector_load %arg8[%get3A_1477, %get3A_1478] {strides = array<i32>} : memref<1600x32xf32, #tpu.memory_space<vmem>>, vector<1x16xf32>,
        %get3A_1480 = vector.shape_cast %get3A_1479 : vector<1x16xf32> to vector<16xf32>
        %add3A_1481 = arith.addf %add3A_1467, %get3A_1480 : vector<16xf32>
        %add3A_1482 = arith.constant 5 : i32
        %add3A_1483 = arith.addi %mul3A_1410, %add3A_1482 : i32
        %get3A_1484 = arith.index_cast %add3A_1483 : i32 to index
        %get3A_1485 = arith.constant 16 : index
        %get3A_1486 = tpu.vector_load %arg8[%get3A_1484, %get3A_1485] {strides = array<i32>} : memref<1600x32xf32, #tpu.memory_space<vmem>>, vector<1x16xf32>,
        %get3A_1487 = vector.shape_cast %get3A_1486 : vector<1x16xf32> to vector<16xf32>
        %add3A_1488 = arith.addf %add3A_1474, %get3A_1487 : vector<16xf32>
        %add3A_1489 = arith.constant 6 : i32
        %add3A_1490 = arith.addi %mul3A_1410, %add3A_1489 : i32
        %get3A_1491 = arith.index_cast %add3A_1490 : i32 to index
        %get3A_1492 = arith.constant 0 : index
        %get3A_1493 = tpu.vector_load %arg8[%get3A_1491, %get3A_1492] {strides = array<i32>} : memref<1600x32xf32, #tpu.memory_space<vmem>>, vector<1x16xf32>,
        %get3A_1494 = vector.shape_cast %get3A_1493 : vector<1x16xf32> to vector<16xf32>
        %add3A_1495 = arith.addf %add3A_1481, %get3A_1494 : vector<16xf32>
        %add3A_1496 = arith.constant 6 : i32
        %add3A_1497 = arith.addi %mul3A_1410, %add3A_1496 : i32
        %get3A_1498 = arith.index_cast %add3A_1497 : i32 to index
        %get3A_1499 = arith.constant 16 : index
        %get3A_1500 = tpu.vector_load %arg8[%get3A_1498, %get3A_1499] {strides = array<i32>} : memref<1600x32xf32, #tpu.memory_space<vmem>>, vector<1x16xf32>,
        %get3A_1501 = vector.shape_cast %get3A_1500 : vector<1x16xf32> to vector<16xf32>
        %add3A_1502 = arith.addf %add3A_1488, %get3A_1501 : vector<16xf32>
        %add3A_1503 = arith.constant 7 : i32
        %add3A_1504 = arith.addi %mul3A_1410, %add3A_1503 : i32
        %get3A_1505 = arith.index_cast %add3A_1504 : i32 to index
        %get3A_1506 = arith.constant 0 : index
        %get3A_1507 = tpu.vector_load %arg8[%get3A_1505, %get3A_1506] {strides = array<i32>} : memref<1600x32xf32, #tpu.memory_space<vmem>>, vector<1x16xf32>,
        %get3A_1508 = vector.shape_cast %get3A_1507 : vector<1x16xf32> to vector<16xf32>
        %add3A_1509 = arith.addf %add3A_1495, %get3A_1508 : vector<16xf32>
        %add3A_1510 = arith.constant 7 : i32
        %add3A_1511 = arith.addi %mul3A_1410, %add3A_1510 : i32
        %get3A_1512 = arith.index_cast %add3A_1511 : i32 to index
        %get3A_1513 = arith.constant 16 : index
        %get3A_1514 = tpu.vector_load %arg8[%get3A_1512, %get3A_1513] {strides = array<i32>} : memref<1600x32xf32, #tpu.memory_space<vmem>>, vector<1x16xf32>,
        %get3A_1515 = vector.shape_cast %get3A_1514 : vector<1x16xf32> to vector<16xf32>
        %add3A_1516 = arith.addf %add3A_1502, %get3A_1515 : vector<16xf32>
        %add3A_1517 = arith.constant 8 : i32
        %add3A_1518 = arith.addi %mul3A_1410, %add3A_1517 : i32
        %get3A_1519 = arith.index_cast %add3A_1518 : i32 to index
        %get3A_1520 = arith.constant 0 : index
        %get3A_1521 = tpu.vector_load %arg8[%get3A_1519, %get3A_1520] {strides = array<i32>} : memref<1600x32xf32, #tpu.memory_space<vmem>>, vector<1x16xf32>,
        %get3A_1522 = vector.shape_cast %get3A_1521 : vector<1x16xf32> to vector<16xf32>
        %add3A_1523 = arith.addf %add3A_1509, %get3A_1522 : vector<16xf32>
        %add3A_1524 = arith.constant 8 : i32
        %add3A_1525 = arith.addi %mul3A_1410, %add3A_1524 : i32
        %get3A_1526 = arith.index_cast %add3A_1525 : i32 to index
        %get3A_1527 = arith.constant 16 : index
        %get3A_1528 = tpu.vector_load %arg8[%get3A_1526, %get3A_1527] {strides = array<i32>} : memref<1600x32xf32, #tpu.memory_space<vmem>>, vector<1x16xf32>,
        %get3A_1529 = vector.shape_cast %get3A_1528 : vector<1x16xf32> to vector<16xf32>
        %add3A_1530 = arith.addf %add3A_1516, %get3A_1529 : vector<16xf32>
        %add3A_1531 = arith.constant 9 : i32
        %add3A_1532 = arith.addi %mul3A_1410, %add3A_1531 : i32
        %get3A_1533 = arith.index_cast %add3A_1532 : i32 to index
        %get3A_1534 = arith.constant 0 : index
        %get3A_1535 = tpu.vector_load %arg8[%get3A_1533, %get3A_1534] {strides = array<i32>} : memref<1600x32xf32, #tpu.memory_space<vmem>>, vector<1x16xf32>,
        %get3A_1536 = vector.shape_cast %get3A_1535 : vector<1x16xf32> to vector<16xf32>
        %add3A_1537 = arith.addf %add3A_1523, %get3A_1536 : vector<16xf32>
        %add3A_1538 = arith.constant 9 : i32
        %add3A_1539 = arith.addi %mul3A_1410, %add3A_1538 : i32
        %get3A_1540 = arith.index_cast %add3A_1539 : i32 to index
        %get3A_1541 = arith.constant 16 : index
        %get3A_1542 = tpu.vector_load %arg8[%get3A_1540, %get3A_1541] {strides = array<i32>} : memref<1600x32xf32, #tpu.memory_space<vmem>>, vector<1x16xf32>,
        %get3A_1543 = vector.shape_cast %get3A_1542 : vector<1x16xf32> to vector<16xf32>
        %add3A_1544 = arith.addf %add3A_1530, %get3A_1543 : vector<16xf32>
        %add3A_1545 = arith.constant 10 : i32
        %add3A_1546 = arith.addi %mul3A_1410, %add3A_1545 : i32
        %get3A_1547 = arith.index_cast %add3A_1546 : i32 to index
        %get3A_1548 = arith.constant 0 : index
        %get3A_1549 = tpu.vector_load %arg8[%get3A_1547, %get3A_1548] {strides = array<i32>} : memref<1600x32xf32, #tpu.memory_space<vmem>>, vector<1x16xf32>,
        %get3A_1550 = vector.shape_cast %get3A_1549 : vector<1x16xf32> to vector<16xf32>
        %add3A_1551 = arith.addf %add3A_1537, %get3A_1550 : vector<16xf32>
        %add3A_1552 = arith.constant 10 : i32
        %add3A_1553 = arith.addi %mul3A_1410, %add3A_1552 : i32
        %get3A_1554 = arith.index_cast %add3A_1553 : i32 to index
        %get3A_1555 = arith.constant 16 : index
        %get3A_1556 = tpu.vector_load %arg8[%get3A_1554, %get3A_1555] {strides = array<i32>} : memref<1600x32xf32, #tpu.memory_space<vmem>>, vector<1x16xf32>,
        %get3A_1557 = vector.shape_cast %get3A_1556 : vector<1x16xf32> to vector<16xf32>
        %add3A_1558 = arith.addf %add3A_1544, %get3A_1557 : vector<16xf32>
        %add3A_1559 = arith.constant 11 : i32
        %add3A_1560 = arith.addi %mul3A_1410, %add3A_1559 : i32
        %get3A_1561 = arith.index_cast %add3A_1560 : i32 to index
        %get3A_1562 = arith.constant 0 : index
        %get3A_1563 = tpu.vector_load %arg8[%get3A_1561, %get3A_1562] {strides = array<i32>} : memref<1600x32xf32, #tpu.memory_space<vmem>>, vector<1x16xf32>,
        %get3A_1564 = vector.shape_cast %get3A_1563 : vector<1x16xf32> to vector<16xf32>
        %add3A_1565 = arith.addf %add3A_1551, %get3A_1564 : vector<16xf32>
        %add3A_1566 = arith.constant 11 : i32
        %add3A_1567 = arith.addi %mul3A_1410, %add3A_1566 : i32
        %get3A_1568 = arith.index_cast %add3A_1567 : i32 to index
        %get3A_1569 = arith.constant 16 : index
        %get3A_1570 = tpu.vector_load %arg8[%get3A_1568, %get3A_1569] {strides = array<i32>} : memref<1600x32xf32, #tpu.memory_space<vmem>>, vector<1x16xf32>,
        %get3A_1571 = vector.shape_cast %get3A_1570 : vector<1x16xf32> to vector<16xf32>
        %add3A_1572 = arith.addf %add3A_1558, %get3A_1571 : vector<16xf32>
        %add3A_1573 = arith.constant 12 : i32
        %add3A_1574 = arith.addi %mul3A_1410, %add3A_1573 : i32
        %get3A_1575 = arith.index_cast %add3A_1574 : i32 to index
        %get3A_1576 = arith.constant 0 : index
        %get3A_1577 = tpu.vector_load %arg8[%get3A_1575, %get3A_1576] {strides = array<i32>} : memref<1600x32xf32, #tpu.memory_space<vmem>>, vector<1x16xf32>,
        %get3A_1578 = vector.shape_cast %get3A_1577 : vector<1x16xf32> to vector<16xf32>
        %add3A_1579 = arith.addf %add3A_1565, %get3A_1578 : vector<16xf32>
        %add3A_1580 = arith.constant 12 : i32
        %add3A_1581 = arith.addi %mul3A_1410, %add3A_1580 : i32
        %get3A_1582 = arith.index_cast %add3A_1581 : i32 to index
        %get3A_1583 = arith.constant 16 : index
        %get3A_1584 = tpu.vector_load %arg8[%get3A_1582, %get3A_1583] {strides = array<i32>} : memref<1600x32xf32, #tpu.memory_space<vmem>>, vector<1x16xf32>,
        %get3A_1585 = vector.shape_cast %get3A_1584 : vector<1x16xf32> to vector<16xf32>
        %add3A_1586 = arith.addf %add3A_1572, %get3A_1585 : vector<16xf32>
        %add3A_1587 = arith.constant 13 : i32
        %add3A_1588 = arith.addi %mul3A_1410, %add3A_1587 : i32
        %get3A_1589 = arith.index_cast %add3A_1588 : i32 to index
        %get3A_1590 = arith.constant 0 : index
        %get3A_1591 = tpu.vector_load %arg8[%get3A_1589, %get3A_1590] {strides = array<i32>} : memref<1600x32xf32, #tpu.memory_space<vmem>>, vector<1x16xf32>,
        %get3A_1592 = vector.shape_cast %get3A_1591 : vector<1x16xf32> to vector<16xf32>
        %add3A_1593 = arith.addf %add3A_1579, %get3A_1592 : vector<16xf32>
        %add3A_1594 = arith.constant 13 : i32
        %add3A_1595 = arith.addi %mul3A_1410, %add3A_1594 : i32
        %get3A_1596 = arith.index_cast %add3A_1595 : i32 to index
        %get3A_1597 = arith.constant 16 : index
        %get3A_1598 = tpu.vector_load %arg8[%get3A_1596, %get3A_1597] {strides = array<i32>} : memref<1600x32xf32, #tpu.memory_space<vmem>>, vector<1x16xf32>,
        %get3A_1599 = vector.shape_cast %get3A_1598 : vector<1x16xf32> to vector<16xf32>
        %add3A_1600 = arith.addf %add3A_1586, %get3A_1599 : vector<16xf32>
        %add3A_1601 = arith.constant 14 : i32
        %add3A_1602 = arith.addi %mul3A_1410, %add3A_1601 : i32
        %get3A_1603 = arith.index_cast %add3A_1602 : i32 to index
        %get3A_1604 = arith.constant 0 : index
        %get3A_1605 = tpu.vector_load %arg8[%get3A_1603, %get3A_1604] {strides = array<i32>} : memref<1600x32xf32, #tpu.memory_space<vmem>>, vector<1x16xf32>,
        %get3A_1606 = vector.shape_cast %get3A_1605 : vector<1x16xf32> to vector<16xf32>
        %add3A_1607 = arith.addf %add3A_1593, %get3A_1606 : vector<16xf32>
        %add3A_1608 = arith.constant 14 : i32
        %add3A_1609 = arith.addi %mul3A_1410, %add3A_1608 : i32
        %get3A_1610 = arith.index_cast %add3A_1609 : i32 to index
        %get3A_1611 = arith.constant 16 : index
        %get3A_1612 = tpu.vector_load %arg8[%get3A_1610, %get3A_1611] {strides = array<i32>} : memref<1600x32xf32, #tpu.memory_space<vmem>>, vector<1x16xf32>,
        %get3A_1613 = vector.shape_cast %get3A_1612 : vector<1x16xf32> to vector<16xf32>
        %add3A_1614 = arith.addf %add3A_1600, %get3A_1613 : vector<16xf32>
        %add3A_1615 = arith.constant 15 : i32
        %add3A_1616 = arith.addi %mul3A_1410, %add3A_1615 : i32
        %get3A_1617 = arith.index_cast %add3A_1616 : i32 to index
        %get3A_1618 = arith.constant 0 : index
        %get3A_1619 = tpu.vector_load %arg8[%get3A_1617, %get3A_1618] {strides = array<i32>} : memref<1600x32xf32, #tpu.memory_space<vmem>>, vector<1x16xf32>,
        %get3A_1620 = vector.shape_cast %get3A_1619 : vector<1x16xf32> to vector<16xf32>
        %add3A_1621 = arith.addf %add3A_1607, %get3A_1620 : vector<16xf32>
        %add3A_1622 = arith.constant 15 : i32
        %add3A_1623 = arith.addi %mul3A_1410, %add3A_1622 : i32
        %get3A_1624 = arith.index_cast %add3A_1623 : i32 to index
        %get3A_1625 = arith.constant 16 : index
        %get3A_1626 = tpu.vector_load %arg8[%get3A_1624, %get3A_1625] {strides = array<i32>} : memref<1600x32xf32, #tpu.memory_space<vmem>>, vector<1x16xf32>,
        %get3A_1627 = vector.shape_cast %get3A_1626 : vector<1x16xf32> to vector<16xf32>
        %add3A_1628 = arith.addf %add3A_1614, %get3A_1627 : vector<16xf32>
        %add3A_1629 = arith.constant 16 : i32
        %add3A_1630 = arith.addi %mul3A_1410, %add3A_1629 : i32
        %get3A_1631 = arith.index_cast %add3A_1630 : i32 to index
        %get3A_1632 = arith.constant 0 : index
        %get3A_1633 = tpu.vector_load %arg8[%get3A_1631, %get3A_1632] {strides = array<i32>} : memref<1600x32xf32, #tpu.memory_space<vmem>>, vector<1x16xf32>,
        %get3A_1634 = vector.shape_cast %get3A_1633 : vector<1x16xf32> to vector<16xf32>
        %add3A_1635 = arith.addf %add3A_1621, %get3A_1634 : vector<16xf32>
        %add3A_1636 = arith.constant 16 : i32
        %add3A_1637 = arith.addi %mul3A_1410, %add3A_1636 : i32
        %get3A_1638 = arith.index_cast %add3A_1637 : i32 to index
        %get3A_1639 = arith.constant 16 : index
        %get3A_1640 = tpu.vector_load %arg8[%get3A_1638, %get3A_1639] {strides = array<i32>} : memref<1600x32xf32, #tpu.memory_space<vmem>>, vector<1x16xf32>,
        %get3A_1641 = vector.shape_cast %get3A_1640 : vector<1x16xf32> to vector<16xf32>
        %add3A_1642 = arith.addf %add3A_1628, %get3A_1641 : vector<16xf32>
        %add3A_1643 = arith.constant 17 : i32
        %add3A_1644 = arith.addi %mul3A_1410, %add3A_1643 : i32
        %get3A_1645 = arith.index_cast %add3A_1644 : i32 to index
        %get3A_1646 = arith.constant 0 : index
        %get3A_1647 = tpu.vector_load %arg8[%get3A_1645, %get3A_1646] {strides = array<i32>} : memref<1600x32xf32, #tpu.memory_space<vmem>>, vector<1x16xf32>,
        %get3A_1648 = vector.shape_cast %get3A_1647 : vector<1x16xf32> to vector<16xf32>
        %add3A_1649 = arith.addf %add3A_1635, %get3A_1648 : vector<16xf32>
        %add3A_1650 = arith.constant 17 : i32
        %add3A_1651 = arith.addi %mul3A_1410, %add3A_1650 : i32
        %get3A_1652 = arith.index_cast %add3A_1651 : i32 to index
        %get3A_1653 = arith.constant 16 : index
        %get3A_1654 = tpu.vector_load %arg8[%get3A_1652, %get3A_1653] {strides = array<i32>} : memref<1600x32xf32, #tpu.memory_space<vmem>>, vector<1x16xf32>,
        %get3A_1655 = vector.shape_cast %get3A_1654 : vector<1x16xf32> to vector<16xf32>
        %add3A_1656 = arith.addf %add3A_1642, %get3A_1655 : vector<16xf32>
        %add3A_1657 = arith.constant 18 : i32
        %add3A_1658 = arith.addi %mul3A_1410, %add3A_1657 : i32
        %get3A_1659 = arith.index_cast %add3A_1658 : i32 to index
        %get3A_1660 = arith.constant 0 : index
        %get3A_1661 = tpu.vector_load %arg8[%get3A_1659, %get3A_1660] {strides = array<i32>} : memref<1600x32xf32, #tpu.memory_space<vmem>>, vector<1x16xf32>,
        %get3A_1662 = vector.shape_cast %get3A_1661 : vector<1x16xf32> to vector<16xf32>
        %add3A_1663 = arith.addf %add3A_1649, %get3A_1662 : vector<16xf32>
        %add3A_1664 = arith.constant 18 : i32
        %add3A_1665 = arith.addi %mul3A_1410, %add3A_1664 : i32
        %get3A_1666 = arith.index_cast %add3A_1665 : i32 to index
        %get3A_1667 = arith.constant 16 : index
        %get3A_1668 = tpu.vector_load %arg8[%get3A_1666, %get3A_1667] {strides = array<i32>} : memref<1600x32xf32, #tpu.memory_space<vmem>>, vector<1x16xf32>,
        %get3A_1669 = vector.shape_cast %get3A_1668 : vector<1x16xf32> to vector<16xf32>
        %add3A_1670 = arith.addf %add3A_1656, %get3A_1669 : vector<16xf32>
        %add3A_1671 = arith.constant 19 : i32
        %add3A_1672 = arith.addi %mul3A_1410, %add3A_1671 : i32
        %get3A_1673 = arith.index_cast %add3A_1672 : i32 to index
        %get3A_1674 = arith.constant 0 : index
        %get3A_1675 = tpu.vector_load %arg8[%get3A_1673, %get3A_1674] {strides = array<i32>} : memref<1600x32xf32, #tpu.memory_space<vmem>>, vector<1x16xf32>,
        %get3A_1676 = vector.shape_cast %get3A_1675 : vector<1x16xf32> to vector<16xf32>
        %add3A_1677 = arith.addf %add3A_1663, %get3A_1676 : vector<16xf32>
        %add3A_1678 = arith.constant 19 : i32
        %add3A_1679 = arith.addi %mul3A_1410, %add3A_1678 : i32
        %get3A_1680 = arith.index_cast %add3A_1679 : i32 to index
        %get3A_1681 = arith.constant 16 : index
        %get3A_1682 = tpu.vector_load %arg8[%get3A_1680, %get3A_1681] {strides = array<i32>} : memref<1600x32xf32, #tpu.memory_space<vmem>>, vector<1x16xf32>,
        %get3A_1683 = vector.shape_cast %get3A_1682 : vector<1x16xf32> to vector<16xf32>
        %add3A_1684 = arith.addf %add3A_1670, %get3A_1683 : vector<16xf32>
        %add3A_1685 = arith.constant 20 : i32
        %add3A_1686 = arith.addi %mul3A_1410, %add3A_1685 : i32
        %get3A_1687 = arith.index_cast %add3A_1686 : i32 to index
        %get3A_1688 = arith.constant 0 : index
        %get3A_1689 = tpu.vector_load %arg8[%get3A_1687, %get3A_1688] {strides = array<i32>} : memref<1600x32xf32, #tpu.memory_space<vmem>>, vector<1x16xf32>,
        %get3A_1690 = vector.shape_cast %get3A_1689 : vector<1x16xf32> to vector<16xf32>
        %add3A_1691 = arith.addf %add3A_1677, %get3A_1690 : vector<16xf32>
        %add3A_1692 = arith.constant 20 : i32
        %add3A_1693 = arith.addi %mul3A_1410, %add3A_1692 : i32
        %get3A_1694 = arith.index_cast %add3A_1693 : i32 to index
        %get3A_1695 = arith.constant 16 : index
        %get3A_1696 = tpu.vector_load %arg8[%get3A_1694, %get3A_1695] {strides = array<i32>} : memref<1600x32xf32, #tpu.memory_space<vmem>>, vector<1x16xf32>,
        %get3A_1697 = vector.shape_cast %get3A_1696 : vector<1x16xf32> to vector<16xf32>
        %add3A_1698 = arith.addf %add3A_1684, %get3A_1697 : vector<16xf32>
        %add3A_1699 = arith.constant 21 : i32
        %add3A_1700 = arith.addi %mul3A_1410, %add3A_1699 : i32
        %get3A_1701 = arith.index_cast %add3A_1700 : i32 to index
        %get3A_1702 = arith.constant 0 : index
        %get3A_1703 = tpu.vector_load %arg8[%get3A_1701, %get3A_1702] {strides = array<i32>} : memref<1600x32xf32, #tpu.memory_space<vmem>>, vector<1x16xf32>,
        %get3A_1704 = vector.shape_cast %get3A_1703 : vector<1x16xf32> to vector<16xf32>
        %add3A_1705 = arith.addf %add3A_1691, %get3A_1704 : vector<16xf32>
        %add3A_1706 = arith.constant 21 : i32
        %add3A_1707 = arith.addi %mul3A_1410, %add3A_1706 : i32
        %get3A_1708 = arith.index_cast %add3A_1707 : i32 to index
        %get3A_1709 = arith.constant 16 : index
        %get3A_1710 = tpu.vector_load %arg8[%get3A_1708, %get3A_1709] {strides = array<i32>} : memref<1600x32xf32, #tpu.memory_space<vmem>>, vector<1x16xf32>,
        %get3A_1711 = vector.shape_cast %get3A_1710 : vector<1x16xf32> to vector<16xf32>
        %add3A_1712 = arith.addf %add3A_1698, %get3A_1711 : vector<16xf32>
        %add3A_1713 = arith.constant 22 : i32
        %add3A_1714 = arith.addi %mul3A_1410, %add3A_1713 : i32
        %get3A_1715 = arith.index_cast %add3A_1714 : i32 to index
        %get3A_1716 = arith.constant 0 : index
        %get3A_1717 = tpu.vector_load %arg8[%get3A_1715, %get3A_1716] {strides = array<i32>} : memref<1600x32xf32, #tpu.memory_space<vmem>>, vector<1x16xf32>,
        %get3A_1718 = vector.shape_cast %get3A_1717 : vector<1x16xf32> to vector<16xf32>
        %add3A_1719 = arith.addf %add3A_1705, %get3A_1718 : vector<16xf32>
        %add3A_1720 = arith.constant 22 : i32
        %add3A_1721 = arith.addi %mul3A_1410, %add3A_1720 : i32
        %get3A_1722 = arith.index_cast %add3A_1721 : i32 to index
        %get3A_1723 = arith.constant 16 : index
        %get3A_1724 = tpu.vector_load %arg8[%get3A_1722, %get3A_1723] {strides = array<i32>} : memref<1600x32xf32, #tpu.memory_space<vmem>>, vector<1x16xf32>,
        %get3A_1725 = vector.shape_cast %get3A_1724 : vector<1x16xf32> to vector<16xf32>
        %add3A_1726 = arith.addf %add3A_1712, %get3A_1725 : vector<16xf32>
        %add3A_1727 = arith.constant 23 : i32
        %add3A_1728 = arith.addi %mul3A_1410, %add3A_1727 : i32
        %get3A_1729 = arith.index_cast %add3A_1728 : i32 to index
        %get3A_1730 = arith.constant 0 : index
        %get3A_1731 = tpu.vector_load %arg8[%get3A_1729, %get3A_1730] {strides = array<i32>} : memref<1600x32xf32, #tpu.memory_space<vmem>>, vector<1x16xf32>,
        %get3A_1732 = vector.shape_cast %get3A_1731 : vector<1x16xf32> to vector<16xf32>
        %add3A_1733 = arith.addf %add3A_1719, %get3A_1732 : vector<16xf32>
        %add3A_1734 = arith.constant 23 : i32
        %add3A_1735 = arith.addi %mul3A_1410, %add3A_1734 : i32
        %get3A_1736 = arith.index_cast %add3A_1735 : i32 to index
        %get3A_1737 = arith.constant 16 : index
        %get3A_1738 = tpu.vector_load %arg8[%get3A_1736, %get3A_1737] {strides = array<i32>} : memref<1600x32xf32, #tpu.memory_space<vmem>>, vector<1x16xf32>,
        %get3A_1739 = vector.shape_cast %get3A_1738 : vector<1x16xf32> to vector<16xf32>
        %add3A_1740 = arith.addf %add3A_1726, %get3A_1739 : vector<16xf32>
        %add3A_1741 = arith.constant 24 : i32
        %add3A_1742 = arith.addi %mul3A_1410, %add3A_1741 : i32
        %get3A_1743 = arith.index_cast %add3A_1742 : i32 to index
        %get3A_1744 = arith.constant 0 : index
        %get3A_1745 = tpu.vector_load %arg8[%get3A_1743, %get3A_1744] {strides = array<i32>} : memref<1600x32xf32, #tpu.memory_space<vmem>>, vector<1x16xf32>,
        %get3A_1746 = vector.shape_cast %get3A_1745 : vector<1x16xf32> to vector<16xf32>
        %add3A_1747 = arith.addf %add3A_1733, %get3A_1746 : vector<16xf32>
        %add3A_1748 = arith.constant 24 : i32
        %add3A_1749 = arith.addi %mul3A_1410, %add3A_1748 : i32
        %get3A_1750 = arith.index_cast %add3A_1749 : i32 to index
        %get3A_1751 = arith.constant 16 : index
        %get3A_1752 = tpu.vector_load %arg8[%get3A_1750, %get3A_1751] {strides = array<i32>} : memref<1600x32xf32, #tpu.memory_space<vmem>>, vector<1x16xf32>,
        %get3A_1753 = vector.shape_cast %get3A_1752 : vector<1x16xf32> to vector<16xf32>
        %add3A_1754 = arith.addf %add3A_1740, %get3A_1753 : vector<16xf32>
        %add3A_1755 = arith.constant 25 : i32
        %add3A_1756 = arith.addi %mul3A_1410, %add3A_1755 : i32
        %get3A_1757 = arith.index_cast %add3A_1756 : i32 to index
        %get3A_1758 = arith.constant 0 : index
        %get3A_1759 = tpu.vector_load %arg8[%get3A_1757, %get3A_1758] {strides = array<i32>} : memref<1600x32xf32, #tpu.memory_space<vmem>>, vector<1x16xf32>,
        %get3A_1760 = vector.shape_cast %get3A_1759 : vector<1x16xf32> to vector<16xf32>
        %add3A_1761 = arith.addf %add3A_1747, %get3A_1760 : vector<16xf32>
        %add3A_1762 = arith.constant 25 : i32
        %add3A_1763 = arith.addi %mul3A_1410, %add3A_1762 : i32
        %get3A_1764 = arith.index_cast %add3A_1763 : i32 to index
        %get3A_1765 = arith.constant 16 : index
        %get3A_1766 = tpu.vector_load %arg8[%get3A_1764, %get3A_1765] {strides = array<i32>} : memref<1600x32xf32, #tpu.memory_space<vmem>>, vector<1x16xf32>,
        %get3A_1767 = vector.shape_cast %get3A_1766 : vector<1x16xf32> to vector<16xf32>
        %add3A_1768 = arith.addf %add3A_1754, %get3A_1767 : vector<16xf32>
        %add3A_1769 = arith.constant 26 : i32
        %add3A_1770 = arith.addi %mul3A_1410, %add3A_1769 : i32
        %get3A_1771 = arith.index_cast %add3A_1770 : i32 to index
        %get3A_1772 = arith.constant 0 : index
        %get3A_1773 = tpu.vector_load %arg8[%get3A_1771, %get3A_1772] {strides = array<i32>} : memref<1600x32xf32, #tpu.memory_space<vmem>>, vector<1x16xf32>,
        %get3A_1774 = vector.shape_cast %get3A_1773 : vector<1x16xf32> to vector<16xf32>
        %add3A_1775 = arith.addf %add3A_1761, %get3A_1774 : vector<16xf32>
        %add3A_1776 = arith.constant 26 : i32
        %add3A_1777 = arith.addi %mul3A_1410, %add3A_1776 : i32
        %get3A_1778 = arith.index_cast %add3A_1777 : i32 to index
        %get3A_1779 = arith.constant 16 : index
        %get3A_1780 = tpu.vector_load %arg8[%get3A_1778, %get3A_1779] {strides = array<i32>} : memref<1600x32xf32, #tpu.memory_space<vmem>>, vector<1x16xf32>,
        %get3A_1781 = vector.shape_cast %get3A_1780 : vector<1x16xf32> to vector<16xf32>
        %add3A_1782 = arith.addf %add3A_1768, %get3A_1781 : vector<16xf32>
        %add3A_1783 = arith.constant 27 : i32
        %add3A_1784 = arith.addi %mul3A_1410, %add3A_1783 : i32
        %get3A_1785 = arith.index_cast %add3A_1784 : i32 to index
        %get3A_1786 = arith.constant 0 : index
        %get3A_1787 = tpu.vector_load %arg8[%get3A_1785, %get3A_1786] {strides = array<i32>} : memref<1600x32xf32, #tpu.memory_space<vmem>>, vector<1x16xf32>,
        %get3A_1788 = vector.shape_cast %get3A_1787 : vector<1x16xf32> to vector<16xf32>
        %add3A_1789 = arith.addf %add3A_1775, %get3A_1788 : vector<16xf32>
        %add3A_1790 = arith.constant 27 : i32
        %add3A_1791 = arith.addi %mul3A_1410, %add3A_1790 : i32
        %get3A_1792 = arith.index_cast %add3A_1791 : i32 to index
        %get3A_1793 = arith.constant 16 : index
        %get3A_1794 = tpu.vector_load %arg8[%get3A_1792, %get3A_1793] {strides = array<i32>} : memref<1600x32xf32, #tpu.memory_space<vmem>>, vector<1x16xf32>,
        %get3A_1795 = vector.shape_cast %get3A_1794 : vector<1x16xf32> to vector<16xf32>
        %add3A_1796 = arith.addf %add3A_1782, %get3A_1795 : vector<16xf32>
        %add3A_1797 = arith.constant 28 : i32
        %add3A_1798 = arith.addi %mul3A_1410, %add3A_1797 : i32
        %get3A_1799 = arith.index_cast %add3A_1798 : i32 to index
        %get3A_1800 = arith.constant 0 : index
        %get3A_1801 = tpu.vector_load %arg8[%get3A_1799, %get3A_1800] {strides = array<i32>} : memref<1600x32xf32, #tpu.memory_space<vmem>>, vector<1x16xf32>,
        %get3A_1802 = vector.shape_cast %get3A_1801 : vector<1x16xf32> to vector<16xf32>
        %add3A_1803 = arith.addf %add3A_1789, %get3A_1802 : vector<16xf32>
        %add3A_1804 = arith.constant 28 : i32
        %add3A_1805 = arith.addi %mul3A_1410, %add3A_1804 : i32
        %get3A_1806 = arith.index_cast %add3A_1805 : i32 to index
        %get3A_1807 = arith.constant 16 : index
        %get3A_1808 = tpu.vector_load %arg8[%get3A_1806, %get3A_1807] {strides = array<i32>} : memref<1600x32xf32, #tpu.memory_space<vmem>>, vector<1x16xf32>,
        %get3A_1809 = vector.shape_cast %get3A_1808 : vector<1x16xf32> to vector<16xf32>
        %add3A_1810 = arith.addf %add3A_1796, %get3A_1809 : vector<16xf32>
        %add3A_1811 = arith.constant 29 : i32
        %add3A_1812 = arith.addi %mul3A_1410, %add3A_1811 : i32
        %get3A_1813 = arith.index_cast %add3A_1812 : i32 to index
        %get3A_1814 = arith.constant 0 : index
        %get3A_1815 = tpu.vector_load %arg8[%get3A_1813, %get3A_1814] {strides = array<i32>} : memref<1600x32xf32, #tpu.memory_space<vmem>>, vector<1x16xf32>,
        %get3A_1816 = vector.shape_cast %get3A_1815 : vector<1x16xf32> to vector<16xf32>
        %add3A_1817 = arith.addf %add3A_1803, %get3A_1816 : vector<16xf32>
        %add3A_1818 = arith.constant 29 : i32
        %add3A_1819 = arith.addi %mul3A_1410, %add3A_1818 : i32
        %get3A_1820 = arith.index_cast %add3A_1819 : i32 to index
        %get3A_1821 = arith.constant 16 : index
        %get3A_1822 = tpu.vector_load %arg8[%get3A_1820, %get3A_1821] {strides = array<i32>} : memref<1600x32xf32, #tpu.memory_space<vmem>>, vector<1x16xf32>,
        %get3A_1823 = vector.shape_cast %get3A_1822 : vector<1x16xf32> to vector<16xf32>
        %add3A_1824 = arith.addf %add3A_1810, %get3A_1823 : vector<16xf32>
        %add3A_1825 = arith.constant 30 : i32
        %add3A_1826 = arith.addi %mul3A_1410, %add3A_1825 : i32
        %get3A_1827 = arith.index_cast %add3A_1826 : i32 to index
        %get3A_1828 = arith.constant 0 : index
        %get3A_1829 = tpu.vector_load %arg8[%get3A_1827, %get3A_1828] {strides = array<i32>} : memref<1600x32xf32, #tpu.memory_space<vmem>>, vector<1x16xf32>,
        %get3A_1830 = vector.shape_cast %get3A_1829 : vector<1x16xf32> to vector<16xf32>
        %add3A_1831 = arith.addf %add3A_1817, %get3A_1830 : vector<16xf32>
        %add3A_1832 = arith.constant 30 : i32
        %add3A_1833 = arith.addi %mul3A_1410, %add3A_1832 : i32
        %get3A_1834 = arith.index_cast %add3A_1833 : i32 to index
        %get3A_1835 = arith.constant 16 : index
        %get3A_1836 = tpu.vector_load %arg8[%get3A_1834, %get3A_1835] {strides = array<i32>} : memref<1600x32xf32, #tpu.memory_space<vmem>>, vector<1x16xf32>,
        %get3A_1837 = vector.shape_cast %get3A_1836 : vector<1x16xf32> to vector<16xf32>
        %add3A_1838 = arith.addf %add3A_1824, %get3A_1837 : vector<16xf32>
        %add3A_1839 = arith.constant 31 : i32
        %add3A_1840 = arith.addi %mul3A_1410, %add3A_1839 : i32
        %get3A_1841 = arith.index_cast %add3A_1840 : i32 to index
        %get3A_1842 = arith.constant 0 : index
        %get3A_1843 = tpu.vector_load %arg8[%get3A_1841, %get3A_1842] {strides = array<i32>} : memref<1600x32xf32, #tpu.memory_space<vmem>>, vector<1x16xf32>,
        %get3A_1844 = vector.shape_cast %get3A_1843 : vector<1x16xf32> to vector<16xf32>
        %add3A_1845 = arith.addf %add3A_1831, %get3A_1844 : vector<16xf32>
        %add3A_1846 = arith.constant 31 : i32
        %add3A_1847 = arith.addi %mul3A_1410, %add3A_1846 : i32
        %get3A_1848 = arith.index_cast %add3A_1847 : i32 to index
        %get3A_1849 = arith.constant 16 : index
        %get3A_1850 = tpu.vector_load %arg8[%get3A_1848, %get3A_1849] {strides = array<i32>} : memref<1600x32xf32, #tpu.memory_space<vmem>>, vector<1x16xf32>,
        %get3A_1851 = vector.shape_cast %get3A_1850 : vector<1x16xf32> to vector<16xf32>
        %add3A_1852 = arith.addf %add3A_1838, %get3A_1851 : vector<16xf32>
        %add3A_1853 = arith.constant 32 : i32
        %add3A_1854 = arith.addi %mul3A_1410, %add3A_1853 : i32
        %get3A_1855 = arith.index_cast %add3A_1854 : i32 to index
        %get3A_1856 = arith.constant 0 : index
        %get3A_1857 = tpu.vector_load %arg8[%get3A_1855, %get3A_1856] {strides = array<i32>} : memref<1600x32xf32, #tpu.memory_space<vmem>>, vector<1x16xf32>,
        %get3A_1858 = vector.shape_cast %get3A_1857 : vector<1x16xf32> to vector<16xf32>
        %add3A_1859 = arith.addf %add3A_1845, %get3A_1858 : vector<16xf32>
        %add3A_1860 = arith.constant 32 : i32
        %add3A_1861 = arith.addi %mul3A_1410, %add3A_1860 : i32
        %get3A_1862 = arith.index_cast %add3A_1861 : i32 to index
        %get3A_1863 = arith.constant 16 : index
        %get3A_1864 = tpu.vector_load %arg8[%get3A_1862, %get3A_1863] {strides = array<i32>} : memref<1600x32xf32, #tpu.memory_space<vmem>>, vector<1x16xf32>,
        %get3A_1865 = vector.shape_cast %get3A_1864 : vector<1x16xf32> to vector<16xf32>
        %add3A_1866 = arith.addf %add3A_1852, %get3A_1865 : vector<16xf32>
        %add3A_1867 = arith.constant 33 : i32
        %add3A_1868 = arith.addi %mul3A_1410, %add3A_1867 : i32
        %get3A_1869 = arith.index_cast %add3A_1868 : i32 to index
        %get3A_1870 = arith.constant 0 : index
        %get3A_1871 = tpu.vector_load %arg8[%get3A_1869, %get3A_1870] {strides = array<i32>} : memref<1600x32xf32, #tpu.memory_space<vmem>>, vector<1x16xf32>,
        %get3A_1872 = vector.shape_cast %get3A_1871 : vector<1x16xf32> to vector<16xf32>
        %add3A_1873 = arith.addf %add3A_1859, %get3A_1872 : vector<16xf32>
        %add3A_1874 = arith.constant 33 : i32
        %add3A_1875 = arith.addi %mul3A_1410, %add3A_1874 : i32
        %get3A_1876 = arith.index_cast %add3A_1875 : i32 to index
        %get3A_1877 = arith.constant 16 : index
        %get3A_1878 = tpu.vector_load %arg8[%get3A_1876, %get3A_1877] {strides = array<i32>} : memref<1600x32xf32, #tpu.memory_space<vmem>>, vector<1x16xf32>,
        %get3A_1879 = vector.shape_cast %get3A_1878 : vector<1x16xf32> to vector<16xf32>
        %add3A_1880 = arith.addf %add3A_1866, %get3A_1879 : vector<16xf32>
        %add3A_1881 = arith.constant 34 : i32
        %add3A_1882 = arith.addi %mul3A_1410, %add3A_1881 : i32
        %get3A_1883 = arith.index_cast %add3A_1882 : i32 to index
        %get3A_1884 = arith.constant 0 : index
        %get3A_1885 = tpu.vector_load %arg8[%get3A_1883, %get3A_1884] {strides = array<i32>} : memref<1600x32xf32, #tpu.memory_space<vmem>>, vector<1x16xf32>,
        %get3A_1886 = vector.shape_cast %get3A_1885 : vector<1x16xf32> to vector<16xf32>
        %add3A_1887 = arith.addf %add3A_1873, %get3A_1886 : vector<16xf32>
        %add3A_1888 = arith.constant 34 : i32
        %add3A_1889 = arith.addi %mul3A_1410, %add3A_1888 : i32
        %get3A_1890 = arith.index_cast %add3A_1889 : i32 to index
        %get3A_1891 = arith.constant 16 : index
        %get3A_1892 = tpu.vector_load %arg8[%get3A_1890, %get3A_1891] {strides = array<i32>} : memref<1600x32xf32, #tpu.memory_space<vmem>>, vector<1x16xf32>,
        %get3A_1893 = vector.shape_cast %get3A_1892 : vector<1x16xf32> to vector<16xf32>
        %add3A_1894 = arith.addf %add3A_1880, %get3A_1893 : vector<16xf32>
        %add3A_1895 = arith.constant 35 : i32
        %add3A_1896 = arith.addi %mul3A_1410, %add3A_1895 : i32
        %get3A_1897 = arith.index_cast %add3A_1896 : i32 to index
        %get3A_1898 = arith.constant 0 : index
        %get3A_1899 = tpu.vector_load %arg8[%get3A_1897, %get3A_1898] {strides = array<i32>} : memref<1600x32xf32, #tpu.memory_space<vmem>>, vector<1x16xf32>,
        %get3A_1900 = vector.shape_cast %get3A_1899 : vector<1x16xf32> to vector<16xf32>
        %add3A_1901 = arith.addf %add3A_1887, %get3A_1900 : vector<16xf32>
        %add3A_1902 = arith.constant 35 : i32
        %add3A_1903 = arith.addi %mul3A_1410, %add3A_1902 : i32
        %get3A_1904 = arith.index_cast %add3A_1903 : i32 to index
        %get3A_1905 = arith.constant 16 : index
        %get3A_1906 = tpu.vector_load %arg8[%get3A_1904, %get3A_1905] {strides = array<i32>} : memref<1600x32xf32, #tpu.memory_space<vmem>>, vector<1x16xf32>,
        %get3A_1907 = vector.shape_cast %get3A_1906 : vector<1x16xf32> to vector<16xf32>
        %add3A_1908 = arith.addf %add3A_1894, %get3A_1907 : vector<16xf32>
        %add3A_1909 = arith.constant 36 : i32
        %add3A_1910 = arith.addi %mul3A_1410, %add3A_1909 : i32
        %get3A_1911 = arith.index_cast %add3A_1910 : i32 to index
        %get3A_1912 = arith.constant 0 : index
        %get3A_1913 = tpu.vector_load %arg8[%get3A_1911, %get3A_1912] {strides = array<i32>} : memref<1600x32xf32, #tpu.memory_space<vmem>>, vector<1x16xf32>,
        %get3A_1914 = vector.shape_cast %get3A_1913 : vector<1x16xf32> to vector<16xf32>
        %add3A_1915 = arith.addf %add3A_1901, %get3A_1914 : vector<16xf32>
        %add3A_1916 = arith.constant 36 : i32
        %add3A_1917 = arith.addi %mul3A_1410, %add3A_1916 : i32
        %get3A_1918 = arith.index_cast %add3A_1917 : i32 to index
        %get3A_1919 = arith.constant 16 : index
        %get3A_1920 = tpu.vector_load %arg8[%get3A_1918, %get3A_1919] {strides = array<i32>} : memref<1600x32xf32, #tpu.memory_space<vmem>>, vector<1x16xf32>,
        %get3A_1921 = vector.shape_cast %get3A_1920 : vector<1x16xf32> to vector<16xf32>
        %add3A_1922 = arith.addf %add3A_1908, %get3A_1921 : vector<16xf32>
        %add3A_1923 = arith.constant 37 : i32
        %add3A_1924 = arith.addi %mul3A_1410, %add3A_1923 : i32
        %get3A_1925 = arith.index_cast %add3A_1924 : i32 to index
        %get3A_1926 = arith.constant 0 : index
        %get3A_1927 = tpu.vector_load %arg8[%get3A_1925, %get3A_1926] {strides = array<i32>} : memref<1600x32xf32, #tpu.memory_space<vmem>>, vector<1x16xf32>,
        %get3A_1928 = vector.shape_cast %get3A_1927 : vector<1x16xf32> to vector<16xf32>
        %add3A_1929 = arith.addf %add3A_1915, %get3A_1928 : vector<16xf32>
        %add3A_1930 = arith.constant 37 : i32
        %add3A_1931 = arith.addi %mul3A_1410, %add3A_1930 : i32
        %get3A_1932 = arith.index_cast %add3A_1931 : i32 to index
        %get3A_1933 = arith.constant 16 : index
        %get3A_1934 = tpu.vector_load %arg8[%get3A_1932, %get3A_1933] {strides = array<i32>} : memref<1600x32xf32, #tpu.memory_space<vmem>>, vector<1x16xf32>,
        %get3A_1935 = vector.shape_cast %get3A_1934 : vector<1x16xf32> to vector<16xf32>
        %add3A_1936 = arith.addf %add3A_1922, %get3A_1935 : vector<16xf32>
        %add3A_1937 = arith.constant 38 : i32
        %add3A_1938 = arith.addi %mul3A_1410, %add3A_1937 : i32
        %get3A_1939 = arith.index_cast %add3A_1938 : i32 to index
        %get3A_1940 = arith.constant 0 : index
        %get3A_1941 = tpu.vector_load %arg8[%get3A_1939, %get3A_1940] {strides = array<i32>} : memref<1600x32xf32, #tpu.memory_space<vmem>>, vector<1x16xf32>,
        %get3A_1942 = vector.shape_cast %get3A_1941 : vector<1x16xf32> to vector<16xf32>
        %add3A_1943 = arith.addf %add3A_1929, %get3A_1942 : vector<16xf32>
        %add3A_1944 = arith.constant 38 : i32
        %add3A_1945 = arith.addi %mul3A_1410, %add3A_1944 : i32
        %get3A_1946 = arith.index_cast %add3A_1945 : i32 to index
        %get3A_1947 = arith.constant 16 : index
        %get3A_1948 = tpu.vector_load %arg8[%get3A_1946, %get3A_1947] {strides = array<i32>} : memref<1600x32xf32, #tpu.memory_space<vmem>>, vector<1x16xf32>,
        %get3A_1949 = vector.shape_cast %get3A_1948 : vector<1x16xf32> to vector<16xf32>
        %add3A_1950 = arith.addf %add3A_1936, %get3A_1949 : vector<16xf32>
        %add3A_1951 = arith.constant 39 : i32
        %add3A_1952 = arith.addi %mul3A_1410, %add3A_1951 : i32
        %get3A_1953 = arith.index_cast %add3A_1952 : i32 to index
        %get3A_1954 = arith.constant 0 : index
        %get3A_1955 = tpu.vector_load %arg8[%get3A_1953, %get3A_1954] {strides = array<i32>} : memref<1600x32xf32, #tpu.memory_space<vmem>>, vector<1x16xf32>,
        %get3A_1956 = vector.shape_cast %get3A_1955 : vector<1x16xf32> to vector<16xf32>
        %add3A_1957 = arith.addf %add3A_1943, %get3A_1956 : vector<16xf32>
        %add3A_1958 = arith.constant 39 : i32
        %add3A_1959 = arith.addi %mul3A_1410, %add3A_1958 : i32
        %get3A_1960 = arith.index_cast %add3A_1959 : i32 to index
        %get3A_1961 = arith.constant 16 : index
        %get3A_1962 = tpu.vector_load %arg8[%get3A_1960, %get3A_1961] {strides = array<i32>} : memref<1600x32xf32, #tpu.memory_space<vmem>>, vector<1x16xf32>,
        %get3A_1963 = vector.shape_cast %get3A_1962 : vector<1x16xf32> to vector<16xf32>
        %add3A_1964 = arith.addf %add3A_1950, %get3A_1963 : vector<16xf32>
        %add3A_1965 = arith.constant 40 : i32
        %add3A_1966 = arith.addi %mul3A_1410, %add3A_1965 : i32
        %get3A_1967 = arith.index_cast %add3A_1966 : i32 to index
        %get3A_1968 = arith.constant 0 : index
        %get3A_1969 = tpu.vector_load %arg8[%get3A_1967, %get3A_1968] {strides = array<i32>} : memref<1600x32xf32, #tpu.memory_space<vmem>>, vector<1x16xf32>,
        %get3A_1970 = vector.shape_cast %get3A_1969 : vector<1x16xf32> to vector<16xf32>
        %add3A_1971 = arith.addf %add3A_1957, %get3A_1970 : vector<16xf32>
        %add3A_1972 = arith.constant 40 : i32
        %add3A_1973 = arith.addi %mul3A_1410, %add3A_1972 : i32
        %get3A_1974 = arith.index_cast %add3A_1973 : i32 to index
        %get3A_1975 = arith.constant 16 : index
        %get3A_1976 = tpu.vector_load %arg8[%get3A_1974, %get3A_1975] {strides = array<i32>} : memref<1600x32xf32, #tpu.memory_space<vmem>>, vector<1x16xf32>,
        %get3A_1977 = vector.shape_cast %get3A_1976 : vector<1x16xf32> to vector<16xf32>
        %add3A_1978 = arith.addf %add3A_1964, %get3A_1977 : vector<16xf32>
        %add3A_1979 = arith.constant 41 : i32
        %add3A_1980 = arith.addi %mul3A_1410, %add3A_1979 : i32
        %get3A_1981 = arith.index_cast %add3A_1980 : i32 to index
        %get3A_1982 = arith.constant 0 : index
        %get3A_1983 = tpu.vector_load %arg8[%get3A_1981, %get3A_1982] {strides = array<i32>} : memref<1600x32xf32, #tpu.memory_space<vmem>>, vector<1x16xf32>,
        %get3A_1984 = vector.shape_cast %get3A_1983 : vector<1x16xf32> to vector<16xf32>
        %add3A_1985 = arith.addf %add3A_1971, %get3A_1984 : vector<16xf32>
        %add3A_1986 = arith.constant 41 : i32
        %add3A_1987 = arith.addi %mul3A_1410, %add3A_1986 : i32
        %get3A_1988 = arith.index_cast %add3A_1987 : i32 to index
        %get3A_1989 = arith.constant 16 : index
        %get3A_1990 = tpu.vector_load %arg8[%get3A_1988, %get3A_1989] {strides = array<i32>} : memref<1600x32xf32, #tpu.memory_space<vmem>>, vector<1x16xf32>,
        %get3A_1991 = vector.shape_cast %get3A_1990 : vector<1x16xf32> to vector<16xf32>
        %add3A_1992 = arith.addf %add3A_1978, %get3A_1991 : vector<16xf32>
        %add3A_1993 = arith.constant 42 : i32
        %add3A_1994 = arith.addi %mul3A_1410, %add3A_1993 : i32
        %get3A_1995 = arith.index_cast %add3A_1994 : i32 to index
        %get3A_1996 = arith.constant 0 : index
        %get3A_1997 = tpu.vector_load %arg8[%get3A_1995, %get3A_1996] {strides = array<i32>} : memref<1600x32xf32, #tpu.memory_space<vmem>>, vector<1x16xf32>,
        %get3A_1998 = vector.shape_cast %get3A_1997 : vector<1x16xf32> to vector<16xf32>
        %add3A_1999 = arith.addf %add3A_1985, %get3A_1998 : vector<16xf32>
        %add3A_2000 = arith.constant 42 : i32
        %add3A_2001 = arith.addi %mul3A_1410, %add3A_2000 : i32
        %get3A_2002 = arith.index_cast %add3A_2001 : i32 to index
        %get3A_2003 = arith.constant 16 : index
        %get3A_2004 = tpu.vector_load %arg8[%get3A_2002, %get3A_2003] {strides = array<i32>} : memref<1600x32xf32, #tpu.memory_space<vmem>>, vector<1x16xf32>,
        %get3A_2005 = vector.shape_cast %get3A_2004 : vector<1x16xf32> to vector<16xf32>
        %add3A_2006 = arith.addf %add3A_1992, %get3A_2005 : vector<16xf32>
        %add3A_2007 = arith.constant 43 : i32
        %add3A_2008 = arith.addi %mul3A_1410, %add3A_2007 : i32
        %get3A_2009 = arith.index_cast %add3A_2008 : i32 to index
        %get3A_2010 = arith.constant 0 : index
        %get3A_2011 = tpu.vector_load %arg8[%get3A_2009, %get3A_2010] {strides = array<i32>} : memref<1600x32xf32, #tpu.memory_space<vmem>>, vector<1x16xf32>,
        %get3A_2012 = vector.shape_cast %get3A_2011 : vector<1x16xf32> to vector<16xf32>
        %add3A_2013 = arith.addf %add3A_1999, %get3A_2012 : vector<16xf32>
        %add3A_2014 = arith.constant 43 : i32
        %add3A_2015 = arith.addi %mul3A_1410, %add3A_2014 : i32
        %get3A_2016 = arith.index_cast %add3A_2015 : i32 to index
        %get3A_2017 = arith.constant 16 : index
        %get3A_2018 = tpu.vector_load %arg8[%get3A_2016, %get3A_2017] {strides = array<i32>} : memref<1600x32xf32, #tpu.memory_space<vmem>>, vector<1x16xf32>,
        %get3A_2019 = vector.shape_cast %get3A_2018 : vector<1x16xf32> to vector<16xf32>
        %add3A_2020 = arith.addf %add3A_2006, %get3A_2019 : vector<16xf32>
        %add3A_2021 = arith.constant 44 : i32
        %add3A_2022 = arith.addi %mul3A_1410, %add3A_2021 : i32
        %get3A_2023 = arith.index_cast %add3A_2022 : i32 to index
        %get3A_2024 = arith.constant 0 : index
        %get3A_2025 = tpu.vector_load %arg8[%get3A_2023, %get3A_2024] {strides = array<i32>} : memref<1600x32xf32, #tpu.memory_space<vmem>>, vector<1x16xf32>,
        %get3A_2026 = vector.shape_cast %get3A_2025 : vector<1x16xf32> to vector<16xf32>
        %add3A_2027 = arith.addf %add3A_2013, %get3A_2026 : vector<16xf32>
        %add3A_2028 = arith.constant 44 : i32
        %add3A_2029 = arith.addi %mul3A_1410, %add3A_2028 : i32
        %get3A_2030 = arith.index_cast %add3A_2029 : i32 to index
        %get3A_2031 = arith.constant 16 : index
        %get3A_2032 = tpu.vector_load %arg8[%get3A_2030, %get3A_2031] {strides = array<i32>} : memref<1600x32xf32, #tpu.memory_space<vmem>>, vector<1x16xf32>,
        %get3A_2033 = vector.shape_cast %get3A_2032 : vector<1x16xf32> to vector<16xf32>
        %add3A_2034 = arith.addf %add3A_2020, %get3A_2033 : vector<16xf32>
        %add3A_2035 = arith.constant 45 : i32
        %add3A_2036 = arith.addi %mul3A_1410, %add3A_2035 : i32
        %get3A_2037 = arith.index_cast %add3A_2036 : i32 to index
        %get3A_2038 = arith.constant 0 : index
        %get3A_2039 = tpu.vector_load %arg8[%get3A_2037, %get3A_2038] {strides = array<i32>} : memref<1600x32xf32, #tpu.memory_space<vmem>>, vector<1x16xf32>,
        %get3A_2040 = vector.shape_cast %get3A_2039 : vector<1x16xf32> to vector<16xf32>
        %add3A_2041 = arith.addf %add3A_2027, %get3A_2040 : vector<16xf32>
        %add3A_2042 = arith.constant 45 : i32
        %add3A_2043 = arith.addi %mul3A_1410, %add3A_2042 : i32
        %get3A_2044 = arith.index_cast %add3A_2043 : i32 to index
        %get3A_2045 = arith.constant 16 : index
        %get3A_2046 = tpu.vector_load %arg8[%get3A_2044, %get3A_2045] {strides = array<i32>} : memref<1600x32xf32, #tpu.memory_space<vmem>>, vector<1x16xf32>,
        %get3A_2047 = vector.shape_cast %get3A_2046 : vector<1x16xf32> to vector<16xf32>
        %add3A_2048 = arith.addf %add3A_2034, %get3A_2047 : vector<16xf32>
        %add3A_2049 = arith.constant 46 : i32
        %add3A_2050 = arith.addi %mul3A_1410, %add3A_2049 : i32
        %get3A_2051 = arith.index_cast %add3A_2050 : i32 to index
        %get3A_2052 = arith.constant 0 : index
        %get3A_2053 = tpu.vector_load %arg8[%get3A_2051, %get3A_2052] {strides = array<i32>} : memref<1600x32xf32, #tpu.memory_space<vmem>>, vector<1x16xf32>,
        %get3A_2054 = vector.shape_cast %get3A_2053 : vector<1x16xf32> to vector<16xf32>
        %add3A_2055 = arith.addf %add3A_2041, %get3A_2054 : vector<16xf32>
        %add3A_2056 = arith.constant 46 : i32
        %add3A_2057 = arith.addi %mul3A_1410, %add3A_2056 : i32
        %get3A_2058 = arith.index_cast %add3A_2057 : i32 to index
        %get3A_2059 = arith.constant 16 : index
        %get3A_2060 = tpu.vector_load %arg8[%get3A_2058, %get3A_2059] {strides = array<i32>} : memref<1600x32xf32, #tpu.memory_space<vmem>>, vector<1x16xf32>,
        %get3A_2061 = vector.shape_cast %get3A_2060 : vector<1x16xf32> to vector<16xf32>
        %add3A_2062 = arith.addf %add3A_2048, %get3A_2061 : vector<16xf32>
        %add3A_2063 = arith.constant 47 : i32
        %add3A_2064 = arith.addi %mul3A_1410, %add3A_2063 : i32
        %get3A_2065 = arith.index_cast %add3A_2064 : i32 to index
        %get3A_2066 = arith.constant 0 : index
        %get3A_2067 = tpu.vector_load %arg8[%get3A_2065, %get3A_2066] {strides = array<i32>} : memref<1600x32xf32, #tpu.memory_space<vmem>>, vector<1x16xf32>,
        %get3A_2068 = vector.shape_cast %get3A_2067 : vector<1x16xf32> to vector<16xf32>
        %add3A_2069 = arith.addf %add3A_2055, %get3A_2068 : vector<16xf32>
        %add3A_2070 = arith.constant 47 : i32
        %add3A_2071 = arith.addi %mul3A_1410, %add3A_2070 : i32
        %get3A_2072 = arith.index_cast %add3A_2071 : i32 to index
        %get3A_2073 = arith.constant 16 : index
        %get3A_2074 = tpu.vector_load %arg8[%get3A_2072, %get3A_2073] {strides = array<i32>} : memref<1600x32xf32, #tpu.memory_space<vmem>>, vector<1x16xf32>,
        %get3A_2075 = vector.shape_cast %get3A_2074 : vector<1x16xf32> to vector<16xf32>
        %add3A_2076 = arith.addf %add3A_2062, %get3A_2075 : vector<16xf32>
        %add3A_2077 = arith.constant 48 : i32
        %add3A_2078 = arith.addi %mul3A_1410, %add3A_2077 : i32
        %get3A_2079 = arith.index_cast %add3A_2078 : i32 to index
        %get3A_2080 = arith.constant 0 : index
        %get3A_2081 = tpu.vector_load %arg8[%get3A_2079, %get3A_2080] {strides = array<i32>} : memref<1600x32xf32, #tpu.memory_space<vmem>>, vector<1x16xf32>,
        %get3A_2082 = vector.shape_cast %get3A_2081 : vector<1x16xf32> to vector<16xf32>
        %add3A_2083 = arith.addf %add3A_2069, %get3A_2082 : vector<16xf32>
        %add3A_2084 = arith.constant 48 : i32
        %add3A_2085 = arith.addi %mul3A_1410, %add3A_2084 : i32
        %get3A_2086 = arith.index_cast %add3A_2085 : i32 to index
        %get3A_2087 = arith.constant 16 : index
        %get3A_2088 = tpu.vector_load %arg8[%get3A_2086, %get3A_2087] {strides = array<i32>} : memref<1600x32xf32, #tpu.memory_space<vmem>>, vector<1x16xf32>,
        %get3A_2089 = vector.shape_cast %get3A_2088 : vector<1x16xf32> to vector<16xf32>
        %add3A_2090 = arith.addf %add3A_2076, %get3A_2089 : vector<16xf32>
        %add3A_2091 = arith.constant 49 : i32
        %add3A_2092 = arith.addi %mul3A_1410, %add3A_2091 : i32
        %get3A_2093 = arith.index_cast %add3A_2092 : i32 to index
        %get3A_2094 = arith.constant 0 : index
        %get3A_2095 = tpu.vector_load %arg8[%get3A_2093, %get3A_2094] {strides = array<i32>} : memref<1600x32xf32, #tpu.memory_space<vmem>>, vector<1x16xf32>,
        %get3A_2096 = vector.shape_cast %get3A_2095 : vector<1x16xf32> to vector<16xf32>
        %add3A_2097 = arith.addf %add3A_2083, %get3A_2096 : vector<16xf32>
        %add3A_2098 = arith.constant 49 : i32
        %add3A_2099 = arith.addi %mul3A_1410, %add3A_2098 : i32
        %get3A_2100 = arith.index_cast %add3A_2099 : i32 to index
        %get3A_2101 = arith.constant 16 : index
        %get3A_2102 = tpu.vector_load %arg8[%get3A_2100, %get3A_2101] {strides = array<i32>} : memref<1600x32xf32, #tpu.memory_space<vmem>>, vector<1x16xf32>,
        %get3A_2103 = vector.shape_cast %get3A_2102 : vector<1x16xf32> to vector<16xf32>
        %add3A_2104 = arith.addf %add3A_2090, %get3A_2103 : vector<16xf32>
        %mul3A_2105 = arith.constant 32 : i32
        %mul3A_2106 = arith.muli %mul3A_12, %mul3A_2105 : i32
        %add3A_2107 = arith.addi %mul3A_2106, %add3A_1408 : i32
        %get3A_2108 = arith.index_cast %add3A_2107 : i32 to index
        %get3A_2109 = tpu.vector_load %arg11[%get3A_2108] {strides = array<i32>} : memref<528xi32, #tpu.memory_space<vmem>>, vector<16xi32>,
        %get3A_2110 = vector.shape_cast %get3A_2109 : vector<16xi32> to vector<16xi32>
        %slice3A_2111 = vector.extract_strided_slice %get3A_2110 {offsets = [0], sizes = [1], strides = [1]} : vector<16xi32> to vector<1xi32>
        %squeeze3A_2112 = vector.extract %slice3A_2111[0] : i32 from vector<1xi32>
        %max3A_2113 = arith.constant 1 : i32
        %max3A_2114 = arith.maxsi %squeeze3A_2112, %max3A_2113 : i32
        %convert_element_type3A_2115 = arith.sitofp %max3A_2114 : i32 to f32
        %div3A_2116 = vector.broadcast %convert_element_type3A_2115 : f32 to vector<16xf32>
        %div3A_2117 = arith.divf %add3A_2097, %div3A_2116 : vector<16xf32>
        %swap3A_2118 = arith.index_cast %add3A_1408 : i32 to index
        %swap3A_2119 = arith.constant 0 : index
        %swap3A_2120 = tpu.vector_load %arg10[%swap3A_2118, %swap3A_2119] {strides = array<i32>} : memref<32x32xf32, #tpu.memory_space<vmem>>, vector<1x16xf32>,
        %swap3A_2121 = vector.shape_cast %swap3A_2120 : vector<1x16xf32> to vector<16xf32>
        %swap3A_2122 = vector.shape_cast %div3A_2117 : vector<16xf32> to vector<1x16xf32>
        tpu.vector_store %arg10[%swap3A_2118, %swap3A_2119], %swap3A_2122 {strides = array<i32>} : memref<32x32xf32, #tpu.memory_space<vmem>>, vector<1x16xf32>,
        %div3A_2123 = vector.broadcast %convert_element_type3A_2115 : f32 to vector<16xf32>
        %div3A_2124 = arith.divf %add3A_2104, %div3A_2123 : vector<16xf32>
        %swap3A_2125 = arith.index_cast %add3A_1408 : i32 to index
        %swap3A_2126 = arith.constant 16 : index
        %swap3A_2127 = tpu.vector_load %arg10[%swap3A_2125, %swap3A_2126] {strides = array<i32>} : memref<32x32xf32, #tpu.memory_space<vmem>>, vector<1x16xf32>,
        %swap3A_2128 = vector.shape_cast %swap3A_2127 : vector<1x16xf32> to vector<16xf32>
        %swap3A_2129 = vector.shape_cast %div3A_2124 : vector<16xf32> to vector<1x16xf32>
        tpu.vector_store %arg10[%swap3A_2125, %swap3A_2126], %swap3A_2129 {strides = array<i32>} : memref<32x32xf32, #tpu.memory_space<vmem>>, vector<1x16xf32>,
      }
      %scan3A_509 = arith.constant 16 : i32
      %mul3A_510 = arith.constant 32 : i32
      %mul3A_511 = arith.muli %mul3A_12, %mul3A_510 : i32
      %add3A_512 = arith.addi %mul3A_2, %mul3A_511 : i32
      %multiple_of3A_513 = tpu.assume_multiple %add3A_512, 8 : i32
      "tpu.region"() ({
        %run_scoped3A = tpu.sem_alloc : memref<!tpu.dma_semaphore, #tpu.memory_space<semaphore_mem>>
        %dma_start3A_686 = arith.constant 0 : i32
        %dma_start3A_687 = tpu.memref_slice %arg5[%multiple_of3A_513, %dma_start3A_686] : memref<16384x32xf32, #tpu.memory_space<hbm>> -> memref<32x32xf32, #tpu.memory_space<hbm>>
        %dma_start3A_688 = arith.constant 0 : i32
        %dma_start3A_689 = tpu.memref_slice %arg5[%multiple_of3A_513, %dma_start3A_688] : memref<16384x32xf32, #tpu.memory_space<hbm>> -> memref<32x32xf32, #tpu.memory_space<hbm>>
        tpu.enqueue_dma source(%arg10 : memref<32x32xf32, #tpu.memory_space<vmem>>) target(%dma_start3A_689 : memref<32x32xf32, #tpu.memory_space<hbm>>) target_semaphore(%run_scoped3A : memref<!tpu.dma_semaphore, #tpu.memory_space<semaphore_mem>>)
        %dma_wait3A_690 = arith.constant 0 : i32
        %dma_wait3A_691 = tpu.memref_slice %arg5[%multiple_of3A_513, %dma_wait3A_690] : memref<16384x32xf32, #tpu.memory_space<hbm>> -> memref<32x32xf32, #tpu.memory_space<hbm>>
        %dma_wait3A_692 = arith.constant 0 : i32
        %dma_wait3A_693 = tpu.memref_slice %arg5[%multiple_of3A_513, %dma_wait3A_692] : memref<16384x32xf32, #tpu.memory_space<hbm>> -> memref<32x32xf32, #tpu.memory_space<hbm>>
        tpu.wait_dma2 semaphore(%run_scoped3A : memref<!tpu.dma_semaphore, #tpu.memory_space<semaphore_mem>>) src(%arg10 : memref<32x32xf32, #tpu.memory_space<vmem>>) dst(%dma_wait3A_693 : memref<32x32xf32, #tpu.memory_space<hbm>>)
        tpu.yield
      }) : () -> ()
      %dma_wait3A_514 = arith.constant 0 : i32
      %dma_wait3A_515 = arith.constant 0 : i32
      %dma_wait3A_516 = tpu.memref_slice %arg9[%dma_wait3A_514, %dma_wait3A_515] : memref<1600x32xf32, #tpu.memory_space<vmem>> -> memref<80x32xf32, #tpu.memory_space<vmem>>
      %dma_wait3A_517 = arith.constant 0 : i32
      %dma_wait3A_518 = tpu.memref_slice %arg7[%dma_wait3A_517] : memref<1600xi32, #tpu.memory_space<vmem>> -> memref<80xi32, #tpu.memory_space<vmem>>
      %dma_wait3A_519 = arith.constant 0 : i32
      %dma_wait3A_520 = arith.constant 0 : i32
      %dma_wait3A_521 = tpu.memref_slice %arg4[%dma_wait3A_519, %dma_wait3A_520] : memref<1000001x32xf32, #tpu.memory_space<hbm>> -> memref<1000001x32xf32, #tpu.memory_space<hbm>>
      tpu.wait_indirect_dma semaphore(%arg13 : memref<!tpu.dma_semaphore, #tpu.memory_space<semaphore_mem>>) src(%dma_wait3A_521 : memref<1000001x32xf32, #tpu.memory_space<hbm>>) dst(%dma_wait3A_516 : memref<80x32xf32, #tpu.memory_space<vmem>>)
      %dma_wait3A_522 = arith.constant 80 : i32
      %dma_wait3A_523 = arith.constant 0 : i32
      %dma_wait3A_524 = tpu.memref_slice %arg9[%dma_wait3A_522, %dma_wait3A_523] : memref<1600x32xf32, #tpu.memory_space<vmem>> -> memref<80x32xf32, #tpu.memory_space<vmem>>
      %dma_wait3A_525 = arith.constant 80 : i32
      %dma_wait3A_526 = tpu.memref_slice %arg7[%dma_wait3A_525] : memref<1600xi32, #tpu.memory_space<vmem>> -> memref<80xi32, #tpu.memory_space<vmem>>
      %dma_wait3A_527 = arith.constant 0 : i32
      %dma_wait3A_528 = arith.constant 0 : i32
      %dma_wait3A_529 = tpu.memref_slice %arg4[%dma_wait3A_527, %dma_wait3A_528] : memref<1000001x32xf32, #tpu.memory_space<hbm>> -> memref<1000001x32xf32, #tpu.memory_space<hbm>>
      tpu.wait_indirect_dma semaphore(%arg13 : memref<!tpu.dma_semaphore, #tpu.memory_space<semaphore_mem>>) src(%dma_wait3A_529 : memref<1000001x32xf32, #tpu.memory_space<hbm>>) dst(%dma_wait3A_524 : memref<80x32xf32, #tpu.memory_space<vmem>>)
      %dma_wait3A_530 = arith.constant 160 : i32
      %dma_wait3A_531 = arith.constant 0 : i32
      %dma_wait3A_532 = tpu.memref_slice %arg9[%dma_wait3A_530, %dma_wait3A_531] : memref<1600x32xf32, #tpu.memory_space<vmem>> -> memref<80x32xf32, #tpu.memory_space<vmem>>
      %dma_wait3A_533 = arith.constant 160 : i32
      %dma_wait3A_534 = tpu.memref_slice %arg7[%dma_wait3A_533] : memref<1600xi32, #tpu.memory_space<vmem>> -> memref<80xi32, #tpu.memory_space<vmem>>
      %dma_wait3A_535 = arith.constant 0 : i32
      %dma_wait3A_536 = arith.constant 0 : i32
      %dma_wait3A_537 = tpu.memref_slice %arg4[%dma_wait3A_535, %dma_wait3A_536] : memref<1000001x32xf32, #tpu.memory_space<hbm>> -> memref<1000001x32xf32, #tpu.memory_space<hbm>>
      tpu.wait_indirect_dma semaphore(%arg13 : memref<!tpu.dma_semaphore, #tpu.memory_space<semaphore_mem>>) src(%dma_wait3A_537 : memref<1000001x32xf32, #tpu.memory_space<hbm>>) dst(%dma_wait3A_532 : memref<80x32xf32, #tpu.memory_space<vmem>>)
      %dma_wait3A_538 = arith.constant 240 : i32
      %dma_wait3A_539 = arith.constant 0 : i32
      %dma_wait3A_540 = tpu.memref_slice %arg9[%dma_wait3A_538, %dma_wait3A_539] : memref<1600x32xf32, #tpu.memory_space<vmem>> -> memref<80x32xf32, #tpu.memory_space<vmem>>
      %dma_wait3A_541 = arith.constant 240 : i32
      %dma_wait3A_542 = tpu.memref_slice %arg7[%dma_wait3A_541] : memref<1600xi32, #tpu.memory_space<vmem>> -> memref<80xi32, #tpu.memory_space<vmem>>
      %dma_wait3A_543 = arith.constant 0 : i32
      %dma_wait3A_544 = arith.constant 0 : i32
      %dma_wait3A_545 = tpu.memref_slice %arg4[%dma_wait3A_543, %dma_wait3A_544] : memref<1000001x32xf32, #tpu.memory_space<hbm>> -> memref<1000001x32xf32, #tpu.memory_space<hbm>>
      tpu.wait_indirect_dma semaphore(%arg13 : memref<!tpu.dma_semaphore, #tpu.memory_space<semaphore_mem>>) src(%dma_wait3A_545 : memref<1000001x32xf32, #tpu.memory_space<hbm>>) dst(%dma_wait3A_540 : memref<80x32xf32, #tpu.memory_space<vmem>>)
      %dma_wait3A_546 = arith.constant 320 : i32
      %dma_wait3A_547 = arith.constant 0 : i32
      %dma_wait3A_548 = tpu.memref_slice %arg9[%dma_wait3A_546, %dma_wait3A_547] : memref<1600x32xf32, #tpu.memory_space<vmem>> -> memref<80x32xf32, #tpu.memory_space<vmem>>
      %dma_wait3A_549 = arith.constant 320 : i32
      %dma_wait3A_550 = tpu.memref_slice %arg7[%dma_wait3A_549] : memref<1600xi32, #tpu.memory_space<vmem>> -> memref<80xi32, #tpu.memory_space<vmem>>
      %dma_wait3A_551 = arith.constant 0 : i32
      %dma_wait3A_552 = arith.constant 0 : i32
      %dma_wait3A_553 = tpu.memref_slice %arg4[%dma_wait3A_551, %dma_wait3A_552] : memref<1000001x32xf32, #tpu.memory_space<hbm>> -> memref<1000001x32xf32, #tpu.memory_space<hbm>>
      tpu.wait_indirect_dma semaphore(%arg13 : memref<!tpu.dma_semaphore, #tpu.memory_space<semaphore_mem>>) src(%dma_wait3A_553 : memref<1000001x32xf32, #tpu.memory_space<hbm>>) dst(%dma_wait3A_548 : memref<80x32xf32, #tpu.memory_space<vmem>>)
      %dma_wait3A_554 = arith.constant 400 : i32
      %dma_wait3A_555 = arith.constant 0 : i32
      %dma_wait3A_556 = tpu.memref_slice %arg9[%dma_wait3A_554, %dma_wait3A_555] : memref<1600x32xf32, #tpu.memory_space<vmem>> -> memref<80x32xf32, #tpu.memory_space<vmem>>
      %dma_wait3A_557 = arith.constant 400 : i32
      %dma_wait3A_558 = tpu.memref_slice %arg7[%dma_wait3A_557] : memref<1600xi32, #tpu.memory_space<vmem>> -> memref<80xi32, #tpu.memory_space<vmem>>
      %dma_wait3A_559 = arith.constant 0 : i32
      %dma_wait3A_560 = arith.constant 0 : i32
      %dma_wait3A_561 = tpu.memref_slice %arg4[%dma_wait3A_559, %dma_wait3A_560] : memref<1000001x32xf32, #tpu.memory_space<hbm>> -> memref<1000001x32xf32, #tpu.memory_space<hbm>>
      tpu.wait_indirect_dma semaphore(%arg13 : memref<!tpu.dma_semaphore, #tpu.memory_space<semaphore_mem>>) src(%dma_wait3A_561 : memref<1000001x32xf32, #tpu.memory_space<hbm>>) dst(%dma_wait3A_556 : memref<80x32xf32, #tpu.memory_space<vmem>>)
      %dma_wait3A_562 = arith.constant 480 : i32
      %dma_wait3A_563 = arith.constant 0 : i32
      %dma_wait3A_564 = tpu.memref_slice %arg9[%dma_wait3A_562, %dma_wait3A_563] : memref<1600x32xf32, #tpu.memory_space<vmem>> -> memref<80x32xf32, #tpu.memory_space<vmem>>
      %dma_wait3A_565 = arith.constant 480 : i32
      %dma_wait3A_566 = tpu.memref_slice %arg7[%dma_wait3A_565] : memref<1600xi32, #tpu.memory_space<vmem>> -> memref<80xi32, #tpu.memory_space<vmem>>
      %dma_wait3A_567 = arith.constant 0 : i32
      %dma_wait3A_568 = arith.constant 0 : i32
      %dma_wait3A_569 = tpu.memref_slice %arg4[%dma_wait3A_567, %dma_wait3A_568] : memref<1000001x32xf32, #tpu.memory_space<hbm>> -> memref<1000001x32xf32, #tpu.memory_space<hbm>>
      tpu.wait_indirect_dma semaphore(%arg13 : memref<!tpu.dma_semaphore, #tpu.memory_space<semaphore_mem>>) src(%dma_wait3A_569 : memref<1000001x32xf32, #tpu.memory_space<hbm>>) dst(%dma_wait3A_564 : memref<80x32xf32, #tpu.memory_space<vmem>>)
      %dma_wait3A_570 = arith.constant 560 : i32
      %dma_wait3A_571 = arith.constant 0 : i32
      %dma_wait3A_572 = tpu.memref_slice %arg9[%dma_wait3A_570, %dma_wait3A_571] : memref<1600x32xf32, #tpu.memory_space<vmem>> -> memref<80x32xf32, #tpu.memory_space<vmem>>
      %dma_wait3A_573 = arith.constant 560 : i32
      %dma_wait3A_574 = tpu.memref_slice %arg7[%dma_wait3A_573] : memref<1600xi32, #tpu.memory_space<vmem>> -> memref<80xi32, #tpu.memory_space<vmem>>
      %dma_wait3A_575 = arith.constant 0 : i32
      %dma_wait3A_576 = arith.constant 0 : i32
      %dma_wait3A_577 = tpu.memref_slice %arg4[%dma_wait3A_575, %dma_wait3A_576] : memref<1000001x32xf32, #tpu.memory_space<hbm>> -> memref<1000001x32xf32, #tpu.memory_space<hbm>>
      tpu.wait_indirect_dma semaphore(%arg13 : memref<!tpu.dma_semaphore, #tpu.memory_space<semaphore_mem>>) src(%dma_wait3A_577 : memref<1000001x32xf32, #tpu.memory_space<hbm>>) dst(%dma_wait3A_572 : memref<80x32xf32, #tpu.memory_space<vmem>>)
      %dma_wait3A_578 = arith.constant 640 : i32
      %dma_wait3A_579 = arith.constant 0 : i32
      %dma_wait3A_580 = tpu.memref_slice %arg9[%dma_wait3A_578, %dma_wait3A_579] : memref<1600x32xf32, #tpu.memory_space<vmem>> -> memref<80x32xf32, #tpu.memory_space<vmem>>
      %dma_wait3A_581 = arith.constant 640 : i32
      %dma_wait3A_582 = tpu.memref_slice %arg7[%dma_wait3A_581] : memref<1600xi32, #tpu.memory_space<vmem>> -> memref<80xi32, #tpu.memory_space<vmem>>
      %dma_wait3A_583 = arith.constant 0 : i32
      %dma_wait3A_584 = arith.constant 0 : i32
      %dma_wait3A_585 = tpu.memref_slice %arg4[%dma_wait3A_583, %dma_wait3A_584] : memref<1000001x32xf32, #tpu.memory_space<hbm>> -> memref<1000001x32xf32, #tpu.memory_space<hbm>>
      tpu.wait_indirect_dma semaphore(%arg13 : memref<!tpu.dma_semaphore, #tpu.memory_space<semaphore_mem>>) src(%dma_wait3A_585 : memref<1000001x32xf32, #tpu.memory_space<hbm>>) dst(%dma_wait3A_580 : memref<80x32xf32, #tpu.memory_space<vmem>>)
      %dma_wait3A_586 = arith.constant 720 : i32
      %dma_wait3A_587 = arith.constant 0 : i32
      %dma_wait3A_588 = tpu.memref_slice %arg9[%dma_wait3A_586, %dma_wait3A_587] : memref<1600x32xf32, #tpu.memory_space<vmem>> -> memref<80x32xf32, #tpu.memory_space<vmem>>
      %dma_wait3A_589 = arith.constant 720 : i32
      %dma_wait3A_590 = tpu.memref_slice %arg7[%dma_wait3A_589] : memref<1600xi32, #tpu.memory_space<vmem>> -> memref<80xi32, #tpu.memory_space<vmem>>
      %dma_wait3A_591 = arith.constant 0 : i32
      %dma_wait3A_592 = arith.constant 0 : i32
      %dma_wait3A_593 = tpu.memref_slice %arg4[%dma_wait3A_591, %dma_wait3A_592] : memref<1000001x32xf32, #tpu.memory_space<hbm>> -> memref<1000001x32xf32, #tpu.memory_space<hbm>>
      tpu.wait_indirect_dma semaphore(%arg13 : memref<!tpu.dma_semaphore, #tpu.memory_space<semaphore_mem>>) src(%dma_wait3A_593 : memref<1000001x32xf32, #tpu.memory_space<hbm>>) dst(%dma_wait3A_588 : memref<80x32xf32, #tpu.memory_space<vmem>>)
      %dma_wait3A_594 = arith.constant 800 : i32
      %dma_wait3A_595 = arith.constant 0 : i32
      %dma_wait3A_596 = tpu.memref_slice %arg9[%dma_wait3A_594, %dma_wait3A_595] : memref<1600x32xf32, #tpu.memory_space<vmem>> -> memref<80x32xf32, #tpu.memory_space<vmem>>
      %dma_wait3A_597 = arith.constant 800 : i32
      %dma_wait3A_598 = tpu.memref_slice %arg7[%dma_wait3A_597] : memref<1600xi32, #tpu.memory_space<vmem>> -> memref<80xi32, #tpu.memory_space<vmem>>
      %dma_wait3A_599 = arith.constant 0 : i32
      %dma_wait3A_600 = arith.constant 0 : i32
      %dma_wait3A_601 = tpu.memref_slice %arg4[%dma_wait3A_599, %dma_wait3A_600] : memref<1000001x32xf32, #tpu.memory_space<hbm>> -> memref<1000001x32xf32, #tpu.memory_space<hbm>>
      tpu.wait_indirect_dma semaphore(%arg13 : memref<!tpu.dma_semaphore, #tpu.memory_space<semaphore_mem>>) src(%dma_wait3A_601 : memref<1000001x32xf32, #tpu.memory_space<hbm>>) dst(%dma_wait3A_596 : memref<80x32xf32, #tpu.memory_space<vmem>>)
      %dma_wait3A_602 = arith.constant 880 : i32
      %dma_wait3A_603 = arith.constant 0 : i32
      %dma_wait3A_604 = tpu.memref_slice %arg9[%dma_wait3A_602, %dma_wait3A_603] : memref<1600x32xf32, #tpu.memory_space<vmem>> -> memref<80x32xf32, #tpu.memory_space<vmem>>
      %dma_wait3A_605 = arith.constant 880 : i32
      %dma_wait3A_606 = tpu.memref_slice %arg7[%dma_wait3A_605] : memref<1600xi32, #tpu.memory_space<vmem>> -> memref<80xi32, #tpu.memory_space<vmem>>
      %dma_wait3A_607 = arith.constant 0 : i32
      %dma_wait3A_608 = arith.constant 0 : i32
      %dma_wait3A_609 = tpu.memref_slice %arg4[%dma_wait3A_607, %dma_wait3A_608] : memref<1000001x32xf32, #tpu.memory_space<hbm>> -> memref<1000001x32xf32, #tpu.memory_space<hbm>>
      tpu.wait_indirect_dma semaphore(%arg13 : memref<!tpu.dma_semaphore, #tpu.memory_space<semaphore_mem>>) src(%dma_wait3A_609 : memref<1000001x32xf32, #tpu.memory_space<hbm>>) dst(%dma_wait3A_604 : memref<80x32xf32, #tpu.memory_space<vmem>>)
      %dma_wait3A_610 = arith.constant 960 : i32
      %dma_wait3A_611 = arith.constant 0 : i32
      %dma_wait3A_612 = tpu.memref_slice %arg9[%dma_wait3A_610, %dma_wait3A_611] : memref<1600x32xf32, #tpu.memory_space<vmem>> -> memref<80x32xf32, #tpu.memory_space<vmem>>
      %dma_wait3A_613 = arith.constant 960 : i32
      %dma_wait3A_614 = tpu.memref_slice %arg7[%dma_wait3A_613] : memref<1600xi32, #tpu.memory_space<vmem>> -> memref<80xi32, #tpu.memory_space<vmem>>
      %dma_wait3A_615 = arith.constant 0 : i32
      %dma_wait3A_616 = arith.constant 0 : i32
      %dma_wait3A_617 = tpu.memref_slice %arg4[%dma_wait3A_615, %dma_wait3A_616] : memref<1000001x32xf32, #tpu.memory_space<hbm>> -> memref<1000001x32xf32, #tpu.memory_space<hbm>>
      tpu.wait_indirect_dma semaphore(%arg13 : memref<!tpu.dma_semaphore, #tpu.memory_space<semaphore_mem>>) src(%dma_wait3A_617 : memref<1000001x32xf32, #tpu.memory_space<hbm>>) dst(%dma_wait3A_612 : memref<80x32xf32, #tpu.memory_space<vmem>>)
      %dma_wait3A_618 = arith.constant 1040 : i32
      %dma_wait3A_619 = arith.constant 0 : i32
      %dma_wait3A_620 = tpu.memref_slice %arg9[%dma_wait3A_618, %dma_wait3A_619] : memref<1600x32xf32, #tpu.memory_space<vmem>> -> memref<80x32xf32, #tpu.memory_space<vmem>>
      %dma_wait3A_621 = arith.constant 1040 : i32
      %dma_wait3A_622 = tpu.memref_slice %arg7[%dma_wait3A_621] : memref<1600xi32, #tpu.memory_space<vmem>> -> memref<80xi32, #tpu.memory_space<vmem>>
      %dma_wait3A_623 = arith.constant 0 : i32
      %dma_wait3A_624 = arith.constant 0 : i32
      %dma_wait3A_625 = tpu.memref_slice %arg4[%dma_wait3A_623, %dma_wait3A_624] : memref<1000001x32xf32, #tpu.memory_space<hbm>> -> memref<1000001x32xf32, #tpu.memory_space<hbm>>
      tpu.wait_indirect_dma semaphore(%arg13 : memref<!tpu.dma_semaphore, #tpu.memory_space<semaphore_mem>>) src(%dma_wait3A_625 : memref<1000001x32xf32, #tpu.memory_space<hbm>>) dst(%dma_wait3A_620 : memref<80x32xf32, #tpu.memory_space<vmem>>)
      %dma_wait3A_626 = arith.constant 1120 : i32
      %dma_wait3A_627 = arith.constant 0 : i32
      %dma_wait3A_628 = tpu.memref_slice %arg9[%dma_wait3A_626, %dma_wait3A_627] : memref<1600x32xf32, #tpu.memory_space<vmem>> -> memref<80x32xf32, #tpu.memory_space<vmem>>
      %dma_wait3A_629 = arith.constant 1120 : i32
      %dma_wait3A_630 = tpu.memref_slice %arg7[%dma_wait3A_629] : memref<1600xi32, #tpu.memory_space<vmem>> -> memref<80xi32, #tpu.memory_space<vmem>>
      %dma_wait3A_631 = arith.constant 0 : i32
      %dma_wait3A_632 = arith.constant 0 : i32
      %dma_wait3A_633 = tpu.memref_slice %arg4[%dma_wait3A_631, %dma_wait3A_632] : memref<1000001x32xf32, #tpu.memory_space<hbm>> -> memref<1000001x32xf32, #tpu.memory_space<hbm>>
      tpu.wait_indirect_dma semaphore(%arg13 : memref<!tpu.dma_semaphore, #tpu.memory_space<semaphore_mem>>) src(%dma_wait3A_633 : memref<1000001x32xf32, #tpu.memory_space<hbm>>) dst(%dma_wait3A_628 : memref<80x32xf32, #tpu.memory_space<vmem>>)
      %dma_wait3A_634 = arith.constant 1200 : i32
      %dma_wait3A_635 = arith.constant 0 : i32
      %dma_wait3A_636 = tpu.memref_slice %arg9[%dma_wait3A_634, %dma_wait3A_635] : memref<1600x32xf32, #tpu.memory_space<vmem>> -> memref<80x32xf32, #tpu.memory_space<vmem>>
      %dma_wait3A_637 = arith.constant 1200 : i32
      %dma_wait3A_638 = tpu.memref_slice %arg7[%dma_wait3A_637] : memref<1600xi32, #tpu.memory_space<vmem>> -> memref<80xi32, #tpu.memory_space<vmem>>
      %dma_wait3A_639 = arith.constant 0 : i32
      %dma_wait3A_640 = arith.constant 0 : i32
      %dma_wait3A_641 = tpu.memref_slice %arg4[%dma_wait3A_639, %dma_wait3A_640] : memref<1000001x32xf32, #tpu.memory_space<hbm>> -> memref<1000001x32xf32, #tpu.memory_space<hbm>>
      tpu.wait_indirect_dma semaphore(%arg13 : memref<!tpu.dma_semaphore, #tpu.memory_space<semaphore_mem>>) src(%dma_wait3A_641 : memref<1000001x32xf32, #tpu.memory_space<hbm>>) dst(%dma_wait3A_636 : memref<80x32xf32, #tpu.memory_space<vmem>>)
      %dma_wait3A_642 = arith.constant 1280 : i32
      %dma_wait3A_643 = arith.constant 0 : i32
      %dma_wait3A_644 = tpu.memref_slice %arg9[%dma_wait3A_642, %dma_wait3A_643] : memref<1600x32xf32, #tpu.memory_space<vmem>> -> memref<80x32xf32, #tpu.memory_space<vmem>>
      %dma_wait3A_645 = arith.constant 1280 : i32
      %dma_wait3A_646 = tpu.memref_slice %arg7[%dma_wait3A_645] : memref<1600xi32, #tpu.memory_space<vmem>> -> memref<80xi32, #tpu.memory_space<vmem>>
      %dma_wait3A_647 = arith.constant 0 : i32
      %dma_wait3A_648 = arith.constant 0 : i32
      %dma_wait3A_649 = tpu.memref_slice %arg4[%dma_wait3A_647, %dma_wait3A_648] : memref<1000001x32xf32, #tpu.memory_space<hbm>> -> memref<1000001x32xf32, #tpu.memory_space<hbm>>
      tpu.wait_indirect_dma semaphore(%arg13 : memref<!tpu.dma_semaphore, #tpu.memory_space<semaphore_mem>>) src(%dma_wait3A_649 : memref<1000001x32xf32, #tpu.memory_space<hbm>>) dst(%dma_wait3A_644 : memref<80x32xf32, #tpu.memory_space<vmem>>)
      %dma_wait3A_650 = arith.constant 1360 : i32
      %dma_wait3A_651 = arith.constant 0 : i32
      %dma_wait3A_652 = tpu.memref_slice %arg9[%dma_wait3A_650, %dma_wait3A_651] : memref<1600x32xf32, #tpu.memory_space<vmem>> -> memref<80x32xf32, #tpu.memory_space<vmem>>
      %dma_wait3A_653 = arith.constant 1360 : i32
      %dma_wait3A_654 = tpu.memref_slice %arg7[%dma_wait3A_653] : memref<1600xi32, #tpu.memory_space<vmem>> -> memref<80xi32, #tpu.memory_space<vmem>>
      %dma_wait3A_655 = arith.constant 0 : i32
      %dma_wait3A_656 = arith.constant 0 : i32
      %dma_wait3A_657 = tpu.memref_slice %arg4[%dma_wait3A_655, %dma_wait3A_656] : memref<1000001x32xf32, #tpu.memory_space<hbm>> -> memref<1000001x32xf32, #tpu.memory_space<hbm>>
      tpu.wait_indirect_dma semaphore(%arg13 : memref<!tpu.dma_semaphore, #tpu.memory_space<semaphore_mem>>) src(%dma_wait3A_657 : memref<1000001x32xf32, #tpu.memory_space<hbm>>) dst(%dma_wait3A_652 : memref<80x32xf32, #tpu.memory_space<vmem>>)
      %dma_wait3A_658 = arith.constant 1440 : i32
      %dma_wait3A_659 = arith.constant 0 : i32
      %dma_wait3A_660 = tpu.memref_slice %arg9[%dma_wait3A_658, %dma_wait3A_659] : memref<1600x32xf32, #tpu.memory_space<vmem>> -> memref<80x32xf32, #tpu.memory_space<vmem>>
      %dma_wait3A_661 = arith.constant 1440 : i32
      %dma_wait3A_662 = tpu.memref_slice %arg7[%dma_wait3A_661] : memref<1600xi32, #tpu.memory_space<vmem>> -> memref<80xi32, #tpu.memory_space<vmem>>
      %dma_wait3A_663 = arith.constant 0 : i32
      %dma_wait3A_664 = arith.constant 0 : i32
      %dma_wait3A_665 = tpu.memref_slice %arg4[%dma_wait3A_663, %dma_wait3A_664] : memref<1000001x32xf32, #tpu.memory_space<hbm>> -> memref<1000001x32xf32, #tpu.memory_space<hbm>>
      tpu.wait_indirect_dma semaphore(%arg13 : memref<!tpu.dma_semaphore, #tpu.memory_space<semaphore_mem>>) src(%dma_wait3A_665 : memref<1000001x32xf32, #tpu.memory_space<hbm>>) dst(%dma_wait3A_660 : memref<80x32xf32, #tpu.memory_space<vmem>>)
      %dma_wait3A_666 = arith.constant 1520 : i32
      %dma_wait3A_667 = arith.constant 0 : i32
      %dma_wait3A_668 = tpu.memref_slice %arg9[%dma_wait3A_666, %dma_wait3A_667] : memref<1600x32xf32, #tpu.memory_space<vmem>> -> memref<80x32xf32, #tpu.memory_space<vmem>>
      %dma_wait3A_669 = arith.constant 1520 : i32
      %dma_wait3A_670 = tpu.memref_slice %arg7[%dma_wait3A_669] : memref<1600xi32, #tpu.memory_space<vmem>> -> memref<80xi32, #tpu.memory_space<vmem>>
      %dma_wait3A_671 = arith.constant 0 : i32
      %dma_wait3A_672 = arith.constant 0 : i32
      %dma_wait3A_673 = tpu.memref_slice %arg4[%dma_wait3A_671, %dma_wait3A_672] : memref<1000001x32xf32, #tpu.memory_space<hbm>> -> memref<1000001x32xf32, #tpu.memory_space<hbm>>
      tpu.wait_indirect_dma semaphore(%arg13 : memref<!tpu.dma_semaphore, #tpu.memory_space<semaphore_mem>>) src(%dma_wait3A_673 : memref<1000001x32xf32, #tpu.memory_space<hbm>>) dst(%dma_wait3A_668 : memref<80x32xf32, #tpu.memory_space<vmem>>)
      %add3A_674 = arith.constant 1 : i32
      %add3A_675 = arith.addi %mul3A_12, %add3A_674 : i32
      %scan3A_676 = arith.constant 0 : i32
      %scan3A_677 = arith.constant 0 : i32
      %scan3A_678 = arith.constant 16 : i32
      %scan3A_679 = arith.addi %scan3A_677, %scan3A_678 : i32
      %scan3A_680 = arith.constant 1 : i32
      scf.for %scan3A_686 = %scan3A_677 to %scan3A_679 step %scan3A_680  : i32 {
        %mul3A_687 = arith.constant 2 : i32
        %mul3A_688 = arith.muli %scan3A_686, %mul3A_687 : i32
        %add3A_689 = arith.constant 0 : i32
        %add3A_690 = arith.addi %mul3A_688, %add3A_689 : i32
        %mul3A_691 = arith.constant 50 : i32
        %mul3A_692 = arith.muli %add3A_690, %mul3A_691 : i32
        %get3A = arith.index_cast %mul3A_692 : i32 to index
        %get3A_693 = arith.constant 0 : index
        %get3A_694 = tpu.vector_load %arg9[%get3A, %get3A_693] {strides = array<i32>} : memref<1600x32xf32, #tpu.memory_space<vmem>>, vector<1x16xf32>,
        %get3A_695 = vector.shape_cast %get3A_694 : vector<1x16xf32> to vector<16xf32>
        %get3A_696 = arith.index_cast %mul3A_692 : i32 to index
        %get3A_697 = arith.constant 16 : index
        %get3A_698 = tpu.vector_load %arg9[%get3A_696, %get3A_697] {strides = array<i32>} : memref<1600x32xf32, #tpu.memory_space<vmem>>, vector<1x16xf32>,
        %get3A_699 = vector.shape_cast %get3A_698 : vector<1x16xf32> to vector<16xf32>
        %add3A_700 = arith.constant 1 : i32
        %add3A_701 = arith.addi %mul3A_692, %add3A_700 : i32
        %get3A_702 = arith.index_cast %add3A_701 : i32 to index
        %get3A_703 = arith.constant 0 : index
        %get3A_704 = tpu.vector_load %arg9[%get3A_702, %get3A_703] {strides = array<i32>} : memref<1600x32xf32, #tpu.memory_space<vmem>>, vector<1x16xf32>,
        %get3A_705 = vector.shape_cast %get3A_704 : vector<1x16xf32> to vector<16xf32>
        %add3A_706 = arith.addf %get3A_695, %get3A_705 : vector<16xf32>
        %add3A_707 = arith.constant 1 : i32
        %add3A_708 = arith.addi %mul3A_692, %add3A_707 : i32
        %get3A_709 = arith.index_cast %add3A_708 : i32 to index
        %get3A_710 = arith.constant 16 : index
        %get3A_711 = tpu.vector_load %arg9[%get3A_709, %get3A_710] {strides = array<i32>} : memref<1600x32xf32, #tpu.memory_space<vmem>>, vector<1x16xf32>,
        %get3A_712 = vector.shape_cast %get3A_711 : vector<1x16xf32> to vector<16xf32>
        %add3A_713 = arith.addf %get3A_699, %get3A_712 : vector<16xf32>
        %add3A_714 = arith.constant 2 : i32
        %add3A_715 = arith.addi %mul3A_692, %add3A_714 : i32
        %get3A_716 = arith.index_cast %add3A_715 : i32 to index
        %get3A_717 = arith.constant 0 : index
        %get3A_718 = tpu.vector_load %arg9[%get3A_716, %get3A_717] {strides = array<i32>} : memref<1600x32xf32, #tpu.memory_space<vmem>>, vector<1x16xf32>,
        %get3A_719 = vector.shape_cast %get3A_718 : vector<1x16xf32> to vector<16xf32>
        %add3A_720 = arith.addf %add3A_706, %get3A_719 : vector<16xf32>
        %add3A_721 = arith.constant 2 : i32
        %add3A_722 = arith.addi %mul3A_692, %add3A_721 : i32
        %get3A_723 = arith.index_cast %add3A_722 : i32 to index
        %get3A_724 = arith.constant 16 : index
        %get3A_725 = tpu.vector_load %arg9[%get3A_723, %get3A_724] {strides = array<i32>} : memref<1600x32xf32, #tpu.memory_space<vmem>>, vector<1x16xf32>,
        %get3A_726 = vector.shape_cast %get3A_725 : vector<1x16xf32> to vector<16xf32>
        %add3A_727 = arith.addf %add3A_713, %get3A_726 : vector<16xf32>
        %add3A_728 = arith.constant 3 : i32
        %add3A_729 = arith.addi %mul3A_692, %add3A_728 : i32
        %get3A_730 = arith.index_cast %add3A_729 : i32 to index
        %get3A_731 = arith.constant 0 : index
        %get3A_732 = tpu.vector_load %arg9[%get3A_730, %get3A_731] {strides = array<i32>} : memref<1600x32xf32, #tpu.memory_space<vmem>>, vector<1x16xf32>,
        %get3A_733 = vector.shape_cast %get3A_732 : vector<1x16xf32> to vector<16xf32>
        %add3A_734 = arith.addf %add3A_720, %get3A_733 : vector<16xf32>
        %add3A_735 = arith.constant 3 : i32
        %add3A_736 = arith.addi %mul3A_692, %add3A_735 : i32
        %get3A_737 = arith.index_cast %add3A_736 : i32 to index
        %get3A_738 = arith.constant 16 : index
        %get3A_739 = tpu.vector_load %arg9[%get3A_737, %get3A_738] {strides = array<i32>} : memref<1600x32xf32, #tpu.memory_space<vmem>>, vector<1x16xf32>,
        %get3A_740 = vector.shape_cast %get3A_739 : vector<1x16xf32> to vector<16xf32>
        %add3A_741 = arith.addf %add3A_727, %get3A_740 : vector<16xf32>
        %add3A_742 = arith.constant 4 : i32
        %add3A_743 = arith.addi %mul3A_692, %add3A_742 : i32
        %get3A_744 = arith.index_cast %add3A_743 : i32 to index
        %get3A_745 = arith.constant 0 : index
        %get3A_746 = tpu.vector_load %arg9[%get3A_744, %get3A_745] {strides = array<i32>} : memref<1600x32xf32, #tpu.memory_space<vmem>>, vector<1x16xf32>,
        %get3A_747 = vector.shape_cast %get3A_746 : vector<1x16xf32> to vector<16xf32>
        %add3A_748 = arith.addf %add3A_734, %get3A_747 : vector<16xf32>
        %add3A_749 = arith.constant 4 : i32
        %add3A_750 = arith.addi %mul3A_692, %add3A_749 : i32
        %get3A_751 = arith.index_cast %add3A_750 : i32 to index
        %get3A_752 = arith.constant 16 : index
        %get3A_753 = tpu.vector_load %arg9[%get3A_751, %get3A_752] {strides = array<i32>} : memref<1600x32xf32, #tpu.memory_space<vmem>>, vector<1x16xf32>,
        %get3A_754 = vector.shape_cast %get3A_753 : vector<1x16xf32> to vector<16xf32>
        %add3A_755 = arith.addf %add3A_741, %get3A_754 : vector<16xf32>
        %add3A_756 = arith.constant 5 : i32
        %add3A_757 = arith.addi %mul3A_692, %add3A_756 : i32
        %get3A_758 = arith.index_cast %add3A_757 : i32 to index
        %get3A_759 = arith.constant 0 : index
        %get3A_760 = tpu.vector_load %arg9[%get3A_758, %get3A_759] {strides = array<i32>} : memref<1600x32xf32, #tpu.memory_space<vmem>>, vector<1x16xf32>,
        %get3A_761 = vector.shape_cast %get3A_760 : vector<1x16xf32> to vector<16xf32>
        %add3A_762 = arith.addf %add3A_748, %get3A_761 : vector<16xf32>
        %add3A_763 = arith.constant 5 : i32
        %add3A_764 = arith.addi %mul3A_692, %add3A_763 : i32
        %get3A_765 = arith.index_cast %add3A_764 : i32 to index
        %get3A_766 = arith.constant 16 : index
        %get3A_767 = tpu.vector_load %arg9[%get3A_765, %get3A_766] {strides = array<i32>} : memref<1600x32xf32, #tpu.memory_space<vmem>>, vector<1x16xf32>,
        %get3A_768 = vector.shape_cast %get3A_767 : vector<1x16xf32> to vector<16xf32>
        %add3A_769 = arith.addf %add3A_755, %get3A_768 : vector<16xf32>
        %add3A_770 = arith.constant 6 : i32
        %add3A_771 = arith.addi %mul3A_692, %add3A_770 : i32
        %get3A_772 = arith.index_cast %add3A_771 : i32 to index
        %get3A_773 = arith.constant 0 : index
        %get3A_774 = tpu.vector_load %arg9[%get3A_772, %get3A_773] {strides = array<i32>} : memref<1600x32xf32, #tpu.memory_space<vmem>>, vector<1x16xf32>,
        %get3A_775 = vector.shape_cast %get3A_774 : vector<1x16xf32> to vector<16xf32>
        %add3A_776 = arith.addf %add3A_762, %get3A_775 : vector<16xf32>
        %add3A_777 = arith.constant 6 : i32
        %add3A_778 = arith.addi %mul3A_692, %add3A_777 : i32
        %get3A_779 = arith.index_cast %add3A_778 : i32 to index
        %get3A_780 = arith.constant 16 : index
        %get3A_781 = tpu.vector_load %arg9[%get3A_779, %get3A_780] {strides = array<i32>} : memref<1600x32xf32, #tpu.memory_space<vmem>>, vector<1x16xf32>,
        %get3A_782 = vector.shape_cast %get3A_781 : vector<1x16xf32> to vector<16xf32>
        %add3A_783 = arith.addf %add3A_769, %get3A_782 : vector<16xf32>
        %add3A_784 = arith.constant 7 : i32
        %add3A_785 = arith.addi %mul3A_692, %add3A_784 : i32
        %get3A_786 = arith.index_cast %add3A_785 : i32 to index
        %get3A_787 = arith.constant 0 : index
        %get3A_788 = tpu.vector_load %arg9[%get3A_786, %get3A_787] {strides = array<i32>} : memref<1600x32xf32, #tpu.memory_space<vmem>>, vector<1x16xf32>,
        %get3A_789 = vector.shape_cast %get3A_788 : vector<1x16xf32> to vector<16xf32>
        %add3A_790 = arith.addf %add3A_776, %get3A_789 : vector<16xf32>
        %add3A_791 = arith.constant 7 : i32
        %add3A_792 = arith.addi %mul3A_692, %add3A_791 : i32
        %get3A_793 = arith.index_cast %add3A_792 : i32 to index
        %get3A_794 = arith.constant 16 : index
        %get3A_795 = tpu.vector_load %arg9[%get3A_793, %get3A_794] {strides = array<i32>} : memref<1600x32xf32, #tpu.memory_space<vmem>>, vector<1x16xf32>,
        %get3A_796 = vector.shape_cast %get3A_795 : vector<1x16xf32> to vector<16xf32>
        %add3A_797 = arith.addf %add3A_783, %get3A_796 : vector<16xf32>
        %add3A_798 = arith.constant 8 : i32
        %add3A_799 = arith.addi %mul3A_692, %add3A_798 : i32
        %get3A_800 = arith.index_cast %add3A_799 : i32 to index
        %get3A_801 = arith.constant 0 : index
        %get3A_802 = tpu.vector_load %arg9[%get3A_800, %get3A_801] {strides = array<i32>} : memref<1600x32xf32, #tpu.memory_space<vmem>>, vector<1x16xf32>,
        %get3A_803 = vector.shape_cast %get3A_802 : vector<1x16xf32> to vector<16xf32>
        %add3A_804 = arith.addf %add3A_790, %get3A_803 : vector<16xf32>
        %add3A_805 = arith.constant 8 : i32
        %add3A_806 = arith.addi %mul3A_692, %add3A_805 : i32
        %get3A_807 = arith.index_cast %add3A_806 : i32 to index
        %get3A_808 = arith.constant 16 : index
        %get3A_809 = tpu.vector_load %arg9[%get3A_807, %get3A_808] {strides = array<i32>} : memref<1600x32xf32, #tpu.memory_space<vmem>>, vector<1x16xf32>,
        %get3A_810 = vector.shape_cast %get3A_809 : vector<1x16xf32> to vector<16xf32>
        %add3A_811 = arith.addf %add3A_797, %get3A_810 : vector<16xf32>
        %add3A_812 = arith.constant 9 : i32
        %add3A_813 = arith.addi %mul3A_692, %add3A_812 : i32
        %get3A_814 = arith.index_cast %add3A_813 : i32 to index
        %get3A_815 = arith.constant 0 : index
        %get3A_816 = tpu.vector_load %arg9[%get3A_814, %get3A_815] {strides = array<i32>} : memref<1600x32xf32, #tpu.memory_space<vmem>>, vector<1x16xf32>,
        %get3A_817 = vector.shape_cast %get3A_816 : vector<1x16xf32> to vector<16xf32>
        %add3A_818 = arith.addf %add3A_804, %get3A_817 : vector<16xf32>
        %add3A_819 = arith.constant 9 : i32
        %add3A_820 = arith.addi %mul3A_692, %add3A_819 : i32
        %get3A_821 = arith.index_cast %add3A_820 : i32 to index
        %get3A_822 = arith.constant 16 : index
        %get3A_823 = tpu.vector_load %arg9[%get3A_821, %get3A_822] {strides = array<i32>} : memref<1600x32xf32, #tpu.memory_space<vmem>>, vector<1x16xf32>,
        %get3A_824 = vector.shape_cast %get3A_823 : vector<1x16xf32> to vector<16xf32>
        %add3A_825 = arith.addf %add3A_811, %get3A_824 : vector<16xf32>
        %add3A_826 = arith.constant 10 : i32
        %add3A_827 = arith.addi %mul3A_692, %add3A_826 : i32
        %get3A_828 = arith.index_cast %add3A_827 : i32 to index
        %get3A_829 = arith.constant 0 : index
        %get3A_830 = tpu.vector_load %arg9[%get3A_828, %get3A_829] {strides = array<i32>} : memref<1600x32xf32, #tpu.memory_space<vmem>>, vector<1x16xf32>,
        %get3A_831 = vector.shape_cast %get3A_830 : vector<1x16xf32> to vector<16xf32>
        %add3A_832 = arith.addf %add3A_818, %get3A_831 : vector<16xf32>
        %add3A_833 = arith.constant 10 : i32
        %add3A_834 = arith.addi %mul3A_692, %add3A_833 : i32
        %get3A_835 = arith.index_cast %add3A_834 : i32 to index
        %get3A_836 = arith.constant 16 : index
        %get3A_837 = tpu.vector_load %arg9[%get3A_835, %get3A_836] {strides = array<i32>} : memref<1600x32xf32, #tpu.memory_space<vmem>>, vector<1x16xf32>,
        %get3A_838 = vector.shape_cast %get3A_837 : vector<1x16xf32> to vector<16xf32>
        %add3A_839 = arith.addf %add3A_825, %get3A_838 : vector<16xf32>
        %add3A_840 = arith.constant 11 : i32
        %add3A_841 = arith.addi %mul3A_692, %add3A_840 : i32
        %get3A_842 = arith.index_cast %add3A_841 : i32 to index
        %get3A_843 = arith.constant 0 : index
        %get3A_844 = tpu.vector_load %arg9[%get3A_842, %get3A_843] {strides = array<i32>} : memref<1600x32xf32, #tpu.memory_space<vmem>>, vector<1x16xf32>,
        %get3A_845 = vector.shape_cast %get3A_844 : vector<1x16xf32> to vector<16xf32>
        %add3A_846 = arith.addf %add3A_832, %get3A_845 : vector<16xf32>
        %add3A_847 = arith.constant 11 : i32
        %add3A_848 = arith.addi %mul3A_692, %add3A_847 : i32
        %get3A_849 = arith.index_cast %add3A_848 : i32 to index
        %get3A_850 = arith.constant 16 : index
        %get3A_851 = tpu.vector_load %arg9[%get3A_849, %get3A_850] {strides = array<i32>} : memref<1600x32xf32, #tpu.memory_space<vmem>>, vector<1x16xf32>,
        %get3A_852 = vector.shape_cast %get3A_851 : vector<1x16xf32> to vector<16xf32>
        %add3A_853 = arith.addf %add3A_839, %get3A_852 : vector<16xf32>
        %add3A_854 = arith.constant 12 : i32
        %add3A_855 = arith.addi %mul3A_692, %add3A_854 : i32
        %get3A_856 = arith.index_cast %add3A_855 : i32 to index
        %get3A_857 = arith.constant 0 : index
        %get3A_858 = tpu.vector_load %arg9[%get3A_856, %get3A_857] {strides = array<i32>} : memref<1600x32xf32, #tpu.memory_space<vmem>>, vector<1x16xf32>,
        %get3A_859 = vector.shape_cast %get3A_858 : vector<1x16xf32> to vector<16xf32>
        %add3A_860 = arith.addf %add3A_846, %get3A_859 : vector<16xf32>
        %add3A_861 = arith.constant 12 : i32
        %add3A_862 = arith.addi %mul3A_692, %add3A_861 : i32
        %get3A_863 = arith.index_cast %add3A_862 : i32 to index
        %get3A_864 = arith.constant 16 : index
        %get3A_865 = tpu.vector_load %arg9[%get3A_863, %get3A_864] {strides = array<i32>} : memref<1600x32xf32, #tpu.memory_space<vmem>>, vector<1x16xf32>,
        %get3A_866 = vector.shape_cast %get3A_865 : vector<1x16xf32> to vector<16xf32>
        %add3A_867 = arith.addf %add3A_853, %get3A_866 : vector<16xf32>
        %add3A_868 = arith.constant 13 : i32
        %add3A_869 = arith.addi %mul3A_692, %add3A_868 : i32
        %get3A_870 = arith.index_cast %add3A_869 : i32 to index
        %get3A_871 = arith.constant 0 : index
        %get3A_872 = tpu.vector_load %arg9[%get3A_870, %get3A_871] {strides = array<i32>} : memref<1600x32xf32, #tpu.memory_space<vmem>>, vector<1x16xf32>,
        %get3A_873 = vector.shape_cast %get3A_872 : vector<1x16xf32> to vector<16xf32>
        %add3A_874 = arith.addf %add3A_860, %get3A_873 : vector<16xf32>
        %add3A_875 = arith.constant 13 : i32
        %add3A_876 = arith.addi %mul3A_692, %add3A_875 : i32
        %get3A_877 = arith.index_cast %add3A_876 : i32 to index
        %get3A_878 = arith.constant 16 : index
        %get3A_879 = tpu.vector_load %arg9[%get3A_877, %get3A_878] {strides = array<i32>} : memref<1600x32xf32, #tpu.memory_space<vmem>>, vector<1x16xf32>,
        %get3A_880 = vector.shape_cast %get3A_879 : vector<1x16xf32> to vector<16xf32>
        %add3A_881 = arith.addf %add3A_867, %get3A_880 : vector<16xf32>
        %add3A_882 = arith.constant 14 : i32
        %add3A_883 = arith.addi %mul3A_692, %add3A_882 : i32
        %get3A_884 = arith.index_cast %add3A_883 : i32 to index
        %get3A_885 = arith.constant 0 : index
        %get3A_886 = tpu.vector_load %arg9[%get3A_884, %get3A_885] {strides = array<i32>} : memref<1600x32xf32, #tpu.memory_space<vmem>>, vector<1x16xf32>,
        %get3A_887 = vector.shape_cast %get3A_886 : vector<1x16xf32> to vector<16xf32>
        %add3A_888 = arith.addf %add3A_874, %get3A_887 : vector<16xf32>
        %add3A_889 = arith.constant 14 : i32
        %add3A_890 = arith.addi %mul3A_692, %add3A_889 : i32
        %get3A_891 = arith.index_cast %add3A_890 : i32 to index
        %get3A_892 = arith.constant 16 : index
        %get3A_893 = tpu.vector_load %arg9[%get3A_891, %get3A_892] {strides = array<i32>} : memref<1600x32xf32, #tpu.memory_space<vmem>>, vector<1x16xf32>,
        %get3A_894 = vector.shape_cast %get3A_893 : vector<1x16xf32> to vector<16xf32>
        %add3A_895 = arith.addf %add3A_881, %get3A_894 : vector<16xf32>
        %add3A_896 = arith.constant 15 : i32
        %add3A_897 = arith.addi %mul3A_692, %add3A_896 : i32
        %get3A_898 = arith.index_cast %add3A_897 : i32 to index
        %get3A_899 = arith.constant 0 : index
        %get3A_900 = tpu.vector_load %arg9[%get3A_898, %get3A_899] {strides = array<i32>} : memref<1600x32xf32, #tpu.memory_space<vmem>>, vector<1x16xf32>,
        %get3A_901 = vector.shape_cast %get3A_900 : vector<1x16xf32> to vector<16xf32>
        %add3A_902 = arith.addf %add3A_888, %get3A_901 : vector<16xf32>
        %add3A_903 = arith.constant 15 : i32
        %add3A_904 = arith.addi %mul3A_692, %add3A_903 : i32
        %get3A_905 = arith.index_cast %add3A_904 : i32 to index
        %get3A_906 = arith.constant 16 : index
        %get3A_907 = tpu.vector_load %arg9[%get3A_905, %get3A_906] {strides = array<i32>} : memref<1600x32xf32, #tpu.memory_space<vmem>>, vector<1x16xf32>,
        %get3A_908 = vector.shape_cast %get3A_907 : vector<1x16xf32> to vector<16xf32>
        %add3A_909 = arith.addf %add3A_895, %get3A_908 : vector<16xf32>
        %add3A_910 = arith.constant 16 : i32
        %add3A_911 = arith.addi %mul3A_692, %add3A_910 : i32
        %get3A_912 = arith.index_cast %add3A_911 : i32 to index
        %get3A_913 = arith.constant 0 : index
        %get3A_914 = tpu.vector_load %arg9[%get3A_912, %get3A_913] {strides = array<i32>} : memref<1600x32xf32, #tpu.memory_space<vmem>>, vector<1x16xf32>,
        %get3A_915 = vector.shape_cast %get3A_914 : vector<1x16xf32> to vector<16xf32>
        %add3A_916 = arith.addf %add3A_902, %get3A_915 : vector<16xf32>
        %add3A_917 = arith.constant 16 : i32
        %add3A_918 = arith.addi %mul3A_692, %add3A_917 : i32
        %get3A_919 = arith.index_cast %add3A_918 : i32 to index
        %get3A_920 = arith.constant 16 : index
        %get3A_921 = tpu.vector_load %arg9[%get3A_919, %get3A_920] {strides = array<i32>} : memref<1600x32xf32, #tpu.memory_space<vmem>>, vector<1x16xf32>,
        %get3A_922 = vector.shape_cast %get3A_921 : vector<1x16xf32> to vector<16xf32>
        %add3A_923 = arith.addf %add3A_909, %get3A_922 : vector<16xf32>
        %add3A_924 = arith.constant 17 : i32
        %add3A_925 = arith.addi %mul3A_692, %add3A_924 : i32
        %get3A_926 = arith.index_cast %add3A_925 : i32 to index
        %get3A_927 = arith.constant 0 : index
        %get3A_928 = tpu.vector_load %arg9[%get3A_926, %get3A_927] {strides = array<i32>} : memref<1600x32xf32, #tpu.memory_space<vmem>>, vector<1x16xf32>,
        %get3A_929 = vector.shape_cast %get3A_928 : vector<1x16xf32> to vector<16xf32>
        %add3A_930 = arith.addf %add3A_916, %get3A_929 : vector<16xf32>
        %add3A_931 = arith.constant 17 : i32
        %add3A_932 = arith.addi %mul3A_692, %add3A_931 : i32
        %get3A_933 = arith.index_cast %add3A_932 : i32 to index
        %get3A_934 = arith.constant 16 : index
        %get3A_935 = tpu.vector_load %arg9[%get3A_933, %get3A_934] {strides = array<i32>} : memref<1600x32xf32, #tpu.memory_space<vmem>>, vector<1x16xf32>,
        %get3A_936 = vector.shape_cast %get3A_935 : vector<1x16xf32> to vector<16xf32>
        %add3A_937 = arith.addf %add3A_923, %get3A_936 : vector<16xf32>
        %add3A_938 = arith.constant 18 : i32
        %add3A_939 = arith.addi %mul3A_692, %add3A_938 : i32
        %get3A_940 = arith.index_cast %add3A_939 : i32 to index
        %get3A_941 = arith.constant 0 : index
        %get3A_942 = tpu.vector_load %arg9[%get3A_940, %get3A_941] {strides = array<i32>} : memref<1600x32xf32, #tpu.memory_space<vmem>>, vector<1x16xf32>,
        %get3A_943 = vector.shape_cast %get3A_942 : vector<1x16xf32> to vector<16xf32>
        %add3A_944 = arith.addf %add3A_930, %get3A_943 : vector<16xf32>
        %add3A_945 = arith.constant 18 : i32
        %add3A_946 = arith.addi %mul3A_692, %add3A_945 : i32
        %get3A_947 = arith.index_cast %add3A_946 : i32 to index
        %get3A_948 = arith.constant 16 : index
        %get3A_949 = tpu.vector_load %arg9[%get3A_947, %get3A_948] {strides = array<i32>} : memref<1600x32xf32, #tpu.memory_space<vmem>>, vector<1x16xf32>,
        %get3A_950 = vector.shape_cast %get3A_949 : vector<1x16xf32> to vector<16xf32>
        %add3A_951 = arith.addf %add3A_937, %get3A_950 : vector<16xf32>
        %add3A_952 = arith.constant 19 : i32
        %add3A_953 = arith.addi %mul3A_692, %add3A_952 : i32
        %get3A_954 = arith.index_cast %add3A_953 : i32 to index
        %get3A_955 = arith.constant 0 : index
        %get3A_956 = tpu.vector_load %arg9[%get3A_954, %get3A_955] {strides = array<i32>} : memref<1600x32xf32, #tpu.memory_space<vmem>>, vector<1x16xf32>,
        %get3A_957 = vector.shape_cast %get3A_956 : vector<1x16xf32> to vector<16xf32>
        %add3A_958 = arith.addf %add3A_944, %get3A_957 : vector<16xf32>
        %add3A_959 = arith.constant 19 : i32
        %add3A_960 = arith.addi %mul3A_692, %add3A_959 : i32
        %get3A_961 = arith.index_cast %add3A_960 : i32 to index
        %get3A_962 = arith.constant 16 : index
        %get3A_963 = tpu.vector_load %arg9[%get3A_961, %get3A_962] {strides = array<i32>} : memref<1600x32xf32, #tpu.memory_space<vmem>>, vector<1x16xf32>,
        %get3A_964 = vector.shape_cast %get3A_963 : vector<1x16xf32> to vector<16xf32>
        %add3A_965 = arith.addf %add3A_951, %get3A_964 : vector<16xf32>
        %add3A_966 = arith.constant 20 : i32
        %add3A_967 = arith.addi %mul3A_692, %add3A_966 : i32
        %get3A_968 = arith.index_cast %add3A_967 : i32 to index
        %get3A_969 = arith.constant 0 : index
        %get3A_970 = tpu.vector_load %arg9[%get3A_968, %get3A_969] {strides = array<i32>} : memref<1600x32xf32, #tpu.memory_space<vmem>>, vector<1x16xf32>,
        %get3A_971 = vector.shape_cast %get3A_970 : vector<1x16xf32> to vector<16xf32>
        %add3A_972 = arith.addf %add3A_958, %get3A_971 : vector<16xf32>
        %add3A_973 = arith.constant 20 : i32
        %add3A_974 = arith.addi %mul3A_692, %add3A_973 : i32
        %get3A_975 = arith.index_cast %add3A_974 : i32 to index
        %get3A_976 = arith.constant 16 : index
        %get3A_977 = tpu.vector_load %arg9[%get3A_975, %get3A_976] {strides = array<i32>} : memref<1600x32xf32, #tpu.memory_space<vmem>>, vector<1x16xf32>,
        %get3A_978 = vector.shape_cast %get3A_977 : vector<1x16xf32> to vector<16xf32>
        %add3A_979 = arith.addf %add3A_965, %get3A_978 : vector<16xf32>
        %add3A_980 = arith.constant 21 : i32
        %add3A_981 = arith.addi %mul3A_692, %add3A_980 : i32
        %get3A_982 = arith.index_cast %add3A_981 : i32 to index
        %get3A_983 = arith.constant 0 : index
        %get3A_984 = tpu.vector_load %arg9[%get3A_982, %get3A_983] {strides = array<i32>} : memref<1600x32xf32, #tpu.memory_space<vmem>>, vector<1x16xf32>,
        %get3A_985 = vector.shape_cast %get3A_984 : vector<1x16xf32> to vector<16xf32>
        %add3A_986 = arith.addf %add3A_972, %get3A_985 : vector<16xf32>
        %add3A_987 = arith.constant 21 : i32
        %add3A_988 = arith.addi %mul3A_692, %add3A_987 : i32
        %get3A_989 = arith.index_cast %add3A_988 : i32 to index
        %get3A_990 = arith.constant 16 : index
        %get3A_991 = tpu.vector_load %arg9[%get3A_989, %get3A_990] {strides = array<i32>} : memref<1600x32xf32, #tpu.memory_space<vmem>>, vector<1x16xf32>,
        %get3A_992 = vector.shape_cast %get3A_991 : vector<1x16xf32> to vector<16xf32>
        %add3A_993 = arith.addf %add3A_979, %get3A_992 : vector<16xf32>
        %add3A_994 = arith.constant 22 : i32
        %add3A_995 = arith.addi %mul3A_692, %add3A_994 : i32
        %get3A_996 = arith.index_cast %add3A_995 : i32 to index
        %get3A_997 = arith.constant 0 : index
        %get3A_998 = tpu.vector_load %arg9[%get3A_996, %get3A_997] {strides = array<i32>} : memref<1600x32xf32, #tpu.memory_space<vmem>>, vector<1x16xf32>,
        %get3A_999 = vector.shape_cast %get3A_998 : vector<1x16xf32> to vector<16xf32>
        %add3A_1000 = arith.addf %add3A_986, %get3A_999 : vector<16xf32>
        %add3A_1001 = arith.constant 22 : i32
        %add3A_1002 = arith.addi %mul3A_692, %add3A_1001 : i32
        %get3A_1003 = arith.index_cast %add3A_1002 : i32 to index
        %get3A_1004 = arith.constant 16 : index
        %get3A_1005 = tpu.vector_load %arg9[%get3A_1003, %get3A_1004] {strides = array<i32>} : memref<1600x32xf32, #tpu.memory_space<vmem>>, vector<1x16xf32>,
        %get3A_1006 = vector.shape_cast %get3A_1005 : vector<1x16xf32> to vector<16xf32>
        %add3A_1007 = arith.addf %add3A_993, %get3A_1006 : vector<16xf32>
        %add3A_1008 = arith.constant 23 : i32
        %add3A_1009 = arith.addi %mul3A_692, %add3A_1008 : i32
        %get3A_1010 = arith.index_cast %add3A_1009 : i32 to index
        %get3A_1011 = arith.constant 0 : index
        %get3A_1012 = tpu.vector_load %arg9[%get3A_1010, %get3A_1011] {strides = array<i32>} : memref<1600x32xf32, #tpu.memory_space<vmem>>, vector<1x16xf32>,
        %get3A_1013 = vector.shape_cast %get3A_1012 : vector<1x16xf32> to vector<16xf32>
        %add3A_1014 = arith.addf %add3A_1000, %get3A_1013 : vector<16xf32>
        %add3A_1015 = arith.constant 23 : i32
        %add3A_1016 = arith.addi %mul3A_692, %add3A_1015 : i32
        %get3A_1017 = arith.index_cast %add3A_1016 : i32 to index
        %get3A_1018 = arith.constant 16 : index
        %get3A_1019 = tpu.vector_load %arg9[%get3A_1017, %get3A_1018] {strides = array<i32>} : memref<1600x32xf32, #tpu.memory_space<vmem>>, vector<1x16xf32>,
        %get3A_1020 = vector.shape_cast %get3A_1019 : vector<1x16xf32> to vector<16xf32>
        %add3A_1021 = arith.addf %add3A_1007, %get3A_1020 : vector<16xf32>
        %add3A_1022 = arith.constant 24 : i32
        %add3A_1023 = arith.addi %mul3A_692, %add3A_1022 : i32
        %get3A_1024 = arith.index_cast %add3A_1023 : i32 to index
        %get3A_1025 = arith.constant 0 : index
        %get3A_1026 = tpu.vector_load %arg9[%get3A_1024, %get3A_1025] {strides = array<i32>} : memref<1600x32xf32, #tpu.memory_space<vmem>>, vector<1x16xf32>,
        %get3A_1027 = vector.shape_cast %get3A_1026 : vector<1x16xf32> to vector<16xf32>
        %add3A_1028 = arith.addf %add3A_1014, %get3A_1027 : vector<16xf32>
        %add3A_1029 = arith.constant 24 : i32
        %add3A_1030 = arith.addi %mul3A_692, %add3A_1029 : i32
        %get3A_1031 = arith.index_cast %add3A_1030 : i32 to index
        %get3A_1032 = arith.constant 16 : index
        %get3A_1033 = tpu.vector_load %arg9[%get3A_1031, %get3A_1032] {strides = array<i32>} : memref<1600x32xf32, #tpu.memory_space<vmem>>, vector<1x16xf32>,
        %get3A_1034 = vector.shape_cast %get3A_1033 : vector<1x16xf32> to vector<16xf32>
        %add3A_1035 = arith.addf %add3A_1021, %get3A_1034 : vector<16xf32>
        %add3A_1036 = arith.constant 25 : i32
        %add3A_1037 = arith.addi %mul3A_692, %add3A_1036 : i32
        %get3A_1038 = arith.index_cast %add3A_1037 : i32 to index
        %get3A_1039 = arith.constant 0 : index
        %get3A_1040 = tpu.vector_load %arg9[%get3A_1038, %get3A_1039] {strides = array<i32>} : memref<1600x32xf32, #tpu.memory_space<vmem>>, vector<1x16xf32>,
        %get3A_1041 = vector.shape_cast %get3A_1040 : vector<1x16xf32> to vector<16xf32>
        %add3A_1042 = arith.addf %add3A_1028, %get3A_1041 : vector<16xf32>
        %add3A_1043 = arith.constant 25 : i32
        %add3A_1044 = arith.addi %mul3A_692, %add3A_1043 : i32
        %get3A_1045 = arith.index_cast %add3A_1044 : i32 to index
        %get3A_1046 = arith.constant 16 : index
        %get3A_1047 = tpu.vector_load %arg9[%get3A_1045, %get3A_1046] {strides = array<i32>} : memref<1600x32xf32, #tpu.memory_space<vmem>>, vector<1x16xf32>,
        %get3A_1048 = vector.shape_cast %get3A_1047 : vector<1x16xf32> to vector<16xf32>
        %add3A_1049 = arith.addf %add3A_1035, %get3A_1048 : vector<16xf32>
        %add3A_1050 = arith.constant 26 : i32
        %add3A_1051 = arith.addi %mul3A_692, %add3A_1050 : i32
        %get3A_1052 = arith.index_cast %add3A_1051 : i32 to index
        %get3A_1053 = arith.constant 0 : index
        %get3A_1054 = tpu.vector_load %arg9[%get3A_1052, %get3A_1053] {strides = array<i32>} : memref<1600x32xf32, #tpu.memory_space<vmem>>, vector<1x16xf32>,
        %get3A_1055 = vector.shape_cast %get3A_1054 : vector<1x16xf32> to vector<16xf32>
        %add3A_1056 = arith.addf %add3A_1042, %get3A_1055 : vector<16xf32>
        %add3A_1057 = arith.constant 26 : i32
        %add3A_1058 = arith.addi %mul3A_692, %add3A_1057 : i32
        %get3A_1059 = arith.index_cast %add3A_1058 : i32 to index
        %get3A_1060 = arith.constant 16 : index
        %get3A_1061 = tpu.vector_load %arg9[%get3A_1059, %get3A_1060] {strides = array<i32>} : memref<1600x32xf32, #tpu.memory_space<vmem>>, vector<1x16xf32>,
        %get3A_1062 = vector.shape_cast %get3A_1061 : vector<1x16xf32> to vector<16xf32>
        %add3A_1063 = arith.addf %add3A_1049, %get3A_1062 : vector<16xf32>
        %add3A_1064 = arith.constant 27 : i32
        %add3A_1065 = arith.addi %mul3A_692, %add3A_1064 : i32
        %get3A_1066 = arith.index_cast %add3A_1065 : i32 to index
        %get3A_1067 = arith.constant 0 : index
        %get3A_1068 = tpu.vector_load %arg9[%get3A_1066, %get3A_1067] {strides = array<i32>} : memref<1600x32xf32, #tpu.memory_space<vmem>>, vector<1x16xf32>,
        %get3A_1069 = vector.shape_cast %get3A_1068 : vector<1x16xf32> to vector<16xf32>
        %add3A_1070 = arith.addf %add3A_1056, %get3A_1069 : vector<16xf32>
        %add3A_1071 = arith.constant 27 : i32
        %add3A_1072 = arith.addi %mul3A_692, %add3A_1071 : i32
        %get3A_1073 = arith.index_cast %add3A_1072 : i32 to index
        %get3A_1074 = arith.constant 16 : index
        %get3A_1075 = tpu.vector_load %arg9[%get3A_1073, %get3A_1074] {strides = array<i32>} : memref<1600x32xf32, #tpu.memory_space<vmem>>, vector<1x16xf32>,
        %get3A_1076 = vector.shape_cast %get3A_1075 : vector<1x16xf32> to vector<16xf32>
        %add3A_1077 = arith.addf %add3A_1063, %get3A_1076 : vector<16xf32>
        %add3A_1078 = arith.constant 28 : i32
        %add3A_1079 = arith.addi %mul3A_692, %add3A_1078 : i32
        %get3A_1080 = arith.index_cast %add3A_1079 : i32 to index
        %get3A_1081 = arith.constant 0 : index
        %get3A_1082 = tpu.vector_load %arg9[%get3A_1080, %get3A_1081] {strides = array<i32>} : memref<1600x32xf32, #tpu.memory_space<vmem>>, vector<1x16xf32>,
        %get3A_1083 = vector.shape_cast %get3A_1082 : vector<1x16xf32> to vector<16xf32>
        %add3A_1084 = arith.addf %add3A_1070, %get3A_1083 : vector<16xf32>
        %add3A_1085 = arith.constant 28 : i32
        %add3A_1086 = arith.addi %mul3A_692, %add3A_1085 : i32
        %get3A_1087 = arith.index_cast %add3A_1086 : i32 to index
        %get3A_1088 = arith.constant 16 : index
        %get3A_1089 = tpu.vector_load %arg9[%get3A_1087, %get3A_1088] {strides = array<i32>} : memref<1600x32xf32, #tpu.memory_space<vmem>>, vector<1x16xf32>,
        %get3A_1090 = vector.shape_cast %get3A_1089 : vector<1x16xf32> to vector<16xf32>
        %add3A_1091 = arith.addf %add3A_1077, %get3A_1090 : vector<16xf32>
        %add3A_1092 = arith.constant 29 : i32
        %add3A_1093 = arith.addi %mul3A_692, %add3A_1092 : i32
        %get3A_1094 = arith.index_cast %add3A_1093 : i32 to index
        %get3A_1095 = arith.constant 0 : index
        %get3A_1096 = tpu.vector_load %arg9[%get3A_1094, %get3A_1095] {strides = array<i32>} : memref<1600x32xf32, #tpu.memory_space<vmem>>, vector<1x16xf32>,
        %get3A_1097 = vector.shape_cast %get3A_1096 : vector<1x16xf32> to vector<16xf32>
        %add3A_1098 = arith.addf %add3A_1084, %get3A_1097 : vector<16xf32>
        %add3A_1099 = arith.constant 29 : i32
        %add3A_1100 = arith.addi %mul3A_692, %add3A_1099 : i32
        %get3A_1101 = arith.index_cast %add3A_1100 : i32 to index
        %get3A_1102 = arith.constant 16 : index
        %get3A_1103 = tpu.vector_load %arg9[%get3A_1101, %get3A_1102] {strides = array<i32>} : memref<1600x32xf32, #tpu.memory_space<vmem>>, vector<1x16xf32>,
        %get3A_1104 = vector.shape_cast %get3A_1103 : vector<1x16xf32> to vector<16xf32>
        %add3A_1105 = arith.addf %add3A_1091, %get3A_1104 : vector<16xf32>
        %add3A_1106 = arith.constant 30 : i32
        %add3A_1107 = arith.addi %mul3A_692, %add3A_1106 : i32
        %get3A_1108 = arith.index_cast %add3A_1107 : i32 to index
        %get3A_1109 = arith.constant 0 : index
        %get3A_1110 = tpu.vector_load %arg9[%get3A_1108, %get3A_1109] {strides = array<i32>} : memref<1600x32xf32, #tpu.memory_space<vmem>>, vector<1x16xf32>,
        %get3A_1111 = vector.shape_cast %get3A_1110 : vector<1x16xf32> to vector<16xf32>
        %add3A_1112 = arith.addf %add3A_1098, %get3A_1111 : vector<16xf32>
        %add3A_1113 = arith.constant 30 : i32
        %add3A_1114 = arith.addi %mul3A_692, %add3A_1113 : i32
        %get3A_1115 = arith.index_cast %add3A_1114 : i32 to index
        %get3A_1116 = arith.constant 16 : index
        %get3A_1117 = tpu.vector_load %arg9[%get3A_1115, %get3A_1116] {strides = array<i32>} : memref<1600x32xf32, #tpu.memory_space<vmem>>, vector<1x16xf32>,
        %get3A_1118 = vector.shape_cast %get3A_1117 : vector<1x16xf32> to vector<16xf32>
        %add3A_1119 = arith.addf %add3A_1105, %get3A_1118 : vector<16xf32>
        %add3A_1120 = arith.constant 31 : i32
        %add3A_1121 = arith.addi %mul3A_692, %add3A_1120 : i32
        %get3A_1122 = arith.index_cast %add3A_1121 : i32 to index
        %get3A_1123 = arith.constant 0 : index
        %get3A_1124 = tpu.vector_load %arg9[%get3A_1122, %get3A_1123] {strides = array<i32>} : memref<1600x32xf32, #tpu.memory_space<vmem>>, vector<1x16xf32>,
        %get3A_1125 = vector.shape_cast %get3A_1124 : vector<1x16xf32> to vector<16xf32>
        %add3A_1126 = arith.addf %add3A_1112, %get3A_1125 : vector<16xf32>
        %add3A_1127 = arith.constant 31 : i32
        %add3A_1128 = arith.addi %mul3A_692, %add3A_1127 : i32
        %get3A_1129 = arith.index_cast %add3A_1128 : i32 to index
        %get3A_1130 = arith.constant 16 : index
        %get3A_1131 = tpu.vector_load %arg9[%get3A_1129, %get3A_1130] {strides = array<i32>} : memref<1600x32xf32, #tpu.memory_space<vmem>>, vector<1x16xf32>,
        %get3A_1132 = vector.shape_cast %get3A_1131 : vector<1x16xf32> to vector<16xf32>
        %add3A_1133 = arith.addf %add3A_1119, %get3A_1132 : vector<16xf32>
        %add3A_1134 = arith.constant 32 : i32
        %add3A_1135 = arith.addi %mul3A_692, %add3A_1134 : i32
        %get3A_1136 = arith.index_cast %add3A_1135 : i32 to index
        %get3A_1137 = arith.constant 0 : index
        %get3A_1138 = tpu.vector_load %arg9[%get3A_1136, %get3A_1137] {strides = array<i32>} : memref<1600x32xf32, #tpu.memory_space<vmem>>, vector<1x16xf32>,
        %get3A_1139 = vector.shape_cast %get3A_1138 : vector<1x16xf32> to vector<16xf32>
        %add3A_1140 = arith.addf %add3A_1126, %get3A_1139 : vector<16xf32>
        %add3A_1141 = arith.constant 32 : i32
        %add3A_1142 = arith.addi %mul3A_692, %add3A_1141 : i32
        %get3A_1143 = arith.index_cast %add3A_1142 : i32 to index
        %get3A_1144 = arith.constant 16 : index
        %get3A_1145 = tpu.vector_load %arg9[%get3A_1143, %get3A_1144] {strides = array<i32>} : memref<1600x32xf32, #tpu.memory_space<vmem>>, vector<1x16xf32>,
        %get3A_1146 = vector.shape_cast %get3A_1145 : vector<1x16xf32> to vector<16xf32>
        %add3A_1147 = arith.addf %add3A_1133, %get3A_1146 : vector<16xf32>
        %add3A_1148 = arith.constant 33 : i32
        %add3A_1149 = arith.addi %mul3A_692, %add3A_1148 : i32
        %get3A_1150 = arith.index_cast %add3A_1149 : i32 to index
        %get3A_1151 = arith.constant 0 : index
        %get3A_1152 = tpu.vector_load %arg9[%get3A_1150, %get3A_1151] {strides = array<i32>} : memref<1600x32xf32, #tpu.memory_space<vmem>>, vector<1x16xf32>,
        %get3A_1153 = vector.shape_cast %get3A_1152 : vector<1x16xf32> to vector<16xf32>
        %add3A_1154 = arith.addf %add3A_1140, %get3A_1153 : vector<16xf32>
        %add3A_1155 = arith.constant 33 : i32
        %add3A_1156 = arith.addi %mul3A_692, %add3A_1155 : i32
        %get3A_1157 = arith.index_cast %add3A_1156 : i32 to index
        %get3A_1158 = arith.constant 16 : index
        %get3A_1159 = tpu.vector_load %arg9[%get3A_1157, %get3A_1158] {strides = array<i32>} : memref<1600x32xf32, #tpu.memory_space<vmem>>, vector<1x16xf32>,
        %get3A_1160 = vector.shape_cast %get3A_1159 : vector<1x16xf32> to vector<16xf32>
        %add3A_1161 = arith.addf %add3A_1147, %get3A_1160 : vector<16xf32>
        %add3A_1162 = arith.constant 34 : i32
        %add3A_1163 = arith.addi %mul3A_692, %add3A_1162 : i32
        %get3A_1164 = arith.index_cast %add3A_1163 : i32 to index
        %get3A_1165 = arith.constant 0 : index
        %get3A_1166 = tpu.vector_load %arg9[%get3A_1164, %get3A_1165] {strides = array<i32>} : memref<1600x32xf32, #tpu.memory_space<vmem>>, vector<1x16xf32>,
        %get3A_1167 = vector.shape_cast %get3A_1166 : vector<1x16xf32> to vector<16xf32>
        %add3A_1168 = arith.addf %add3A_1154, %get3A_1167 : vector<16xf32>
        %add3A_1169 = arith.constant 34 : i32
        %add3A_1170 = arith.addi %mul3A_692, %add3A_1169 : i32
        %get3A_1171 = arith.index_cast %add3A_1170 : i32 to index
        %get3A_1172 = arith.constant 16 : index
        %get3A_1173 = tpu.vector_load %arg9[%get3A_1171, %get3A_1172] {strides = array<i32>} : memref<1600x32xf32, #tpu.memory_space<vmem>>, vector<1x16xf32>,
        %get3A_1174 = vector.shape_cast %get3A_1173 : vector<1x16xf32> to vector<16xf32>
        %add3A_1175 = arith.addf %add3A_1161, %get3A_1174 : vector<16xf32>
        %add3A_1176 = arith.constant 35 : i32
        %add3A_1177 = arith.addi %mul3A_692, %add3A_1176 : i32
        %get3A_1178 = arith.index_cast %add3A_1177 : i32 to index
        %get3A_1179 = arith.constant 0 : index
        %get3A_1180 = tpu.vector_load %arg9[%get3A_1178, %get3A_1179] {strides = array<i32>} : memref<1600x32xf32, #tpu.memory_space<vmem>>, vector<1x16xf32>,
        %get3A_1181 = vector.shape_cast %get3A_1180 : vector<1x16xf32> to vector<16xf32>
        %add3A_1182 = arith.addf %add3A_1168, %get3A_1181 : vector<16xf32>
        %add3A_1183 = arith.constant 35 : i32
        %add3A_1184 = arith.addi %mul3A_692, %add3A_1183 : i32
        %get3A_1185 = arith.index_cast %add3A_1184 : i32 to index
        %get3A_1186 = arith.constant 16 : index
        %get3A_1187 = tpu.vector_load %arg9[%get3A_1185, %get3A_1186] {strides = array<i32>} : memref<1600x32xf32, #tpu.memory_space<vmem>>, vector<1x16xf32>,
        %get3A_1188 = vector.shape_cast %get3A_1187 : vector<1x16xf32> to vector<16xf32>
        %add3A_1189 = arith.addf %add3A_1175, %get3A_1188 : vector<16xf32>
        %add3A_1190 = arith.constant 36 : i32
        %add3A_1191 = arith.addi %mul3A_692, %add3A_1190 : i32
        %get3A_1192 = arith.index_cast %add3A_1191 : i32 to index
        %get3A_1193 = arith.constant 0 : index
        %get3A_1194 = tpu.vector_load %arg9[%get3A_1192, %get3A_1193] {strides = array<i32>} : memref<1600x32xf32, #tpu.memory_space<vmem>>, vector<1x16xf32>,
        %get3A_1195 = vector.shape_cast %get3A_1194 : vector<1x16xf32> to vector<16xf32>
        %add3A_1196 = arith.addf %add3A_1182, %get3A_1195 : vector<16xf32>
        %add3A_1197 = arith.constant 36 : i32
        %add3A_1198 = arith.addi %mul3A_692, %add3A_1197 : i32
        %get3A_1199 = arith.index_cast %add3A_1198 : i32 to index
        %get3A_1200 = arith.constant 16 : index
        %get3A_1201 = tpu.vector_load %arg9[%get3A_1199, %get3A_1200] {strides = array<i32>} : memref<1600x32xf32, #tpu.memory_space<vmem>>, vector<1x16xf32>,
        %get3A_1202 = vector.shape_cast %get3A_1201 : vector<1x16xf32> to vector<16xf32>
        %add3A_1203 = arith.addf %add3A_1189, %get3A_1202 : vector<16xf32>
        %add3A_1204 = arith.constant 37 : i32
        %add3A_1205 = arith.addi %mul3A_692, %add3A_1204 : i32
        %get3A_1206 = arith.index_cast %add3A_1205 : i32 to index
        %get3A_1207 = arith.constant 0 : index
        %get3A_1208 = tpu.vector_load %arg9[%get3A_1206, %get3A_1207] {strides = array<i32>} : memref<1600x32xf32, #tpu.memory_space<vmem>>, vector<1x16xf32>,
        %get3A_1209 = vector.shape_cast %get3A_1208 : vector<1x16xf32> to vector<16xf32>
        %add3A_1210 = arith.addf %add3A_1196, %get3A_1209 : vector<16xf32>
        %add3A_1211 = arith.constant 37 : i32
        %add3A_1212 = arith.addi %mul3A_692, %add3A_1211 : i32
        %get3A_1213 = arith.index_cast %add3A_1212 : i32 to index
        %get3A_1214 = arith.constant 16 : index
        %get3A_1215 = tpu.vector_load %arg9[%get3A_1213, %get3A_1214] {strides = array<i32>} : memref<1600x32xf32, #tpu.memory_space<vmem>>, vector<1x16xf32>,
        %get3A_1216 = vector.shape_cast %get3A_1215 : vector<1x16xf32> to vector<16xf32>
        %add3A_1217 = arith.addf %add3A_1203, %get3A_1216 : vector<16xf32>
        %add3A_1218 = arith.constant 38 : i32
        %add3A_1219 = arith.addi %mul3A_692, %add3A_1218 : i32
        %get3A_1220 = arith.index_cast %add3A_1219 : i32 to index
        %get3A_1221 = arith.constant 0 : index
        %get3A_1222 = tpu.vector_load %arg9[%get3A_1220, %get3A_1221] {strides = array<i32>} : memref<1600x32xf32, #tpu.memory_space<vmem>>, vector<1x16xf32>,
        %get3A_1223 = vector.shape_cast %get3A_1222 : vector<1x16xf32> to vector<16xf32>
        %add3A_1224 = arith.addf %add3A_1210, %get3A_1223 : vector<16xf32>
        %add3A_1225 = arith.constant 38 : i32
        %add3A_1226 = arith.addi %mul3A_692, %add3A_1225 : i32
        %get3A_1227 = arith.index_cast %add3A_1226 : i32 to index
        %get3A_1228 = arith.constant 16 : index
        %get3A_1229 = tpu.vector_load %arg9[%get3A_1227, %get3A_1228] {strides = array<i32>} : memref<1600x32xf32, #tpu.memory_space<vmem>>, vector<1x16xf32>,
        %get3A_1230 = vector.shape_cast %get3A_1229 : vector<1x16xf32> to vector<16xf32>
        %add3A_1231 = arith.addf %add3A_1217, %get3A_1230 : vector<16xf32>
        %add3A_1232 = arith.constant 39 : i32
        %add3A_1233 = arith.addi %mul3A_692, %add3A_1232 : i32
        %get3A_1234 = arith.index_cast %add3A_1233 : i32 to index
        %get3A_1235 = arith.constant 0 : index
        %get3A_1236 = tpu.vector_load %arg9[%get3A_1234, %get3A_1235] {strides = array<i32>} : memref<1600x32xf32, #tpu.memory_space<vmem>>, vector<1x16xf32>,
        %get3A_1237 = vector.shape_cast %get3A_1236 : vector<1x16xf32> to vector<16xf32>
        %add3A_1238 = arith.addf %add3A_1224, %get3A_1237 : vector<16xf32>
        %add3A_1239 = arith.constant 39 : i32
        %add3A_1240 = arith.addi %mul3A_692, %add3A_1239 : i32
        %get3A_1241 = arith.index_cast %add3A_1240 : i32 to index
        %get3A_1242 = arith.constant 16 : index
        %get3A_1243 = tpu.vector_load %arg9[%get3A_1241, %get3A_1242] {strides = array<i32>} : memref<1600x32xf32, #tpu.memory_space<vmem>>, vector<1x16xf32>,
        %get3A_1244 = vector.shape_cast %get3A_1243 : vector<1x16xf32> to vector<16xf32>
        %add3A_1245 = arith.addf %add3A_1231, %get3A_1244 : vector<16xf32>
        %add3A_1246 = arith.constant 40 : i32
        %add3A_1247 = arith.addi %mul3A_692, %add3A_1246 : i32
        %get3A_1248 = arith.index_cast %add3A_1247 : i32 to index
        %get3A_1249 = arith.constant 0 : index
        %get3A_1250 = tpu.vector_load %arg9[%get3A_1248, %get3A_1249] {strides = array<i32>} : memref<1600x32xf32, #tpu.memory_space<vmem>>, vector<1x16xf32>,
        %get3A_1251 = vector.shape_cast %get3A_1250 : vector<1x16xf32> to vector<16xf32>
        %add3A_1252 = arith.addf %add3A_1238, %get3A_1251 : vector<16xf32>
        %add3A_1253 = arith.constant 40 : i32
        %add3A_1254 = arith.addi %mul3A_692, %add3A_1253 : i32
        %get3A_1255 = arith.index_cast %add3A_1254 : i32 to index
        %get3A_1256 = arith.constant 16 : index
        %get3A_1257 = tpu.vector_load %arg9[%get3A_1255, %get3A_1256] {strides = array<i32>} : memref<1600x32xf32, #tpu.memory_space<vmem>>, vector<1x16xf32>,
        %get3A_1258 = vector.shape_cast %get3A_1257 : vector<1x16xf32> to vector<16xf32>
        %add3A_1259 = arith.addf %add3A_1245, %get3A_1258 : vector<16xf32>
        %add3A_1260 = arith.constant 41 : i32
        %add3A_1261 = arith.addi %mul3A_692, %add3A_1260 : i32
        %get3A_1262 = arith.index_cast %add3A_1261 : i32 to index
        %get3A_1263 = arith.constant 0 : index
        %get3A_1264 = tpu.vector_load %arg9[%get3A_1262, %get3A_1263] {strides = array<i32>} : memref<1600x32xf32, #tpu.memory_space<vmem>>, vector<1x16xf32>,
        %get3A_1265 = vector.shape_cast %get3A_1264 : vector<1x16xf32> to vector<16xf32>
        %add3A_1266 = arith.addf %add3A_1252, %get3A_1265 : vector<16xf32>
        %add3A_1267 = arith.constant 41 : i32
        %add3A_1268 = arith.addi %mul3A_692, %add3A_1267 : i32
        %get3A_1269 = arith.index_cast %add3A_1268 : i32 to index
        %get3A_1270 = arith.constant 16 : index
        %get3A_1271 = tpu.vector_load %arg9[%get3A_1269, %get3A_1270] {strides = array<i32>} : memref<1600x32xf32, #tpu.memory_space<vmem>>, vector<1x16xf32>,
        %get3A_1272 = vector.shape_cast %get3A_1271 : vector<1x16xf32> to vector<16xf32>
        %add3A_1273 = arith.addf %add3A_1259, %get3A_1272 : vector<16xf32>
        %add3A_1274 = arith.constant 42 : i32
        %add3A_1275 = arith.addi %mul3A_692, %add3A_1274 : i32
        %get3A_1276 = arith.index_cast %add3A_1275 : i32 to index
        %get3A_1277 = arith.constant 0 : index
        %get3A_1278 = tpu.vector_load %arg9[%get3A_1276, %get3A_1277] {strides = array<i32>} : memref<1600x32xf32, #tpu.memory_space<vmem>>, vector<1x16xf32>,
        %get3A_1279 = vector.shape_cast %get3A_1278 : vector<1x16xf32> to vector<16xf32>
        %add3A_1280 = arith.addf %add3A_1266, %get3A_1279 : vector<16xf32>
        %add3A_1281 = arith.constant 42 : i32
        %add3A_1282 = arith.addi %mul3A_692, %add3A_1281 : i32
        %get3A_1283 = arith.index_cast %add3A_1282 : i32 to index
        %get3A_1284 = arith.constant 16 : index
        %get3A_1285 = tpu.vector_load %arg9[%get3A_1283, %get3A_1284] {strides = array<i32>} : memref<1600x32xf32, #tpu.memory_space<vmem>>, vector<1x16xf32>,
        %get3A_1286 = vector.shape_cast %get3A_1285 : vector<1x16xf32> to vector<16xf32>
        %add3A_1287 = arith.addf %add3A_1273, %get3A_1286 : vector<16xf32>
        %add3A_1288 = arith.constant 43 : i32
        %add3A_1289 = arith.addi %mul3A_692, %add3A_1288 : i32
        %get3A_1290 = arith.index_cast %add3A_1289 : i32 to index
        %get3A_1291 = arith.constant 0 : index
        %get3A_1292 = tpu.vector_load %arg9[%get3A_1290, %get3A_1291] {strides = array<i32>} : memref<1600x32xf32, #tpu.memory_space<vmem>>, vector<1x16xf32>,
        %get3A_1293 = vector.shape_cast %get3A_1292 : vector<1x16xf32> to vector<16xf32>
        %add3A_1294 = arith.addf %add3A_1280, %get3A_1293 : vector<16xf32>
        %add3A_1295 = arith.constant 43 : i32
        %add3A_1296 = arith.addi %mul3A_692, %add3A_1295 : i32
        %get3A_1297 = arith.index_cast %add3A_1296 : i32 to index
        %get3A_1298 = arith.constant 16 : index
        %get3A_1299 = tpu.vector_load %arg9[%get3A_1297, %get3A_1298] {strides = array<i32>} : memref<1600x32xf32, #tpu.memory_space<vmem>>, vector<1x16xf32>,
        %get3A_1300 = vector.shape_cast %get3A_1299 : vector<1x16xf32> to vector<16xf32>
        %add3A_1301 = arith.addf %add3A_1287, %get3A_1300 : vector<16xf32>
        %add3A_1302 = arith.constant 44 : i32
        %add3A_1303 = arith.addi %mul3A_692, %add3A_1302 : i32
        %get3A_1304 = arith.index_cast %add3A_1303 : i32 to index
        %get3A_1305 = arith.constant 0 : index
        %get3A_1306 = tpu.vector_load %arg9[%get3A_1304, %get3A_1305] {strides = array<i32>} : memref<1600x32xf32, #tpu.memory_space<vmem>>, vector<1x16xf32>,
        %get3A_1307 = vector.shape_cast %get3A_1306 : vector<1x16xf32> to vector<16xf32>
        %add3A_1308 = arith.addf %add3A_1294, %get3A_1307 : vector<16xf32>
        %add3A_1309 = arith.constant 44 : i32
        %add3A_1310 = arith.addi %mul3A_692, %add3A_1309 : i32
        %get3A_1311 = arith.index_cast %add3A_1310 : i32 to index
        %get3A_1312 = arith.constant 16 : index
        %get3A_1313 = tpu.vector_load %arg9[%get3A_1311, %get3A_1312] {strides = array<i32>} : memref<1600x32xf32, #tpu.memory_space<vmem>>, vector<1x16xf32>,
        %get3A_1314 = vector.shape_cast %get3A_1313 : vector<1x16xf32> to vector<16xf32>
        %add3A_1315 = arith.addf %add3A_1301, %get3A_1314 : vector<16xf32>
        %add3A_1316 = arith.constant 45 : i32
        %add3A_1317 = arith.addi %mul3A_692, %add3A_1316 : i32
        %get3A_1318 = arith.index_cast %add3A_1317 : i32 to index
        %get3A_1319 = arith.constant 0 : index
        %get3A_1320 = tpu.vector_load %arg9[%get3A_1318, %get3A_1319] {strides = array<i32>} : memref<1600x32xf32, #tpu.memory_space<vmem>>, vector<1x16xf32>,
        %get3A_1321 = vector.shape_cast %get3A_1320 : vector<1x16xf32> to vector<16xf32>
        %add3A_1322 = arith.addf %add3A_1308, %get3A_1321 : vector<16xf32>
        %add3A_1323 = arith.constant 45 : i32
        %add3A_1324 = arith.addi %mul3A_692, %add3A_1323 : i32
        %get3A_1325 = arith.index_cast %add3A_1324 : i32 to index
        %get3A_1326 = arith.constant 16 : index
        %get3A_1327 = tpu.vector_load %arg9[%get3A_1325, %get3A_1326] {strides = array<i32>} : memref<1600x32xf32, #tpu.memory_space<vmem>>, vector<1x16xf32>,
        %get3A_1328 = vector.shape_cast %get3A_1327 : vector<1x16xf32> to vector<16xf32>
        %add3A_1329 = arith.addf %add3A_1315, %get3A_1328 : vector<16xf32>
        %add3A_1330 = arith.constant 46 : i32
        %add3A_1331 = arith.addi %mul3A_692, %add3A_1330 : i32
        %get3A_1332 = arith.index_cast %add3A_1331 : i32 to index
        %get3A_1333 = arith.constant 0 : index
        %get3A_1334 = tpu.vector_load %arg9[%get3A_1332, %get3A_1333] {strides = array<i32>} : memref<1600x32xf32, #tpu.memory_space<vmem>>, vector<1x16xf32>,
        %get3A_1335 = vector.shape_cast %get3A_1334 : vector<1x16xf32> to vector<16xf32>
        %add3A_1336 = arith.addf %add3A_1322, %get3A_1335 : vector<16xf32>
        %add3A_1337 = arith.constant 46 : i32
        %add3A_1338 = arith.addi %mul3A_692, %add3A_1337 : i32
        %get3A_1339 = arith.index_cast %add3A_1338 : i32 to index
        %get3A_1340 = arith.constant 16 : index
        %get3A_1341 = tpu.vector_load %arg9[%get3A_1339, %get3A_1340] {strides = array<i32>} : memref<1600x32xf32, #tpu.memory_space<vmem>>, vector<1x16xf32>,
        %get3A_1342 = vector.shape_cast %get3A_1341 : vector<1x16xf32> to vector<16xf32>
        %add3A_1343 = arith.addf %add3A_1329, %get3A_1342 : vector<16xf32>
        %add3A_1344 = arith.constant 47 : i32
        %add3A_1345 = arith.addi %mul3A_692, %add3A_1344 : i32
        %get3A_1346 = arith.index_cast %add3A_1345 : i32 to index
        %get3A_1347 = arith.constant 0 : index
        %get3A_1348 = tpu.vector_load %arg9[%get3A_1346, %get3A_1347] {strides = array<i32>} : memref<1600x32xf32, #tpu.memory_space<vmem>>, vector<1x16xf32>,
        %get3A_1349 = vector.shape_cast %get3A_1348 : vector<1x16xf32> to vector<16xf32>
        %add3A_1350 = arith.addf %add3A_1336, %get3A_1349 : vector<16xf32>
        %add3A_1351 = arith.constant 47 : i32
        %add3A_1352 = arith.addi %mul3A_692, %add3A_1351 : i32
        %get3A_1353 = arith.index_cast %add3A_1352 : i32 to index
        %get3A_1354 = arith.constant 16 : index
        %get3A_1355 = tpu.vector_load %arg9[%get3A_1353, %get3A_1354] {strides = array<i32>} : memref<1600x32xf32, #tpu.memory_space<vmem>>, vector<1x16xf32>,
        %get3A_1356 = vector.shape_cast %get3A_1355 : vector<1x16xf32> to vector<16xf32>
        %add3A_1357 = arith.addf %add3A_1343, %get3A_1356 : vector<16xf32>
        %add3A_1358 = arith.constant 48 : i32
        %add3A_1359 = arith.addi %mul3A_692, %add3A_1358 : i32
        %get3A_1360 = arith.index_cast %add3A_1359 : i32 to index
        %get3A_1361 = arith.constant 0 : index
        %get3A_1362 = tpu.vector_load %arg9[%get3A_1360, %get3A_1361] {strides = array<i32>} : memref<1600x32xf32, #tpu.memory_space<vmem>>, vector<1x16xf32>,
        %get3A_1363 = vector.shape_cast %get3A_1362 : vector<1x16xf32> to vector<16xf32>
        %add3A_1364 = arith.addf %add3A_1350, %get3A_1363 : vector<16xf32>
        %add3A_1365 = arith.constant 48 : i32
        %add3A_1366 = arith.addi %mul3A_692, %add3A_1365 : i32
        %get3A_1367 = arith.index_cast %add3A_1366 : i32 to index
        %get3A_1368 = arith.constant 16 : index
        %get3A_1369 = tpu.vector_load %arg9[%get3A_1367, %get3A_1368] {strides = array<i32>} : memref<1600x32xf32, #tpu.memory_space<vmem>>, vector<1x16xf32>,
        %get3A_1370 = vector.shape_cast %get3A_1369 : vector<1x16xf32> to vector<16xf32>
        %add3A_1371 = arith.addf %add3A_1357, %get3A_1370 : vector<16xf32>
        %add3A_1372 = arith.constant 49 : i32
        %add3A_1373 = arith.addi %mul3A_692, %add3A_1372 : i32
        %get3A_1374 = arith.index_cast %add3A_1373 : i32 to index
        %get3A_1375 = arith.constant 0 : index
        %get3A_1376 = tpu.vector_load %arg9[%get3A_1374, %get3A_1375] {strides = array<i32>} : memref<1600x32xf32, #tpu.memory_space<vmem>>, vector<1x16xf32>,
        %get3A_1377 = vector.shape_cast %get3A_1376 : vector<1x16xf32> to vector<16xf32>
        %add3A_1378 = arith.addf %add3A_1364, %get3A_1377 : vector<16xf32>
        %add3A_1379 = arith.constant 49 : i32
        %add3A_1380 = arith.addi %mul3A_692, %add3A_1379 : i32
        %get3A_1381 = arith.index_cast %add3A_1380 : i32 to index
        %get3A_1382 = arith.constant 16 : index
        %get3A_1383 = tpu.vector_load %arg9[%get3A_1381, %get3A_1382] {strides = array<i32>} : memref<1600x32xf32, #tpu.memory_space<vmem>>, vector<1x16xf32>,
        %get3A_1384 = vector.shape_cast %get3A_1383 : vector<1x16xf32> to vector<16xf32>
        %add3A_1385 = arith.addf %add3A_1371, %get3A_1384 : vector<16xf32>
        %mul3A_1386 = arith.constant 32 : i32
        %mul3A_1387 = arith.muli %add3A_675, %mul3A_1386 : i32
        %add3A_1388 = arith.addi %mul3A_1387, %add3A_690 : i32
        %get3A_1389 = arith.index_cast %add3A_1388 : i32 to index
        %get3A_1390 = tpu.vector_load %arg11[%get3A_1389] {strides = array<i32>} : memref<528xi32, #tpu.memory_space<vmem>>, vector<16xi32>,
        %get3A_1391 = vector.shape_cast %get3A_1390 : vector<16xi32> to vector<16xi32>
        %slice3A = vector.extract_strided_slice %get3A_1391 {offsets = [0], sizes = [1], strides = [1]} : vector<16xi32> to vector<1xi32>
        %squeeze3A = vector.extract %slice3A[0] : i32 from vector<1xi32>
        %max3A = arith.constant 1 : i32
        %max3A_1392 = arith.maxsi %squeeze3A, %max3A : i32
        %convert_element_type3A = arith.sitofp %max3A_1392 : i32 to f32
        %div3A = vector.broadcast %convert_element_type3A : f32 to vector<16xf32>
        %div3A_1393 = arith.divf %add3A_1378, %div3A : vector<16xf32>
        %swap3A = arith.index_cast %add3A_690 : i32 to index
        %swap3A_1394 = arith.constant 0 : index
        %swap3A_1395 = tpu.vector_load %arg10[%swap3A, %swap3A_1394] {strides = array<i32>} : memref<32x32xf32, #tpu.memory_space<vmem>>, vector<1x16xf32>,
        %swap3A_1396 = vector.shape_cast %swap3A_1395 : vector<1x16xf32> to vector<16xf32>
        %swap3A_1397 = vector.shape_cast %div3A_1393 : vector<16xf32> to vector<1x16xf32>
        tpu.vector_store %arg10[%swap3A, %swap3A_1394], %swap3A_1397 {strides = array<i32>} : memref<32x32xf32, #tpu.memory_space<vmem>>, vector<1x16xf32>,
        %div3A_1398 = vector.broadcast %convert_element_type3A : f32 to vector<16xf32>
        %div3A_1399 = arith.divf %add3A_1385, %div3A_1398 : vector<16xf32>
        %swap3A_1400 = arith.index_cast %add3A_690 : i32 to index
        %swap3A_1401 = arith.constant 16 : index
        %swap3A_1402 = tpu.vector_load %arg10[%swap3A_1400, %swap3A_1401] {strides = array<i32>} : memref<32x32xf32, #tpu.memory_space<vmem>>, vector<1x16xf32>,
        %swap3A_1403 = vector.shape_cast %swap3A_1402 : vector<1x16xf32> to vector<16xf32>
        %swap3A_1404 = vector.shape_cast %div3A_1399 : vector<16xf32> to vector<1x16xf32>
        tpu.vector_store %arg10[%swap3A_1400, %swap3A_1401], %swap3A_1404 {strides = array<i32>} : memref<32x32xf32, #tpu.memory_space<vmem>>, vector<1x16xf32>,
        %mul3A_1405 = arith.constant 2 : i32
        %mul3A_1406 = arith.muli %scan3A_686, %mul3A_1405 : i32
        %add3A_1407 = arith.constant 1 : i32
        %add3A_1408 = arith.addi %mul3A_1406, %add3A_1407 : i32
        %mul3A_1409 = arith.constant 50 : i32
        %mul3A_1410 = arith.muli %add3A_1408, %mul3A_1409 : i32
        %get3A_1411 = arith.index_cast %mul3A_1410 : i32 to index
        %get3A_1412 = arith.constant 0 : index
        %get3A_1413 = tpu.vector_load %arg9[%get3A_1411, %get3A_1412] {strides = array<i32>} : memref<1600x32xf32, #tpu.memory_space<vmem>>, vector<1x16xf32>,
        %get3A_1414 = vector.shape_cast %get3A_1413 : vector<1x16xf32> to vector<16xf32>
        %get3A_1415 = arith.index_cast %mul3A_1410 : i32 to index
        %get3A_1416 = arith.constant 16 : index
        %get3A_1417 = tpu.vector_load %arg9[%get3A_1415, %get3A_1416] {strides = array<i32>} : memref<1600x32xf32, #tpu.memory_space<vmem>>, vector<1x16xf32>,
        %get3A_1418 = vector.shape_cast %get3A_1417 : vector<1x16xf32> to vector<16xf32>
        %add3A_1419 = arith.constant 1 : i32
        %add3A_1420 = arith.addi %mul3A_1410, %add3A_1419 : i32
        %get3A_1421 = arith.index_cast %add3A_1420 : i32 to index
        %get3A_1422 = arith.constant 0 : index
        %get3A_1423 = tpu.vector_load %arg9[%get3A_1421, %get3A_1422] {strides = array<i32>} : memref<1600x32xf32, #tpu.memory_space<vmem>>, vector<1x16xf32>,
        %get3A_1424 = vector.shape_cast %get3A_1423 : vector<1x16xf32> to vector<16xf32>
        %add3A_1425 = arith.addf %get3A_1414, %get3A_1424 : vector<16xf32>
        %add3A_1426 = arith.constant 1 : i32
        %add3A_1427 = arith.addi %mul3A_1410, %add3A_1426 : i32
        %get3A_1428 = arith.index_cast %add3A_1427 : i32 to index
        %get3A_1429 = arith.constant 16 : index
        %get3A_1430 = tpu.vector_load %arg9[%get3A_1428, %get3A_1429] {strides = array<i32>} : memref<1600x32xf32, #tpu.memory_space<vmem>>, vector<1x16xf32>,
        %get3A_1431 = vector.shape_cast %get3A_1430 : vector<1x16xf32> to vector<16xf32>
        %add3A_1432 = arith.addf %get3A_1418, %get3A_1431 : vector<16xf32>
        %add3A_1433 = arith.constant 2 : i32
        %add3A_1434 = arith.addi %mul3A_1410, %add3A_1433 : i32
        %get3A_1435 = arith.index_cast %add3A_1434 : i32 to index
        %get3A_1436 = arith.constant 0 : index
        %get3A_1437 = tpu.vector_load %arg9[%get3A_1435, %get3A_1436] {strides = array<i32>} : memref<1600x32xf32, #tpu.memory_space<vmem>>, vector<1x16xf32>,
        %get3A_1438 = vector.shape_cast %get3A_1437 : vector<1x16xf32> to vector<16xf32>
        %add3A_1439 = arith.addf %add3A_1425, %get3A_1438 : vector<16xf32>
        %add3A_1440 = arith.constant 2 : i32
        %add3A_1441 = arith.addi %mul3A_1410, %add3A_1440 : i32
        %get3A_1442 = arith.index_cast %add3A_1441 : i32 to index
        %get3A_1443 = arith.constant 16 : index
        %get3A_1444 = tpu.vector_load %arg9[%get3A_1442, %get3A_1443] {strides = array<i32>} : memref<1600x32xf32, #tpu.memory_space<vmem>>, vector<1x16xf32>,
        %get3A_1445 = vector.shape_cast %get3A_1444 : vector<1x16xf32> to vector<16xf32>
        %add3A_1446 = arith.addf %add3A_1432, %get3A_1445 : vector<16xf32>
        %add3A_1447 = arith.constant 3 : i32
        %add3A_1448 = arith.addi %mul3A_1410, %add3A_1447 : i32
        %get3A_1449 = arith.index_cast %add3A_1448 : i32 to index
        %get3A_1450 = arith.constant 0 : index
        %get3A_1451 = tpu.vector_load %arg9[%get3A_1449, %get3A_1450] {strides = array<i32>} : memref<1600x32xf32, #tpu.memory_space<vmem>>, vector<1x16xf32>,
        %get3A_1452 = vector.shape_cast %get3A_1451 : vector<1x16xf32> to vector<16xf32>
        %add3A_1453 = arith.addf %add3A_1439, %get3A_1452 : vector<16xf32>
        %add3A_1454 = arith.constant 3 : i32
        %add3A_1455 = arith.addi %mul3A_1410, %add3A_1454 : i32
        %get3A_1456 = arith.index_cast %add3A_1455 : i32 to index
        %get3A_1457 = arith.constant 16 : index
        %get3A_1458 = tpu.vector_load %arg9[%get3A_1456, %get3A_1457] {strides = array<i32>} : memref<1600x32xf32, #tpu.memory_space<vmem>>, vector<1x16xf32>,
        %get3A_1459 = vector.shape_cast %get3A_1458 : vector<1x16xf32> to vector<16xf32>
        %add3A_1460 = arith.addf %add3A_1446, %get3A_1459 : vector<16xf32>
        %add3A_1461 = arith.constant 4 : i32
        %add3A_1462 = arith.addi %mul3A_1410, %add3A_1461 : i32
        %get3A_1463 = arith.index_cast %add3A_1462 : i32 to index
        %get3A_1464 = arith.constant 0 : index
        %get3A_1465 = tpu.vector_load %arg9[%get3A_1463, %get3A_1464] {strides = array<i32>} : memref<1600x32xf32, #tpu.memory_space<vmem>>, vector<1x16xf32>,
        %get3A_1466 = vector.shape_cast %get3A_1465 : vector<1x16xf32> to vector<16xf32>
        %add3A_1467 = arith.addf %add3A_1453, %get3A_1466 : vector<16xf32>
        %add3A_1468 = arith.constant 4 : i32
        %add3A_1469 = arith.addi %mul3A_1410, %add3A_1468 : i32
        %get3A_1470 = arith.index_cast %add3A_1469 : i32 to index
        %get3A_1471 = arith.constant 16 : index
        %get3A_1472 = tpu.vector_load %arg9[%get3A_1470, %get3A_1471] {strides = array<i32>} : memref<1600x32xf32, #tpu.memory_space<vmem>>, vector<1x16xf32>,
        %get3A_1473 = vector.shape_cast %get3A_1472 : vector<1x16xf32> to vector<16xf32>
        %add3A_1474 = arith.addf %add3A_1460, %get3A_1473 : vector<16xf32>
        %add3A_1475 = arith.constant 5 : i32
        %add3A_1476 = arith.addi %mul3A_1410, %add3A_1475 : i32
        %get3A_1477 = arith.index_cast %add3A_1476 : i32 to index
        %get3A_1478 = arith.constant 0 : index
        %get3A_1479 = tpu.vector_load %arg9[%get3A_1477, %get3A_1478] {strides = array<i32>} : memref<1600x32xf32, #tpu.memory_space<vmem>>, vector<1x16xf32>,
        %get3A_1480 = vector.shape_cast %get3A_1479 : vector<1x16xf32> to vector<16xf32>
        %add3A_1481 = arith.addf %add3A_1467, %get3A_1480 : vector<16xf32>
        %add3A_1482 = arith.constant 5 : i32
        %add3A_1483 = arith.addi %mul3A_1410, %add3A_1482 : i32
        %get3A_1484 = arith.index_cast %add3A_1483 : i32 to index
        %get3A_1485 = arith.constant 16 : index
        %get3A_1486 = tpu.vector_load %arg9[%get3A_1484, %get3A_1485] {strides = array<i32>} : memref<1600x32xf32, #tpu.memory_space<vmem>>, vector<1x16xf32>,
        %get3A_1487 = vector.shape_cast %get3A_1486 : vector<1x16xf32> to vector<16xf32>
        %add3A_1488 = arith.addf %add3A_1474, %get3A_1487 : vector<16xf32>
        %add3A_1489 = arith.constant 6 : i32
        %add3A_1490 = arith.addi %mul3A_1410, %add3A_1489 : i32
        %get3A_1491 = arith.index_cast %add3A_1490 : i32 to index
        %get3A_1492 = arith.constant 0 : index
        %get3A_1493 = tpu.vector_load %arg9[%get3A_1491, %get3A_1492] {strides = array<i32>} : memref<1600x32xf32, #tpu.memory_space<vmem>>, vector<1x16xf32>,
        %get3A_1494 = vector.shape_cast %get3A_1493 : vector<1x16xf32> to vector<16xf32>
        %add3A_1495 = arith.addf %add3A_1481, %get3A_1494 : vector<16xf32>
        %add3A_1496 = arith.constant 6 : i32
        %add3A_1497 = arith.addi %mul3A_1410, %add3A_1496 : i32
        %get3A_1498 = arith.index_cast %add3A_1497 : i32 to index
        %get3A_1499 = arith.constant 16 : index
        %get3A_1500 = tpu.vector_load %arg9[%get3A_1498, %get3A_1499] {strides = array<i32>} : memref<1600x32xf32, #tpu.memory_space<vmem>>, vector<1x16xf32>,
        %get3A_1501 = vector.shape_cast %get3A_1500 : vector<1x16xf32> to vector<16xf32>
        %add3A_1502 = arith.addf %add3A_1488, %get3A_1501 : vector<16xf32>
        %add3A_1503 = arith.constant 7 : i32
        %add3A_1504 = arith.addi %mul3A_1410, %add3A_1503 : i32
        %get3A_1505 = arith.index_cast %add3A_1504 : i32 to index
        %get3A_1506 = arith.constant 0 : index
        %get3A_1507 = tpu.vector_load %arg9[%get3A_1505, %get3A_1506] {strides = array<i32>} : memref<1600x32xf32, #tpu.memory_space<vmem>>, vector<1x16xf32>,
        %get3A_1508 = vector.shape_cast %get3A_1507 : vector<1x16xf32> to vector<16xf32>
        %add3A_1509 = arith.addf %add3A_1495, %get3A_1508 : vector<16xf32>
        %add3A_1510 = arith.constant 7 : i32
        %add3A_1511 = arith.addi %mul3A_1410, %add3A_1510 : i32
        %get3A_1512 = arith.index_cast %add3A_1511 : i32 to index
        %get3A_1513 = arith.constant 16 : index
        %get3A_1514 = tpu.vector_load %arg9[%get3A_1512, %get3A_1513] {strides = array<i32>} : memref<1600x32xf32, #tpu.memory_space<vmem>>, vector<1x16xf32>,
        %get3A_1515 = vector.shape_cast %get3A_1514 : vector<1x16xf32> to vector<16xf32>
        %add3A_1516 = arith.addf %add3A_1502, %get3A_1515 : vector<16xf32>
        %add3A_1517 = arith.constant 8 : i32
        %add3A_1518 = arith.addi %mul3A_1410, %add3A_1517 : i32
        %get3A_1519 = arith.index_cast %add3A_1518 : i32 to index
        %get3A_1520 = arith.constant 0 : index
        %get3A_1521 = tpu.vector_load %arg9[%get3A_1519, %get3A_1520] {strides = array<i32>} : memref<1600x32xf32, #tpu.memory_space<vmem>>, vector<1x16xf32>,
        %get3A_1522 = vector.shape_cast %get3A_1521 : vector<1x16xf32> to vector<16xf32>
        %add3A_1523 = arith.addf %add3A_1509, %get3A_1522 : vector<16xf32>
        %add3A_1524 = arith.constant 8 : i32
        %add3A_1525 = arith.addi %mul3A_1410, %add3A_1524 : i32
        %get3A_1526 = arith.index_cast %add3A_1525 : i32 to index
        %get3A_1527 = arith.constant 16 : index
        %get3A_1528 = tpu.vector_load %arg9[%get3A_1526, %get3A_1527] {strides = array<i32>} : memref<1600x32xf32, #tpu.memory_space<vmem>>, vector<1x16xf32>,
        %get3A_1529 = vector.shape_cast %get3A_1528 : vector<1x16xf32> to vector<16xf32>
        %add3A_1530 = arith.addf %add3A_1516, %get3A_1529 : vector<16xf32>
        %add3A_1531 = arith.constant 9 : i32
        %add3A_1532 = arith.addi %mul3A_1410, %add3A_1531 : i32
        %get3A_1533 = arith.index_cast %add3A_1532 : i32 to index
        %get3A_1534 = arith.constant 0 : index
        %get3A_1535 = tpu.vector_load %arg9[%get3A_1533, %get3A_1534] {strides = array<i32>} : memref<1600x32xf32, #tpu.memory_space<vmem>>, vector<1x16xf32>,
        %get3A_1536 = vector.shape_cast %get3A_1535 : vector<1x16xf32> to vector<16xf32>
        %add3A_1537 = arith.addf %add3A_1523, %get3A_1536 : vector<16xf32>
        %add3A_1538 = arith.constant 9 : i32
        %add3A_1539 = arith.addi %mul3A_1410, %add3A_1538 : i32
        %get3A_1540 = arith.index_cast %add3A_1539 : i32 to index
        %get3A_1541 = arith.constant 16 : index
        %get3A_1542 = tpu.vector_load %arg9[%get3A_1540, %get3A_1541] {strides = array<i32>} : memref<1600x32xf32, #tpu.memory_space<vmem>>, vector<1x16xf32>,
        %get3A_1543 = vector.shape_cast %get3A_1542 : vector<1x16xf32> to vector<16xf32>
        %add3A_1544 = arith.addf %add3A_1530, %get3A_1543 : vector<16xf32>
        %add3A_1545 = arith.constant 10 : i32
        %add3A_1546 = arith.addi %mul3A_1410, %add3A_1545 : i32
        %get3A_1547 = arith.index_cast %add3A_1546 : i32 to index
        %get3A_1548 = arith.constant 0 : index
        %get3A_1549 = tpu.vector_load %arg9[%get3A_1547, %get3A_1548] {strides = array<i32>} : memref<1600x32xf32, #tpu.memory_space<vmem>>, vector<1x16xf32>,
        %get3A_1550 = vector.shape_cast %get3A_1549 : vector<1x16xf32> to vector<16xf32>
        %add3A_1551 = arith.addf %add3A_1537, %get3A_1550 : vector<16xf32>
        %add3A_1552 = arith.constant 10 : i32
        %add3A_1553 = arith.addi %mul3A_1410, %add3A_1552 : i32
        %get3A_1554 = arith.index_cast %add3A_1553 : i32 to index
        %get3A_1555 = arith.constant 16 : index
        %get3A_1556 = tpu.vector_load %arg9[%get3A_1554, %get3A_1555] {strides = array<i32>} : memref<1600x32xf32, #tpu.memory_space<vmem>>, vector<1x16xf32>,
        %get3A_1557 = vector.shape_cast %get3A_1556 : vector<1x16xf32> to vector<16xf32>
        %add3A_1558 = arith.addf %add3A_1544, %get3A_1557 : vector<16xf32>
        %add3A_1559 = arith.constant 11 : i32
        %add3A_1560 = arith.addi %mul3A_1410, %add3A_1559 : i32
        %get3A_1561 = arith.index_cast %add3A_1560 : i32 to index
        %get3A_1562 = arith.constant 0 : index
        %get3A_1563 = tpu.vector_load %arg9[%get3A_1561, %get3A_1562] {strides = array<i32>} : memref<1600x32xf32, #tpu.memory_space<vmem>>, vector<1x16xf32>,
        %get3A_1564 = vector.shape_cast %get3A_1563 : vector<1x16xf32> to vector<16xf32>
        %add3A_1565 = arith.addf %add3A_1551, %get3A_1564 : vector<16xf32>
        %add3A_1566 = arith.constant 11 : i32
        %add3A_1567 = arith.addi %mul3A_1410, %add3A_1566 : i32
        %get3A_1568 = arith.index_cast %add3A_1567 : i32 to index
        %get3A_1569 = arith.constant 16 : index
        %get3A_1570 = tpu.vector_load %arg9[%get3A_1568, %get3A_1569] {strides = array<i32>} : memref<1600x32xf32, #tpu.memory_space<vmem>>, vector<1x16xf32>,
        %get3A_1571 = vector.shape_cast %get3A_1570 : vector<1x16xf32> to vector<16xf32>
        %add3A_1572 = arith.addf %add3A_1558, %get3A_1571 : vector<16xf32>
        %add3A_1573 = arith.constant 12 : i32
        %add3A_1574 = arith.addi %mul3A_1410, %add3A_1573 : i32
        %get3A_1575 = arith.index_cast %add3A_1574 : i32 to index
        %get3A_1576 = arith.constant 0 : index
        %get3A_1577 = tpu.vector_load %arg9[%get3A_1575, %get3A_1576] {strides = array<i32>} : memref<1600x32xf32, #tpu.memory_space<vmem>>, vector<1x16xf32>,
        %get3A_1578 = vector.shape_cast %get3A_1577 : vector<1x16xf32> to vector<16xf32>
        %add3A_1579 = arith.addf %add3A_1565, %get3A_1578 : vector<16xf32>
        %add3A_1580 = arith.constant 12 : i32
        %add3A_1581 = arith.addi %mul3A_1410, %add3A_1580 : i32
        %get3A_1582 = arith.index_cast %add3A_1581 : i32 to index
        %get3A_1583 = arith.constant 16 : index
        %get3A_1584 = tpu.vector_load %arg9[%get3A_1582, %get3A_1583] {strides = array<i32>} : memref<1600x32xf32, #tpu.memory_space<vmem>>, vector<1x16xf32>,
        %get3A_1585 = vector.shape_cast %get3A_1584 : vector<1x16xf32> to vector<16xf32>
        %add3A_1586 = arith.addf %add3A_1572, %get3A_1585 : vector<16xf32>
        %add3A_1587 = arith.constant 13 : i32
        %add3A_1588 = arith.addi %mul3A_1410, %add3A_1587 : i32
        %get3A_1589 = arith.index_cast %add3A_1588 : i32 to index
        %get3A_1590 = arith.constant 0 : index
        %get3A_1591 = tpu.vector_load %arg9[%get3A_1589, %get3A_1590] {strides = array<i32>} : memref<1600x32xf32, #tpu.memory_space<vmem>>, vector<1x16xf32>,
        %get3A_1592 = vector.shape_cast %get3A_1591 : vector<1x16xf32> to vector<16xf32>
        %add3A_1593 = arith.addf %add3A_1579, %get3A_1592 : vector<16xf32>
        %add3A_1594 = arith.constant 13 : i32
        %add3A_1595 = arith.addi %mul3A_1410, %add3A_1594 : i32
        %get3A_1596 = arith.index_cast %add3A_1595 : i32 to index
        %get3A_1597 = arith.constant 16 : index
        %get3A_1598 = tpu.vector_load %arg9[%get3A_1596, %get3A_1597] {strides = array<i32>} : memref<1600x32xf32, #tpu.memory_space<vmem>>, vector<1x16xf32>,
        %get3A_1599 = vector.shape_cast %get3A_1598 : vector<1x16xf32> to vector<16xf32>
        %add3A_1600 = arith.addf %add3A_1586, %get3A_1599 : vector<16xf32>
        %add3A_1601 = arith.constant 14 : i32
        %add3A_1602 = arith.addi %mul3A_1410, %add3A_1601 : i32
        %get3A_1603 = arith.index_cast %add3A_1602 : i32 to index
        %get3A_1604 = arith.constant 0 : index
        %get3A_1605 = tpu.vector_load %arg9[%get3A_1603, %get3A_1604] {strides = array<i32>} : memref<1600x32xf32, #tpu.memory_space<vmem>>, vector<1x16xf32>,
        %get3A_1606 = vector.shape_cast %get3A_1605 : vector<1x16xf32> to vector<16xf32>
        %add3A_1607 = arith.addf %add3A_1593, %get3A_1606 : vector<16xf32>
        %add3A_1608 = arith.constant 14 : i32
        %add3A_1609 = arith.addi %mul3A_1410, %add3A_1608 : i32
        %get3A_1610 = arith.index_cast %add3A_1609 : i32 to index
        %get3A_1611 = arith.constant 16 : index
        %get3A_1612 = tpu.vector_load %arg9[%get3A_1610, %get3A_1611] {strides = array<i32>} : memref<1600x32xf32, #tpu.memory_space<vmem>>, vector<1x16xf32>,
        %get3A_1613 = vector.shape_cast %get3A_1612 : vector<1x16xf32> to vector<16xf32>
        %add3A_1614 = arith.addf %add3A_1600, %get3A_1613 : vector<16xf32>
        %add3A_1615 = arith.constant 15 : i32
        %add3A_1616 = arith.addi %mul3A_1410, %add3A_1615 : i32
        %get3A_1617 = arith.index_cast %add3A_1616 : i32 to index
        %get3A_1618 = arith.constant 0 : index
        %get3A_1619 = tpu.vector_load %arg9[%get3A_1617, %get3A_1618] {strides = array<i32>} : memref<1600x32xf32, #tpu.memory_space<vmem>>, vector<1x16xf32>,
        %get3A_1620 = vector.shape_cast %get3A_1619 : vector<1x16xf32> to vector<16xf32>
        %add3A_1621 = arith.addf %add3A_1607, %get3A_1620 : vector<16xf32>
        %add3A_1622 = arith.constant 15 : i32
        %add3A_1623 = arith.addi %mul3A_1410, %add3A_1622 : i32
        %get3A_1624 = arith.index_cast %add3A_1623 : i32 to index
        %get3A_1625 = arith.constant 16 : index
        %get3A_1626 = tpu.vector_load %arg9[%get3A_1624, %get3A_1625] {strides = array<i32>} : memref<1600x32xf32, #tpu.memory_space<vmem>>, vector<1x16xf32>,
        %get3A_1627 = vector.shape_cast %get3A_1626 : vector<1x16xf32> to vector<16xf32>
        %add3A_1628 = arith.addf %add3A_1614, %get3A_1627 : vector<16xf32>
        %add3A_1629 = arith.constant 16 : i32
        %add3A_1630 = arith.addi %mul3A_1410, %add3A_1629 : i32
        %get3A_1631 = arith.index_cast %add3A_1630 : i32 to index
        %get3A_1632 = arith.constant 0 : index
        %get3A_1633 = tpu.vector_load %arg9[%get3A_1631, %get3A_1632] {strides = array<i32>} : memref<1600x32xf32, #tpu.memory_space<vmem>>, vector<1x16xf32>,
        %get3A_1634 = vector.shape_cast %get3A_1633 : vector<1x16xf32> to vector<16xf32>
        %add3A_1635 = arith.addf %add3A_1621, %get3A_1634 : vector<16xf32>
        %add3A_1636 = arith.constant 16 : i32
        %add3A_1637 = arith.addi %mul3A_1410, %add3A_1636 : i32
        %get3A_1638 = arith.index_cast %add3A_1637 : i32 to index
        %get3A_1639 = arith.constant 16 : index
        %get3A_1640 = tpu.vector_load %arg9[%get3A_1638, %get3A_1639] {strides = array<i32>} : memref<1600x32xf32, #tpu.memory_space<vmem>>, vector<1x16xf32>,
        %get3A_1641 = vector.shape_cast %get3A_1640 : vector<1x16xf32> to vector<16xf32>
        %add3A_1642 = arith.addf %add3A_1628, %get3A_1641 : vector<16xf32>
        %add3A_1643 = arith.constant 17 : i32
        %add3A_1644 = arith.addi %mul3A_1410, %add3A_1643 : i32
        %get3A_1645 = arith.index_cast %add3A_1644 : i32 to index
        %get3A_1646 = arith.constant 0 : index
        %get3A_1647 = tpu.vector_load %arg9[%get3A_1645, %get3A_1646] {strides = array<i32>} : memref<1600x32xf32, #tpu.memory_space<vmem>>, vector<1x16xf32>,
        %get3A_1648 = vector.shape_cast %get3A_1647 : vector<1x16xf32> to vector<16xf32>
        %add3A_1649 = arith.addf %add3A_1635, %get3A_1648 : vector<16xf32>
        %add3A_1650 = arith.constant 17 : i32
        %add3A_1651 = arith.addi %mul3A_1410, %add3A_1650 : i32
        %get3A_1652 = arith.index_cast %add3A_1651 : i32 to index
        %get3A_1653 = arith.constant 16 : index
        %get3A_1654 = tpu.vector_load %arg9[%get3A_1652, %get3A_1653] {strides = array<i32>} : memref<1600x32xf32, #tpu.memory_space<vmem>>, vector<1x16xf32>,
        %get3A_1655 = vector.shape_cast %get3A_1654 : vector<1x16xf32> to vector<16xf32>
        %add3A_1656 = arith.addf %add3A_1642, %get3A_1655 : vector<16xf32>
        %add3A_1657 = arith.constant 18 : i32
        %add3A_1658 = arith.addi %mul3A_1410, %add3A_1657 : i32
        %get3A_1659 = arith.index_cast %add3A_1658 : i32 to index
        %get3A_1660 = arith.constant 0 : index
        %get3A_1661 = tpu.vector_load %arg9[%get3A_1659, %get3A_1660] {strides = array<i32>} : memref<1600x32xf32, #tpu.memory_space<vmem>>, vector<1x16xf32>,
        %get3A_1662 = vector.shape_cast %get3A_1661 : vector<1x16xf32> to vector<16xf32>
        %add3A_1663 = arith.addf %add3A_1649, %get3A_1662 : vector<16xf32>
        %add3A_1664 = arith.constant 18 : i32
        %add3A_1665 = arith.addi %mul3A_1410, %add3A_1664 : i32
        %get3A_1666 = arith.index_cast %add3A_1665 : i32 to index
        %get3A_1667 = arith.constant 16 : index
        %get3A_1668 = tpu.vector_load %arg9[%get3A_1666, %get3A_1667] {strides = array<i32>} : memref<1600x32xf32, #tpu.memory_space<vmem>>, vector<1x16xf32>,
        %get3A_1669 = vector.shape_cast %get3A_1668 : vector<1x16xf32> to vector<16xf32>
        %add3A_1670 = arith.addf %add3A_1656, %get3A_1669 : vector<16xf32>
        %add3A_1671 = arith.constant 19 : i32
        %add3A_1672 = arith.addi %mul3A_1410, %add3A_1671 : i32
        %get3A_1673 = arith.index_cast %add3A_1672 : i32 to index
        %get3A_1674 = arith.constant 0 : index
        %get3A_1675 = tpu.vector_load %arg9[%get3A_1673, %get3A_1674] {strides = array<i32>} : memref<1600x32xf32, #tpu.memory_space<vmem>>, vector<1x16xf32>,
        %get3A_1676 = vector.shape_cast %get3A_1675 : vector<1x16xf32> to vector<16xf32>
        %add3A_1677 = arith.addf %add3A_1663, %get3A_1676 : vector<16xf32>
        %add3A_1678 = arith.constant 19 : i32
        %add3A_1679 = arith.addi %mul3A_1410, %add3A_1678 : i32
        %get3A_1680 = arith.index_cast %add3A_1679 : i32 to index
        %get3A_1681 = arith.constant 16 : index
        %get3A_1682 = tpu.vector_load %arg9[%get3A_1680, %get3A_1681] {strides = array<i32>} : memref<1600x32xf32, #tpu.memory_space<vmem>>, vector<1x16xf32>,
        %get3A_1683 = vector.shape_cast %get3A_1682 : vector<1x16xf32> to vector<16xf32>
        %add3A_1684 = arith.addf %add3A_1670, %get3A_1683 : vector<16xf32>
        %add3A_1685 = arith.constant 20 : i32
        %add3A_1686 = arith.addi %mul3A_1410, %add3A_1685 : i32
        %get3A_1687 = arith.index_cast %add3A_1686 : i32 to index
        %get3A_1688 = arith.constant 0 : index
        %get3A_1689 = tpu.vector_load %arg9[%get3A_1687, %get3A_1688] {strides = array<i32>} : memref<1600x32xf32, #tpu.memory_space<vmem>>, vector<1x16xf32>,
        %get3A_1690 = vector.shape_cast %get3A_1689 : vector<1x16xf32> to vector<16xf32>
        %add3A_1691 = arith.addf %add3A_1677, %get3A_1690 : vector<16xf32>
        %add3A_1692 = arith.constant 20 : i32
        %add3A_1693 = arith.addi %mul3A_1410, %add3A_1692 : i32
        %get3A_1694 = arith.index_cast %add3A_1693 : i32 to index
        %get3A_1695 = arith.constant 16 : index
        %get3A_1696 = tpu.vector_load %arg9[%get3A_1694, %get3A_1695] {strides = array<i32>} : memref<1600x32xf32, #tpu.memory_space<vmem>>, vector<1x16xf32>,
        %get3A_1697 = vector.shape_cast %get3A_1696 : vector<1x16xf32> to vector<16xf32>
        %add3A_1698 = arith.addf %add3A_1684, %get3A_1697 : vector<16xf32>
        %add3A_1699 = arith.constant 21 : i32
        %add3A_1700 = arith.addi %mul3A_1410, %add3A_1699 : i32
        %get3A_1701 = arith.index_cast %add3A_1700 : i32 to index
        %get3A_1702 = arith.constant 0 : index
        %get3A_1703 = tpu.vector_load %arg9[%get3A_1701, %get3A_1702] {strides = array<i32>} : memref<1600x32xf32, #tpu.memory_space<vmem>>, vector<1x16xf32>,
        %get3A_1704 = vector.shape_cast %get3A_1703 : vector<1x16xf32> to vector<16xf32>
        %add3A_1705 = arith.addf %add3A_1691, %get3A_1704 : vector<16xf32>
        %add3A_1706 = arith.constant 21 : i32
        %add3A_1707 = arith.addi %mul3A_1410, %add3A_1706 : i32
        %get3A_1708 = arith.index_cast %add3A_1707 : i32 to index
        %get3A_1709 = arith.constant 16 : index
        %get3A_1710 = tpu.vector_load %arg9[%get3A_1708, %get3A_1709] {strides = array<i32>} : memref<1600x32xf32, #tpu.memory_space<vmem>>, vector<1x16xf32>,
        %get3A_1711 = vector.shape_cast %get3A_1710 : vector<1x16xf32> to vector<16xf32>
        %add3A_1712 = arith.addf %add3A_1698, %get3A_1711 : vector<16xf32>
        %add3A_1713 = arith.constant 22 : i32
        %add3A_1714 = arith.addi %mul3A_1410, %add3A_1713 : i32
        %get3A_1715 = arith.index_cast %add3A_1714 : i32 to index
        %get3A_1716 = arith.constant 0 : index
        %get3A_1717 = tpu.vector_load %arg9[%get3A_1715, %get3A_1716] {strides = array<i32>} : memref<1600x32xf32, #tpu.memory_space<vmem>>, vector<1x16xf32>,
        %get3A_1718 = vector.shape_cast %get3A_1717 : vector<1x16xf32> to vector<16xf32>
        %add3A_1719 = arith.addf %add3A_1705, %get3A_1718 : vector<16xf32>
        %add3A_1720 = arith.constant 22 : i32
        %add3A_1721 = arith.addi %mul3A_1410, %add3A_1720 : i32
        %get3A_1722 = arith.index_cast %add3A_1721 : i32 to index
        %get3A_1723 = arith.constant 16 : index
        %get3A_1724 = tpu.vector_load %arg9[%get3A_1722, %get3A_1723] {strides = array<i32>} : memref<1600x32xf32, #tpu.memory_space<vmem>>, vector<1x16xf32>,
        %get3A_1725 = vector.shape_cast %get3A_1724 : vector<1x16xf32> to vector<16xf32>
        %add3A_1726 = arith.addf %add3A_1712, %get3A_1725 : vector<16xf32>
        %add3A_1727 = arith.constant 23 : i32
        %add3A_1728 = arith.addi %mul3A_1410, %add3A_1727 : i32
        %get3A_1729 = arith.index_cast %add3A_1728 : i32 to index
        %get3A_1730 = arith.constant 0 : index
        %get3A_1731 = tpu.vector_load %arg9[%get3A_1729, %get3A_1730] {strides = array<i32>} : memref<1600x32xf32, #tpu.memory_space<vmem>>, vector<1x16xf32>,
        %get3A_1732 = vector.shape_cast %get3A_1731 : vector<1x16xf32> to vector<16xf32>
        %add3A_1733 = arith.addf %add3A_1719, %get3A_1732 : vector<16xf32>
        %add3A_1734 = arith.constant 23 : i32
        %add3A_1735 = arith.addi %mul3A_1410, %add3A_1734 : i32
        %get3A_1736 = arith.index_cast %add3A_1735 : i32 to index
        %get3A_1737 = arith.constant 16 : index
        %get3A_1738 = tpu.vector_load %arg9[%get3A_1736, %get3A_1737] {strides = array<i32>} : memref<1600x32xf32, #tpu.memory_space<vmem>>, vector<1x16xf32>,
        %get3A_1739 = vector.shape_cast %get3A_1738 : vector<1x16xf32> to vector<16xf32>
        %add3A_1740 = arith.addf %add3A_1726, %get3A_1739 : vector<16xf32>
        %add3A_1741 = arith.constant 24 : i32
        %add3A_1742 = arith.addi %mul3A_1410, %add3A_1741 : i32
        %get3A_1743 = arith.index_cast %add3A_1742 : i32 to index
        %get3A_1744 = arith.constant 0 : index
        %get3A_1745 = tpu.vector_load %arg9[%get3A_1743, %get3A_1744] {strides = array<i32>} : memref<1600x32xf32, #tpu.memory_space<vmem>>, vector<1x16xf32>,
        %get3A_1746 = vector.shape_cast %get3A_1745 : vector<1x16xf32> to vector<16xf32>
        %add3A_1747 = arith.addf %add3A_1733, %get3A_1746 : vector<16xf32>
        %add3A_1748 = arith.constant 24 : i32
        %add3A_1749 = arith.addi %mul3A_1410, %add3A_1748 : i32
        %get3A_1750 = arith.index_cast %add3A_1749 : i32 to index
        %get3A_1751 = arith.constant 16 : index
        %get3A_1752 = tpu.vector_load %arg9[%get3A_1750, %get3A_1751] {strides = array<i32>} : memref<1600x32xf32, #tpu.memory_space<vmem>>, vector<1x16xf32>,
        %get3A_1753 = vector.shape_cast %get3A_1752 : vector<1x16xf32> to vector<16xf32>
        %add3A_1754 = arith.addf %add3A_1740, %get3A_1753 : vector<16xf32>
        %add3A_1755 = arith.constant 25 : i32
        %add3A_1756 = arith.addi %mul3A_1410, %add3A_1755 : i32
        %get3A_1757 = arith.index_cast %add3A_1756 : i32 to index
        %get3A_1758 = arith.constant 0 : index
        %get3A_1759 = tpu.vector_load %arg9[%get3A_1757, %get3A_1758] {strides = array<i32>} : memref<1600x32xf32, #tpu.memory_space<vmem>>, vector<1x16xf32>,
        %get3A_1760 = vector.shape_cast %get3A_1759 : vector<1x16xf32> to vector<16xf32>
        %add3A_1761 = arith.addf %add3A_1747, %get3A_1760 : vector<16xf32>
        %add3A_1762 = arith.constant 25 : i32
        %add3A_1763 = arith.addi %mul3A_1410, %add3A_1762 : i32
        %get3A_1764 = arith.index_cast %add3A_1763 : i32 to index
        %get3A_1765 = arith.constant 16 : index
        %get3A_1766 = tpu.vector_load %arg9[%get3A_1764, %get3A_1765] {strides = array<i32>} : memref<1600x32xf32, #tpu.memory_space<vmem>>, vector<1x16xf32>,
        %get3A_1767 = vector.shape_cast %get3A_1766 : vector<1x16xf32> to vector<16xf32>
        %add3A_1768 = arith.addf %add3A_1754, %get3A_1767 : vector<16xf32>
        %add3A_1769 = arith.constant 26 : i32
        %add3A_1770 = arith.addi %mul3A_1410, %add3A_1769 : i32
        %get3A_1771 = arith.index_cast %add3A_1770 : i32 to index
        %get3A_1772 = arith.constant 0 : index
        %get3A_1773 = tpu.vector_load %arg9[%get3A_1771, %get3A_1772] {strides = array<i32>} : memref<1600x32xf32, #tpu.memory_space<vmem>>, vector<1x16xf32>,
        %get3A_1774 = vector.shape_cast %get3A_1773 : vector<1x16xf32> to vector<16xf32>
        %add3A_1775 = arith.addf %add3A_1761, %get3A_1774 : vector<16xf32>
        %add3A_1776 = arith.constant 26 : i32
        %add3A_1777 = arith.addi %mul3A_1410, %add3A_1776 : i32
        %get3A_1778 = arith.index_cast %add3A_1777 : i32 to index
        %get3A_1779 = arith.constant 16 : index
        %get3A_1780 = tpu.vector_load %arg9[%get3A_1778, %get3A_1779] {strides = array<i32>} : memref<1600x32xf32, #tpu.memory_space<vmem>>, vector<1x16xf32>,
        %get3A_1781 = vector.shape_cast %get3A_1780 : vector<1x16xf32> to vector<16xf32>
        %add3A_1782 = arith.addf %add3A_1768, %get3A_1781 : vector<16xf32>
        %add3A_1783 = arith.constant 27 : i32
        %add3A_1784 = arith.addi %mul3A_1410, %add3A_1783 : i32
        %get3A_1785 = arith.index_cast %add3A_1784 : i32 to index
        %get3A_1786 = arith.constant 0 : index
        %get3A_1787 = tpu.vector_load %arg9[%get3A_1785, %get3A_1786] {strides = array<i32>} : memref<1600x32xf32, #tpu.memory_space<vmem>>, vector<1x16xf32>,
        %get3A_1788 = vector.shape_cast %get3A_1787 : vector<1x16xf32> to vector<16xf32>
        %add3A_1789 = arith.addf %add3A_1775, %get3A_1788 : vector<16xf32>
        %add3A_1790 = arith.constant 27 : i32
        %add3A_1791 = arith.addi %mul3A_1410, %add3A_1790 : i32
        %get3A_1792 = arith.index_cast %add3A_1791 : i32 to index
        %get3A_1793 = arith.constant 16 : index
        %get3A_1794 = tpu.vector_load %arg9[%get3A_1792, %get3A_1793] {strides = array<i32>} : memref<1600x32xf32, #tpu.memory_space<vmem>>, vector<1x16xf32>,
        %get3A_1795 = vector.shape_cast %get3A_1794 : vector<1x16xf32> to vector<16xf32>
        %add3A_1796 = arith.addf %add3A_1782, %get3A_1795 : vector<16xf32>
        %add3A_1797 = arith.constant 28 : i32
        %add3A_1798 = arith.addi %mul3A_1410, %add3A_1797 : i32
        %get3A_1799 = arith.index_cast %add3A_1798 : i32 to index
        %get3A_1800 = arith.constant 0 : index
        %get3A_1801 = tpu.vector_load %arg9[%get3A_1799, %get3A_1800] {strides = array<i32>} : memref<1600x32xf32, #tpu.memory_space<vmem>>, vector<1x16xf32>,
        %get3A_1802 = vector.shape_cast %get3A_1801 : vector<1x16xf32> to vector<16xf32>
        %add3A_1803 = arith.addf %add3A_1789, %get3A_1802 : vector<16xf32>
        %add3A_1804 = arith.constant 28 : i32
        %add3A_1805 = arith.addi %mul3A_1410, %add3A_1804 : i32
        %get3A_1806 = arith.index_cast %add3A_1805 : i32 to index
        %get3A_1807 = arith.constant 16 : index
        %get3A_1808 = tpu.vector_load %arg9[%get3A_1806, %get3A_1807] {strides = array<i32>} : memref<1600x32xf32, #tpu.memory_space<vmem>>, vector<1x16xf32>,
        %get3A_1809 = vector.shape_cast %get3A_1808 : vector<1x16xf32> to vector<16xf32>
        %add3A_1810 = arith.addf %add3A_1796, %get3A_1809 : vector<16xf32>
        %add3A_1811 = arith.constant 29 : i32
        %add3A_1812 = arith.addi %mul3A_1410, %add3A_1811 : i32
        %get3A_1813 = arith.index_cast %add3A_1812 : i32 to index
        %get3A_1814 = arith.constant 0 : index
        %get3A_1815 = tpu.vector_load %arg9[%get3A_1813, %get3A_1814] {strides = array<i32>} : memref<1600x32xf32, #tpu.memory_space<vmem>>, vector<1x16xf32>,
        %get3A_1816 = vector.shape_cast %get3A_1815 : vector<1x16xf32> to vector<16xf32>
        %add3A_1817 = arith.addf %add3A_1803, %get3A_1816 : vector<16xf32>
        %add3A_1818 = arith.constant 29 : i32
        %add3A_1819 = arith.addi %mul3A_1410, %add3A_1818 : i32
        %get3A_1820 = arith.index_cast %add3A_1819 : i32 to index
        %get3A_1821 = arith.constant 16 : index
        %get3A_1822 = tpu.vector_load %arg9[%get3A_1820, %get3A_1821] {strides = array<i32>} : memref<1600x32xf32, #tpu.memory_space<vmem>>, vector<1x16xf32>,
        %get3A_1823 = vector.shape_cast %get3A_1822 : vector<1x16xf32> to vector<16xf32>
        %add3A_1824 = arith.addf %add3A_1810, %get3A_1823 : vector<16xf32>
        %add3A_1825 = arith.constant 30 : i32
        %add3A_1826 = arith.addi %mul3A_1410, %add3A_1825 : i32
        %get3A_1827 = arith.index_cast %add3A_1826 : i32 to index
        %get3A_1828 = arith.constant 0 : index
        %get3A_1829 = tpu.vector_load %arg9[%get3A_1827, %get3A_1828] {strides = array<i32>} : memref<1600x32xf32, #tpu.memory_space<vmem>>, vector<1x16xf32>,
        %get3A_1830 = vector.shape_cast %get3A_1829 : vector<1x16xf32> to vector<16xf32>
        %add3A_1831 = arith.addf %add3A_1817, %get3A_1830 : vector<16xf32>
        %add3A_1832 = arith.constant 30 : i32
        %add3A_1833 = arith.addi %mul3A_1410, %add3A_1832 : i32
        %get3A_1834 = arith.index_cast %add3A_1833 : i32 to index
        %get3A_1835 = arith.constant 16 : index
        %get3A_1836 = tpu.vector_load %arg9[%get3A_1834, %get3A_1835] {strides = array<i32>} : memref<1600x32xf32, #tpu.memory_space<vmem>>, vector<1x16xf32>,
        %get3A_1837 = vector.shape_cast %get3A_1836 : vector<1x16xf32> to vector<16xf32>
        %add3A_1838 = arith.addf %add3A_1824, %get3A_1837 : vector<16xf32>
        %add3A_1839 = arith.constant 31 : i32
        %add3A_1840 = arith.addi %mul3A_1410, %add3A_1839 : i32
        %get3A_1841 = arith.index_cast %add3A_1840 : i32 to index
        %get3A_1842 = arith.constant 0 : index
        %get3A_1843 = tpu.vector_load %arg9[%get3A_1841, %get3A_1842] {strides = array<i32>} : memref<1600x32xf32, #tpu.memory_space<vmem>>, vector<1x16xf32>,
        %get3A_1844 = vector.shape_cast %get3A_1843 : vector<1x16xf32> to vector<16xf32>
        %add3A_1845 = arith.addf %add3A_1831, %get3A_1844 : vector<16xf32>
        %add3A_1846 = arith.constant 31 : i32
        %add3A_1847 = arith.addi %mul3A_1410, %add3A_1846 : i32
        %get3A_1848 = arith.index_cast %add3A_1847 : i32 to index
        %get3A_1849 = arith.constant 16 : index
        %get3A_1850 = tpu.vector_load %arg9[%get3A_1848, %get3A_1849] {strides = array<i32>} : memref<1600x32xf32, #tpu.memory_space<vmem>>, vector<1x16xf32>,
        %get3A_1851 = vector.shape_cast %get3A_1850 : vector<1x16xf32> to vector<16xf32>
        %add3A_1852 = arith.addf %add3A_1838, %get3A_1851 : vector<16xf32>
        %add3A_1853 = arith.constant 32 : i32
        %add3A_1854 = arith.addi %mul3A_1410, %add3A_1853 : i32
        %get3A_1855 = arith.index_cast %add3A_1854 : i32 to index
        %get3A_1856 = arith.constant 0 : index
        %get3A_1857 = tpu.vector_load %arg9[%get3A_1855, %get3A_1856] {strides = array<i32>} : memref<1600x32xf32, #tpu.memory_space<vmem>>, vector<1x16xf32>,
        %get3A_1858 = vector.shape_cast %get3A_1857 : vector<1x16xf32> to vector<16xf32>
        %add3A_1859 = arith.addf %add3A_1845, %get3A_1858 : vector<16xf32>
        %add3A_1860 = arith.constant 32 : i32
        %add3A_1861 = arith.addi %mul3A_1410, %add3A_1860 : i32
        %get3A_1862 = arith.index_cast %add3A_1861 : i32 to index
        %get3A_1863 = arith.constant 16 : index
        %get3A_1864 = tpu.vector_load %arg9[%get3A_1862, %get3A_1863] {strides = array<i32>} : memref<1600x32xf32, #tpu.memory_space<vmem>>, vector<1x16xf32>,
        %get3A_1865 = vector.shape_cast %get3A_1864 : vector<1x16xf32> to vector<16xf32>
        %add3A_1866 = arith.addf %add3A_1852, %get3A_1865 : vector<16xf32>
        %add3A_1867 = arith.constant 33 : i32
        %add3A_1868 = arith.addi %mul3A_1410, %add3A_1867 : i32
        %get3A_1869 = arith.index_cast %add3A_1868 : i32 to index
        %get3A_1870 = arith.constant 0 : index
        %get3A_1871 = tpu.vector_load %arg9[%get3A_1869, %get3A_1870] {strides = array<i32>} : memref<1600x32xf32, #tpu.memory_space<vmem>>, vector<1x16xf32>,
        %get3A_1872 = vector.shape_cast %get3A_1871 : vector<1x16xf32> to vector<16xf32>
        %add3A_1873 = arith.addf %add3A_1859, %get3A_1872 : vector<16xf32>
        %add3A_1874 = arith.constant 33 : i32
        %add3A_1875 = arith.addi %mul3A_1410, %add3A_1874 : i32
        %get3A_1876 = arith.index_cast %add3A_1875 : i32 to index
        %get3A_1877 = arith.constant 16 : index
        %get3A_1878 = tpu.vector_load %arg9[%get3A_1876, %get3A_1877] {strides = array<i32>} : memref<1600x32xf32, #tpu.memory_space<vmem>>, vector<1x16xf32>,
        %get3A_1879 = vector.shape_cast %get3A_1878 : vector<1x16xf32> to vector<16xf32>
        %add3A_1880 = arith.addf %add3A_1866, %get3A_1879 : vector<16xf32>
        %add3A_1881 = arith.constant 34 : i32
        %add3A_1882 = arith.addi %mul3A_1410, %add3A_1881 : i32
        %get3A_1883 = arith.index_cast %add3A_1882 : i32 to index
        %get3A_1884 = arith.constant 0 : index
        %get3A_1885 = tpu.vector_load %arg9[%get3A_1883, %get3A_1884] {strides = array<i32>} : memref<1600x32xf32, #tpu.memory_space<vmem>>, vector<1x16xf32>,
        %get3A_1886 = vector.shape_cast %get3A_1885 : vector<1x16xf32> to vector<16xf32>
        %add3A_1887 = arith.addf %add3A_1873, %get3A_1886 : vector<16xf32>
        %add3A_1888 = arith.constant 34 : i32
        %add3A_1889 = arith.addi %mul3A_1410, %add3A_1888 : i32
        %get3A_1890 = arith.index_cast %add3A_1889 : i32 to index
        %get3A_1891 = arith.constant 16 : index
        %get3A_1892 = tpu.vector_load %arg9[%get3A_1890, %get3A_1891] {strides = array<i32>} : memref<1600x32xf32, #tpu.memory_space<vmem>>, vector<1x16xf32>,
        %get3A_1893 = vector.shape_cast %get3A_1892 : vector<1x16xf32> to vector<16xf32>
        %add3A_1894 = arith.addf %add3A_1880, %get3A_1893 : vector<16xf32>
        %add3A_1895 = arith.constant 35 : i32
        %add3A_1896 = arith.addi %mul3A_1410, %add3A_1895 : i32
        %get3A_1897 = arith.index_cast %add3A_1896 : i32 to index
        %get3A_1898 = arith.constant 0 : index
        %get3A_1899 = tpu.vector_load %arg9[%get3A_1897, %get3A_1898] {strides = array<i32>} : memref<1600x32xf32, #tpu.memory_space<vmem>>, vector<1x16xf32>,
        %get3A_1900 = vector.shape_cast %get3A_1899 : vector<1x16xf32> to vector<16xf32>
        %add3A_1901 = arith.addf %add3A_1887, %get3A_1900 : vector<16xf32>
        %add3A_1902 = arith.constant 35 : i32
        %add3A_1903 = arith.addi %mul3A_1410, %add3A_1902 : i32
        %get3A_1904 = arith.index_cast %add3A_1903 : i32 to index
        %get3A_1905 = arith.constant 16 : index
        %get3A_1906 = tpu.vector_load %arg9[%get3A_1904, %get3A_1905] {strides = array<i32>} : memref<1600x32xf32, #tpu.memory_space<vmem>>, vector<1x16xf32>,
        %get3A_1907 = vector.shape_cast %get3A_1906 : vector<1x16xf32> to vector<16xf32>
        %add3A_1908 = arith.addf %add3A_1894, %get3A_1907 : vector<16xf32>
        %add3A_1909 = arith.constant 36 : i32
        %add3A_1910 = arith.addi %mul3A_1410, %add3A_1909 : i32
        %get3A_1911 = arith.index_cast %add3A_1910 : i32 to index
        %get3A_1912 = arith.constant 0 : index
        %get3A_1913 = tpu.vector_load %arg9[%get3A_1911, %get3A_1912] {strides = array<i32>} : memref<1600x32xf32, #tpu.memory_space<vmem>>, vector<1x16xf32>,
        %get3A_1914 = vector.shape_cast %get3A_1913 : vector<1x16xf32> to vector<16xf32>
        %add3A_1915 = arith.addf %add3A_1901, %get3A_1914 : vector<16xf32>
        %add3A_1916 = arith.constant 36 : i32
        %add3A_1917 = arith.addi %mul3A_1410, %add3A_1916 : i32
        %get3A_1918 = arith.index_cast %add3A_1917 : i32 to index
        %get3A_1919 = arith.constant 16 : index
        %get3A_1920 = tpu.vector_load %arg9[%get3A_1918, %get3A_1919] {strides = array<i32>} : memref<1600x32xf32, #tpu.memory_space<vmem>>, vector<1x16xf32>,
        %get3A_1921 = vector.shape_cast %get3A_1920 : vector<1x16xf32> to vector<16xf32>
        %add3A_1922 = arith.addf %add3A_1908, %get3A_1921 : vector<16xf32>
        %add3A_1923 = arith.constant 37 : i32
        %add3A_1924 = arith.addi %mul3A_1410, %add3A_1923 : i32
        %get3A_1925 = arith.index_cast %add3A_1924 : i32 to index
        %get3A_1926 = arith.constant 0 : index
        %get3A_1927 = tpu.vector_load %arg9[%get3A_1925, %get3A_1926] {strides = array<i32>} : memref<1600x32xf32, #tpu.memory_space<vmem>>, vector<1x16xf32>,
        %get3A_1928 = vector.shape_cast %get3A_1927 : vector<1x16xf32> to vector<16xf32>
        %add3A_1929 = arith.addf %add3A_1915, %get3A_1928 : vector<16xf32>
        %add3A_1930 = arith.constant 37 : i32
        %add3A_1931 = arith.addi %mul3A_1410, %add3A_1930 : i32
        %get3A_1932 = arith.index_cast %add3A_1931 : i32 to index
        %get3A_1933 = arith.constant 16 : index
        %get3A_1934 = tpu.vector_load %arg9[%get3A_1932, %get3A_1933] {strides = array<i32>} : memref<1600x32xf32, #tpu.memory_space<vmem>>, vector<1x16xf32>,
        %get3A_1935 = vector.shape_cast %get3A_1934 : vector<1x16xf32> to vector<16xf32>
        %add3A_1936 = arith.addf %add3A_1922, %get3A_1935 : vector<16xf32>
        %add3A_1937 = arith.constant 38 : i32
        %add3A_1938 = arith.addi %mul3A_1410, %add3A_1937 : i32
        %get3A_1939 = arith.index_cast %add3A_1938 : i32 to index
        %get3A_1940 = arith.constant 0 : index
        %get3A_1941 = tpu.vector_load %arg9[%get3A_1939, %get3A_1940] {strides = array<i32>} : memref<1600x32xf32, #tpu.memory_space<vmem>>, vector<1x16xf32>,
        %get3A_1942 = vector.shape_cast %get3A_1941 : vector<1x16xf32> to vector<16xf32>
        %add3A_1943 = arith.addf %add3A_1929, %get3A_1942 : vector<16xf32>
        %add3A_1944 = arith.constant 38 : i32
        %add3A_1945 = arith.addi %mul3A_1410, %add3A_1944 : i32
        %get3A_1946 = arith.index_cast %add3A_1945 : i32 to index
        %get3A_1947 = arith.constant 16 : index
        %get3A_1948 = tpu.vector_load %arg9[%get3A_1946, %get3A_1947] {strides = array<i32>} : memref<1600x32xf32, #tpu.memory_space<vmem>>, vector<1x16xf32>,
        %get3A_1949 = vector.shape_cast %get3A_1948 : vector<1x16xf32> to vector<16xf32>
        %add3A_1950 = arith.addf %add3A_1936, %get3A_1949 : vector<16xf32>
        %add3A_1951 = arith.constant 39 : i32
        %add3A_1952 = arith.addi %mul3A_1410, %add3A_1951 : i32
        %get3A_1953 = arith.index_cast %add3A_1952 : i32 to index
        %get3A_1954 = arith.constant 0 : index
        %get3A_1955 = tpu.vector_load %arg9[%get3A_1953, %get3A_1954] {strides = array<i32>} : memref<1600x32xf32, #tpu.memory_space<vmem>>, vector<1x16xf32>,
        %get3A_1956 = vector.shape_cast %get3A_1955 : vector<1x16xf32> to vector<16xf32>
        %add3A_1957 = arith.addf %add3A_1943, %get3A_1956 : vector<16xf32>
        %add3A_1958 = arith.constant 39 : i32
        %add3A_1959 = arith.addi %mul3A_1410, %add3A_1958 : i32
        %get3A_1960 = arith.index_cast %add3A_1959 : i32 to index
        %get3A_1961 = arith.constant 16 : index
        %get3A_1962 = tpu.vector_load %arg9[%get3A_1960, %get3A_1961] {strides = array<i32>} : memref<1600x32xf32, #tpu.memory_space<vmem>>, vector<1x16xf32>,
        %get3A_1963 = vector.shape_cast %get3A_1962 : vector<1x16xf32> to vector<16xf32>
        %add3A_1964 = arith.addf %add3A_1950, %get3A_1963 : vector<16xf32>
        %add3A_1965 = arith.constant 40 : i32
        %add3A_1966 = arith.addi %mul3A_1410, %add3A_1965 : i32
        %get3A_1967 = arith.index_cast %add3A_1966 : i32 to index
        %get3A_1968 = arith.constant 0 : index
        %get3A_1969 = tpu.vector_load %arg9[%get3A_1967, %get3A_1968] {strides = array<i32>} : memref<1600x32xf32, #tpu.memory_space<vmem>>, vector<1x16xf32>,
        %get3A_1970 = vector.shape_cast %get3A_1969 : vector<1x16xf32> to vector<16xf32>
        %add3A_1971 = arith.addf %add3A_1957, %get3A_1970 : vector<16xf32>
        %add3A_1972 = arith.constant 40 : i32
        %add3A_1973 = arith.addi %mul3A_1410, %add3A_1972 : i32
        %get3A_1974 = arith.index_cast %add3A_1973 : i32 to index
        %get3A_1975 = arith.constant 16 : index
        %get3A_1976 = tpu.vector_load %arg9[%get3A_1974, %get3A_1975] {strides = array<i32>} : memref<1600x32xf32, #tpu.memory_space<vmem>>, vector<1x16xf32>,
        %get3A_1977 = vector.shape_cast %get3A_1976 : vector<1x16xf32> to vector<16xf32>
        %add3A_1978 = arith.addf %add3A_1964, %get3A_1977 : vector<16xf32>
        %add3A_1979 = arith.constant 41 : i32
        %add3A_1980 = arith.addi %mul3A_1410, %add3A_1979 : i32
        %get3A_1981 = arith.index_cast %add3A_1980 : i32 to index
        %get3A_1982 = arith.constant 0 : index
        %get3A_1983 = tpu.vector_load %arg9[%get3A_1981, %get3A_1982] {strides = array<i32>} : memref<1600x32xf32, #tpu.memory_space<vmem>>, vector<1x16xf32>,
        %get3A_1984 = vector.shape_cast %get3A_1983 : vector<1x16xf32> to vector<16xf32>
        %add3A_1985 = arith.addf %add3A_1971, %get3A_1984 : vector<16xf32>
        %add3A_1986 = arith.constant 41 : i32
        %add3A_1987 = arith.addi %mul3A_1410, %add3A_1986 : i32
        %get3A_1988 = arith.index_cast %add3A_1987 : i32 to index
        %get3A_1989 = arith.constant 16 : index
        %get3A_1990 = tpu.vector_load %arg9[%get3A_1988, %get3A_1989] {strides = array<i32>} : memref<1600x32xf32, #tpu.memory_space<vmem>>, vector<1x16xf32>,
        %get3A_1991 = vector.shape_cast %get3A_1990 : vector<1x16xf32> to vector<16xf32>
        %add3A_1992 = arith.addf %add3A_1978, %get3A_1991 : vector<16xf32>
        %add3A_1993 = arith.constant 42 : i32
        %add3A_1994 = arith.addi %mul3A_1410, %add3A_1993 : i32
        %get3A_1995 = arith.index_cast %add3A_1994 : i32 to index
        %get3A_1996 = arith.constant 0 : index
        %get3A_1997 = tpu.vector_load %arg9[%get3A_1995, %get3A_1996] {strides = array<i32>} : memref<1600x32xf32, #tpu.memory_space<vmem>>, vector<1x16xf32>,
        %get3A_1998 = vector.shape_cast %get3A_1997 : vector<1x16xf32> to vector<16xf32>
        %add3A_1999 = arith.addf %add3A_1985, %get3A_1998 : vector<16xf32>
        %add3A_2000 = arith.constant 42 : i32
        %add3A_2001 = arith.addi %mul3A_1410, %add3A_2000 : i32
        %get3A_2002 = arith.index_cast %add3A_2001 : i32 to index
        %get3A_2003 = arith.constant 16 : index
        %get3A_2004 = tpu.vector_load %arg9[%get3A_2002, %get3A_2003] {strides = array<i32>} : memref<1600x32xf32, #tpu.memory_space<vmem>>, vector<1x16xf32>,
        %get3A_2005 = vector.shape_cast %get3A_2004 : vector<1x16xf32> to vector<16xf32>
        %add3A_2006 = arith.addf %add3A_1992, %get3A_2005 : vector<16xf32>
        %add3A_2007 = arith.constant 43 : i32
        %add3A_2008 = arith.addi %mul3A_1410, %add3A_2007 : i32
        %get3A_2009 = arith.index_cast %add3A_2008 : i32 to index
        %get3A_2010 = arith.constant 0 : index
        %get3A_2011 = tpu.vector_load %arg9[%get3A_2009, %get3A_2010] {strides = array<i32>} : memref<1600x32xf32, #tpu.memory_space<vmem>>, vector<1x16xf32>,
        %get3A_2012 = vector.shape_cast %get3A_2011 : vector<1x16xf32> to vector<16xf32>
        %add3A_2013 = arith.addf %add3A_1999, %get3A_2012 : vector<16xf32>
        %add3A_2014 = arith.constant 43 : i32
        %add3A_2015 = arith.addi %mul3A_1410, %add3A_2014 : i32
        %get3A_2016 = arith.index_cast %add3A_2015 : i32 to index
        %get3A_2017 = arith.constant 16 : index
        %get3A_2018 = tpu.vector_load %arg9[%get3A_2016, %get3A_2017] {strides = array<i32>} : memref<1600x32xf32, #tpu.memory_space<vmem>>, vector<1x16xf32>,
        %get3A_2019 = vector.shape_cast %get3A_2018 : vector<1x16xf32> to vector<16xf32>
        %add3A_2020 = arith.addf %add3A_2006, %get3A_2019 : vector<16xf32>
        %add3A_2021 = arith.constant 44 : i32
        %add3A_2022 = arith.addi %mul3A_1410, %add3A_2021 : i32
        %get3A_2023 = arith.index_cast %add3A_2022 : i32 to index
        %get3A_2024 = arith.constant 0 : index
        %get3A_2025 = tpu.vector_load %arg9[%get3A_2023, %get3A_2024] {strides = array<i32>} : memref<1600x32xf32, #tpu.memory_space<vmem>>, vector<1x16xf32>,
        %get3A_2026 = vector.shape_cast %get3A_2025 : vector<1x16xf32> to vector<16xf32>
        %add3A_2027 = arith.addf %add3A_2013, %get3A_2026 : vector<16xf32>
        %add3A_2028 = arith.constant 44 : i32
        %add3A_2029 = arith.addi %mul3A_1410, %add3A_2028 : i32
        %get3A_2030 = arith.index_cast %add3A_2029 : i32 to index
        %get3A_2031 = arith.constant 16 : index
        %get3A_2032 = tpu.vector_load %arg9[%get3A_2030, %get3A_2031] {strides = array<i32>} : memref<1600x32xf32, #tpu.memory_space<vmem>>, vector<1x16xf32>,
        %get3A_2033 = vector.shape_cast %get3A_2032 : vector<1x16xf32> to vector<16xf32>
        %add3A_2034 = arith.addf %add3A_2020, %get3A_2033 : vector<16xf32>
        %add3A_2035 = arith.constant 45 : i32
        %add3A_2036 = arith.addi %mul3A_1410, %add3A_2035 : i32
        %get3A_2037 = arith.index_cast %add3A_2036 : i32 to index
        %get3A_2038 = arith.constant 0 : index
        %get3A_2039 = tpu.vector_load %arg9[%get3A_2037, %get3A_2038] {strides = array<i32>} : memref<1600x32xf32, #tpu.memory_space<vmem>>, vector<1x16xf32>,
        %get3A_2040 = vector.shape_cast %get3A_2039 : vector<1x16xf32> to vector<16xf32>
        %add3A_2041 = arith.addf %add3A_2027, %get3A_2040 : vector<16xf32>
        %add3A_2042 = arith.constant 45 : i32
        %add3A_2043 = arith.addi %mul3A_1410, %add3A_2042 : i32
        %get3A_2044 = arith.index_cast %add3A_2043 : i32 to index
        %get3A_2045 = arith.constant 16 : index
        %get3A_2046 = tpu.vector_load %arg9[%get3A_2044, %get3A_2045] {strides = array<i32>} : memref<1600x32xf32, #tpu.memory_space<vmem>>, vector<1x16xf32>,
        %get3A_2047 = vector.shape_cast %get3A_2046 : vector<1x16xf32> to vector<16xf32>
        %add3A_2048 = arith.addf %add3A_2034, %get3A_2047 : vector<16xf32>
        %add3A_2049 = arith.constant 46 : i32
        %add3A_2050 = arith.addi %mul3A_1410, %add3A_2049 : i32
        %get3A_2051 = arith.index_cast %add3A_2050 : i32 to index
        %get3A_2052 = arith.constant 0 : index
        %get3A_2053 = tpu.vector_load %arg9[%get3A_2051, %get3A_2052] {strides = array<i32>} : memref<1600x32xf32, #tpu.memory_space<vmem>>, vector<1x16xf32>,
        %get3A_2054 = vector.shape_cast %get3A_2053 : vector<1x16xf32> to vector<16xf32>
        %add3A_2055 = arith.addf %add3A_2041, %get3A_2054 : vector<16xf32>
        %add3A_2056 = arith.constant 46 : i32
        %add3A_2057 = arith.addi %mul3A_1410, %add3A_2056 : i32
        %get3A_2058 = arith.index_cast %add3A_2057 : i32 to index
        %get3A_2059 = arith.constant 16 : index
        %get3A_2060 = tpu.vector_load %arg9[%get3A_2058, %get3A_2059] {strides = array<i32>} : memref<1600x32xf32, #tpu.memory_space<vmem>>, vector<1x16xf32>,
        %get3A_2061 = vector.shape_cast %get3A_2060 : vector<1x16xf32> to vector<16xf32>
        %add3A_2062 = arith.addf %add3A_2048, %get3A_2061 : vector<16xf32>
        %add3A_2063 = arith.constant 47 : i32
        %add3A_2064 = arith.addi %mul3A_1410, %add3A_2063 : i32
        %get3A_2065 = arith.index_cast %add3A_2064 : i32 to index
        %get3A_2066 = arith.constant 0 : index
        %get3A_2067 = tpu.vector_load %arg9[%get3A_2065, %get3A_2066] {strides = array<i32>} : memref<1600x32xf32, #tpu.memory_space<vmem>>, vector<1x16xf32>,
        %get3A_2068 = vector.shape_cast %get3A_2067 : vector<1x16xf32> to vector<16xf32>
        %add3A_2069 = arith.addf %add3A_2055, %get3A_2068 : vector<16xf32>
        %add3A_2070 = arith.constant 47 : i32
        %add3A_2071 = arith.addi %mul3A_1410, %add3A_2070 : i32
        %get3A_2072 = arith.index_cast %add3A_2071 : i32 to index
        %get3A_2073 = arith.constant 16 : index
        %get3A_2074 = tpu.vector_load %arg9[%get3A_2072, %get3A_2073] {strides = array<i32>} : memref<1600x32xf32, #tpu.memory_space<vmem>>, vector<1x16xf32>,
        %get3A_2075 = vector.shape_cast %get3A_2074 : vector<1x16xf32> to vector<16xf32>
        %add3A_2076 = arith.addf %add3A_2062, %get3A_2075 : vector<16xf32>
        %add3A_2077 = arith.constant 48 : i32
        %add3A_2078 = arith.addi %mul3A_1410, %add3A_2077 : i32
        %get3A_2079 = arith.index_cast %add3A_2078 : i32 to index
        %get3A_2080 = arith.constant 0 : index
        %get3A_2081 = tpu.vector_load %arg9[%get3A_2079, %get3A_2080] {strides = array<i32>} : memref<1600x32xf32, #tpu.memory_space<vmem>>, vector<1x16xf32>,
        %get3A_2082 = vector.shape_cast %get3A_2081 : vector<1x16xf32> to vector<16xf32>
        %add3A_2083 = arith.addf %add3A_2069, %get3A_2082 : vector<16xf32>
        %add3A_2084 = arith.constant 48 : i32
        %add3A_2085 = arith.addi %mul3A_1410, %add3A_2084 : i32
        %get3A_2086 = arith.index_cast %add3A_2085 : i32 to index
        %get3A_2087 = arith.constant 16 : index
        %get3A_2088 = tpu.vector_load %arg9[%get3A_2086, %get3A_2087] {strides = array<i32>} : memref<1600x32xf32, #tpu.memory_space<vmem>>, vector<1x16xf32>,
        %get3A_2089 = vector.shape_cast %get3A_2088 : vector<1x16xf32> to vector<16xf32>
        %add3A_2090 = arith.addf %add3A_2076, %get3A_2089 : vector<16xf32>
        %add3A_2091 = arith.constant 49 : i32
        %add3A_2092 = arith.addi %mul3A_1410, %add3A_2091 : i32
        %get3A_2093 = arith.index_cast %add3A_2092 : i32 to index
        %get3A_2094 = arith.constant 0 : index
        %get3A_2095 = tpu.vector_load %arg9[%get3A_2093, %get3A_2094] {strides = array<i32>} : memref<1600x32xf32, #tpu.memory_space<vmem>>, vector<1x16xf32>,
        %get3A_2096 = vector.shape_cast %get3A_2095 : vector<1x16xf32> to vector<16xf32>
        %add3A_2097 = arith.addf %add3A_2083, %get3A_2096 : vector<16xf32>
        %add3A_2098 = arith.constant 49 : i32
        %add3A_2099 = arith.addi %mul3A_1410, %add3A_2098 : i32
        %get3A_2100 = arith.index_cast %add3A_2099 : i32 to index
        %get3A_2101 = arith.constant 16 : index
        %get3A_2102 = tpu.vector_load %arg9[%get3A_2100, %get3A_2101] {strides = array<i32>} : memref<1600x32xf32, #tpu.memory_space<vmem>>, vector<1x16xf32>,
        %get3A_2103 = vector.shape_cast %get3A_2102 : vector<1x16xf32> to vector<16xf32>
        %add3A_2104 = arith.addf %add3A_2090, %get3A_2103 : vector<16xf32>
        %mul3A_2105 = arith.constant 32 : i32
        %mul3A_2106 = arith.muli %add3A_675, %mul3A_2105 : i32
        %add3A_2107 = arith.addi %mul3A_2106, %add3A_1408 : i32
        %get3A_2108 = arith.index_cast %add3A_2107 : i32 to index
        %get3A_2109 = tpu.vector_load %arg11[%get3A_2108] {strides = array<i32>} : memref<528xi32, #tpu.memory_space<vmem>>, vector<16xi32>,
        %get3A_2110 = vector.shape_cast %get3A_2109 : vector<16xi32> to vector<16xi32>
        %slice3A_2111 = vector.extract_strided_slice %get3A_2110 {offsets = [0], sizes = [1], strides = [1]} : vector<16xi32> to vector<1xi32>
        %squeeze3A_2112 = vector.extract %slice3A_2111[0] : i32 from vector<1xi32>
        %max3A_2113 = arith.constant 1 : i32
        %max3A_2114 = arith.maxsi %squeeze3A_2112, %max3A_2113 : i32
        %convert_element_type3A_2115 = arith.sitofp %max3A_2114 : i32 to f32
        %div3A_2116 = vector.broadcast %convert_element_type3A_2115 : f32 to vector<16xf32>
        %div3A_2117 = arith.divf %add3A_2097, %div3A_2116 : vector<16xf32>
        %swap3A_2118 = arith.index_cast %add3A_1408 : i32 to index
        %swap3A_2119 = arith.constant 0 : index
        %swap3A_2120 = tpu.vector_load %arg10[%swap3A_2118, %swap3A_2119] {strides = array<i32>} : memref<32x32xf32, #tpu.memory_space<vmem>>, vector<1x16xf32>,
        %swap3A_2121 = vector.shape_cast %swap3A_2120 : vector<1x16xf32> to vector<16xf32>
        %swap3A_2122 = vector.shape_cast %div3A_2117 : vector<16xf32> to vector<1x16xf32>
        tpu.vector_store %arg10[%swap3A_2118, %swap3A_2119], %swap3A_2122 {strides = array<i32>} : memref<32x32xf32, #tpu.memory_space<vmem>>, vector<1x16xf32>,
        %div3A_2123 = vector.broadcast %convert_element_type3A_2115 : f32 to vector<16xf32>
        %div3A_2124 = arith.divf %add3A_2104, %div3A_2123 : vector<16xf32>
        %swap3A_2125 = arith.index_cast %add3A_1408 : i32 to index
        %swap3A_2126 = arith.constant 16 : index
        %swap3A_2127 = tpu.vector_load %arg10[%swap3A_2125, %swap3A_2126] {strides = array<i32>} : memref<32x32xf32, #tpu.memory_space<vmem>>, vector<1x16xf32>,
        %swap3A_2128 = vector.shape_cast %swap3A_2127 : vector<1x16xf32> to vector<16xf32>
        %swap3A_2129 = vector.shape_cast %div3A_2124 : vector<16xf32> to vector<1x16xf32>
        tpu.vector_store %arg10[%swap3A_2125, %swap3A_2126], %swap3A_2129 {strides = array<i32>} : memref<32x32xf32, #tpu.memory_space<vmem>>, vector<1x16xf32>,
      }
      %scan3A_681 = arith.constant 16 : i32
      %mul3A_682 = arith.constant 32 : i32
      %mul3A_683 = arith.muli %add3A_675, %mul3A_682 : i32
      %add3A_684 = arith.addi %mul3A_2, %mul3A_683 : i32
      %multiple_of3A_685 = tpu.assume_multiple %add3A_684, 8 : i32
      "tpu.region"() ({
        %run_scoped3A = tpu.sem_alloc : memref<!tpu.dma_semaphore, #tpu.memory_space<semaphore_mem>>
        %dma_start3A_686 = arith.constant 0 : i32
        %dma_start3A_687 = tpu.memref_slice %arg5[%multiple_of3A_685, %dma_start3A_686] : memref<16384x32xf32, #tpu.memory_space<hbm>> -> memref<32x32xf32, #tpu.memory_space<hbm>>
        %dma_start3A_688 = arith.constant 0 : i32
        %dma_start3A_689 = tpu.memref_slice %arg5[%multiple_of3A_685, %dma_start3A_688] : memref<16384x32xf32, #tpu.memory_space<hbm>> -> memref<32x32xf32, #tpu.memory_space<hbm>>
        tpu.enqueue_dma source(%arg10 : memref<32x32xf32, #tpu.memory_space<vmem>>) target(%dma_start3A_689 : memref<32x32xf32, #tpu.memory_space<hbm>>) target_semaphore(%run_scoped3A : memref<!tpu.dma_semaphore, #tpu.memory_space<semaphore_mem>>)
        %dma_wait3A_690 = arith.constant 0 : i32
        %dma_wait3A_691 = tpu.memref_slice %arg5[%multiple_of3A_685, %dma_wait3A_690] : memref<16384x32xf32, #tpu.memory_space<hbm>> -> memref<32x32xf32, #tpu.memory_space<hbm>>
        %dma_wait3A_692 = arith.constant 0 : i32
        %dma_wait3A_693 = tpu.memref_slice %arg5[%multiple_of3A_685, %dma_wait3A_692] : memref<16384x32xf32, #tpu.memory_space<hbm>> -> memref<32x32xf32, #tpu.memory_space<hbm>>
        tpu.wait_dma2 semaphore(%run_scoped3A : memref<!tpu.dma_semaphore, #tpu.memory_space<semaphore_mem>>) src(%arg10 : memref<32x32xf32, #tpu.memory_space<vmem>>) dst(%dma_wait3A_693 : memref<32x32xf32, #tpu.memory_space<hbm>>)
        tpu.yield
      }) : () -> ()
    }
    %scan3A_9 = arith.constant 8 : i32
    return
  }
}

</mosaic_0001>

<sc_bundles>
// kernel: _embed_bag.3.cloned.1.call-start
scs
__scs_entry_jumppad:
0x0: {  	(pc) =	sbr.rel $0x88, $3  }
0x1: {  	(tag) =	ssettag $0x0;
	lr =	simm.s32 $0x1  }
0x2: {  	[smem:$0x3F9E] =	sst lr;
	_ =	strace $0xD0000000  }
0x3: {  	_ = 	snop  }
0x4: {  	_ = 	snop  }
0x5: {  	_ = 	snop  }
0x6: {  	_ = 	snop  }
0x7: {  	_ = 	snop  }
__scs_overlays_trampoline_lowered:
0x8: {  	[smem:$0x3FAD] =	sst s0  }
0x9: {  	[smem:$0x3FAE] =	sst s1  }
0xa: {  	[smem:$0x3FAF] =	sst s2  }
0xb: {  	[smem:$0x3FB0] =	sst s3  }
0xc: {  	[smem:$0x3FB1] =	sst s4  }
0xd: {  	[smem:$0x3FB2] =	sst s5  }
0xe: {  	[smem:$0x3FB3] =	sst s6  }
0xf: {  	[smem:$0x3FB4] =	sst s7  }
0x10: {  	[smem:$0x3FB5] =	sst s8  }
0x11: {  	[smem:$0x3FB6] =	sst s9;
	s0 =	simm.s32 @!p0 $0x0  }
0x12: {  	s1 =	sld [smem:$0x3F9C];
	s0 =	simm.s32 @p0 $0x1  }
0x13: {  	[smem:$0x3FB7] =	sst s0;
	s0 =	simm.s32 @!p1 $0x0  }
0x14: {  	s2 =	sld [smem:$0x3F9B];
	s0 =	simm.s32 @p1 $0x1  }
0x15: {  	[smem:$0x3FB8] =	sst s0;
	s0 =	simm.s32 @!p2 $0x0  }
0x16: {  	s3 =	sld [smem:$0x3FDB];
	s0 =	simm.s32 @p2 $0x1  }
0x17: {  	s4 =	simm.s32 $0x1BF5;
	[smem:$0x3FBA] =	sst s0  }
0x18: {  	s0 =	sld [smem:$0x3F9D];
	_ =	swait.ge [sflag:s4], $0x0  }
0x19: {  	s7 =	sld [smem:$0x3F9E]  }
0x1a: {  	s8 =	sadd.s32 $0xFFFFE003, lr  }
0x1b: {  	s9 =	sadd.s32 $0xFFFFFEF7, lr;
	s5 =	simm.s32 $0xFFFFFFFF;
	p2 =	slt.u32 s8, $0xFFFFF086  }
0x1c: {  	p1 =	slt.u32 s9, $0xF7A;
	s5 =	simm.s32 @!p2 $0x0  }
0x1d: {  	s5 =	simm.s32 @p1 $0x1;
	p0 =	seq.s32 s7, s2  }
0x1e: {  	s7 =	smul.u32 @!p0 $0xF7A, s2;
	p2 =	seq.s32 @!p0 s5, $0x0  }
0x1f: {  	s9 =	smul.u32 $0xF7A, s1;
	s8 =	simm.s32 @!p0 $0x1BF5;
	p2 =	por !p2, p0  }
0x20: {  	[sflag:s8] =	ssyncset.s32 @!p0 $0xFFFFF086;
	s6 =	sadd.s32 @!p0 s3, s7;
	s7 =	simm.s32 @!p0 $0x108  }
0x21: {  	s3 =	sadd.s32 s3, s9;
	s6 =	sadd.s32 @!p0 $0x88, s6;
	s7 =	simm.s32 @p2 $0x1082  }
0x22: {  	[simem:s7], [sflag:s8] =	dma.local @!p0 [hbm:s6], $0xF7A  }
0x23: {  	s9 =	sor.u32 $0xD0000000, s2;
	s6 =	simm.s32 $0x108;
	_ =	swait.ge @!p0 [sflag:s8], $0x0  }
0x24: {  	s3 =	sadd.s32 $0x88, s3;
	s6 =	simm.s32 @!p1 $0x1082;
	[sflag:s4] =	ssyncset.s32 $0xFFFFF086  }
0x25: {  	[simem:s6], [sflag:s4] =	dma.local [hbm:s3], $0xF7A  }
0x26: {  	[smem:$0x3F9E] =	sst s1;
	(tag) =	ssettag s2;
	_ =	strace s9  }
0x27: {  	s1 =	sld [smem:$0x3FAE]  }
0x28: {  	s2 =	sld [smem:$0x3FAF]  }
0x29: {  	s4 =	sld [smem:$0x3FB1]  }
0x2a: {  	p0 =	seq.s32 s5, $0x0;
	s5 =	sld [smem:$0x3FB2]  }
0x2b: {  	s6 =	sld [smem:$0x3FB3]  }
0x2c: {  	s7 =	sld [smem:$0x3FB4]  }
0x2d: {  	s3 =	simm.s32 $0x108;
	s8 =	sld [smem:$0x3FB5]  }
0x2e: {  	s3 =	simm.s32 @!p0 $0x1082;
	s9 =	sld [smem:$0x3FB6]  }
0x2f: {  	lr =	sadd.s32 s0, s3;
	s0 =	sld [smem:$0x3FAD]  }
0x30: {  	s3 =	sld [smem:$0x3FB0]  }
0x31: {  	[smem:$0x3FB9] =	sst s10  }
0x32: {  	s10 =	sld [smem:$0x3FB7];
	_ =	sdelay $0x3  }
0x33: {  	p0 =	seq.s32 s10, $0x1;
	s10 =	sld [smem:$0x3FB9];
	_ =	sdelay $0x3  }
0x34: {  	[smem:$0x3FB9] =	sst s10  }
0x35: {  	s10 =	sld [smem:$0x3FB8];
	_ =	sdelay $0x3  }
0x36: {  	p1 =	seq.s32 s10, $0x1;
	s10 =	sld [smem:$0x3FB9];
	_ =	sdelay $0x3  }
0x37: {  	[smem:$0x3FB9] =	sst s10  }
0x38: {  	s10 =	sld [smem:$0x3FBA]  }
0x39: {  	_ = 	snop;
	(pc) =	sbr.ind lr, $3  }
0x3a: {  	_ = 	snop  }
0x3b: {  	_ = 	snop  }
0x3c: {  	p2 =	seq.s32 s10, $0x1;
	s10 =	sld [smem:$0x3FB9]  }
0x3d: {  	_ =	shalt  }
0x3e: {  	_ =	shalt  }
0x3f: {  	_ =	shalt  }
0x40: {  	_ =	shalt  }
0x41: {  	_ =	shalt  }
0x42: {  	_ =	shalt  }
0x43: {  	_ =	shalt  }
0x44: {  	_ =	shalt  }
0x45: {  	_ =	shalt  }
0x46: {  	_ =	shalt  }
0x47: {  	_ =	shalt  }
0x48: {  	_ =	shalt  }
0x49: {  	_ =	shalt  }
0x4a: {  	_ =	shalt  }
0x4b: {  	_ =	shalt  }
0x4c: {  	_ =	shalt  }
0x4d: {  	_ =	shalt  }
0x4e: {  	_ =	shalt  }
0x4f: {  	_ =	shalt  }
0x50: {  	_ =	shalt  }
0x51: {  	_ =	shalt  }
0x52: {  	_ =	shalt  }
0x53: {  	_ =	shalt  }
0x54: {  	_ =	shalt  }
0x55: {  	_ =	shalt  }
0x56: {  	_ =	shalt  }
0x57: {  	_ =	shalt  }
0x58: {  	_ =	shalt  }
0x59: {  	_ =	shalt  }
0x5a: {  	_ =	shalt  }
0x5b: {  	_ =	shalt  }
0x5c: {  	_ =	shalt  }
0x5d: {  	_ =	shalt  }
0x5e: {  	_ =	shalt  }
0x5f: {  	_ =	shalt  }
0x60: {  	_ =	shalt  }
0x61: {  	_ =	shalt  }
0x62: {  	_ =	shalt  }
0x63: {  	_ =	shalt  }
0x64: {  	_ =	shalt  }
0x65: {  	_ =	shalt  }
0x66: {  	_ =	shalt  }
0x67: {  	_ =	shalt  }
0x68: {  	_ =	shalt  }
0x69: {  	_ =	shalt  }
0x6a: {  	_ =	shalt  }
0x6b: {  	_ =	shalt  }
0x6c: {  	_ =	shalt  }
0x6d: {  	_ =	shalt  }
0x6e: {  	_ =	shalt  }
0x6f: {  	_ =	shalt  }
0x70: {  	_ =	shalt  }
0x71: {  	_ =	shalt  }
0x72: {  	_ =	shalt  }
0x73: {  	_ =	shalt  }
0x74: {  	_ =	shalt  }
0x75: {  	_ =	shalt  }
0x76: {  	_ =	shalt  }
0x77: {  	_ =	shalt  }
0x78: {  	_ =	shalt  }
0x79: {  	_ =	shalt  }
0x7a: {  	_ =	shalt  }
0x7b: {  	_ =	shalt  }
0x7c: {  	_ =	shalt  }
0x7d: {  	_ =	shalt  }
0x7e: {  	_ =	shalt  }
0x7f: {  	_ =	shalt  }
0x80: {  	_ =	shalt  }
0x81: {  	_ =	shalt  }
0x82: {  	_ =	shalt  }
0x83: {  	_ =	shalt  }
0x84: {  	_ =	shalt  }
0x85: {  	_ =	shalt  }
0x86: {  	_ =	shalt  }
0x87: {  	_ =	shalt  }
.Lfunc_end0:
.L_simem_size_0:
called_computation_lowered:
.L_overlay_start_0:
0x88: {  	s2 =	sld [smem:$0x3FD9]  }
0x89: {  	s3 =	sld [smem:$0x3FFE];
	_ =	sdelay $0x1  }
0x8a: {  	s1 =	srdreg.scid  }
0x8b: {  	s0 =	sand.u32 $0x1, s1  }
0x8c: {  	s17 =	sshll.u32 s0, $0xA;
	s2 =	sadd.s32 s3, s2  }
0x8d: {  	s2 =	sadd.s32 s2, s17  }
0x8e: {  	[smem:$0x3FC5] =	sst s2  }
0x8f: {  	_ = 	snop  }
0x90: {  	s2 =	sld [smem:$0x3FC9]  }
0x91: {  	s18 =	sld [smem:$0x3FC8]  }
0x92: {  	s4 =	sld [smem:$0x3FD0];
	(tm) =	ssettm $0x1  }
0x93: {  	s5 =	sld [smem:$0x3FFB];
	_ =	sdelay $0x3  }
0x94: {  	_ =	strace s5  }
0x95: {  	s5 =	sld [smem:$0x3FFC];
	_ =	sdelay $0x3  }
0x96: {  	_ =	strace s5  }
0x97: {  	s5 =	sld [smem:$0x3FFD];
	_ =	sdelay $0x3  }
0x98: {  	_ =	strace s5  }
0x99: {  	_ =	strace $0x8FFFFFFF  }
0x9a: {  	s19 =	sld [smem:$0x3FDB];
	_ =	sdelay $0x1  }
0x9b: {  	s6 =	simm.s32 $_scs_section_size  }
0x9c: {  	s7 =	simm.s32 $_size__tile_overlayer_lowered;
	s8 =	simm.s32 $_tile_overlayer_lowered  }
0x9d: {  	s22 =	simm.s32 $0x1BFF;
	s21 =	sshll.u32 s8, $0x1;
	s5 =	sadd.s32 s6, s19  }
0x9e: {  	s9 =	simm.s32 $0x0;
	s20 =	sshll.u32 s7, $0x1;
	s7 =	sadd.s32 s21, s5  }
0x9f: {  	[timem:s9], [sflag:s22] =	dma.local [hbm:s7], s20  }
0xa0: {  	_ =	swait.ge [sflag:s22], s20  }
0xa1: {  	s6 =	ssub.s32 $0x0, s20;
	[sflag:s22] =	ssyncset.done $0x0  }
0xa2: {  	[sflag:s22] =	ssyncadd.s32 s6;
	_ =	sdelay $0x1  }
0xa3: {  	s23 =	simm.s32 $0x1B8B  }
0xa4: {  	_ =	swait.ge [sflag:s23], $0x1  }
0xa5: {  	[sflag:s23] =	ssyncset.done $0x0  }
0xa6: {  	s25 =	simm.s32 $0x1B8E;
	s24 =	sld [smem:$0x3FFE];
	[sflag:s23] =	ssyncadd.s32 $0xFFFFFFFF  }
0xa7: {  	s26 =	simm.s32 $execute0_lowered;
	[smem:$0x3FD2] =	sst s25  }
0xa8: {  	s7 =	sshll.u32 s26, $0x1;
	_ =	strace $0x80000046;
	[dreg:$0x1] =	wrdreg $0xFFFFFFFF  }
0xa9: {  	s28 =	simm.s32 $_size_execute0_lowered;
	s5 =	sadd.s32 s5, s7;
	[dreg:$0x0] =	wrdreg $0x0  }
0xaa: {  	s7 =	sshll.u32 s28, $0x1;
	[dreg:$0x2] =	wrdreg s5  }
0xab: {  	[dreg:$0x3] =	wrdreg s7  }
0xac: {  	[dreg:$0x4] =	wrdreg $0xC0  }
0xad: {  	_ =	task [dreg:s9], $0x5FFFF  }
0xae: {  	[dreg:$0x1] =	wrdreg $0xFFFFFFFF  }
0xaf: {  	[dreg:$0x0] =	wrdreg $0x60  }
0xb0: {  	[dreg:$0x2] =	wrdreg s2  }
0xb1: {  	[dreg:$0x3] =	wrdreg s18  }
0xb2: {  	[dreg:$0x4] =	wrdreg s24  }
0xb3: {  	[dreg:$0x5] =	wrdreg s4  }
0xb4: {  	[dreg:$0x6] =	wrdreg $0x9  }
0xb5: {  	_ =	task.clear_ibuf [dreg:s9], $0x7FFFF;
	_ =	strace $0x90000046  }
0xb6: {  	s29 =	simm.s32 $0x9;
	_ =	strace $0x80000048  }
0xb7: {  	_ =	swait.ge [sflag:s29], $0x1  }
0xb8: {  	[sflag:s29] =	ssyncadd.s32 $0xFFFFFFFF  }
0xb9: {  	_ =	strace $0x90000048  }
0xba: {  	_ =	sfence  }
0xbb: {  	s30 =	sld [smem:$0x0];
	_ =	sdelay $0x2  }
0xbc: {  	s31 =	sshll.u32 s1, $0xD;
	s1 =	sshrl.u32 s1, $0x2  }
0xbd: {  	s3 =	sand.u32 $0x4000, s31;
	s1 =	sadd.s32 s1, s30  }
0xbe: {  	s0 =	sor.u32 s3, s0;
	s1 =	sshll.u32 s1, $0x11  }
0xbf: {  	s0 =	sor.u32 s1, s0  }
0xc0: {  	s0 =	sadd.s32 $0x8F2B, s0  }
0xc1: {  	[sflag:s0] =	ssyncadd.remote.s32 $0x1  }
0xc2: {  	_ =	sfence.sel $0xFFFF  }
0xc3: {  	[dreg:$0x0] =	wrdreg $0xFFFFFFFF;
	(pc) =	sbr.abs _section_cstart, $3  }
0xc4: {  	[dreg:$0x1] =	wrdreg $0xFFFFFFFF  }
0xc5: {  	_ =	task.clear_ibuf [dreg:s9], $0x2FFFF;
	_ =	strace $0x9FFFFFFF  }
0xc6: {  	(tm) =	ssettm $0x7FFFFFFF  }
0xc7: {  	_ =	shalt  }
tec
execute0_lowered:
.L_overlay_start_1:
0x0: {  	(tag) =	ssettag $0x1  }
0x1: {  	s1 =	rddreg [dreg:$0x0]  }
0x2: {  	s0 =	rddreg [dreg:$0x1]  }
0x3: {  	s3 =	rddreg [dreg:$0x2]  }
0x4: {  	s2 =	rddreg [dreg:$0x3];
	s5 =	simm.s32 $0x0  }
0x5: {  	s4 =	srdreg.scid;
	s29 =	stileid.u32;
	s10 =	simm.s32 $0x3  }
0x6: {  	s11 =	simm.s32 $0x50;
	s26 =	simm.s32 $0x640;
	s12 =	simm.s32 $0x17480  }
0x7: {  	s13 =	simm.s32 $0xB90;
	s14 =	simm.s32 $0x17E80;
	s15 =	simm.s32 $0xBE0  }
0x8: {  	s16 =	simm.s32 $0x18880;
	s17 =	simm.s32 $0xC30;
	s18 =	simm.s32 $0x19280  }
0x9: {  	s19 =	simm.s32 $0x1;
	[smem:$0x7FF] =	sst s5;
	s4 =	sand.u32 $0x1, s4  }
0xa: {  	s5 =	sshll.u32 s29, $0xA;
	s7 =	ssub.s32 $0x2, s4;
	s4 =	sshll.u32 s4, $0x9  }
0xb: {  	s20 =	simm.s32 $0x19C80;
	s21 =	simm.s32 $0x2;
	s5 =	sor.u32 s4, s5  }
0xc: {  	s6 =	sadd.s32 $0xF42A00, s3;
	s8 =	sshrl.u32 s7, $0x1;
	s4 =	sshrl.u32 s5, $0x3  }
0xd: {  	s3 =	simm.s32 $0x0;
	s30 =	ssub.s32 s7, s8;
	s0 =	sadd.s32 s0, s4  }
0xe: {  	_ =	strace $0x80000047;
	s31 =	smax.u32 s30, $0x1;
	[dreg:$0x5] =	wrdreg s0  }
0xf: {  	s7 =	simm.s32 $0x16A80;
	s8 =	simm.s32 $0xB40;
	[dreg:$0x6] =	wrdreg s31  }
.LBB2_1:
0x10: {  	[dreg:$0x7] =	wrdreg s3  }
0x11: {  	s0 =	simm.s32 $0x0;
	s31 =	rddreg [dreg:$0x5];
	s4 =	simm.s32 $0x1A080  }
0x12: {  	[tilespmem:s4], [sflag:$0x3] =	stream.linear.gather [hbm4b:s31+s0], $0x200, $0x38;
	[tilespmem:$0x1A290] =	vst v63  }
0x13: {  	_ =	swait.ge [sflag:s10], $0x200  }
0x14: {  	[sflag:s10] =	ssyncset.done $0x0  }
0x15: {  	s22 =	simm.s32 $0x0;
	[sflag:s10] =	ssyncadd.s32 $0xFFFFFE00  }
.LBB2_2:
0x16: {  	s25 =	sshll.u32 s22, $0x6  }
0x17: {  	s4 =	sor.u32 s5, s25  }
0x18: {  	s23 =	smul.u32 $0x32, s4;
	_ =	sdelay $0x1  }
0x19: {  	s23 =	sshrl.u32 s23, $0x3  }
0x1a: {  	s28 =	simm.s32 $0x0;
	s23 =	sadd.s32 s1, s23  }
0x1b: {  	[tilespmem:s28], [sflag:$0x3] =	stream.linear.gather [hbm4b:s23+s28], $0x640, $0x38;
	[tilespmem:$0x1A290] =	vst v63  }
0x1c: {  	_ =	swait.ge [sflag:s10], $0x640  }
0x1d: {  	[sflag:s10] =	ssyncset.done $0x0  }
0x1e: {  	s0 =	simm.s32 $0xC80;
	[sflag:s10] =	ssyncadd.s32 $0xFFFFF9C0  }
0x1f: {  	[tilespmem:s0], [sflag:$0x1] =	stream.indirect.gather [hbm4b:s6+s11], $0x20, s28, s11, $0xb8;
	[tilespmem:$0x1A290] =	vst v63  }
0x20: {  	s24 =	simm.s32 $0x1680  }
0x21: {  	[tilespmem:s24], [sflag:$0x1] =	stream.indirect.gather [hbm4b:s6+s11], $0x20, s11, s11, $0xb8;
	[tilespmem:$0x1A290] =	vst v63  }
0x22: {  	s30 =	simm.s32 $0xA0;
	s3 =	simm.s32 $0x2080  }
0x23: {  	[tilespmem:s3], [sflag:$0x1] =	stream.indirect.gather [hbm4b:s6+s11], $0x20, s30, s11, $0xb8;
	[tilespmem:$0x1A290] =	vst v63  }
0x24: {  	s9 =	simm.s32 $0xF0;
	s23 =	simm.s32 $0x2A80  }
0x25: {  	[tilespmem:s23], [sflag:$0x1] =	stream.indirect.gather [hbm4b:s6+s11], $0x20, s9, s11, $0xb8;
	[tilespmem:$0x1A290] =	vst v63  }
0x26: {  	s24 =	simm.s32 $0x140;
	s30 =	simm.s32 $0x3480  }
0x27: {  	[tilespmem:s30], [sflag:$0x1] =	stream.indirect.gather [hbm4b:s6+s11], $0x20, s24, s11, $0xb8;
	[tilespmem:$0x1A290] =	vst v63  }
0x28: {  	s9 =	simm.s32 $0x190;
	s23 =	simm.s32 $0x3E80  }
0x29: {  	[tilespmem:s23], [sflag:$0x1] =	stream.indirect.gather [hbm4b:s6+s11], $0x20, s9, s11, $0xb8;
	[tilespmem:$0x1A290] =	vst v63  }
0x2a: {  	s24 =	simm.s32 $0x1E0;
	s30 =	simm.s32 $0x4880  }
0x2b: {  	[tilespmem:s30], [sflag:$0x1] =	stream.indirect.gather [hbm4b:s6+s11], $0x20, s24, s11, $0xb8;
	[tilespmem:$0x1A290] =	vst v63  }
0x2c: {  	s9 =	simm.s32 $0x230;
	s23 =	simm.s32 $0x5280  }
0x2d: {  	[tilespmem:s23], [sflag:$0x1] =	stream.indirect.gather [hbm4b:s6+s11], $0x20, s9, s11, $0xb8;
	[tilespmem:$0x1A290] =	vst v63  }
0x2e: {  	s24 =	simm.s32 $0x280;
	s30 =	simm.s32 $0x5C80  }
0x2f: {  	[tilespmem:s30], [sflag:$0x1] =	stream.indirect.gather [hbm4b:s6+s11], $0x20, s24, s11, $0xb8;
	[tilespmem:$0x1A290] =	vst v63  }
0x30: {  	s9 =	simm.s32 $0x2D0;
	s23 =	simm.s32 $0x6680  }
0x31: {  	[tilespmem:s23], [sflag:$0x1] =	stream.indirect.gather [hbm4b:s6+s11], $0x20, s9, s11, $0xb8;
	[tilespmem:$0x1A290] =	vst v63  }
0x32: {  	s24 =	simm.s32 $0x320;
	s30 =	simm.s32 $0x7080  }
0x33: {  	[tilespmem:s30], [sflag:$0x1] =	stream.indirect.gather [hbm4b:s6+s11], $0x20, s24, s11, $0xb8;
	[tilespmem:$0x1A290] =	vst v63  }
0x34: {  	s9 =	simm.s32 $0x370;
	s23 =	simm.s32 $0x7A80  }
0x35: {  	[tilespmem:s23], [sflag:$0x1] =	stream.indirect.gather [hbm4b:s6+s11], $0x20, s9, s11, $0xb8;
	[tilespmem:$0x1A290] =	vst v63  }
0x36: {  	s24 =	simm.s32 $0x3C0;
	s30 =	simm.s32 $0x8480  }
0x37: {  	[tilespmem:s30], [sflag:$0x1] =	stream.indirect.gather [hbm4b:s6+s11], $0x20, s24, s11, $0xb8;
	[tilespmem:$0x1A290] =	vst v63  }
0x38: {  	s9 =	simm.s32 $0x410;
	s23 =	simm.s32 $0x8E80  }
0x39: {  	[tilespmem:s23], [sflag:$0x1] =	stream.indirect.gather [hbm4b:s6+s11], $0x20, s9, s11, $0xb8;
	[tilespmem:$0x1A290] =	vst v63  }
0x3a: {  	s24 =	simm.s32 $0x460;
	s30 =	simm.s32 $0x9880  }
0x3b: {  	[tilespmem:s30], [sflag:$0x1] =	stream.indirect.gather [hbm4b:s6+s11], $0x20, s24, s11, $0xb8;
	[tilespmem:$0x1A290] =	vst v63  }
0x3c: {  	s9 =	simm.s32 $0x4B0;
	s23 =	simm.s32 $0xA280  }
0x3d: {  	[tilespmem:s23], [sflag:$0x1] =	stream.indirect.gather [hbm4b:s6+s11], $0x20, s9, s11, $0xb8;
	[tilespmem:$0x1A290] =	vst v63  }
0x3e: {  	s24 =	simm.s32 $0x500;
	s30 =	simm.s32 $0xAC80  }
0x3f: {  	[tilespmem:s30], [sflag:$0x1] =	stream.indirect.gather [hbm4b:s6+s11], $0x20, s24, s11, $0xb8;
	[tilespmem:$0x1A290] =	vst v63  }
0x40: {  	s9 =	simm.s32 $0x550;
	s23 =	simm.s32 $0xB680  }
0x41: {  	[tilespmem:s23], [sflag:$0x1] =	stream.indirect.gather [hbm4b:s6+s11], $0x20, s9, s11, $0xb8;
	[tilespmem:$0x1A290] =	vst v63  }
0x42: {  	s24 =	simm.s32 $0x5A0;
	s30 =	simm.s32 $0xC080  }
0x43: {  	[tilespmem:s30], [sflag:$0x1] =	stream.indirect.gather [hbm4b:s6+s11], $0x20, s24, s11, $0xb8;
	[tilespmem:$0x1A290] =	vst v63  }
0x44: {  	s24 =	sor.u32 $0x20, s25  }
0x45: {  	s23 =	sor.u32 s5, s24  }
0x46: {  	s9 =	simm.s32 $0x5F0;
	s30 =	simm.s32 $0xCA80;
	s29 =	smul.u32 $0x32, s23  }
0x47: {  	[tilespmem:s30], [sflag:$0x1] =	stream.indirect.gather [hbm4b:s6+s11], $0x20, s9, s11, $0xb8;
	[tilespmem:$0x1A290] =	vst v63  }
0x48: {  	s29 =	sshrl.u32 s29, $0x3  }
0x49: {  	s29 =	sadd.s32 s1, s29  }
0x4a: {  	[tilespmem:s26], [sflag:$0x3] =	stream.linear.gather [hbm4b:s29+s28], $0x640, $0x38;
	[tilespmem:$0x1A290] =	vst v63  }
0x4b: {  	_ =	swait.ge [sflag:s10], $0x640  }
0x4c: {  	[sflag:s10] =	ssyncset.done $0x0  }
0x4d: {  	s3 =	simm.s32 $0xD480;
	[sflag:s10] =	ssyncadd.s32 $0xFFFFF9C0  }
0x4e: {  	[tilespmem:s3], [sflag:$0x2] =	stream.indirect.gather [hbm4b:s6+s11], $0x20, s26, s11, $0xb8;
	[tilespmem:$0x1A290] =	vst v63  }
0x4f: {  	s9 =	simm.s32 $0x690;
	s30 =	simm.s32 $0xDE80  }
0x50: {  	[tilespmem:s30], [sflag:$0x2] =	stream.indirect.gather [hbm4b:s6+s11], $0x20, s9, s11, $0xb8;
	[tilespmem:$0x1A290] =	vst v63  }
0x51: {  	s9 =	simm.s32 $0x6E0;
	s30 =	simm.s32 $0xE880  }
0x52: {  	[tilespmem:s30], [sflag:$0x2] =	stream.indirect.gather [hbm4b:s6+s11], $0x20, s9, s11, $0xb8;
	[tilespmem:$0x1A290] =	vst v63  }
0x53: {  	s9 =	simm.s32 $0x730;
	s30 =	simm.s32 $0xF280  }
0x54: {  	[tilespmem:s30], [sflag:$0x2] =	stream.indirect.gather [hbm4b:s6+s11], $0x20, s9, s11, $0xb8;
	[tilespmem:$0x1A290] =	vst v63  }
0x55: {  	s9 =	simm.s32 $0x780;
	s30 =	simm.s32 $0xFC80  }
0x56: {  	[tilespmem:s30], [sflag:$0x2] =	stream.indirect.gather [hbm4b:s6+s11], $0x20, s9, s11, $0xb8;
	[tilespmem:$0x1A290] =	vst v63  }
0x57: {  	s9 =	simm.s32 $0x7D0;
	s30 =	simm.s32 $0x10680  }
0x58: {  	[tilespmem:s30], [sflag:$0x2] =	stream.indirect.gather [hbm4b:s6+s11], $0x20, s9, s11, $0xb8;
	[tilespmem:$0x1A290] =	vst v63  }
0x59: {  	s9 =	simm.s32 $0x820;
	s30 =	simm.s32 $0x11080  }
0x5a: {  	[tilespmem:s30], [sflag:$0x2] =	stream.indirect.gather [hbm4b:s6+s11], $0x20, s9, s11, $0xb8;
	[tilespmem:$0x1A290] =	vst v63  }
0x5b: {  	s9 =	simm.s32 $0x870;
	s30 =	simm.s32 $0x11A80  }
0x5c: {  	[tilespmem:s30], [sflag:$0x2] =	stream.indirect.gather [hbm4b:s6+s11], $0x20, s9, s11, $0xb8;
	[tilespmem:$0x1A290] =	vst v63  }
0x5d: {  	s9 =	simm.s32 $0x8C0;
	s30 =	simm.s32 $0x12480  }
0x5e: {  	[tilespmem:s30], [sflag:$0x2] =	stream.indirect.gather [hbm4b:s6+s11], $0x20, s9, s11, $0xb8;
	[tilespmem:$0x1A290] =	vst v63  }
0x5f: {  	s9 =	simm.s32 $0x910;
	s30 =	simm.s32 $0x12E80  }
0x60: {  	[tilespmem:s30], [sflag:$0x2] =	stream.indirect.gather [hbm4b:s6+s11], $0x20, s9, s11, $0xb8;
	[tilespmem:$0x1A290] =	vst v63  }
0x61: {  	s9 =	simm.s32 $0x960;
	s30 =	simm.s32 $0x13880  }
0x62: {  	[tilespmem:s30], [sflag:$0x2] =	stream.indirect.gather [hbm4b:s6+s11], $0x20, s9, s11, $0xb8;
	[tilespmem:$0x1A290] =	vst v63  }
0x63: {  	s9 =	simm.s32 $0x9B0;
	s30 =	simm.s32 $0x14280  }
0x64: {  	[tilespmem:s30], [sflag:$0x2] =	stream.indirect.gather [hbm4b:s6+s11], $0x20, s9, s11, $0xb8;
	[tilespmem:$0x1A290] =	vst v63  }
0x65: {  	s9 =	simm.s32 $0xA00;
	s30 =	simm.s32 $0x14C80  }
0x66: {  	[tilespmem:s30], [sflag:$0x2] =	stream.indirect.gather [hbm4b:s6+s11], $0x20, s9, s11, $0xb8;
	[tilespmem:$0x1A290] =	vst v63  }
0x67: {  	s9 =	simm.s32 $0xA50;
	s30 =	simm.s32 $0x15680  }
0x68: {  	[tilespmem:s30], [sflag:$0x2] =	stream.indirect.gather [hbm4b:s6+s11], $0x20, s9, s11, $0xb8;
	[tilespmem:$0x1A290] =	vst v63  }
0x69: {  	s9 =	simm.s32 $0xAA0;
	s30 =	simm.s32 $0x16080  }
0x6a: {  	[tilespmem:s30], [sflag:$0x2] =	stream.indirect.gather [hbm4b:s6+s11], $0x20, s9, s11, $0xb8;
	[tilespmem:$0x1A290] =	vst v63  }
0x6b: {  	s3 =	simm.s32 $0xAF0  }
0x6c: {  	[tilespmem:s7], [sflag:$0x2] =	stream.indirect.gather [hbm4b:s6+s11], $0x20, s3, s11, $0xb8;
	[tilespmem:$0x1A290] =	vst v63  }
0x6d: {  	_ = 	snop  }
0x6e: {  	[tilespmem:s12], [sflag:$0x2] =	stream.indirect.gather [hbm4b:s6+s11], $0x20, s8, s11, $0xb8;
	[tilespmem:$0x1A290] =	vst v63  }
0x6f: {  	_ = 	snop  }
0x70: {  	[tilespmem:s14], [sflag:$0x2] =	stream.indirect.gather [hbm4b:s6+s11], $0x20, s13, s11, $0xb8;
	[tilespmem:$0x1A290] =	vst v63  }
0x71: {  	_ = 	snop  }
0x72: {  	[tilespmem:s16], [sflag:$0x2] =	stream.indirect.gather [hbm4b:s6+s11], $0x20, s15, s11, $0xb8;
	[tilespmem:$0x1A290] =	vst v63  }
0x73: {  	_ = 	snop  }
0x74: {  	[tilespmem:s18], [sflag:$0x2] =	stream.indirect.gather [hbm4b:s6+s11], $0x20, s17, s11, $0xb8;
	[tilespmem:$0x1A290] =	vst v63  }
0x75: {  	_ =	swait.ge [sflag:s19], $0xA00  }
0x76: {  	[sflag:s19] =	ssyncset.done $0x0  }
0x77: {  	[sflag:s19] =	ssyncadd.s32 $0xFFFFF600  }
0x78: {  	_ =	swait.ge [sflag:s19], $0xA00  }
0x79: {  	[sflag:s19] =	ssyncset.done $0x0  }
0x7a: {  	[sflag:s19] =	ssyncadd.s32 $0xFFFFF600  }
0x7b: {  	_ =	swait.ge [sflag:s19], $0xA00  }
0x7c: {  	[sflag:s19] =	ssyncset.done $0x0  }
0x7d: {  	[sflag:s19] =	ssyncadd.s32 $0xFFFFF600  }
0x7e: {  	_ =	swait.ge [sflag:s19], $0xA00  }
0x7f: {  	[sflag:s19] =	ssyncset.done $0x0  }
0x80: {  	[sflag:s19] =	ssyncadd.s32 $0xFFFFF600  }
0x81: {  	_ =	swait.ge [sflag:s19], $0xA00  }
0x82: {  	[sflag:s19] =	ssyncset.done $0x0  }
0x83: {  	[sflag:s19] =	ssyncadd.s32 $0xFFFFF600  }
0x84: {  	_ =	swait.ge [sflag:s19], $0xA00  }
0x85: {  	[sflag:s19] =	ssyncset.done $0x0  }
0x86: {  	[sflag:s19] =	ssyncadd.s32 $0xFFFFF600  }
0x87: {  	_ =	swait.ge [sflag:s19], $0xA00  }
0x88: {  	[sflag:s19] =	ssyncset.done $0x0  }
0x89: {  	[sflag:s19] =	ssyncadd.s32 $0xFFFFF600  }
0x8a: {  	_ =	swait.ge [sflag:s19], $0xA00  }
0x8b: {  	[sflag:s19] =	ssyncset.done $0x0  }
0x8c: {  	[sflag:s19] =	ssyncadd.s32 $0xFFFFF600  }
0x8d: {  	_ =	swait.ge [sflag:s19], $0xA00  }
0x8e: {  	[sflag:s19] =	ssyncset.done $0x0  }
0x8f: {  	[sflag:s19] =	ssyncadd.s32 $0xFFFFF600  }
0x90: {  	_ =	swait.ge [sflag:s19], $0xA00  }
0x91: {  	[sflag:s19] =	ssyncset.done $0x0  }
0x92: {  	[sflag:s19] =	ssyncadd.s32 $0xFFFFF600  }
0x93: {  	_ =	swait.ge [sflag:s19], $0xA00  }
0x94: {  	[sflag:s19] =	ssyncset.done $0x0  }
0x95: {  	[sflag:s19] =	ssyncadd.s32 $0xFFFFF600  }
0x96: {  	_ =	swait.ge [sflag:s19], $0xA00  }
0x97: {  	[sflag:s19] =	ssyncset.done $0x0  }
0x98: {  	[sflag:s19] =	ssyncadd.s32 $0xFFFFF600  }
0x99: {  	_ =	swait.ge [sflag:s19], $0xA00  }
0x9a: {  	[sflag:s19] =	ssyncset.done $0x0  }
0x9b: {  	[sflag:s19] =	ssyncadd.s32 $0xFFFFF600  }
0x9c: {  	_ =	swait.ge [sflag:s19], $0xA00  }
0x9d: {  	[sflag:s19] =	ssyncset.done $0x0  }
0x9e: {  	[sflag:s19] =	ssyncadd.s32 $0xFFFFF600  }
0x9f: {  	_ =	swait.ge [sflag:s19], $0xA00  }
0xa0: {  	[sflag:s19] =	ssyncset.done $0x0  }
0xa1: {  	[sflag:s19] =	ssyncadd.s32 $0xFFFFF600  }
0xa2: {  	_ =	swait.ge [sflag:s19], $0xA00  }
0xa3: {  	[sflag:s19] =	ssyncset.done $0x0  }
0xa4: {  	[sflag:s19] =	ssyncadd.s32 $0xFFFFF600  }
0xa5: {  	_ =	swait.ge [sflag:s19], $0xA00  }
0xa6: {  	[sflag:s19] =	ssyncset.done $0x0  }
0xa7: {  	[sflag:s19] =	ssyncadd.s32 $0xFFFFF600  }
0xa8: {  	_ =	swait.ge [sflag:s19], $0xA00  }
0xa9: {  	[sflag:s19] =	ssyncset.done $0x0  }
0xaa: {  	[sflag:s19] =	ssyncadd.s32 $0xFFFFF600  }
0xab: {  	_ =	swait.ge [sflag:s19], $0xA00  }
0xac: {  	[sflag:s19] =	ssyncset.done $0x0  }
0xad: {  	[sflag:s19] =	ssyncadd.s32 $0xFFFFF600  }
0xae: {  	s29 =	smul.u32 $0x3200, s28;
	_ =	swait.ge [sflag:s19], $0xA00  }
0xaf: {  	[sflag:s19] =	ssyncset.done $0x0  }
0xb0: {  	s29 =	sshra.s32 s29, $0x2;
	[sflag:s19] =	ssyncadd.s32 $0xFFFFF600  }
0xb1: {  	v0 =	vld [tilespmem:s29+$0xCC0]  }
0xb2: {  	v1 =	vld [tilespmem:s29+$0xCA0]  }
0xb3: {  	v2 =	vld [tilespmem:s29+$0xC90]  }
0xb4: {  	v3 =	vld [tilespmem:s29+$0xC80]  }
0xb5: {  	v4 =	vld [tilespmem:s29+$0xCB0]  }
0xb6: {  	v5 =	vld [tilespmem:s29+$0xCD0]  }
0xb7: {  	v6 =	vld [tilespmem:s29+$0xCE0]  }
0xb8: {  	v7 =	vld [tilespmem:s29+$0xCF0]  }
0xb9: {  	v50 =	vld [tilespmem:s29+$0xD40];
	v1 =	vadd.f32 v1, v3  }
0xba: {  	v3 =	vld [tilespmem:s29+$0xD00];
	v2 =	vadd.f32 v4, v2  }
0xbb: {  	v4 =	vld [tilespmem:s29+$0xD10];
	v0 =	vadd.f32 v0, v1  }
0xbc: {  	v1 =	vld [tilespmem:s29+$0xD20];
	v2 =	vadd.f32 v5, v2  }
0xbd: {  	v5 =	vld [tilespmem:s29+$0xD30];
	v0 =	vadd.f32 v6, v0  }
0xbe: {  	v51 =	vld [tilespmem:s29+$0xD50];
	v2 =	vadd.f32 v7, v2  }
0xbf: {  	v52 =	vld [tilespmem:s29+$0xDA0];
	v0 =	vadd.f32 v3, v0  }
0xc0: {  	v3 =	vld [tilespmem:s29+$0xD60];
	v2 =	vadd.f32 v4, v2  }
0xc1: {  	v4 =	vld [tilespmem:s29+$0xD70];
	v0 =	vadd.f32 v1, v0  }
0xc2: {  	v1 =	vld [tilespmem:s29+$0xD80];
	v2 =	vadd.f32 v5, v2  }
0xc3: {  	v5 =	vld [tilespmem:s29+$0xD90];
	v0 =	vadd.f32 v50, v0  }
0xc4: {  	v53 =	vld [tilespmem:s29+$0xDB0];
	v2 =	vadd.f32 v51, v2  }
0xc5: {  	v54 =	vld [tilespmem:s29+$0xE00];
	v0 =	vadd.f32 v3, v0  }
0xc6: {  	v3 =	vld [tilespmem:s29+$0xDC0];
	v2 =	vadd.f32 v4, v2  }
0xc7: {  	v4 =	vld [tilespmem:s29+$0xDD0];
	v0 =	vadd.f32 v1, v0  }
0xc8: {  	v1 =	vld [tilespmem:s29+$0xDE0];
	v2 =	vadd.f32 v5, v2  }
0xc9: {  	v5 =	vld [tilespmem:s29+$0xDF0];
	v0 =	vadd.f32 v52, v0  }
0xca: {  	v55 =	vld [tilespmem:s29+$0xE10];
	v2 =	vadd.f32 v53, v2  }
0xcb: {  	v56 =	vld [tilespmem:s29+$0xE60];
	v0 =	vadd.f32 v3, v0  }
0xcc: {  	v3 =	vld [tilespmem:s29+$0xE20];
	v2 =	vadd.f32 v4, v2  }
0xcd: {  	v4 =	vld [tilespmem:s29+$0xE30];
	v0 =	vadd.f32 v1, v0  }
0xce: {  	v1 =	vld [tilespmem:s29+$0xE40];
	v2 =	vadd.f32 v5, v2  }
0xcf: {  	v5 =	vld [tilespmem:s29+$0xE50];
	v0 =	vadd.f32 v54, v0  }
0xd0: {  	v57 =	vld [tilespmem:s29+$0xE70];
	v2 =	vadd.f32 v55, v2  }
0xd1: {  	v58 =	vld [tilespmem:s29+$0xEC0];
	v0 =	vadd.f32 v3, v0  }
0xd2: {  	v3 =	vld [tilespmem:s29+$0xE80];
	v2 =	vadd.f32 v4, v2  }
0xd3: {  	v4 =	vld [tilespmem:s29+$0xE90];
	v0 =	vadd.f32 v1, v0  }
0xd4: {  	v1 =	vld [tilespmem:s29+$0xEA0];
	v2 =	vadd.f32 v5, v2  }
0xd5: {  	v5 =	vld [tilespmem:s29+$0xEB0];
	v0 =	vadd.f32 v56, v0  }
0xd6: {  	v59 =	vld [tilespmem:s29+$0xED0];
	v2 =	vadd.f32 v57, v2  }
0xd7: {  	v60 =	vld [tilespmem:s29+$0xF20];
	v0 =	vadd.f32 v3, v0  }
0xd8: {  	v3 =	vld [tilespmem:s29+$0xEE0];
	v2 =	vadd.f32 v4, v2  }
0xd9: {  	v4 =	vld [tilespmem:s29+$0xEF0];
	v0 =	vadd.f32 v1, v0  }
0xda: {  	v1 =	vld [tilespmem:s29+$0xF00];
	v2 =	vadd.f32 v5, v2  }
0xdb: {  	v5 =	vld [tilespmem:s29+$0xF10];
	v0 =	vadd.f32 v58, v0  }
0xdc: {  	v61 =	vld [tilespmem:s29+$0xF30];
	v2 =	vadd.f32 v59, v2  }
0xdd: {  	v62 =	vld [tilespmem:s29+$0xF80];
	v0 =	vadd.f32 v3, v0  }
0xde: {  	v3 =	vld [tilespmem:s29+$0xF40];
	v2 =	vadd.f32 v4, v2  }
0xdf: {  	v4 =	vld [tilespmem:s29+$0xF50];
	v0 =	vadd.f32 v1, v0  }
0xe0: {  	v1 =	vld [tilespmem:s29+$0xF60];
	v2 =	vadd.f32 v5, v2  }
0xe1: {  	v5 =	vld [tilespmem:s29+$0xF70];
	v0 =	vadd.f32 v60, v0  }
0xe2: {  	v63 =	vld [tilespmem:s29+$0xF90];
	v2 =	vadd.f32 v61, v2  }
0xe3: {  	v9 =	vld [tilespmem:s29+$0xFE0];
	v0 =	vadd.f32 v3, v0  }
0xe4: {  	v3 =	vld [tilespmem:s29+$0xFA0];
	v2 =	vadd.f32 v4, v2  }
0xe5: {  	v4 =	vld [tilespmem:s29+$0xFB0];
	v0 =	vadd.f32 v1, v0  }
0xe6: {  	v1 =	vld [tilespmem:s29+$0xFC0];
	v2 =	vadd.f32 v5, v2  }
0xe7: {  	v5 =	vld [tilespmem:s29+$0xFD0];
	v0 =	vadd.f32 v62, v0  }
0xe8: {  	v10 =	vld [tilespmem:s29+$0xFF0];
	v2 =	vadd.f32 v63, v2  }
0xe9: {  	v11 =	vld [tilespmem:s29+$0x1040];
	v0 =	vadd.f32 v3, v0  }
0xea: {  	v3 =	vld [tilespmem:s29+$0x1000];
	v2 =	vadd.f32 v4, v2  }
0xeb: {  	v4 =	vld [tilespmem:s29+$0x1010];
	v0 =	vadd.f32 v1, v0  }
0xec: {  	v1 =	vld [tilespmem:s29+$0x1020];
	v2 =	vadd.f32 v5, v2  }
0xed: {  	v5 =	vld [tilespmem:s29+$0x1030];
	v0 =	vadd.f32 v9, v0  }
0xee: {  	v12 =	vld [tilespmem:s29+$0x1050];
	v2 =	vadd.f32 v10, v2  }
0xef: {  	v13 =	vld [tilespmem:s29+$0x10A0];
	v0 =	vadd.f32 v3, v0  }
0xf0: {  	v3 =	vld [tilespmem:s29+$0x1060];
	v2 =	vadd.f32 v4, v2  }
0xf1: {  	v4 =	vld [tilespmem:s29+$0x1070];
	v0 =	vadd.f32 v1, v0  }
0xf2: {  	v1 =	vld [tilespmem:s29+$0x1080];
	v2 =	vadd.f32 v5, v2  }
0xf3: {  	s30 =	simm.s32 $0x0;
	v5 =	vld [tilespmem:s29+$0x1090];
	v0 =	vadd.f32 v11, v0  }
0xf4: {  	s25 =	sadd.s32 $0x1A080, s25;
	s31 =	sand.u32 $0x18, s30;
	v14 =	vld [tilespmem:s29+$0x10B0];
	v2 =	vadd.f32 v12, v2  }
0xf5: {  	s30 =	sand.u32 $0x6, s30;
	s31 =	sadd.s32 s31, s25;
	v0 =	vadd.f32 v3, v0;
	v3 =	vld [tilespmem:s29+$0x10C0]  }
0xf6: {  	s30 =	sadd.s32 s30, s31;
	v2 =	vadd.f32 v4, v2;
	v4 =	vld [tilespmem:s29+$0x10D0]  }
0xf7: {  	v0 =	vadd.f32 v1, v0;
	v1 =	vld [tilespmem:s30+$0x0]  }
0xf8: {  	v2 =	vadd.f32 v5, v2;
	v5 =	vld [tilespmem:s29+$0x10E0]  }
0xf9: {  	v15 =	vld [tilespmem:s29+$0x10F0];
	v0 =	vadd.f32 v13, v0  }
0xfa: {  	v16 =	vld [tilespmem:s29+$0x1100];
	v2 =	vadd.f32 v14, v2  }
0xfb: {  	v0 =	vadd.f32 v3, v0;
	v3 =	vld [tilespmem:s29+$0x1110]  }
0xfc: {  	v2 =	vadd.f32 v4, v2;
	v4 =	vld [tilespmem:s29+$0x1120];
	(v2sf) =	vpush v1, $0x0  }
0xfd: {  	v1 =	vld [tilespmem:s29+$0x1130];
	v0 =	vadd.f32 v5, v0  }
0xfe: {  	v2 =	vadd.f32 v15, v2;
	v5 =	vld [tilespmem:s29+$0x1140]  }
0xff: {  	v17 =	vld [tilespmem:s29+$0x1150];
	v0 =	vadd.f32 v16, v0  }
0x100: {  	v2 =	vadd.f32 v3, v2;
	v3 =	vld [tilespmem:s29+$0x1160]  }
0x101: {  	v0 =	vadd.f32 v4, v0;
	v4 =	vld [tilespmem:s29+$0x1170]  }
0x102: {  	v1 =	vadd.f32 v1, v2;
	v2 =	vld [tilespmem:s29+$0x1180]  }
0x103: {  	v0 =	vadd.f32 v5, v0;
	v5 =	vld [tilespmem:s29+$0x1190]  }
0x104: {  	v18 =	vld [tilespmem:s29+$0x11A0];
	v1 =	vadd.f32 v17, v1  }
0x105: {  	v0 =	vadd.f32 v3, v0;
	v3 =	vld [tilespmem:s29+$0x11B0]  }
0x106: {  	v1 =	vadd.f32 v4, v1;
	v4 =	vld [tilespmem:s29+$0x11C0]  }
0x107: {  	v0 =	vadd.f32 v2, v0;
	v2 =	vld [tilespmem:s29+$0x11D0]  }
0x108: {  	v1 =	vadd.f32 v5, v1;
	v5 =	vld [tilespmem:s29+$0x11E0]  }
0x109: {  	v19 =	vld [tilespmem:s29+$0x11F0];
	v0 =	vadd.f32 v18, v0  }
0x10a: {  	v1 =	vadd.f32 v3, v1;
	v3 =	vld [tilespmem:s29+$0x1200]  }
0x10b: {  	v0 =	vadd.f32 v4, v0;
	v4 =	vld [tilespmem:s29+$0x1210];
	s30 =	spop (v2sf)  }
0x10c: {  	v1 =	vadd.f32 v2, v1;
	v2 =	vld [tilespmem:s29+$0x1220];
	p0 =	sgt.s32 s30, $0x1  }
0x10d: {  	v0 =	vadd.f32 v5, v0;
	v5 =	vld [tilespmem:s29+$0x1230];
	s30 =	simm.s32 @!p0 $0x1  }
0x10e: {  	v20 =	vld [tilespmem:s29+$0x1240];
	v1 =	vadd.f32 v19, v1;
	s30 =	scvt.s32.f32 s30  }
0x10f: {  	v0 =	vadd.f32 v3, v0;
	v3 =	vld [tilespmem:s29+$0x1250]  }
0x110: {  	v1 =	vadd.f32 v4, v1;
	v4 =	vld [tilespmem:s29+$0x1260];
	v21 =	vmov s30  }
0x111: {  	v0 =	vadd.f32 v2, v0;
	v2 =	vld [tilespmem:s29+$0x1270];
	(erf) = vrcp.f32 v21  }
0x112: {  	v1 =	vadd.f32 v5, v1;
	v5 =	vld [tilespmem:s29+$0x1280]  }
0x113: {  	v22 =	vld [tilespmem:s29+$0x1290];
	v0 =	vadd.f32 v20, v0  }
0x114: {  	v1 =	vadd.f32 v3, v1;
	v3 =	vld [tilespmem:s29+$0x12A0]  }
0x115: {  	v0 =	vadd.f32 v4, v0;
	v4 =	vld [tilespmem:s29+$0x12B0]  }
0x116: {  	v1 =	vadd.f32 v2, v1  }
0x117: {  	v0 =	vadd.f32 v5, v0  }
0x118: {  	v1 =	vadd.f32 v22, v1  }
0x119: {  	v0 =	vadd.f32 v3, v0  }
0x11a: {  	v1 =	vadd.f32 v4, v1;
	v2 =	vpop (erf)  }
0x11b: {  	s28 =	sshllo.u32 s28, $0x1;
	s29 =	simm.s32 $0x0;
	v0 =	vmul.f32 v2, v0  }
0x11c: {  	s9 =	smul.u32 $0x1900, s28;
	s29 =	sand.u32 $0x3FFFFFC0, s29;
	v1 =	vmul.f32 v2, v1  }
0x11d: {  	[tilespmem:s29+$0x19C80] =	vst v0  }
0x11e: {  	[tilespmem:s29+$0x19C90] =	vst v1;
	s29 =	sshra.s32 s9, $0x2  }
0x11f: {  	v0 =	vld [tilespmem:s29+$0xCC0]  }
0x120: {  	v1 =	vld [tilespmem:s29+$0xCA0]  }
0x121: {  	v2 =	vld [tilespmem:s29+$0xC90]  }
0x122: {  	v3 =	vld [tilespmem:s29+$0xC80]  }
0x123: {  	v4 =	vld [tilespmem:s29+$0xCB0]  }
0x124: {  	v5 =	vld [tilespmem:s29+$0xCD0]  }
0x125: {  	v23 =	vld [tilespmem:s29+$0xCE0]  }
0x126: {  	v24 =	vld [tilespmem:s29+$0xCF0]  }
0x127: {  	v8 =	vld [tilespmem:s29+$0xD10];
	v1 =	vadd.f32 v1, v3  }
0x128: {  	v3 =	vld [tilespmem:s29+$0xD00];
	v2 =	vadd.f32 v4, v2  }
0x129: {  	v25 =	vld [tilespmem:s29+$0xD50];
	v0 =	vadd.f32 v0, v1  }
0x12a: {  	v1 =	vld [tilespmem:s29+$0xD20];
	v2 =	vadd.f32 v5, v2  }
0x12b: {  	v4 =	vld [tilespmem:s29+$0xD30];
	v0 =	vadd.f32 v23, v0  }
0x12c: {  	v5 =	vld [tilespmem:s29+$0xD40];
	v2 =	vadd.f32 v24, v2  }
0x12d: {  	v26 =	vld [tilespmem:s29+$0xD70];
	v0 =	vadd.f32 v3, v0  }
0x12e: {  	v3 =	vld [tilespmem:s29+$0xD60];
	v2 =	vadd.f32 v8, v2  }
0x12f: {  	v27 =	vld [tilespmem:s29+$0xD90];
	v0 =	vadd.f32 v1, v0  }
0x130: {  	v1 =	vld [tilespmem:s29+$0xD80];
	v2 =	vadd.f32 v4, v2  }
0x131: {  	v28 =	vld [tilespmem:s29+$0xDD0];
	v0 =	vadd.f32 v5, v0  }
0x132: {  	v4 =	vld [tilespmem:s29+$0xDA0];
	v2 =	vadd.f32 v25, v2  }
0x133: {  	v5 =	vld [tilespmem:s29+$0xDB0];
	v0 =	vadd.f32 v3, v0  }
0x134: {  	v3 =	vld [tilespmem:s29+$0xDC0];
	v2 =	vadd.f32 v26, v2  }
0x135: {  	v29 =	vld [tilespmem:s29+$0xDF0];
	v0 =	vadd.f32 v1, v0  }
0x136: {  	v1 =	vld [tilespmem:s29+$0xDE0];
	v2 =	vadd.f32 v27, v2  }
0x137: {  	v30 =	vld [tilespmem:s29+$0xE10];
	v0 =	vadd.f32 v4, v0  }
0x138: {  	v4 =	vld [tilespmem:s29+$0xE00];
	v2 =	vadd.f32 v5, v2  }
0x139: {  	v31 =	vld [tilespmem:s29+$0xE50];
	v0 =	vadd.f32 v3, v0  }
0x13a: {  	v3 =	vld [tilespmem:s29+$0xE20];
	v2 =	vadd.f32 v28, v2  }
0x13b: {  	v5 =	vld [tilespmem:s29+$0xE30];
	v0 =	vadd.f32 v1, v0  }
0x13c: {  	v1 =	vld [tilespmem:s29+$0xE40];
	v2 =	vadd.f32 v29, v2  }
0x13d: {  	v32 =	vld [tilespmem:s29+$0xE70];
	v0 =	vadd.f32 v4, v0  }
0x13e: {  	v4 =	vld [tilespmem:s29+$0xE60];
	v2 =	vadd.f32 v30, v2  }
0x13f: {  	v33 =	vld [tilespmem:s29+$0xE90];
	v0 =	vadd.f32 v3, v0  }
0x140: {  	v3 =	vld [tilespmem:s29+$0xE80];
	v2 =	vadd.f32 v5, v2  }
0x141: {  	v34 =	vld [tilespmem:s29+$0xED0];
	v0 =	vadd.f32 v1, v0  }
0x142: {  	v1 =	vld [tilespmem:s29+$0xEA0];
	v2 =	vadd.f32 v31, v2  }
0x143: {  	v5 =	vld [tilespmem:s29+$0xEB0];
	v0 =	vadd.f32 v4, v0  }
0x144: {  	v4 =	vld [tilespmem:s29+$0xEC0];
	v2 =	vadd.f32 v32, v2  }
0x145: {  	v35 =	vld [tilespmem:s29+$0xEF0];
	v0 =	vadd.f32 v3, v0  }
0x146: {  	v3 =	vld [tilespmem:s29+$0xEE0];
	v2 =	vadd.f32 v33, v2  }
0x147: {  	v36 =	vld [tilespmem:s29+$0xF10];
	v0 =	vadd.f32 v1, v0  }
0x148: {  	v1 =	vld [tilespmem:s29+$0xF00];
	v2 =	vadd.f32 v5, v2  }
0x149: {  	v37 =	vld [tilespmem:s29+$0xF50];
	v0 =	vadd.f32 v4, v0  }
0x14a: {  	v4 =	vld [tilespmem:s29+$0xF20];
	v2 =	vadd.f32 v34, v2  }
0x14b: {  	v5 =	vld [tilespmem:s29+$0xF30];
	v0 =	vadd.f32 v3, v0  }
0x14c: {  	v3 =	vld [tilespmem:s29+$0xF40];
	v2 =	vadd.f32 v35, v2  }
0x14d: {  	v38 =	vld [tilespmem:s29+$0xF70];
	v0 =	vadd.f32 v1, v0  }
0x14e: {  	v1 =	vld [tilespmem:s29+$0xF60];
	v2 =	vadd.f32 v36, v2  }
0x14f: {  	v39 =	vld [tilespmem:s29+$0xF90];
	v0 =	vadd.f32 v4, v0  }
0x150: {  	v4 =	vld [tilespmem:s29+$0xF80];
	v2 =	vadd.f32 v5, v2  }
0x151: {  	v40 =	vld [tilespmem:s29+$0xFD0];
	v0 =	vadd.f32 v3, v0  }
0x152: {  	v3 =	vld [tilespmem:s29+$0xFA0];
	v2 =	vadd.f32 v37, v2  }
0x153: {  	v5 =	vld [tilespmem:s29+$0xFB0];
	v0 =	vadd.f32 v1, v0  }
0x154: {  	v1 =	vld [tilespmem:s29+$0xFC0];
	v2 =	vadd.f32 v38, v2  }
0x155: {  	v41 =	vld [tilespmem:s29+$0xFF0];
	v0 =	vadd.f32 v4, v0  }
0x156: {  	v4 =	vld [tilespmem:s29+$0xFE0];
	v2 =	vadd.f32 v39, v2  }
0x157: {  	v42 =	vld [tilespmem:s29+$0x1010];
	v0 =	vadd.f32 v3, v0  }
0x158: {  	v3 =	vld [tilespmem:s29+$0x1000];
	v2 =	vadd.f32 v5, v2  }
0x159: {  	v43 =	vld [tilespmem:s29+$0x1050];
	v0 =	vadd.f32 v1, v0  }
0x15a: {  	v1 =	vld [tilespmem:s29+$0x1020];
	v2 =	vadd.f32 v40, v2  }
0x15b: {  	v5 =	vld [tilespmem:s29+$0x1030];
	v0 =	vadd.f32 v4, v0  }
0x15c: {  	v4 =	vld [tilespmem:s29+$0x1040];
	v2 =	vadd.f32 v41, v2  }
0x15d: {  	v44 =	vld [tilespmem:s29+$0x1060];
	v3 =	vadd.f32 v3, v0  }
0x15e: {  	v9 =	vld [tilespmem:s29+$0x1070];
	v2 =	vadd.f32 v42, v2  }
0x15f: {  	v45 =	vld [tilespmem:s29+$0x1090];
	v0 =	vmov s25;
	v1 =	vadd.f32 v1, v3  }
0x160: {  	v3 =	vld [tilespmem:s29+$0x1080];
	v2 =	vadd.f32 v5, v2  }
0x161: {  	v46 =	vld [tilespmem:s29+$0x10C0];
	v1 =	vadd.f32 v4, v1  }
0x162: {  	v4 =	vld [tilespmem:s29+$0x10A0];
	v2 =	vadd.f32 v43, v2  }
0x163: {  	v5 =	vld [tilespmem:s29+$0x10B0];
	v1 =	vadd.f32 v44, v1  }
0x164: {  	v47 =	vld.idx.msk [tilespmem:v0+s28+$0x0 ss:$0x1], $0xffff;
	v2 =	vadd.f32 v9, v2  }
0x165: {  	v1 =	vadd.f32 v3, v1;
	v3 =	vld [tilespmem:s29+$0x10D0]  }
0x166: {  	v48 =	vld [tilespmem:s29+$0x10E0];
	v2 =	vadd.f32 v45, v2  }
0x167: {  	v1 =	vadd.f32 v4, v1;
	v4 =	vld [tilespmem:s29+$0x10F0]  }
0x168: {  	v49 =	vld [tilespmem:s29+$0x1100];
	v2 =	vadd.f32 v5, v2  }
0x169: {  	v5 =	vld [tilespmem:s29+$0x1110];
	v1 =	vadd.f32 v46, v1  }
0x16a: {  	v50 =	vld [tilespmem:s29+$0x1120];
	(v2sf) =	vpush v47, $0x0;
	v2 =	vadd.f32 v3, v2  }
0x16b: {  	v3 =	vld [tilespmem:s29+$0x1130];
	v1 =	vadd.f32 v48, v1  }
0x16c: {  	v51 =	vld [tilespmem:s29+$0x1140];
	v2 =	vadd.f32 v4, v2  }
0x16d: {  	v4 =	vld [tilespmem:s29+$0x1150];
	v1 =	vadd.f32 v49, v1  }
0x16e: {  	v52 =	vld [tilespmem:s29+$0x1160];
	v2 =	vadd.f32 v5, v2  }
0x16f: {  	v5 =	vld [tilespmem:s29+$0x1170];
	v1 =	vadd.f32 v50, v1  }
0x170: {  	v53 =	vld [tilespmem:s29+$0x1180];
	v2 =	vadd.f32 v3, v2  }
0x171: {  	v3 =	vld [tilespmem:s29+$0x1190];
	v1 =	vadd.f32 v51, v1  }
0x172: {  	v54 =	vld [tilespmem:s29+$0x11A0];
	v2 =	vadd.f32 v4, v2  }
0x173: {  	v4 =	vld [tilespmem:s29+$0x11B0];
	v1 =	vadd.f32 v52, v1  }
0x174: {  	v55 =	vld [tilespmem:s29+$0x11C0];
	v2 =	vadd.f32 v5, v2  }
0x175: {  	v5 =	vld [tilespmem:s29+$0x11D0];
	v1 =	vadd.f32 v53, v1  }
0x176: {  	v56 =	vld [tilespmem:s29+$0x11E0];
	v2 =	vadd.f32 v3, v2  }
0x177: {  	v3 =	vld [tilespmem:s29+$0x11F0];
	v1 =	vadd.f32 v54, v1  }
0x178: {  	v57 =	vld [tilespmem:s29+$0x1200];
	v2 =	vadd.f32 v4, v2  }
0x179: {  	s30 =	spop (v2sf);
	v4 =	vld [tilespmem:s29+$0x1210];
	v1 =	vadd.f32 v55, v1  }
0x17a: {  	v58 =	vld [tilespmem:s29+$0x1220];
	p0 =	sgt.s32 s30, $0x1;
	v2 =	vadd.f32 v5, v2  }
0x17b: {  	s30 =	simm.s32 @!p0 $0x1;
	v5 =	vld [tilespmem:s29+$0x1230];
	v1 =	vadd.f32 v56, v1  }
0x17c: {  	v59 =	vld [tilespmem:s29+$0x1240];
	s30 =	scvt.s32.f32 s30;
	v2 =	vadd.f32 v3, v2  }
0x17d: {  	v3 =	vld [tilespmem:s29+$0x1250];
	v1 =	vadd.f32 v57, v1  }
0x17e: {  	v61 =	vld [tilespmem:s29+$0x1260];
	v60 =	vmov s30;
	v2 =	vadd.f32 v4, v2  }
0x17f: {  	(erf) = vrcp.f32 v60;
	v4 =	vld [tilespmem:s29+$0x1270];
	v1 =	vadd.f32 v58, v1  }
0x180: {  	v62 =	vld [tilespmem:s29+$0x1280];
	v2 =	vadd.f32 v5, v2  }
0x181: {  	v63 =	vld [tilespmem:s29+$0x12A0];
	v1 =	vadd.f32 v59, v1  }
0x182: {  	v5 =	vld [tilespmem:s29+$0x1290];
	v2 =	vadd.f32 v3, v2  }
0x183: {  	v1 =	vadd.f32 v61, v1  }
0x184: {  	v3 =	vld [tilespmem:s29+$0x12B0];
	v2 =	vadd.f32 v4, v2  }
0x185: {  	v1 =	vadd.f32 v62, v1;
	_ =	sdelay $0x1  }
0x186: {  	v4 =	vadd.f32 v5, v2;
	v1 =	vadd.f32 v63, v1  }
0x187: {  	s28 =	sshll.u32 s28, $0x5;
	v2 =	vpop (erf)  }
0x188: {  	s31 =	simm.s32 $0x1;
	s29 =	sand.u32 $0x3FFFFFE0, s28;
	v3 =	vadd.f32 v3, v4;
	v1 =	vmul.f32 v2, v1  }
.LBB2_3:
0x189: {  	s0 =	sshll.u32 s31, $0x1  }
0x18a: {  	s3 =	smul.u32 $0x3200, s31;
	v2 =	vmul.f32 v2, v3;
	s30 =	smov.u32 s31;
	s28 =	sadd.s32 $0x1, s31  }
0x18b: {  	p0 =	sne.s32 s31, $0xF;
	s9 =	sand.u32 $0x18, s0;
	[tilespmem:s29+$0x19C80] =	vst v1  }
0x18c: {  	s0 =	sand.u32 $0x6, s0;
	s31 =	sshra.s32 s3, $0x2;
	s3 =	sadd.s32 s9, s25;
	[tilespmem:s29+$0x19C90] =	vst v2  }
0x18d: {  	v1 =	vld [tilespmem:s31+$0xCC0];
	s29 =	sadd.s32 s0, s3  }
0x18e: {  	v2 =	vld [tilespmem:s31+$0xCA0]  }
0x18f: {  	v3 =	vld [tilespmem:s31+$0xC90]  }
0x190: {  	v4 =	vld [tilespmem:s31+$0xC80]  }
0x191: {  	v5 =	vld [tilespmem:s31+$0xCB0]  }
0x192: {  	v6 =	vld [tilespmem:s31+$0xCD0]  }
0x193: {  	v7 =	vld [tilespmem:s31+$0xCE0]  }
0x194: {  	v8 =	vld [tilespmem:s31+$0xCF0]  }
0x195: {  	v2 =	vadd.f32 v2, v4;
	v4 =	vld [tilespmem:s31+$0xD00]  }
0x196: {  	v3 =	vadd.f32 v5, v3;
	v5 =	vld [tilespmem:s31+$0xD10]  }
0x197: {  	v1 =	vadd.f32 v1, v2;
	v2 =	vld [tilespmem:s31+$0xD20]  }
0x198: {  	v3 =	vadd.f32 v6, v3;
	v6 =	vld [tilespmem:s31+$0xD30]  }
0x199: {  	v1 =	vadd.f32 v7, v1;
	v7 =	vld [tilespmem:s31+$0xD40]  }
0x19a: {  	v3 =	vadd.f32 v8, v3;
	v8 =	vld [tilespmem:s31+$0xD50]  }
0x19b: {  	v1 =	vadd.f32 v4, v1;
	v4 =	vld [tilespmem:s31+$0xD60]  }
0x19c: {  	v3 =	vadd.f32 v5, v3;
	v5 =	vld [tilespmem:s31+$0xD70]  }
0x19d: {  	v1 =	vadd.f32 v2, v1;
	v2 =	vld [tilespmem:s31+$0xD80]  }
0x19e: {  	v3 =	vadd.f32 v6, v3;
	v6 =	vld [tilespmem:s31+$0xD90]  }
0x19f: {  	v1 =	vadd.f32 v7, v1;
	v7 =	vld [tilespmem:s31+$0xDA0]  }
0x1a0: {  	v3 =	vadd.f32 v8, v3;
	v8 =	vld [tilespmem:s31+$0xDB0]  }
0x1a1: {  	v1 =	vadd.f32 v4, v1;
	v4 =	vld [tilespmem:s31+$0xDC0]  }
0x1a2: {  	v3 =	vadd.f32 v5, v3;
	v5 =	vld [tilespmem:s31+$0xDD0]  }
0x1a3: {  	v1 =	vadd.f32 v2, v1;
	v2 =	vld [tilespmem:s31+$0xDE0]  }
0x1a4: {  	v3 =	vadd.f32 v6, v3;
	v6 =	vld [tilespmem:s31+$0xDF0]  }
0x1a5: {  	v1 =	vadd.f32 v7, v1;
	v7 =	vld [tilespmem:s31+$0xE00]  }
0x1a6: {  	v3 =	vadd.f32 v8, v3;
	v8 =	vld [tilespmem:s31+$0xE10]  }
0x1a7: {  	v1 =	vadd.f32 v4, v1;
	v4 =	vld [tilespmem:s31+$0xE20]  }
0x1a8: {  	v3 =	vadd.f32 v5, v3;
	v5 =	vld [tilespmem:s31+$0xE30]  }
0x1a9: {  	v1 =	vadd.f32 v2, v1;
	v2 =	vld [tilespmem:s31+$0xE40]  }
0x1aa: {  	v3 =	vadd.f32 v6, v3;
	v6 =	vld [tilespmem:s31+$0xE50]  }
0x1ab: {  	v1 =	vadd.f32 v7, v1;
	v7 =	vld [tilespmem:s31+$0xE60]  }
0x1ac: {  	v3 =	vadd.f32 v8, v3;
	v8 =	vld [tilespmem:s31+$0xE70]  }
0x1ad: {  	v1 =	vadd.f32 v4, v1;
	v4 =	vld [tilespmem:s31+$0xE80]  }
0x1ae: {  	v3 =	vadd.f32 v5, v3;
	v5 =	vld [tilespmem:s31+$0xE90]  }
0x1af: {  	v1 =	vadd.f32 v2, v1;
	v2 =	vld [tilespmem:s31+$0xEA0]  }
0x1b0: {  	v3 =	vadd.f32 v6, v3;
	v6 =	vld [tilespmem:s31+$0xEB0]  }
0x1b1: {  	v1 =	vadd.f32 v7, v1;
	v7 =	vld [tilespmem:s31+$0xEC0]  }
0x1b2: {  	v3 =	vadd.f32 v8, v3;
	v8 =	vld [tilespmem:s31+$0xED0]  }
0x1b3: {  	v1 =	vadd.f32 v4, v1;
	v4 =	vld [tilespmem:s31+$0xEE0]  }
0x1b4: {  	v3 =	vadd.f32 v5, v3;
	v5 =	vld [tilespmem:s31+$0xEF0]  }
0x1b5: {  	v1 =	vadd.f32 v2, v1;
	v2 =	vld [tilespmem:s31+$0xF00]  }
0x1b6: {  	v3 =	vadd.f32 v6, v3;
	v6 =	vld [tilespmem:s31+$0xF10]  }
0x1b7: {  	v1 =	vadd.f32 v7, v1;
	v7 =	vld [tilespmem:s31+$0xF20]  }
0x1b8: {  	v3 =	vadd.f32 v8, v3;
	v8 =	vld [tilespmem:s31+$0xF30]  }
0x1b9: {  	v1 =	vadd.f32 v4, v1;
	v4 =	vld [tilespmem:s31+$0xF40]  }
0x1ba: {  	v3 =	vadd.f32 v5, v3;
	v5 =	vld [tilespmem:s31+$0xF50]  }
0x1bb: {  	v1 =	vadd.f32 v2, v1;
	v2 =	vld [tilespmem:s31+$0xF60]  }
0x1bc: {  	v3 =	vadd.f32 v6, v3;
	v6 =	vld [tilespmem:s31+$0xF70]  }
0x1bd: {  	v1 =	vadd.f32 v7, v1;
	v7 =	vld [tilespmem:s31+$0xF80]  }
0x1be: {  	v3 =	vadd.f32 v8, v3;
	v8 =	vld [tilespmem:s31+$0xF90]  }
0x1bf: {  	v1 =	vadd.f32 v4, v1;
	v4 =	vld [tilespmem:s31+$0xFA0]  }
0x1c0: {  	v3 =	vadd.f32 v5, v3;
	v5 =	vld [tilespmem:s31+$0xFB0]  }
0x1c1: {  	v1 =	vadd.f32 v2, v1;
	v2 =	vld [tilespmem:s31+$0xFC0]  }
0x1c2: {  	v3 =	vadd.f32 v6, v3;
	v6 =	vld [tilespmem:s31+$0xFD0]  }
0x1c3: {  	v1 =	vadd.f32 v7, v1;
	v7 =	vld [tilespmem:s31+$0xFE0]  }
0x1c4: {  	v3 =	vadd.f32 v8, v3;
	v8 =	vld [tilespmem:s31+$0xFF0]  }
0x1c5: {  	v1 =	vadd.f32 v4, v1;
	v4 =	vld [tilespmem:s31+$0x1000]  }
0x1c6: {  	v3 =	vadd.f32 v5, v3;
	v5 =	vld [tilespmem:s31+$0x1010]  }
0x1c7: {  	v1 =	vadd.f32 v2, v1;
	v2 =	vld [tilespmem:s31+$0x1020]  }
0x1c8: {  	v3 =	vadd.f32 v6, v3;
	v6 =	vld [tilespmem:s31+$0x1030]  }
0x1c9: {  	v1 =	vadd.f32 v7, v1;
	v7 =	vld [tilespmem:s31+$0x1040]  }
0x1ca: {  	v3 =	vadd.f32 v8, v3;
	v8 =	vld [tilespmem:s31+$0x1050]  }
0x1cb: {  	v1 =	vadd.f32 v4, v1;
	v4 =	vld [tilespmem:s31+$0x1060]  }
0x1cc: {  	v3 =	vadd.f32 v5, v3;
	v5 =	vld [tilespmem:s31+$0x1070]  }
0x1cd: {  	v1 =	vadd.f32 v2, v1;
	v2 =	vld [tilespmem:s31+$0x1080]  }
0x1ce: {  	v3 =	vadd.f32 v6, v3;
	v6 =	vld [tilespmem:s31+$0x1090]  }
0x1cf: {  	v1 =	vadd.f32 v7, v1;
	v7 =	vld [tilespmem:s31+$0x10A0]  }
0x1d0: {  	v3 =	vadd.f32 v8, v3;
	v8 =	vld [tilespmem:s31+$0x10B0]  }
0x1d1: {  	v1 =	vadd.f32 v4, v1;
	v4 =	vld [tilespmem:s31+$0x10C0]  }
0x1d2: {  	v3 =	vadd.f32 v5, v3;
	v5 =	vld [tilespmem:s31+$0x10D0]  }
0x1d3: {  	v1 =	vadd.f32 v2, v1;
	v2 =	vld [tilespmem:s29+$0x0]  }
0x1d4: {  	v3 =	vadd.f32 v6, v3;
	v6 =	vld [tilespmem:s31+$0x10E0]  }
0x1d5: {  	v1 =	vadd.f32 v7, v1;
	v7 =	vld [tilespmem:s31+$0x10F0]  }
0x1d6: {  	v3 =	vadd.f32 v8, v3;
	v8 =	vld [tilespmem:s31+$0x1100]  }
0x1d7: {  	v1 =	vadd.f32 v4, v1;
	v4 =	vld [tilespmem:s31+$0x1110]  }
0x1d8: {  	v3 =	vadd.f32 v5, v3;
	v5 =	vld [tilespmem:s31+$0x1120];
	(v2sf) =	vpush v2, $0x0  }
0x1d9: {  	v1 =	vadd.f32 v6, v1;
	v2 =	vld [tilespmem:s31+$0x1130]  }
0x1da: {  	v3 =	vadd.f32 v7, v3;
	v6 =	vld [tilespmem:s31+$0x1140]  }
0x1db: {  	v1 =	vadd.f32 v8, v1;
	v7 =	vld [tilespmem:s31+$0x1150]  }
0x1dc: {  	v3 =	vadd.f32 v4, v3;
	v4 =	vld [tilespmem:s31+$0x1160]  }
0x1dd: {  	v1 =	vadd.f32 v5, v1;
	v5 =	vld [tilespmem:s31+$0x1170]  }
0x1de: {  	v2 =	vadd.f32 v2, v3;
	v3 =	vld [tilespmem:s31+$0x1180]  }
0x1df: {  	v1 =	vadd.f32 v6, v1;
	v6 =	vld [tilespmem:s31+$0x1190]  }
0x1e0: {  	v2 =	vadd.f32 v7, v2;
	v7 =	vld [tilespmem:s31+$0x11A0]  }
0x1e1: {  	v1 =	vadd.f32 v4, v1;
	v4 =	vld [tilespmem:s31+$0x11B0]  }
0x1e2: {  	v2 =	vadd.f32 v5, v2;
	v5 =	vld [tilespmem:s31+$0x11C0]  }
0x1e3: {  	v1 =	vadd.f32 v3, v1;
	v3 =	vld [tilespmem:s31+$0x11D0]  }
0x1e4: {  	v2 =	vadd.f32 v6, v2;
	v6 =	vld [tilespmem:s31+$0x11E0]  }
0x1e5: {  	v1 =	vadd.f32 v7, v1;
	v7 =	vld [tilespmem:s31+$0x11F0]  }
0x1e6: {  	v2 =	vadd.f32 v4, v2;
	v4 =	vld [tilespmem:s31+$0x1200]  }
0x1e7: {  	v1 =	vadd.f32 v5, v1;
	v5 =	vld [tilespmem:s31+$0x1210];
	s0 =	spop (v2sf)  }
0x1e8: {  	v2 =	vadd.f32 v3, v2;
	v3 =	vld [tilespmem:s31+$0x1220];
	p1 =	sgt.s32 s0, $0x1  }
0x1e9: {  	v1 =	vadd.f32 v6, v1;
	v6 =	vld [tilespmem:s31+$0x1230];
	s0 =	simm.s32 @!p1 $0x1  }
0x1ea: {  	v2 =	vadd.f32 v7, v2;
	v7 =	vld [tilespmem:s31+$0x1240];
	s0 =	scvt.s32.f32 s0  }
0x1eb: {  	v1 =	vadd.f32 v4, v1;
	v4 =	vld [tilespmem:s31+$0x1250]  }
0x1ec: {  	v2 =	vadd.f32 v5, v2;
	v5 =	vld [tilespmem:s31+$0x1260];
	v8 =	vmov s0  }
0x1ed: {  	v1 =	vadd.f32 v3, v1;
	v3 =	vld [tilespmem:s31+$0x1270];
	(erf) = vrcp.f32 v8  }
0x1ee: {  	v2 =	vadd.f32 v6, v2;
	v6 =	vld [tilespmem:s31+$0x1280]  }
0x1ef: {  	v1 =	vadd.f32 v7, v1;
	v7 =	vld [tilespmem:s31+$0x1290]  }
0x1f0: {  	v2 =	vadd.f32 v4, v2;
	v4 =	vld [tilespmem:s31+$0x12A0]  }
0x1f1: {  	v1 =	vadd.f32 v5, v1;
	v5 =	vld [tilespmem:s31+$0x12B0]  }
0x1f2: {  	v2 =	vadd.f32 v3, v2  }
0x1f3: {  	v1 =	vadd.f32 v6, v1  }
0x1f4: {  	v2 =	vadd.f32 v7, v2  }
0x1f5: {  	v1 =	vadd.f32 v4, v1  }
0x1f6: {  	v2 =	vadd.f32 v5, v2;
	v3 =	vpop (erf)  }
0x1f7: {  	s0 =	sshll.u32 s30, $0x6;
	s31 =	sshllo.u32 s30, $0x1;
	v1 =	vmul.f32 v3, v1  }
0x1f8: {  	s0 =	sand.u32 $0x3FFFFFC0, s0;
	s3 =	smul.u32 $0x1900, s31;
	s9 =	sshll.u32 s31, $0x5;
	v2 =	vmul.f32 v3, v2  }
0x1f9: {  	s29 =	sand.u32 $0x3FFFFFE0, s9;
	[tilespmem:s0+$0x19C80] =	vst v1  }
0x1fa: {  	s30 =	sshra.s32 s3, $0x2;
	[tilespmem:s0+$0x19C90] =	vst v2  }
0x1fb: {  	v1 =	vld [tilespmem:s30+$0xCC0]  }
0x1fc: {  	v2 =	vld [tilespmem:s30+$0xCA0]  }
0x1fd: {  	v3 =	vld [tilespmem:s30+$0xC90]  }
0x1fe: {  	v4 =	vld [tilespmem:s30+$0xC80]  }
0x1ff: {  	v5 =	vld [tilespmem:s30+$0xCB0]  }
0x200: {  	v6 =	vld [tilespmem:s30+$0xCD0]  }
0x201: {  	v7 =	vld [tilespmem:s30+$0xCE0]  }
0x202: {  	v8 =	vld [tilespmem:s30+$0xCF0]  }
0x203: {  	v2 =	vadd.f32 v2, v4;
	v4 =	vld [tilespmem:s30+$0xD00]  }
0x204: {  	v3 =	vadd.f32 v5, v3;
	v5 =	vld [tilespmem:s30+$0xD10]  }
0x205: {  	v1 =	vadd.f32 v1, v2;
	v2 =	vld [tilespmem:s30+$0xD20]  }
0x206: {  	v3 =	vadd.f32 v6, v3;
	v6 =	vld [tilespmem:s30+$0xD30]  }
0x207: {  	v1 =	vadd.f32 v7, v1;
	v7 =	vld [tilespmem:s30+$0xD40]  }
0x208: {  	v3 =	vadd.f32 v8, v3;
	v8 =	vld [tilespmem:s30+$0xD50]  }
0x209: {  	v1 =	vadd.f32 v4, v1;
	v4 =	vld [tilespmem:s30+$0xD60]  }
0x20a: {  	v3 =	vadd.f32 v5, v3;
	v5 =	vld [tilespmem:s30+$0xD70]  }
0x20b: {  	v1 =	vadd.f32 v2, v1;
	v2 =	vld [tilespmem:s30+$0xD80]  }
0x20c: {  	v3 =	vadd.f32 v6, v3;
	v6 =	vld [tilespmem:s30+$0xD90]  }
0x20d: {  	v1 =	vadd.f32 v7, v1;
	v7 =	vld [tilespmem:s30+$0xDA0]  }
0x20e: {  	v3 =	vadd.f32 v8, v3;
	v8 =	vld [tilespmem:s30+$0xDB0]  }
0x20f: {  	v1 =	vadd.f32 v4, v1;
	v4 =	vld [tilespmem:s30+$0xDC0]  }
0x210: {  	v3 =	vadd.f32 v5, v3;
	v5 =	vld [tilespmem:s30+$0xDD0]  }
0x211: {  	v1 =	vadd.f32 v2, v1;
	v2 =	vld [tilespmem:s30+$0xDE0]  }
0x212: {  	v3 =	vadd.f32 v6, v3;
	v6 =	vld [tilespmem:s30+$0xDF0]  }
0x213: {  	v1 =	vadd.f32 v7, v1;
	v7 =	vld [tilespmem:s30+$0xE00]  }
0x214: {  	v3 =	vadd.f32 v8, v3;
	v8 =	vld [tilespmem:s30+$0xE10]  }
0x215: {  	v1 =	vadd.f32 v4, v1;
	v4 =	vld [tilespmem:s30+$0xE20]  }
0x216: {  	v3 =	vadd.f32 v5, v3;
	v5 =	vld [tilespmem:s30+$0xE30]  }
0x217: {  	v1 =	vadd.f32 v2, v1;
	v2 =	vld [tilespmem:s30+$0xE40]  }
0x218: {  	v3 =	vadd.f32 v6, v3;
	v6 =	vld [tilespmem:s30+$0xE50]  }
0x219: {  	v1 =	vadd.f32 v7, v1;
	v7 =	vld [tilespmem:s30+$0xE60]  }
0x21a: {  	v3 =	vadd.f32 v8, v3;
	v8 =	vld [tilespmem:s30+$0xE70]  }
0x21b: {  	v1 =	vadd.f32 v4, v1;
	v4 =	vld [tilespmem:s30+$0xE80]  }
0x21c: {  	v3 =	vadd.f32 v5, v3;
	v5 =	vld [tilespmem:s30+$0xE90]  }
0x21d: {  	v1 =	vadd.f32 v2, v1;
	v2 =	vld [tilespmem:s30+$0xEA0]  }
0x21e: {  	v3 =	vadd.f32 v6, v3;
	v6 =	vld [tilespmem:s30+$0xEB0]  }
0x21f: {  	v1 =	vadd.f32 v7, v1;
	v7 =	vld [tilespmem:s30+$0xEC0]  }
0x220: {  	v3 =	vadd.f32 v8, v3;
	v8 =	vld [tilespmem:s30+$0xED0]  }
0x221: {  	v1 =	vadd.f32 v4, v1;
	v4 =	vld [tilespmem:s30+$0xEE0]  }
0x222: {  	v3 =	vadd.f32 v5, v3;
	v5 =	vld [tilespmem:s30+$0xEF0]  }
0x223: {  	v1 =	vadd.f32 v2, v1;
	v2 =	vld [tilespmem:s30+$0xF00]  }
0x224: {  	v3 =	vadd.f32 v6, v3;
	v6 =	vld [tilespmem:s30+$0xF10]  }
0x225: {  	v1 =	vadd.f32 v7, v1;
	v7 =	vld [tilespmem:s30+$0xF20]  }
0x226: {  	v3 =	vadd.f32 v8, v3;
	v8 =	vld [tilespmem:s30+$0xF30]  }
0x227: {  	v1 =	vadd.f32 v4, v1;
	v4 =	vld [tilespmem:s30+$0xF40]  }
0x228: {  	v3 =	vadd.f32 v5, v3;
	v5 =	vld [tilespmem:s30+$0xF50]  }
0x229: {  	v1 =	vadd.f32 v2, v1;
	v2 =	vld [tilespmem:s30+$0xF60]  }
0x22a: {  	v3 =	vadd.f32 v6, v3;
	v6 =	vld [tilespmem:s30+$0xF70]  }
0x22b: {  	v1 =	vadd.f32 v7, v1;
	v7 =	vld [tilespmem:s30+$0xF80]  }
0x22c: {  	v3 =	vadd.f32 v8, v3;
	v8 =	vld [tilespmem:s30+$0xF90]  }
0x22d: {  	v1 =	vadd.f32 v4, v1;
	v4 =	vld [tilespmem:s30+$0xFA0]  }
0x22e: {  	v3 =	vadd.f32 v5, v3;
	v5 =	vld [tilespmem:s30+$0xFB0]  }
0x22f: {  	v1 =	vadd.f32 v2, v1;
	v2 =	vld [tilespmem:s30+$0xFC0]  }
0x230: {  	v3 =	vadd.f32 v6, v3;
	v6 =	vld [tilespmem:s30+$0xFD0]  }
0x231: {  	v1 =	vadd.f32 v7, v1;
	v7 =	vld [tilespmem:s30+$0xFE0]  }
0x232: {  	v3 =	vadd.f32 v8, v3;
	v8 =	vld [tilespmem:s30+$0xFF0]  }
0x233: {  	v1 =	vadd.f32 v4, v1;
	v4 =	vld [tilespmem:s30+$0x1000]  }
0x234: {  	v3 =	vadd.f32 v5, v3;
	v5 =	vld [tilespmem:s30+$0x1010]  }
0x235: {  	v1 =	vadd.f32 v2, v1;
	v2 =	vld [tilespmem:s30+$0x1020]  }
0x236: {  	v3 =	vadd.f32 v6, v3;
	v6 =	vld [tilespmem:s30+$0x1030]  }
0x237: {  	v1 =	vadd.f32 v7, v1;
	v7 =	vld [tilespmem:s30+$0x1040]  }
0x238: {  	v3 =	vadd.f32 v8, v3;
	v8 =	vld [tilespmem:s30+$0x1050]  }
0x239: {  	v1 =	vadd.f32 v4, v1;
	v4 =	vld [tilespmem:s30+$0x1060]  }
0x23a: {  	v3 =	vadd.f32 v5, v3;
	v5 =	vld [tilespmem:s30+$0x1070]  }
0x23b: {  	v1 =	vadd.f32 v2, v1;
	v2 =	vld [tilespmem:s30+$0x1080]  }
0x23c: {  	v3 =	vadd.f32 v6, v3;
	v6 =	vld [tilespmem:s30+$0x1090]  }
0x23d: {  	v1 =	vadd.f32 v7, v1;
	v7 =	vld [tilespmem:s30+$0x10A0]  }
0x23e: {  	v3 =	vadd.f32 v8, v3;
	v8 =	vld [tilespmem:s30+$0x10B0]  }
0x23f: {  	v1 =	vadd.f32 v4, v1;
	v4 =	vld [tilespmem:s30+$0x10C0]  }
0x240: {  	v3 =	vadd.f32 v5, v3;
	v5 =	vld.idx.msk [tilespmem:v0+s31+$0x0 ss:$0x1], $0xffff  }
0x241: {  	v1 =	vadd.f32 v2, v1;
	v2 =	vld [tilespmem:s30+$0x10D0]  }
0x242: {  	v3 =	vadd.f32 v6, v3;
	v6 =	vld [tilespmem:s30+$0x10E0]  }
0x243: {  	v1 =	vadd.f32 v7, v1;
	v7 =	vld [tilespmem:s30+$0x10F0]  }
0x244: {  	v3 =	vadd.f32 v8, v3;
	v8 =	vld [tilespmem:s30+$0x1100]  }
0x245: {  	v1 =	vadd.f32 v4, v1;
	v4 =	vld [tilespmem:s30+$0x1110]  }
0x246: {  	v2 =	vadd.f32 v2, v3;
	v3 =	vld [tilespmem:s30+$0x1120];
	(v2sf) =	vpush v5, $0x0  }
0x247: {  	v1 =	vadd.f32 v6, v1;
	v5 =	vld [tilespmem:s30+$0x1130]  }
0x248: {  	v2 =	vadd.f32 v7, v2;
	v6 =	vld [tilespmem:s30+$0x1140]  }
0x249: {  	v1 =	vadd.f32 v8, v1;
	v7 =	vld [tilespmem:s30+$0x1150]  }
0x24a: {  	v2 =	vadd.f32 v4, v2;
	v4 =	vld [tilespmem:s30+$0x1160]  }
0x24b: {  	v1 =	vadd.f32 v3, v1;
	v3 =	vld [tilespmem:s30+$0x1170]  }
0x24c: {  	v2 =	vadd.f32 v5, v2;
	v5 =	vld [tilespmem:s30+$0x1180]  }
0x24d: {  	v1 =	vadd.f32 v6, v1;
	v6 =	vld [tilespmem:s30+$0x1190]  }
0x24e: {  	v2 =	vadd.f32 v7, v2;
	v7 =	vld [tilespmem:s30+$0x11A0]  }
0x24f: {  	v1 =	vadd.f32 v4, v1;
	v4 =	vld [tilespmem:s30+$0x11B0]  }
0x250: {  	v2 =	vadd.f32 v3, v2;
	v3 =	vld [tilespmem:s30+$0x11C0]  }
0x251: {  	v1 =	vadd.f32 v5, v1;
	v5 =	vld [tilespmem:s30+$0x11D0]  }
0x252: {  	v2 =	vadd.f32 v6, v2;
	v6 =	vld [tilespmem:s30+$0x11E0]  }
0x253: {  	v1 =	vadd.f32 v7, v1;
	v7 =	vld [tilespmem:s30+$0x11F0]  }
0x254: {  	v2 =	vadd.f32 v4, v2;
	v4 =	vld [tilespmem:s30+$0x1200]  }
0x255: {  	v1 =	vadd.f32 v3, v1;
	v3 =	vld [tilespmem:s30+$0x1210];
	s0 =	spop (v2sf)  }
0x256: {  	v2 =	vadd.f32 v5, v2;
	v5 =	vld [tilespmem:s30+$0x1220];
	p1 =	sgt.s32 s0, $0x1  }
0x257: {  	v1 =	vadd.f32 v6, v1;
	v6 =	vld [tilespmem:s30+$0x1230];
	s0 =	simm.s32 @!p1 $0x1  }
0x258: {  	v2 =	vadd.f32 v7, v2;
	v7 =	vld [tilespmem:s30+$0x1240];
	s0 =	scvt.s32.f32 s0  }
0x259: {  	v1 =	vadd.f32 v4, v1;
	v4 =	vld [tilespmem:s30+$0x1250]  }
0x25a: {  	v2 =	vadd.f32 v3, v2;
	v3 =	vld [tilespmem:s30+$0x1260];
	v8 =	vmov s0  }
0x25b: {  	v1 =	vadd.f32 v5, v1;
	v5 =	vld [tilespmem:s30+$0x1270];
	(erf) = vrcp.f32 v8  }
0x25c: {  	v2 =	vadd.f32 v6, v2;
	v6 =	vld [tilespmem:s30+$0x1280]  }
0x25d: {  	v1 =	vadd.f32 v7, v1;
	v7 =	vld [tilespmem:s30+$0x1290]  }
0x25e: {  	v2 =	vadd.f32 v4, v2;
	v4 =	vld [tilespmem:s30+$0x12A0]  }
0x25f: {  	v1 =	vadd.f32 v3, v1;
	v3 =	vld [tilespmem:s30+$0x12B0]  }
0x260: {  	v2 =	vadd.f32 v5, v2  }
.Ltmp0:
0x261: {  	v1 =	vadd.f32 v6, v1;
	(pc) =	sbr.rel @p0 .LBB2_3-.Ltmp0, $4  }
0x262: {  	v5 =	vadd.f32 v7, v2  }
0x263: {  	v1 =	vadd.f32 v4, v1  }
0x264: {  	v3 =	vadd.f32 v3, v5;
	v2 =	vpop (erf)  }
0x265: {  	s31 =	smov.u32 s28;
	v1 =	vmul.f32 v2, v1  }
0x266: {  	v0 =	vmul.f32 v2, v3  }
0x267: {  	s0 =	sshll.u32 s4, $0x2;
	[tilespmem:s29+$0x19C80] =	vst v1  }
0x268: {  	s25 =	simm.s32 $0x0;
	s0 =	sadd.s32 s2, s0;
	[tilespmem:s29+$0x19C90] =	vst v0  }
0x269: {  	[hbm4b:s0+s25] =	stream.linear.scatter [tilespmem:s20], [sflag:$0x3], $0x400, $0x38;
	[tilespmem:$0x1A290] =	vst v63  }
0x26a: {  	_ =	swait.ge [sflag:s10], $0x400  }
0x26b: {  	[sflag:s10] =	ssyncset.done $0x0  }
0x26c: {  	[sflag:s10] =	ssyncadd.s32 $0xFFFFFC00  }
0x26d: {  	_ =	swait.ge [sflag:s21], $0xA00  }
0x26e: {  	[sflag:s21] =	ssyncset.done $0x0  }
0x26f: {  	[sflag:s21] =	ssyncadd.s32 $0xFFFFF600  }
0x270: {  	_ =	swait.ge [sflag:s21], $0xA00  }
0x271: {  	[sflag:s21] =	ssyncset.done $0x0  }
0x272: {  	[sflag:s21] =	ssyncadd.s32 $0xFFFFF600  }
0x273: {  	_ =	swait.ge [sflag:s21], $0xA00  }
0x274: {  	[sflag:s21] =	ssyncset.done $0x0  }
0x275: {  	[sflag:s21] =	ssyncadd.s32 $0xFFFFF600  }
0x276: {  	_ =	swait.ge [sflag:s21], $0xA00  }
0x277: {  	[sflag:s21] =	ssyncset.done $0x0  }
0x278: {  	[sflag:s21] =	ssyncadd.s32 $0xFFFFF600  }
0x279: {  	_ =	swait.ge [sflag:s21], $0xA00  }
0x27a: {  	[sflag:s21] =	ssyncset.done $0x0  }
0x27b: {  	[sflag:s21] =	ssyncadd.s32 $0xFFFFF600  }
0x27c: {  	_ =	swait.ge [sflag:s21], $0xA00  }
0x27d: {  	[sflag:s21] =	ssyncset.done $0x0  }
0x27e: {  	[sflag:s21] =	ssyncadd.s32 $0xFFFFF600  }
0x27f: {  	_ =	swait.ge [sflag:s21], $0xA00  }
0x280: {  	[sflag:s21] =	ssyncset.done $0x0  }
0x281: {  	[sflag:s21] =	ssyncadd.s32 $0xFFFFF600  }
0x282: {  	_ =	swait.ge [sflag:s21], $0xA00  }
0x283: {  	[sflag:s21] =	ssyncset.done $0x0  }
0x284: {  	[sflag:s21] =	ssyncadd.s32 $0xFFFFF600  }
0x285: {  	_ =	swait.ge [sflag:s21], $0xA00  }
0x286: {  	[sflag:s21] =	ssyncset.done $0x0  }
0x287: {  	[sflag:s21] =	ssyncadd.s32 $0xFFFFF600  }
0x288: {  	_ =	swait.ge [sflag:s21], $0xA00  }
0x289: {  	[sflag:s21] =	ssyncset.done $0x0  }
0x28a: {  	[sflag:s21] =	ssyncadd.s32 $0xFFFFF600  }
0x28b: {  	_ =	swait.ge [sflag:s21], $0xA00  }
0x28c: {  	[sflag:s21] =	ssyncset.done $0x0  }
0x28d: {  	[sflag:s21] =	ssyncadd.s32 $0xFFFFF600  }
0x28e: {  	_ =	swait.ge [sflag:s21], $0xA00  }
0x28f: {  	[sflag:s21] =	ssyncset.done $0x0  }
0x290: {  	[sflag:s21] =	ssyncadd.s32 $0xFFFFF600  }
0x291: {  	_ =	swait.ge [sflag:s21], $0xA00  }
0x292: {  	[sflag:s21] =	ssyncset.done $0x0  }
0x293: {  	[sflag:s21] =	ssyncadd.s32 $0xFFFFF600  }
0x294: {  	_ =	swait.ge [sflag:s21], $0xA00  }
0x295: {  	[sflag:s21] =	ssyncset.done $0x0  }
0x296: {  	[sflag:s21] =	ssyncadd.s32 $0xFFFFF600  }
0x297: {  	_ =	swait.ge [sflag:s21], $0xA00  }
0x298: {  	[sflag:s21] =	ssyncset.done $0x0  }
0x299: {  	[sflag:s21] =	ssyncadd.s32 $0xFFFFF600  }
0x29a: {  	_ =	swait.ge [sflag:s21], $0xA00  }
0x29b: {  	[sflag:s21] =	ssyncset.done $0x0  }
0x29c: {  	[sflag:s21] =	ssyncadd.s32 $0xFFFFF600  }
0x29d: {  	_ =	swait.ge [sflag:s21], $0xA00  }
0x29e: {  	[sflag:s21] =	ssyncset.done $0x0  }
0x29f: {  	[sflag:s21] =	ssyncadd.s32 $0xFFFFF600  }
0x2a0: {  	_ =	swait.ge [sflag:s21], $0xA00  }
0x2a1: {  	[sflag:s21] =	ssyncset.done $0x0  }
0x2a2: {  	[sflag:s21] =	ssyncadd.s32 $0xFFFFF600  }
0x2a3: {  	_ =	swait.ge [sflag:s21], $0xA00  }
0x2a4: {  	[sflag:s21] =	ssyncset.done $0x0  }
0x2a5: {  	[sflag:s21] =	ssyncadd.s32 $0xFFFFF600  }
0x2a6: {  	s30 =	smul.u32 $0x3200, s25;
	_ =	swait.ge [sflag:s21], $0xA00  }
0x2a7: {  	[sflag:s21] =	ssyncset.done $0x0  }
0x2a8: {  	s28 =	sshra.s32 s30, $0x2;
	[sflag:s21] =	ssyncadd.s32 $0xFFFFF600  }
0x2a9: {  	v0 =	vld [tilespmem:s28+$0xD4C0]  }
0x2aa: {  	v1 =	vld [tilespmem:s28+$0xD4A0]  }
0x2ab: {  	v2 =	vld [tilespmem:s28+$0xD490]  }
0x2ac: {  	v3 =	vld [tilespmem:s28+$0xD480]  }
0x2ad: {  	v4 =	vld [tilespmem:s28+$0xD4B0]  }
0x2ae: {  	v5 =	vld [tilespmem:s28+$0xD4D0]  }
0x2af: {  	v6 =	vld [tilespmem:s28+$0xD4E0]  }
0x2b0: {  	v7 =	vld [tilespmem:s28+$0xD4F0]  }
0x2b1: {  	v50 =	vld [tilespmem:s28+$0xD540];
	v1 =	vadd.f32 v1, v3  }
0x2b2: {  	v3 =	vld [tilespmem:s28+$0xD500];
	v2 =	vadd.f32 v4, v2  }
0x2b3: {  	v4 =	vld [tilespmem:s28+$0xD510];
	v0 =	vadd.f32 v0, v1  }
0x2b4: {  	v1 =	vld [tilespmem:s28+$0xD520];
	v2 =	vadd.f32 v5, v2  }
0x2b5: {  	v5 =	vld [tilespmem:s28+$0xD530];
	v0 =	vadd.f32 v6, v0  }
0x2b6: {  	v51 =	vld [tilespmem:s28+$0xD550];
	v2 =	vadd.f32 v7, v2  }
0x2b7: {  	v52 =	vld [tilespmem:s28+$0xD5A0];
	v0 =	vadd.f32 v3, v0  }
0x2b8: {  	v3 =	vld [tilespmem:s28+$0xD560];
	v2 =	vadd.f32 v4, v2  }
0x2b9: {  	v4 =	vld [tilespmem:s28+$0xD570];
	v0 =	vadd.f32 v1, v0  }
0x2ba: {  	v1 =	vld [tilespmem:s28+$0xD580];
	v2 =	vadd.f32 v5, v2  }
0x2bb: {  	v5 =	vld [tilespmem:s28+$0xD590];
	v0 =	vadd.f32 v50, v0  }
0x2bc: {  	v53 =	vld [tilespmem:s28+$0xD5B0];
	v2 =	vadd.f32 v51, v2  }
0x2bd: {  	v54 =	vld [tilespmem:s28+$0xD600];
	v0 =	vadd.f32 v3, v0  }
0x2be: {  	v3 =	vld [tilespmem:s28+$0xD5C0];
	v2 =	vadd.f32 v4, v2  }
0x2bf: {  	v4 =	vld [tilespmem:s28+$0xD5D0];
	v0 =	vadd.f32 v1, v0  }
0x2c0: {  	v1 =	vld [tilespmem:s28+$0xD5E0];
	v2 =	vadd.f32 v5, v2  }
0x2c1: {  	v5 =	vld [tilespmem:s28+$0xD5F0];
	v0 =	vadd.f32 v52, v0  }
0x2c2: {  	v55 =	vld [tilespmem:s28+$0xD610];
	v2 =	vadd.f32 v53, v2  }
0x2c3: {  	v56 =	vld [tilespmem:s28+$0xD660];
	v0 =	vadd.f32 v3, v0  }
0x2c4: {  	v3 =	vld [tilespmem:s28+$0xD620];
	v2 =	vadd.f32 v4, v2  }
0x2c5: {  	v4 =	vld [tilespmem:s28+$0xD630];
	v0 =	vadd.f32 v1, v0  }
0x2c6: {  	v1 =	vld [tilespmem:s28+$0xD640];
	v2 =	vadd.f32 v5, v2  }
0x2c7: {  	v5 =	vld [tilespmem:s28+$0xD650];
	v0 =	vadd.f32 v54, v0  }
0x2c8: {  	v57 =	vld [tilespmem:s28+$0xD670];
	v2 =	vadd.f32 v55, v2  }
0x2c9: {  	v58 =	vld [tilespmem:s28+$0xD6C0];
	v0 =	vadd.f32 v3, v0  }
0x2ca: {  	v3 =	vld [tilespmem:s28+$0xD680];
	v2 =	vadd.f32 v4, v2  }
0x2cb: {  	v4 =	vld [tilespmem:s28+$0xD690];
	v0 =	vadd.f32 v1, v0  }
0x2cc: {  	v1 =	vld [tilespmem:s28+$0xD6A0];
	v2 =	vadd.f32 v5, v2  }
0x2cd: {  	v5 =	vld [tilespmem:s28+$0xD6B0];
	v0 =	vadd.f32 v56, v0  }
0x2ce: {  	v59 =	vld [tilespmem:s28+$0xD6D0];
	v2 =	vadd.f32 v57, v2  }
0x2cf: {  	v60 =	vld [tilespmem:s28+$0xD720];
	v0 =	vadd.f32 v3, v0  }
0x2d0: {  	v3 =	vld [tilespmem:s28+$0xD6E0];
	v2 =	vadd.f32 v4, v2  }
0x2d1: {  	v4 =	vld [tilespmem:s28+$0xD6F0];
	v0 =	vadd.f32 v1, v0  }
0x2d2: {  	v1 =	vld [tilespmem:s28+$0xD700];
	v2 =	vadd.f32 v5, v2  }
0x2d3: {  	v5 =	vld [tilespmem:s28+$0xD710];
	v0 =	vadd.f32 v58, v0  }
0x2d4: {  	v61 =	vld [tilespmem:s28+$0xD730];
	v2 =	vadd.f32 v59, v2  }
0x2d5: {  	v62 =	vld [tilespmem:s28+$0xD780];
	v0 =	vadd.f32 v3, v0  }
0x2d6: {  	v3 =	vld [tilespmem:s28+$0xD740];
	v2 =	vadd.f32 v4, v2  }
0x2d7: {  	v4 =	vld [tilespmem:s28+$0xD750];
	v0 =	vadd.f32 v1, v0  }
0x2d8: {  	v1 =	vld [tilespmem:s28+$0xD760];
	v2 =	vadd.f32 v5, v2  }
0x2d9: {  	v5 =	vld [tilespmem:s28+$0xD770];
	v0 =	vadd.f32 v60, v0  }
0x2da: {  	v63 =	vld [tilespmem:s28+$0xD790];
	v2 =	vadd.f32 v61, v2  }
0x2db: {  	v9 =	vld [tilespmem:s28+$0xD7E0];
	v0 =	vadd.f32 v3, v0  }
0x2dc: {  	v3 =	vld [tilespmem:s28+$0xD7A0];
	v2 =	vadd.f32 v4, v2  }
0x2dd: {  	v4 =	vld [tilespmem:s28+$0xD7B0];
	v0 =	vadd.f32 v1, v0  }
0x2de: {  	v1 =	vld [tilespmem:s28+$0xD7C0];
	v2 =	vadd.f32 v5, v2  }
0x2df: {  	v5 =	vld [tilespmem:s28+$0xD7D0];
	v0 =	vadd.f32 v62, v0  }
0x2e0: {  	v10 =	vld [tilespmem:s28+$0xD7F0];
	v2 =	vadd.f32 v63, v2  }
0x2e1: {  	v11 =	vld [tilespmem:s28+$0xD840];
	v0 =	vadd.f32 v3, v0  }
0x2e2: {  	v3 =	vld [tilespmem:s28+$0xD800];
	v2 =	vadd.f32 v4, v2  }
0x2e3: {  	v4 =	vld [tilespmem:s28+$0xD810];
	v0 =	vadd.f32 v1, v0  }
0x2e4: {  	v1 =	vld [tilespmem:s28+$0xD820];
	v2 =	vadd.f32 v5, v2  }
0x2e5: {  	v5 =	vld [tilespmem:s28+$0xD830];
	v0 =	vadd.f32 v9, v0  }
0x2e6: {  	v12 =	vld [tilespmem:s28+$0xD850];
	v2 =	vadd.f32 v10, v2  }
0x2e7: {  	v13 =	vld [tilespmem:s28+$0xD8A0];
	v0 =	vadd.f32 v3, v0  }
0x2e8: {  	v3 =	vld [tilespmem:s28+$0xD860];
	v2 =	vadd.f32 v4, v2  }
0x2e9: {  	v4 =	vld [tilespmem:s28+$0xD870];
	v0 =	vadd.f32 v1, v0  }
0x2ea: {  	v1 =	vld [tilespmem:s28+$0xD880];
	v2 =	vadd.f32 v5, v2  }
0x2eb: {  	s31 =	simm.s32 $0x0;
	v5 =	vld [tilespmem:s28+$0xD890];
	v0 =	vadd.f32 v11, v0  }
0x2ec: {  	s4 =	sadd.s32 $0x1A080, s24;
	s3 =	sand.u32 $0x18, s31;
	v14 =	vld [tilespmem:s28+$0xD8B0];
	v2 =	vadd.f32 v12, v2  }
0x2ed: {  	s3 =	sadd.s32 s3, s4;
	s0 =	sand.u32 $0x6, s31;
	v0 =	vadd.f32 v3, v0;
	v3 =	vld [tilespmem:s28+$0xD8C0]  }
0x2ee: {  	s0 =	sadd.s32 s0, s3;
	v2 =	vadd.f32 v4, v2;
	v4 =	vld [tilespmem:s28+$0xD8D0]  }
0x2ef: {  	v0 =	vadd.f32 v1, v0;
	v1 =	vld [tilespmem:s0+$0x0]  }
0x2f0: {  	v2 =	vadd.f32 v5, v2;
	v5 =	vld [tilespmem:s28+$0xD8E0]  }
0x2f1: {  	v15 =	vld [tilespmem:s28+$0xD8F0];
	v0 =	vadd.f32 v13, v0  }
0x2f2: {  	v16 =	vld [tilespmem:s28+$0xD900];
	v2 =	vadd.f32 v14, v2  }
0x2f3: {  	v0 =	vadd.f32 v3, v0;
	v3 =	vld [tilespmem:s28+$0xD910]  }
0x2f4: {  	v2 =	vadd.f32 v4, v2;
	v4 =	vld [tilespmem:s28+$0xD920];
	(v2sf) =	vpush v1, $0x0  }
0x2f5: {  	v1 =	vld [tilespmem:s28+$0xD930];
	v0 =	vadd.f32 v5, v0  }
0x2f6: {  	v2 =	vadd.f32 v15, v2;
	v5 =	vld [tilespmem:s28+$0xD940]  }
0x2f7: {  	v17 =	vld [tilespmem:s28+$0xD950];
	v0 =	vadd.f32 v16, v0  }
0x2f8: {  	v2 =	vadd.f32 v3, v2;
	v3 =	vld [tilespmem:s28+$0xD960]  }
0x2f9: {  	v0 =	vadd.f32 v4, v0;
	v4 =	vld [tilespmem:s28+$0xD970]  }
0x2fa: {  	v1 =	vadd.f32 v1, v2;
	v2 =	vld [tilespmem:s28+$0xD980]  }
0x2fb: {  	v0 =	vadd.f32 v5, v0;
	v5 =	vld [tilespmem:s28+$0xD990]  }
0x2fc: {  	v18 =	vld [tilespmem:s28+$0xD9A0];
	v1 =	vadd.f32 v17, v1  }
0x2fd: {  	v0 =	vadd.f32 v3, v0;
	v3 =	vld [tilespmem:s28+$0xD9B0]  }
0x2fe: {  	v1 =	vadd.f32 v4, v1;
	v4 =	vld [tilespmem:s28+$0xD9C0]  }
0x2ff: {  	v0 =	vadd.f32 v2, v0;
	v2 =	vld [tilespmem:s28+$0xD9D0]  }
0x300: {  	v1 =	vadd.f32 v5, v1;
	v5 =	vld [tilespmem:s28+$0xD9E0]  }
0x301: {  	v19 =	vld [tilespmem:s28+$0xD9F0];
	v0 =	vadd.f32 v18, v0  }
0x302: {  	v1 =	vadd.f32 v3, v1;
	v3 =	vld [tilespmem:s28+$0xDA00]  }
0x303: {  	v0 =	vadd.f32 v4, v0;
	v4 =	vld [tilespmem:s28+$0xDA10];
	s0 =	spop (v2sf)  }
0x304: {  	v1 =	vadd.f32 v2, v1;
	v2 =	vld [tilespmem:s28+$0xDA20];
	p0 =	sgt.s32 s0, $0x1  }
0x305: {  	v0 =	vadd.f32 v5, v0;
	v5 =	vld [tilespmem:s28+$0xDA30];
	s0 =	simm.s32 @!p0 $0x1  }
0x306: {  	v20 =	vld [tilespmem:s28+$0xDA40];
	v1 =	vadd.f32 v19, v1;
	s0 =	scvt.s32.f32 s0  }
0x307: {  	v0 =	vadd.f32 v3, v0;
	v3 =	vld [tilespmem:s28+$0xDA50]  }
0x308: {  	v1 =	vadd.f32 v4, v1;
	v4 =	vld [tilespmem:s28+$0xDA60];
	v21 =	vmov s0  }
0x309: {  	v0 =	vadd.f32 v2, v0;
	v2 =	vld [tilespmem:s28+$0xDA70];
	(erf) = vrcp.f32 v21  }
0x30a: {  	v1 =	vadd.f32 v5, v1;
	v5 =	vld [tilespmem:s28+$0xDA80]  }
0x30b: {  	v22 =	vld [tilespmem:s28+$0xDA90];
	v0 =	vadd.f32 v20, v0  }
0x30c: {  	v1 =	vadd.f32 v3, v1;
	v3 =	vld [tilespmem:s28+$0xDAA0]  }
0x30d: {  	v0 =	vadd.f32 v4, v0;
	v4 =	vld [tilespmem:s28+$0xDAB0]  }
0x30e: {  	v1 =	vadd.f32 v2, v1  }
0x30f: {  	v0 =	vadd.f32 v5, v0  }
0x310: {  	v1 =	vadd.f32 v22, v1  }
0x311: {  	v0 =	vadd.f32 v3, v0  }
0x312: {  	v1 =	vadd.f32 v4, v1;
	v2 =	vpop (erf)  }
0x313: {  	s9 =	sshllo.u32 s25, $0x1;
	s3 =	simm.s32 $0x0;
	v0 =	vmul.f32 v2, v0  }
0x314: {  	s0 =	sand.u32 $0x3FFFFFC0, s3;
	s28 =	smul.u32 $0x1900, s9;
	v1 =	vmul.f32 v2, v1  }
0x315: {  	[tilespmem:s0+$0x19C80] =	vst v0  }
0x316: {  	s30 =	sshra.s32 s28, $0x2;
	[tilespmem:s0+$0x19C90] =	vst v1  }
0x317: {  	v0 =	vld [tilespmem:s30+$0xD4C0]  }
0x318: {  	v1 =	vld [tilespmem:s30+$0xD4A0]  }
0x319: {  	v2 =	vld [tilespmem:s30+$0xD490]  }
0x31a: {  	v3 =	vld [tilespmem:s30+$0xD480]  }
0x31b: {  	v4 =	vld [tilespmem:s30+$0xD4B0]  }
0x31c: {  	v5 =	vld [tilespmem:s30+$0xD4D0]  }
0x31d: {  	v23 =	vld [tilespmem:s30+$0xD4E0]  }
0x31e: {  	v24 =	vld [tilespmem:s30+$0xD4F0]  }
0x31f: {  	v8 =	vld [tilespmem:s30+$0xD510];
	v1 =	vadd.f32 v1, v3  }
0x320: {  	v3 =	vld [tilespmem:s30+$0xD500];
	v2 =	vadd.f32 v4, v2  }
0x321: {  	v25 =	vld [tilespmem:s30+$0xD550];
	v0 =	vadd.f32 v0, v1  }
0x322: {  	v1 =	vld [tilespmem:s30+$0xD520];
	v2 =	vadd.f32 v5, v2  }
0x323: {  	v4 =	vld [tilespmem:s30+$0xD530];
	v0 =	vadd.f32 v23, v0  }
0x324: {  	v5 =	vld [tilespmem:s30+$0xD540];
	v2 =	vadd.f32 v24, v2  }
0x325: {  	v26 =	vld [tilespmem:s30+$0xD570];
	v0 =	vadd.f32 v3, v0  }
0x326: {  	v3 =	vld [tilespmem:s30+$0xD560];
	v2 =	vadd.f32 v8, v2  }
0x327: {  	v27 =	vld [tilespmem:s30+$0xD590];
	v0 =	vadd.f32 v1, v0  }
0x328: {  	v1 =	vld [tilespmem:s30+$0xD580];
	v2 =	vadd.f32 v4, v2  }
0x329: {  	v28 =	vld [tilespmem:s30+$0xD5D0];
	v0 =	vadd.f32 v5, v0  }
0x32a: {  	v4 =	vld [tilespmem:s30+$0xD5A0];
	v2 =	vadd.f32 v25, v2  }
0x32b: {  	v5 =	vld [tilespmem:s30+$0xD5B0];
	v0 =	vadd.f32 v3, v0  }
0x32c: {  	v3 =	vld [tilespmem:s30+$0xD5C0];
	v2 =	vadd.f32 v26, v2  }
0x32d: {  	v29 =	vld [tilespmem:s30+$0xD5F0];
	v0 =	vadd.f32 v1, v0  }
0x32e: {  	v1 =	vld [tilespmem:s30+$0xD5E0];
	v2 =	vadd.f32 v27, v2  }
0x32f: {  	v30 =	vld [tilespmem:s30+$0xD610];
	v0 =	vadd.f32 v4, v0  }
0x330: {  	v4 =	vld [tilespmem:s30+$0xD600];
	v2 =	vadd.f32 v5, v2  }
0x331: {  	v31 =	vld [tilespmem:s30+$0xD650];
	v0 =	vadd.f32 v3, v0  }
0x332: {  	v3 =	vld [tilespmem:s30+$0xD620];
	v2 =	vadd.f32 v28, v2  }
0x333: {  	v5 =	vld [tilespmem:s30+$0xD630];
	v0 =	vadd.f32 v1, v0  }
0x334: {  	v1 =	vld [tilespmem:s30+$0xD640];
	v2 =	vadd.f32 v29, v2  }
0x335: {  	v32 =	vld [tilespmem:s30+$0xD670];
	v0 =	vadd.f32 v4, v0  }
0x336: {  	v4 =	vld [tilespmem:s30+$0xD660];
	v2 =	vadd.f32 v30, v2  }
0x337: {  	v33 =	vld [tilespmem:s30+$0xD690];
	v0 =	vadd.f32 v3, v0  }
0x338: {  	v3 =	vld [tilespmem:s30+$0xD680];
	v2 =	vadd.f32 v5, v2  }
0x339: {  	v34 =	vld [tilespmem:s30+$0xD6D0];
	v0 =	vadd.f32 v1, v0  }
0x33a: {  	v1 =	vld [tilespmem:s30+$0xD6A0];
	v2 =	vadd.f32 v31, v2  }
0x33b: {  	v5 =	vld [tilespmem:s30+$0xD6B0];
	v0 =	vadd.f32 v4, v0  }
0x33c: {  	v4 =	vld [tilespmem:s30+$0xD6C0];
	v2 =	vadd.f32 v32, v2  }
0x33d: {  	v35 =	vld [tilespmem:s30+$0xD6F0];
	v0 =	vadd.f32 v3, v0  }
0x33e: {  	v3 =	vld [tilespmem:s30+$0xD6E0];
	v2 =	vadd.f32 v33, v2  }
0x33f: {  	v36 =	vld [tilespmem:s30+$0xD710];
	v0 =	vadd.f32 v1, v0  }
0x340: {  	v1 =	vld [tilespmem:s30+$0xD700];
	v2 =	vadd.f32 v5, v2  }
0x341: {  	v37 =	vld [tilespmem:s30+$0xD750];
	v0 =	vadd.f32 v4, v0  }
0x342: {  	v4 =	vld [tilespmem:s30+$0xD720];
	v2 =	vadd.f32 v34, v2  }
0x343: {  	v5 =	vld [tilespmem:s30+$0xD730];
	v0 =	vadd.f32 v3, v0  }
0x344: {  	v3 =	vld [tilespmem:s30+$0xD740];
	v2 =	vadd.f32 v35, v2  }
0x345: {  	v38 =	vld [tilespmem:s30+$0xD770];
	v0 =	vadd.f32 v1, v0  }
0x346: {  	v1 =	vld [tilespmem:s30+$0xD760];
	v2 =	vadd.f32 v36, v2  }
0x347: {  	v39 =	vld [tilespmem:s30+$0xD790];
	v0 =	vadd.f32 v4, v0  }
0x348: {  	v4 =	vld [tilespmem:s30+$0xD780];
	v2 =	vadd.f32 v5, v2  }
0x349: {  	v40 =	vld [tilespmem:s30+$0xD7D0];
	v0 =	vadd.f32 v3, v0  }
0x34a: {  	v3 =	vld [tilespmem:s30+$0xD7A0];
	v2 =	vadd.f32 v37, v2  }
0x34b: {  	v5 =	vld [tilespmem:s30+$0xD7B0];
	v0 =	vadd.f32 v1, v0  }
0x34c: {  	v1 =	vld [tilespmem:s30+$0xD7C0];
	v2 =	vadd.f32 v38, v2  }
0x34d: {  	v41 =	vld [tilespmem:s30+$0xD7F0];
	v0 =	vadd.f32 v4, v0  }
0x34e: {  	v4 =	vld [tilespmem:s30+$0xD7E0];
	v2 =	vadd.f32 v39, v2  }
0x34f: {  	v42 =	vld [tilespmem:s30+$0xD810];
	v0 =	vadd.f32 v3, v0  }
0x350: {  	v3 =	vld [tilespmem:s30+$0xD800];
	v2 =	vadd.f32 v5, v2  }
0x351: {  	v43 =	vld [tilespmem:s30+$0xD850];
	v0 =	vadd.f32 v1, v0  }
0x352: {  	v1 =	vld [tilespmem:s30+$0xD820];
	v2 =	vadd.f32 v40, v2  }
0x353: {  	v5 =	vld [tilespmem:s30+$0xD830];
	v0 =	vadd.f32 v4, v0  }
0x354: {  	v4 =	vld [tilespmem:s30+$0xD840];
	v2 =	vadd.f32 v41, v2  }
0x355: {  	v44 =	vld [tilespmem:s30+$0xD860];
	v3 =	vadd.f32 v3, v0  }
0x356: {  	v9 =	vld [tilespmem:s30+$0xD870];
	v2 =	vadd.f32 v42, v2  }
0x357: {  	v45 =	vld [tilespmem:s30+$0xD890];
	v0 =	vmov s4;
	v1 =	vadd.f32 v1, v3  }
0x358: {  	v3 =	vld [tilespmem:s30+$0xD880];
	v2 =	vadd.f32 v5, v2  }
0x359: {  	v46 =	vld [tilespmem:s30+$0xD8C0];
	v1 =	vadd.f32 v4, v1  }
0x35a: {  	v4 =	vld [tilespmem:s30+$0xD8A0];
	v2 =	vadd.f32 v43, v2  }
0x35b: {  	v5 =	vld [tilespmem:s30+$0xD8B0];
	v1 =	vadd.f32 v44, v1  }
0x35c: {  	v47 =	vld.idx.msk [tilespmem:v0+s9+$0x0 ss:$0x1], $0xffff;
	v2 =	vadd.f32 v9, v2  }
0x35d: {  	v1 =	vadd.f32 v3, v1;
	v3 =	vld [tilespmem:s30+$0xD8D0]  }
0x35e: {  	v48 =	vld [tilespmem:s30+$0xD8E0];
	v2 =	vadd.f32 v45, v2  }
0x35f: {  	v1 =	vadd.f32 v4, v1;
	v4 =	vld [tilespmem:s30+$0xD8F0]  }
0x360: {  	v49 =	vld [tilespmem:s30+$0xD900];
	v2 =	vadd.f32 v5, v2  }
0x361: {  	v5 =	vld [tilespmem:s30+$0xD910];
	v1 =	vadd.f32 v46, v1  }
0x362: {  	v50 =	vld [tilespmem:s30+$0xD920];
	(v2sf) =	vpush v47, $0x0;
	v2 =	vadd.f32 v3, v2  }
0x363: {  	v3 =	vld [tilespmem:s30+$0xD930];
	v1 =	vadd.f32 v48, v1  }
0x364: {  	v51 =	vld [tilespmem:s30+$0xD940];
	v2 =	vadd.f32 v4, v2  }
0x365: {  	v4 =	vld [tilespmem:s30+$0xD950];
	v1 =	vadd.f32 v49, v1  }
0x366: {  	v52 =	vld [tilespmem:s30+$0xD960];
	v2 =	vadd.f32 v5, v2  }
0x367: {  	v5 =	vld [tilespmem:s30+$0xD970];
	v1 =	vadd.f32 v50, v1  }
0x368: {  	v53 =	vld [tilespmem:s30+$0xD980];
	v2 =	vadd.f32 v3, v2  }
0x369: {  	v3 =	vld [tilespmem:s30+$0xD990];
	v1 =	vadd.f32 v51, v1  }
0x36a: {  	v54 =	vld [tilespmem:s30+$0xD9A0];
	v2 =	vadd.f32 v4, v2  }
0x36b: {  	v4 =	vld [tilespmem:s30+$0xD9B0];
	v1 =	vadd.f32 v52, v1  }
0x36c: {  	v55 =	vld [tilespmem:s30+$0xD9C0];
	v2 =	vadd.f32 v5, v2  }
0x36d: {  	v5 =	vld [tilespmem:s30+$0xD9D0];
	v1 =	vadd.f32 v53, v1  }
0x36e: {  	v56 =	vld [tilespmem:s30+$0xD9E0];
	v2 =	vadd.f32 v3, v2  }
0x36f: {  	v3 =	vld [tilespmem:s30+$0xD9F0];
	v1 =	vadd.f32 v54, v1  }
0x370: {  	v57 =	vld [tilespmem:s30+$0xDA00];
	v2 =	vadd.f32 v4, v2  }
0x371: {  	s0 =	spop (v2sf);
	v4 =	vld [tilespmem:s30+$0xDA10];
	v1 =	vadd.f32 v55, v1  }
0x372: {  	v58 =	vld [tilespmem:s30+$0xDA20];
	p0 =	sgt.s32 s0, $0x1;
	v2 =	vadd.f32 v5, v2  }
0x373: {  	s0 =	simm.s32 @!p0 $0x1;
	v5 =	vld [tilespmem:s30+$0xDA30];
	v1 =	vadd.f32 v56, v1  }
0x374: {  	v59 =	vld [tilespmem:s30+$0xDA40];
	s0 =	scvt.s32.f32 s0;
	v2 =	vadd.f32 v3, v2  }
0x375: {  	v3 =	vld [tilespmem:s30+$0xDA50];
	v1 =	vadd.f32 v57, v1  }
0x376: {  	v60 =	vld [tilespmem:s30+$0xDA60];
	v61 =	vmov s0;
	v2 =	vadd.f32 v4, v2  }
0x377: {  	(erf) = vrcp.f32 v61;
	v4 =	vld [tilespmem:s30+$0xDA70];
	v1 =	vadd.f32 v58, v1  }
0x378: {  	v62 =	vld [tilespmem:s30+$0xDA80];
	v2 =	vadd.f32 v5, v2  }
0x379: {  	v63 =	vld [tilespmem:s30+$0xDAA0];
	v1 =	vadd.f32 v59, v1  }
0x37a: {  	v5 =	vld [tilespmem:s30+$0xDA90];
	v2 =	vadd.f32 v3, v2  }
0x37b: {  	v1 =	vadd.f32 v60, v1  }
0x37c: {  	v3 =	vld [tilespmem:s30+$0xDAB0];
	v2 =	vadd.f32 v4, v2  }
0x37d: {  	v1 =	vadd.f32 v62, v1;
	_ =	sdelay $0x1  }
0x37e: {  	v4 =	vadd.f32 v5, v2;
	v1 =	vadd.f32 v63, v1  }
0x37f: {  	s31 =	sshll.u32 s9, $0x5;
	v2 =	vpop (erf)  }
0x380: {  	s29 =	simm.s32 $0x1;
	s25 =	sand.u32 $0x3FFFFFE0, s31;
	v3 =	vadd.f32 v3, v4;
	v1 =	vmul.f32 v2, v1  }
.LBB2_5:
0x381: {  	s0 =	sshll.u32 s29, $0x1  }
0x382: {  	s3 =	smul.u32 $0x3200, s29;
	v2 =	vmul.f32 v2, v3;
	s28 =	smov.u32 s29;
	s24 =	sadd.s32 $0x1, s29  }
0x383: {  	p0 =	sne.s32 s29, $0xF;
	s9 =	sand.u32 $0x18, s0;
	[tilespmem:s25+$0x19C80] =	vst v1  }
0x384: {  	s0 =	sand.u32 $0x6, s0;
	s29 =	sshra.s32 s3, $0x2;
	s3 =	sadd.s32 s9, s4;
	[tilespmem:s25+$0x19C90] =	vst v2  }
0x385: {  	v1 =	vld [tilespmem:s29+$0xD4C0];
	s25 =	sadd.s32 s0, s3  }
0x386: {  	v2 =	vld [tilespmem:s29+$0xD4A0]  }
0x387: {  	v3 =	vld [tilespmem:s29+$0xD490]  }
0x388: {  	v4 =	vld [tilespmem:s29+$0xD480]  }
0x389: {  	v5 =	vld [tilespmem:s29+$0xD4B0]  }
0x38a: {  	v6 =	vld [tilespmem:s29+$0xD4D0]  }
0x38b: {  	v7 =	vld [tilespmem:s29+$0xD4E0]  }
0x38c: {  	v8 =	vld [tilespmem:s29+$0xD4F0]  }
0x38d: {  	v2 =	vadd.f32 v2, v4;
	v4 =	vld [tilespmem:s29+$0xD500]  }
0x38e: {  	v3 =	vadd.f32 v5, v3;
	v5 =	vld [tilespmem:s29+$0xD510]  }
0x38f: {  	v1 =	vadd.f32 v1, v2;
	v2 =	vld [tilespmem:s29+$0xD520]  }
0x390: {  	v3 =	vadd.f32 v6, v3;
	v6 =	vld [tilespmem:s29+$0xD530]  }
0x391: {  	v1 =	vadd.f32 v7, v1;
	v7 =	vld [tilespmem:s29+$0xD540]  }
0x392: {  	v3 =	vadd.f32 v8, v3;
	v8 =	vld [tilespmem:s29+$0xD550]  }
0x393: {  	v1 =	vadd.f32 v4, v1;
	v4 =	vld [tilespmem:s29+$0xD560]  }
0x394: {  	v3 =	vadd.f32 v5, v3;
	v5 =	vld [tilespmem:s29+$0xD570]  }
0x395: {  	v1 =	vadd.f32 v2, v1;
	v2 =	vld [tilespmem:s29+$0xD580]  }
0x396: {  	v3 =	vadd.f32 v6, v3;
	v6 =	vld [tilespmem:s29+$0xD590]  }
0x397: {  	v1 =	vadd.f32 v7, v1;
	v7 =	vld [tilespmem:s29+$0xD5A0]  }
0x398: {  	v3 =	vadd.f32 v8, v3;
	v8 =	vld [tilespmem:s29+$0xD5B0]  }
0x399: {  	v1 =	vadd.f32 v4, v1;
	v4 =	vld [tilespmem:s29+$0xD5C0]  }
0x39a: {  	v3 =	vadd.f32 v5, v3;
	v5 =	vld [tilespmem:s29+$0xD5D0]  }
0x39b: {  	v1 =	vadd.f32 v2, v1;
	v2 =	vld [tilespmem:s29+$0xD5E0]  }
0x39c: {  	v3 =	vadd.f32 v6, v3;
	v6 =	vld [tilespmem:s29+$0xD5F0]  }
0x39d: {  	v1 =	vadd.f32 v7, v1;
	v7 =	vld [tilespmem:s29+$0xD600]  }
0x39e: {  	v3 =	vadd.f32 v8, v3;
	v8 =	vld [tilespmem:s29+$0xD610]  }
0x39f: {  	v1 =	vadd.f32 v4, v1;
	v4 =	vld [tilespmem:s29+$0xD620]  }
0x3a0: {  	v3 =	vadd.f32 v5, v3;
	v5 =	vld [tilespmem:s29+$0xD630]  }
0x3a1: {  	v1 =	vadd.f32 v2, v1;
	v2 =	vld [tilespmem:s29+$0xD640]  }
0x3a2: {  	v3 =	vadd.f32 v6, v3;
	v6 =	vld [tilespmem:s29+$0xD650]  }
0x3a3: {  	v1 =	vadd.f32 v7, v1;
	v7 =	vld [tilespmem:s29+$0xD660]  }
0x3a4: {  	v3 =	vadd.f32 v8, v3;
	v8 =	vld [tilespmem:s29+$0xD670]  }
0x3a5: {  	v1 =	vadd.f32 v4, v1;
	v4 =	vld [tilespmem:s29+$0xD680]  }
0x3a6: {  	v3 =	vadd.f32 v5, v3;
	v5 =	vld [tilespmem:s29+$0xD690]  }
0x3a7: {  	v1 =	vadd.f32 v2, v1;
	v2 =	vld [tilespmem:s29+$0xD6A0]  }
0x3a8: {  	v3 =	vadd.f32 v6, v3;
	v6 =	vld [tilespmem:s29+$0xD6B0]  }
0x3a9: {  	v1 =	vadd.f32 v7, v1;
	v7 =	vld [tilespmem:s29+$0xD6C0]  }
0x3aa: {  	v3 =	vadd.f32 v8, v3;
	v8 =	vld [tilespmem:s29+$0xD6D0]  }
0x3ab: {  	v1 =	vadd.f32 v4, v1;
	v4 =	vld [tilespmem:s29+$0xD6E0]  }
0x3ac: {  	v3 =	vadd.f32 v5, v3;
	v5 =	vld [tilespmem:s29+$0xD6F0]  }
0x3ad: {  	v1 =	vadd.f32 v2, v1;
	v2 =	vld [tilespmem:s29+$0xD700]  }
0x3ae: {  	v3 =	vadd.f32 v6, v3;
	v6 =	vld [tilespmem:s29+$0xD710]  }
0x3af: {  	v1 =	vadd.f32 v7, v1;
	v7 =	vld [tilespmem:s29+$0xD720]  }
0x3b0: {  	v3 =	vadd.f32 v8, v3;
	v8 =	vld [tilespmem:s29+$0xD730]  }
0x3b1: {  	v1 =	vadd.f32 v4, v1;
	v4 =	vld [tilespmem:s29+$0xD740]  }
0x3b2: {  	v3 =	vadd.f32 v5, v3;
	v5 =	vld [tilespmem:s29+$0xD750]  }
0x3b3: {  	v1 =	vadd.f32 v2, v1;
	v2 =	vld [tilespmem:s29+$0xD760]  }
0x3b4: {  	v3 =	vadd.f32 v6, v3;
	v6 =	vld [tilespmem:s29+$0xD770]  }
0x3b5: {  	v1 =	vadd.f32 v7, v1;
	v7 =	vld [tilespmem:s29+$0xD780]  }
0x3b6: {  	v3 =	vadd.f32 v8, v3;
	v8 =	vld [tilespmem:s29+$0xD790]  }
0x3b7: {  	v1 =	vadd.f32 v4, v1;
	v4 =	vld [tilespmem:s29+$0xD7A0]  }
0x3b8: {  	v3 =	vadd.f32 v5, v3;
	v5 =	vld [tilespmem:s29+$0xD7B0]  }
0x3b9: {  	v1 =	vadd.f32 v2, v1;
	v2 =	vld [tilespmem:s29+$0xD7C0]  }
0x3ba: {  	v3 =	vadd.f32 v6, v3;
	v6 =	vld [tilespmem:s29+$0xD7D0]  }
0x3bb: {  	v1 =	vadd.f32 v7, v1;
	v7 =	vld [tilespmem:s29+$0xD7E0]  }
0x3bc: {  	v3 =	vadd.f32 v8, v3;
	v8 =	vld [tilespmem:s29+$0xD7F0]  }
0x3bd: {  	v1 =	vadd.f32 v4, v1;
	v4 =	vld [tilespmem:s29+$0xD800]  }
0x3be: {  	v3 =	vadd.f32 v5, v3;
	v5 =	vld [tilespmem:s29+$0xD810]  }
0x3bf: {  	v1 =	vadd.f32 v2, v1;
	v2 =	vld [tilespmem:s29+$0xD820]  }
0x3c0: {  	v3 =	vadd.f32 v6, v3;
	v6 =	vld [tilespmem:s29+$0xD830]  }
0x3c1: {  	v1 =	vadd.f32 v7, v1;
	v7 =	vld [tilespmem:s29+$0xD840]  }
0x3c2: {  	v3 =	vadd.f32 v8, v3;
	v8 =	vld [tilespmem:s29+$0xD850]  }
0x3c3: {  	v1 =	vadd.f32 v4, v1;
	v4 =	vld [tilespmem:s29+$0xD860]  }
0x3c4: {  	v3 =	vadd.f32 v5, v3;
	v5 =	vld [tilespmem:s29+$0xD870]  }
0x3c5: {  	v1 =	vadd.f32 v2, v1;
	v2 =	vld [tilespmem:s29+$0xD880]  }
0x3c6: {  	v3 =	vadd.f32 v6, v3;
	v6 =	vld [tilespmem:s29+$0xD890]  }
0x3c7: {  	v1 =	vadd.f32 v7, v1;
	v7 =	vld [tilespmem:s29+$0xD8A0]  }
0x3c8: {  	v3 =	vadd.f32 v8, v3;
	v8 =	vld [tilespmem:s29+$0xD8B0]  }
0x3c9: {  	v1 =	vadd.f32 v4, v1;
	v4 =	vld [tilespmem:s29+$0xD8C0]  }
0x3ca: {  	v3 =	vadd.f32 v5, v3;
	v5 =	vld [tilespmem:s29+$0xD8D0]  }
0x3cb: {  	v1 =	vadd.f32 v2, v1;
	v2 =	vld [tilespmem:s25+$0x0]  }
0x3cc: {  	v3 =	vadd.f32 v6, v3;
	v6 =	vld [tilespmem:s29+$0xD8E0]  }
0x3cd: {  	v1 =	vadd.f32 v7, v1;
	v7 =	vld [tilespmem:s29+$0xD8F0]  }
0x3ce: {  	v3 =	vadd.f32 v8, v3;
	v8 =	vld [tilespmem:s29+$0xD900]  }
0x3cf: {  	v1 =	vadd.f32 v4, v1;
	v4 =	vld [tilespmem:s29+$0xD910]  }
0x3d0: {  	v3 =	vadd.f32 v5, v3;
	v5 =	vld [tilespmem:s29+$0xD920];
	(v2sf) =	vpush v2, $0x0  }
0x3d1: {  	v1 =	vadd.f32 v6, v1;
	v2 =	vld [tilespmem:s29+$0xD930]  }
0x3d2: {  	v3 =	vadd.f32 v7, v3;
	v6 =	vld [tilespmem:s29+$0xD940]  }
0x3d3: {  	v1 =	vadd.f32 v8, v1;
	v7 =	vld [tilespmem:s29+$0xD950]  }
0x3d4: {  	v3 =	vadd.f32 v4, v3;
	v4 =	vld [tilespmem:s29+$0xD960]  }
0x3d5: {  	v1 =	vadd.f32 v5, v1;
	v5 =	vld [tilespmem:s29+$0xD970]  }
0x3d6: {  	v2 =	vadd.f32 v2, v3;
	v3 =	vld [tilespmem:s29+$0xD980]  }
0x3d7: {  	v1 =	vadd.f32 v6, v1;
	v6 =	vld [tilespmem:s29+$0xD990]  }
0x3d8: {  	v2 =	vadd.f32 v7, v2;
	v7 =	vld [tilespmem:s29+$0xD9A0]  }
0x3d9: {  	v1 =	vadd.f32 v4, v1;
	v4 =	vld [tilespmem:s29+$0xD9B0]  }
0x3da: {  	v2 =	vadd.f32 v5, v2;
	v5 =	vld [tilespmem:s29+$0xD9C0]  }
0x3db: {  	v1 =	vadd.f32 v3, v1;
	v3 =	vld [tilespmem:s29+$0xD9D0]  }
0x3dc: {  	v2 =	vadd.f32 v6, v2;
	v6 =	vld [tilespmem:s29+$0xD9E0]  }
0x3dd: {  	v1 =	vadd.f32 v7, v1;
	v7 =	vld [tilespmem:s29+$0xD9F0]  }
0x3de: {  	v2 =	vadd.f32 v4, v2;
	v4 =	vld [tilespmem:s29+$0xDA00]  }
0x3df: {  	v1 =	vadd.f32 v5, v1;
	v5 =	vld [tilespmem:s29+$0xDA10];
	s0 =	spop (v2sf)  }
0x3e0: {  	v2 =	vadd.f32 v3, v2;
	v3 =	vld [tilespmem:s29+$0xDA20];
	p1 =	sgt.s32 s0, $0x1  }
0x3e1: {  	v1 =	vadd.f32 v6, v1;
	v6 =	vld [tilespmem:s29+$0xDA30];
	s0 =	simm.s32 @!p1 $0x1  }
0x3e2: {  	v2 =	vadd.f32 v7, v2;
	v7 =	vld [tilespmem:s29+$0xDA40];
	s0 =	scvt.s32.f32 s0  }
0x3e3: {  	v1 =	vadd.f32 v4, v1;
	v4 =	vld [tilespmem:s29+$0xDA50]  }
0x3e4: {  	v2 =	vadd.f32 v5, v2;
	v5 =	vld [tilespmem:s29+$0xDA60];
	v8 =	vmov s0  }
0x3e5: {  	v1 =	vadd.f32 v3, v1;
	v3 =	vld [tilespmem:s29+$0xDA70];
	(erf) = vrcp.f32 v8  }
0x3e6: {  	v2 =	vadd.f32 v6, v2;
	v6 =	vld [tilespmem:s29+$0xDA80]  }
0x3e7: {  	v1 =	vadd.f32 v7, v1;
	v7 =	vld [tilespmem:s29+$0xDA90]  }
0x3e8: {  	v2 =	vadd.f32 v4, v2;
	v4 =	vld [tilespmem:s29+$0xDAA0]  }
0x3e9: {  	v1 =	vadd.f32 v5, v1;
	v5 =	vld [tilespmem:s29+$0xDAB0]  }
0x3ea: {  	v2 =	vadd.f32 v3, v2  }
0x3eb: {  	v1 =	vadd.f32 v6, v1  }
0x3ec: {  	v2 =	vadd.f32 v7, v2  }
0x3ed: {  	v1 =	vadd.f32 v4, v1  }
0x3ee: {  	v2 =	vadd.f32 v5, v2;
	v3 =	vpop (erf)  }
0x3ef: {  	s0 =	sshll.u32 s28, $0x6;
	s29 =	sshllo.u32 s28, $0x1;
	v1 =	vmul.f32 v3, v1  }
0x3f0: {  	s0 =	sand.u32 $0x3FFFFFC0, s0;
	s3 =	smul.u32 $0x1900, s29;
	s9 =	sshll.u32 s29, $0x5;
	v2 =	vmul.f32 v3, v2  }
0x3f1: {  	s25 =	sand.u32 $0x3FFFFFE0, s9;
	[tilespmem:s0+$0x19C80] =	vst v1  }
0x3f2: {  	s28 =	sshra.s32 s3, $0x2;
	[tilespmem:s0+$0x19C90] =	vst v2  }
0x3f3: {  	v1 =	vld [tilespmem:s28+$0xD4C0]  }
0x3f4: {  	v2 =	vld [tilespmem:s28+$0xD4A0]  }
0x3f5: {  	v3 =	vld [tilespmem:s28+$0xD490]  }
0x3f6: {  	v4 =	vld [tilespmem:s28+$0xD480]  }
0x3f7: {  	v5 =	vld [tilespmem:s28+$0xD4B0]  }
0x3f8: {  	v6 =	vld [tilespmem:s28+$0xD4D0]  }
0x3f9: {  	v7 =	vld [tilespmem:s28+$0xD4E0]  }
0x3fa: {  	v8 =	vld [tilespmem:s28+$0xD4F0]  }
0x3fb: {  	v2 =	vadd.f32 v2, v4;
	v4 =	vld [tilespmem:s28+$0xD500]  }
0x3fc: {  	v3 =	vadd.f32 v5, v3;
	v5 =	vld [tilespmem:s28+$0xD510]  }
0x3fd: {  	v1 =	vadd.f32 v1, v2;
	v2 =	vld [tilespmem:s28+$0xD520]  }
0x3fe: {  	v3 =	vadd.f32 v6, v3;
	v6 =	vld [tilespmem:s28+$0xD530]  }
0x3ff: {  	v1 =	vadd.f32 v7, v1;
	v7 =	vld [tilespmem:s28+$0xD540]  }
0x400: {  	v3 =	vadd.f32 v8, v3;
	v8 =	vld [tilespmem:s28+$0xD550]  }
0x401: {  	v1 =	vadd.f32 v4, v1;
	v4 =	vld [tilespmem:s28+$0xD560]  }
0x402: {  	v3 =	vadd.f32 v5, v3;
	v5 =	vld [tilespmem:s28+$0xD570]  }
0x403: {  	v1 =	vadd.f32 v2, v1;
	v2 =	vld [tilespmem:s28+$0xD580]  }
0x404: {  	v3 =	vadd.f32 v6, v3;
	v6 =	vld [tilespmem:s28+$0xD590]  }
0x405: {  	v1 =	vadd.f32 v7, v1;
	v7 =	vld [tilespmem:s28+$0xD5A0]  }
0x406: {  	v3 =	vadd.f32 v8, v3;
	v8 =	vld [tilespmem:s28+$0xD5B0]  }
0x407: {  	v1 =	vadd.f32 v4, v1;
	v4 =	vld [tilespmem:s28+$0xD5C0]  }
0x408: {  	v3 =	vadd.f32 v5, v3;
	v5 =	vld [tilespmem:s28+$0xD5D0]  }
0x409: {  	v1 =	vadd.f32 v2, v1;
	v2 =	vld [tilespmem:s28+$0xD5E0]  }
0x40a: {  	v3 =	vadd.f32 v6, v3;
	v6 =	vld [tilespmem:s28+$0xD5F0]  }
0x40b: {  	v1 =	vadd.f32 v7, v1;
	v7 =	vld [tilespmem:s28+$0xD600]  }
0x40c: {  	v3 =	vadd.f32 v8, v3;
	v8 =	vld [tilespmem:s28+$0xD610]  }
0x40d: {  	v1 =	vadd.f32 v4, v1;
	v4 =	vld [tilespmem:s28+$0xD620]  }
0x40e: {  	v3 =	vadd.f32 v5, v3;
	v5 =	vld [tilespmem:s28+$0xD630]  }
0x40f: {  	v1 =	vadd.f32 v2, v1;
	v2 =	vld [tilespmem:s28+$0xD640]  }
0x410: {  	v3 =	vadd.f32 v6, v3;
	v6 =	vld [tilespmem:s28+$0xD650]  }
0x411: {  	v1 =	vadd.f32 v7, v1;
	v7 =	vld [tilespmem:s28+$0xD660]  }
0x412: {  	v3 =	vadd.f32 v8, v3;
	v8 =	vld [tilespmem:s28+$0xD670]  }
0x413: {  	v1 =	vadd.f32 v4, v1;
	v4 =	vld [tilespmem:s28+$0xD680]  }
0x414: {  	v3 =	vadd.f32 v5, v3;
	v5 =	vld [tilespmem:s28+$0xD690]  }
0x415: {  	v1 =	vadd.f32 v2, v1;
	v2 =	vld [tilespmem:s28+$0xD6A0]  }
0x416: {  	v3 =	vadd.f32 v6, v3;
	v6 =	vld [tilespmem:s28+$0xD6B0]  }
0x417: {  	v1 =	vadd.f32 v7, v1;
	v7 =	vld [tilespmem:s28+$0xD6C0]  }
0x418: {  	v3 =	vadd.f32 v8, v3;
	v8 =	vld [tilespmem:s28+$0xD6D0]  }
0x419: {  	v1 =	vadd.f32 v4, v1;
	v4 =	vld [tilespmem:s28+$0xD6E0]  }
0x41a: {  	v3 =	vadd.f32 v5, v3;
	v5 =	vld [tilespmem:s28+$0xD6F0]  }
0x41b: {  	v1 =	vadd.f32 v2, v1;
	v2 =	vld [tilespmem:s28+$0xD700]  }
0x41c: {  	v3 =	vadd.f32 v6, v3;
	v6 =	vld [tilespmem:s28+$0xD710]  }
0x41d: {  	v1 =	vadd.f32 v7, v1;
	v7 =	vld [tilespmem:s28+$0xD720]  }
0x41e: {  	v3 =	vadd.f32 v8, v3;
	v8 =	vld [tilespmem:s28+$0xD730]  }
0x41f: {  	v1 =	vadd.f32 v4, v1;
	v4 =	vld [tilespmem:s28+$0xD740]  }
0x420: {  	v3 =	vadd.f32 v5, v3;
	v5 =	vld [tilespmem:s28+$0xD750]  }
0x421: {  	v1 =	vadd.f32 v2, v1;
	v2 =	vld [tilespmem:s28+$0xD760]  }
0x422: {  	v3 =	vadd.f32 v6, v3;
	v6 =	vld [tilespmem:s28+$0xD770]  }
0x423: {  	v1 =	vadd.f32 v7, v1;
	v7 =	vld [tilespmem:s28+$0xD780]  }
0x424: {  	v3 =	vadd.f32 v8, v3;
	v8 =	vld [tilespmem:s28+$0xD790]  }
0x425: {  	v1 =	vadd.f32 v4, v1;
	v4 =	vld [tilespmem:s28+$0xD7A0]  }
0x426: {  	v3 =	vadd.f32 v5, v3;
	v5 =	vld [tilespmem:s28+$0xD7B0]  }
0x427: {  	v1 =	vadd.f32 v2, v1;
	v2 =	vld [tilespmem:s28+$0xD7C0]  }
0x428: {  	v3 =	vadd.f32 v6, v3;
	v6 =	vld [tilespmem:s28+$0xD7D0]  }
0x429: {  	v1 =	vadd.f32 v7, v1;
	v7 =	vld [tilespmem:s28+$0xD7E0]  }
0x42a: {  	v3 =	vadd.f32 v8, v3;
	v8 =	vld [tilespmem:s28+$0xD7F0]  }
0x42b: {  	v1 =	vadd.f32 v4, v1;
	v4 =	vld [tilespmem:s28+$0xD800]  }
0x42c: {  	v3 =	vadd.f32 v5, v3;
	v5 =	vld [tilespmem:s28+$0xD810]  }
0x42d: {  	v1 =	vadd.f32 v2, v1;
	v2 =	vld [tilespmem:s28+$0xD820]  }
0x42e: {  	v3 =	vadd.f32 v6, v3;
	v6 =	vld [tilespmem:s28+$0xD830]  }
0x42f: {  	v1 =	vadd.f32 v7, v1;
	v7 =	vld [tilespmem:s28+$0xD840]  }
0x430: {  	v3 =	vadd.f32 v8, v3;
	v8 =	vld [tilespmem:s28+$0xD850]  }
0x431: {  	v1 =	vadd.f32 v4, v1;
	v4 =	vld [tilespmem:s28+$0xD860]  }
0x432: {  	v3 =	vadd.f32 v5, v3;
	v5 =	vld [tilespmem:s28+$0xD870]  }
0x433: {  	v1 =	vadd.f32 v2, v1;
	v2 =	vld [tilespmem:s28+$0xD880]  }
0x434: {  	v3 =	vadd.f32 v6, v3;
	v6 =	vld [tilespmem:s28+$0xD890]  }
0x435: {  	v1 =	vadd.f32 v7, v1;
	v7 =	vld [tilespmem:s28+$0xD8A0]  }
0x436: {  	v3 =	vadd.f32 v8, v3;
	v8 =	vld [tilespmem:s28+$0xD8B0]  }
0x437: {  	v1 =	vadd.f32 v4, v1;
	v4 =	vld [tilespmem:s28+$0xD8C0]  }
0x438: {  	v3 =	vadd.f32 v5, v3;
	v5 =	vld.idx.msk [tilespmem:v0+s29+$0x0 ss:$0x1], $0xffff  }
0x439: {  	v1 =	vadd.f32 v2, v1;
	v2 =	vld [tilespmem:s28+$0xD8D0]  }
0x43a: {  	v3 =	vadd.f32 v6, v3;
	v6 =	vld [tilespmem:s28+$0xD8E0]  }
0x43b: {  	v1 =	vadd.f32 v7, v1;
	v7 =	vld [tilespmem:s28+$0xD8F0]  }
0x43c: {  	v3 =	vadd.f32 v8, v3;
	v8 =	vld [tilespmem:s28+$0xD900]  }
0x43d: {  	v1 =	vadd.f32 v4, v1;
	v4 =	vld [tilespmem:s28+$0xD910]  }
0x43e: {  	v2 =	vadd.f32 v2, v3;
	v3 =	vld [tilespmem:s28+$0xD920];
	(v2sf) =	vpush v5, $0x0  }
0x43f: {  	v1 =	vadd.f32 v6, v1;
	v5 =	vld [tilespmem:s28+$0xD930]  }
0x440: {  	v2 =	vadd.f32 v7, v2;
	v6 =	vld [tilespmem:s28+$0xD940]  }
0x441: {  	v1 =	vadd.f32 v8, v1;
	v7 =	vld [tilespmem:s28+$0xD950]  }
0x442: {  	v2 =	vadd.f32 v4, v2;
	v4 =	vld [tilespmem:s28+$0xD960]  }
0x443: {  	v1 =	vadd.f32 v3, v1;
	v3 =	vld [tilespmem:s28+$0xD970]  }
0x444: {  	v2 =	vadd.f32 v5, v2;
	v5 =	vld [tilespmem:s28+$0xD980]  }
0x445: {  	v1 =	vadd.f32 v6, v1;
	v6 =	vld [tilespmem:s28+$0xD990]  }
0x446: {  	v2 =	vadd.f32 v7, v2;
	v7 =	vld [tilespmem:s28+$0xD9A0]  }
0x447: {  	v1 =	vadd.f32 v4, v1;
	v4 =	vld [tilespmem:s28+$0xD9B0]  }
0x448: {  	v2 =	vadd.f32 v3, v2;
	v3 =	vld [tilespmem:s28+$0xD9C0]  }
0x449: {  	v1 =	vadd.f32 v5, v1;
	v5 =	vld [tilespmem:s28+$0xD9D0]  }
0x44a: {  	v2 =	vadd.f32 v6, v2;
	v6 =	vld [tilespmem:s28+$0xD9E0]  }
0x44b: {  	v1 =	vadd.f32 v7, v1;
	v7 =	vld [tilespmem:s28+$0xD9F0]  }
0x44c: {  	v2 =	vadd.f32 v4, v2;
	v4 =	vld [tilespmem:s28+$0xDA00]  }
0x44d: {  	v1 =	vadd.f32 v3, v1;
	v3 =	vld [tilespmem:s28+$0xDA10];
	s0 =	spop (v2sf)  }
0x44e: {  	v2 =	vadd.f32 v5, v2;
	v5 =	vld [tilespmem:s28+$0xDA20];
	p1 =	sgt.s32 s0, $0x1  }
0x44f: {  	v1 =	vadd.f32 v6, v1;
	v6 =	vld [tilespmem:s28+$0xDA30];
	s0 =	simm.s32 @!p1 $0x1  }
0x450: {  	v2 =	vadd.f32 v7, v2;
	v7 =	vld [tilespmem:s28+$0xDA40];
	s0 =	scvt.s32.f32 s0  }
0x451: {  	v1 =	vadd.f32 v4, v1;
	v4 =	vld [tilespmem:s28+$0xDA50]  }
0x452: {  	v2 =	vadd.f32 v3, v2;
	v3 =	vld [tilespmem:s28+$0xDA60];
	v8 =	vmov s0  }
0x453: {  	v1 =	vadd.f32 v5, v1;
	v5 =	vld [tilespmem:s28+$0xDA70];
	(erf) = vrcp.f32 v8  }
0x454: {  	v2 =	vadd.f32 v6, v2;
	v6 =	vld [tilespmem:s28+$0xDA80]  }
0x455: {  	v1 =	vadd.f32 v7, v1;
	v7 =	vld [tilespmem:s28+$0xDA90]  }
0x456: {  	v2 =	vadd.f32 v4, v2;
	v4 =	vld [tilespmem:s28+$0xDAA0]  }
0x457: {  	v1 =	vadd.f32 v3, v1;
	v3 =	vld [tilespmem:s28+$0xDAB0]  }
0x458: {  	v2 =	vadd.f32 v5, v2  }
.Ltmp1:
0x459: {  	v1 =	vadd.f32 v6, v1;
	(pc) =	sbr.rel @p0 .LBB2_5-.Ltmp1, $4  }
0x45a: {  	v5 =	vadd.f32 v7, v2  }
0x45b: {  	v1 =	vadd.f32 v4, v1  }
0x45c: {  	v3 =	vadd.f32 v3, v5;
	v2 =	vpop (erf)  }
0x45d: {  	s29 =	smov.u32 s24;
	v1 =	vmul.f32 v2, v1  }
0x45e: {  	v0 =	vmul.f32 v2, v3;
	s22 =	sadd.s32 $0x1, s22  }
0x45f: {  	s0 =	sshll.u32 s23, $0x2;
	[tilespmem:s25+$0x19C80] =	vst v1;
	p0 =	sne.s32 s22, $0x8  }
.Ltmp2:
0x460: {  	s3 =	simm.s32 $0x0;
	s0 =	sadd.s32 s2, s0;
	[tilespmem:s25+$0x19C90] =	vst v0;
	(pc) =	sbr.rel @p0 .LBB2_2-.Ltmp2, $4  }
0x461: {  	[hbm4b:s0+s3] =	stream.linear.scatter [tilespmem:s20], [sflag:$0x3], $0x400, $0x38;
	[tilespmem:$0x1A290] =	vst v63  }
0x462: {  	_ =	swait.ge [sflag:s10], $0x400  }
0x463: {  	[sflag:s10] =	ssyncset.done $0x0  }
0x464: {  	[sflag:s10] =	ssyncadd.s32 $0xFFFFFC00  }
0x465: {  	s3 =	rddreg [dreg:$0x7]  }
0x466: {  	s0 =	rddreg [dreg:$0x6];
	s3 =	sadd.s32 $0x1, s3  }
0x467: {  	p0 =	sne.s32 s3, s0  }
.Ltmp3:
0x468: {  	_ = 	snop;
	(pc) =	sbr.rel @p0 .LBB2_1-.Ltmp3, $1  }
0x469: {  	_ =	sdelay $0x3  }
0x46a: {  	_ =	sfence.sel $0x180000  }
0x46b: {  	[bflag:$0x0] =	sbarrier.arrive $0xFFFF  }
0x46c: {  	_ =	strace $0x90000047  }
0x46d: {  	s0 =	stileid.u32;
	[bflag:$0x2] =	sbarrier.arrive $0xFFFF  }
0x46e: {  	p0 =	sne.s32 s0, $0x0;
	s0 =	rddreg [dreg:$0x4]  }
0x46f: {  	s0 =	sadd.s32 @!p0 $0x100000, s0  }
0x470: {  	[sflag:s0] =	ssyncadd.tile.s32 @!p0 $0x1;
	_ =	shalt  }
.Lfunc_end2:
_tile_overlayer_lowered:
.L_overlay_start_2:
0x471: {  	(tag) =	ssettag $0x2  }
0x472: {  	s0 =	rddreg [dreg:$0x0];
	s2 =	stileid.u32  }
0x473: {  	s1 =	rddreg [dreg:$0x1];
	p0 =	sne.s32 s2, $0x0  }
0x474: {  	s3 =	rddreg [dreg:$0x2];
	[bflag:$0x3] =	sbarrier.arrive $0xFFFF;
	s2 =	simm.s32 @!p0 $0x1C03  }
0x475: {  	[timem:s3], [sflag:s2] =	dma.local @!p0 [hbm:s0], s1  }
0x476: {  	s0 =	simm.s32 @!p0 $0x3  }
0x477: {  	_ =	swait.ge @!p0 [sflag:s0], s1  }
0x478: {  	s1 =	ssub.s32 @!p0 $0x0, s1;
	[sflag:s0] =	ssyncset.done @!p0 $0x0  }
0x479: {  	[sflag:s0] =	ssyncadd.s32 @!p0 s1  }
0x47a: {  	[bflag:$0x3] =	sbarrier.arrive $0xFFFF  }
0x47b: {  	_ =	shalt  }

</sc_bundles>
